<compile_context>
chip_gen: v7x
topology: tpu7x:2x2x1
jax: 0.10.2.dev20260603
libtpu: 0.0.44.dev20260713+nightly
codegen_flags: <defaults>
</compile_context>

<pallas_src>
import functools

import jax
import jax.numpy as jnp
from jax import lax
from jax.experimental import pallas as pl
from jax.experimental.pallas import tpu as pltpu
from jax.experimental.pallas import tpu_sc as plsc

N = 10000
E = 320000
D = 128
NLAYERS = 3
K = 8000
EPS = 1e-5

NC, NS = 2, 16
NW = NC * NS
EPW = 10240
EPAD = NW * EPW
BE = 128
STEPS = EPW // BE
CHUNK = 40
NCH = STEPS // CHUNK
NPAD = 10240
NR = NPAD // BE
RPT = NPAD // NS
RBLK = 512
NB = NPAD // RBLK
FB = 128
NFB = NPAD // FB

_HIGH = lax.Precision.HIGHEST



def _sc_rowsum_body(x_hbm, src_hbm, dst_hbm, out_hbm,
                    srcv, dstv, rows0, rows1, aggsh,
                    gsem0, gsem1, ssem0, ssem1):
    cid = lax.axis_index("c")
    sid = lax.axis_index("s")
    wid = sid * NC + cid

    def _z(i, _):
        r = i // 8
        c = (i % 8) * 16
        rows0[r, pl.ds(c, 16)] = jnp.zeros((16,), jnp.float32)
        return 0
    lax.fori_loop(0, BE * 8, _z, 0)

    def _zs(t, _):
        pltpu.sync_copy(rows0, aggsh.at[pl.ds(sid * RPT + t * BE, BE)])
        return 0
    lax.fori_loop(0, RPT // BE, _zs, 0)
    plsc.subcore_barrier()

    totrows = EPAD // BE
    q0 = totrows // 4 // NS
    q1 = (3 * totrows) // 4 // NS
    nch = jnp.where(cid == 0, q0 // CHUNK, q1 // CHUNK)
    cbase = jnp.where(cid == 0, sid * q0, totrows // 4 + sid * q1)

    def _chunk(ci, _):
        base = cbase + ci * CHUNK
        pltpu.sync_copy(src_hbm.at[pl.ds(base, CHUNK)], srcv)
        pltpu.sync_copy(dst_hbm.at[pl.ds(base, CHUNK)], dstv)

        pltpu.async_copy(x_hbm.at[srcv.at[0]], rows0, gsem0)

        def _step(g, _):
            j0 = 2 * g
            j1 = 2 * g + 1
            pltpu.make_async_copy(x_hbm.at[srcv.at[j0]], rows0, gsem0).wait()

            @pl.when(g >= 1)
            def _w1():
                pltpu.make_async_copy(rows1, aggsh.at[dstv.at[j0 - 1]],
                                      ssem1).wait()

            pltpu.async_copy(x_hbm.at[srcv.at[j1]], rows1, gsem1)
            pltpu.async_copy(rows0, aggsh.at[dstv.at[j0]], ssem0, add=True)

            pltpu.make_async_copy(x_hbm.at[srcv.at[j1]], rows1, gsem1).wait()

            @pl.when(g < CHUNK // 2 - 1)
            def _g2():
                pltpu.make_async_copy(rows0, aggsh.at[dstv.at[j0]],
                                      ssem0).wait()
                pltpu.async_copy(x_hbm.at[srcv.at[j1 + 1]], rows0, gsem0)

            pltpu.async_copy(rows1, aggsh.at[dstv.at[j1]], ssem1, add=True)
            return 0

        lax.fori_loop(0, CHUNK // 2, _step, 0)

        pltpu.make_async_copy(rows0, aggsh.at[dstv.at[CHUNK - 2]],
                              ssem0).wait()
        pltpu.make_async_copy(rows1, aggsh.at[dstv.at[CHUNK - 1]],
                              ssem1).wait()
        return 0

    lax.fori_loop(0, nch, _chunk, 0)
    plsc.subcore_barrier()

    pltpu.sync_copy(aggsh.at[pl.ds(sid * RPT, RPT)],
                    out_hbm.at[cid, pl.ds(sid * RPT, RPT)])


def _sc_rowsum(x_pad, src2d, dst2d):
    mesh = plsc.VectorSubcoreMesh(core_axis_name="c", subcore_axis_name="s")
    f = pl.kernel(
        _sc_rowsum_body,
        out_type=jax.ShapeDtypeStruct((NC, NPAD, D), jnp.float32),
        mesh=mesh,
        compiler_params=pltpu.CompilerParams(needs_layout_passes=False),
        scratch_types=[
            pltpu.VMEM((CHUNK, BE), jnp.int32),
            pltpu.VMEM((CHUNK, BE), jnp.int32),
            pltpu.VMEM((BE, D), jnp.float32),
            pltpu.VMEM((BE, D), jnp.float32),
            pltpu.VMEM_SHARED((NPAD, D), jnp.float32),
            pltpu.SemaphoreType.DMA,
            pltpu.SemaphoreType.DMA,
            pltpu.SemaphoreType.DMA,
            pltpu.SemaphoreType.DMA,
        ],
    )
    return f(x_pad, src2d, dst2d)



def _zero2d(ref, nrows):
    def _z(i, _):
        r = i // 8
        c = (i % 8) * 16
        ref[r, pl.ds(c, 16)] = jnp.zeros((16,), jnp.float32)
        return 0
    lax.fori_loop(0, nrows * 8, _z, 0)


RED_CH = 8
NRED = NR // RED_CH


def _sc_scalar_common(acc, total, tmpv, accsh, out_hbm, cid, sid):
    pltpu.sync_copy(acc, accsh.at[sid])
    plsc.subcore_barrier()

    @pl.when(sid < NRED)
    def _reduce():
        _zero2d(total, RED_CH)

        def _red(t, _):
            pltpu.sync_copy(accsh.at[t, pl.ds(sid * RED_CH, RED_CH)], tmpv)

            def _add(q, _):
                r = q // 8
                c = (q % 8) * 16
                total[r, pl.ds(c, 16)] = (total[r, pl.ds(c, 16)]
                                          + tmpv[r, pl.ds(c, 16)])
                return 0
            lax.fori_loop(0, RED_CH * 8, _add, 0)
            return 0
        lax.fori_loop(0, NS, _red, 0)

        pltpu.sync_copy(total, out_hbm.at[cid, pl.ds(sid * RED_CH, RED_CH)])


def _sc_count_body(dst_hbm, out_hbm, dstv, acc, total, tmpv, accsh):
    cid = lax.axis_index("c")
    sid = lax.axis_index("s")
    wid = sid * NC + cid

    _zero2d(acc, NR)

    pltpu.sync_copy(dst_hbm.at[pl.ds(wid * STEPS, STEPS)], dstv)

    ones = jnp.full((16,), 1.0, jnp.float32)

    def _cnt(i, _):
        r = i // 8
        c = (i % 8) * 16
        d16 = dstv[r, pl.ds(c, 16)]
        plsc.addupdate_scatter(acc, [d16 >> 7, d16 & 127], ones)
        return 0
    lax.fori_loop(0, EPW // 16, _cnt, 0)

    _sc_scalar_common(acc, total, tmpv, accsh, out_hbm, cid, sid)


def _sc_count(dst2d):
    mesh = plsc.VectorSubcoreMesh(core_axis_name="c", subcore_axis_name="s")
    f = pl.kernel(
        _sc_count_body,
        out_type=jax.ShapeDtypeStruct((NC, NR, BE), jnp.float32),
        mesh=mesh,
        compiler_params=pltpu.CompilerParams(needs_layout_passes=False),
        scratch_types=[
            pltpu.VMEM((STEPS, BE), jnp.int32),
            pltpu.VMEM((NR, BE), jnp.float32),
            pltpu.VMEM((RED_CH, BE), jnp.float32),
            pltpu.VMEM((RED_CH, BE), jnp.float32),
            pltpu.VMEM_SHARED((NS, NR, BE), jnp.float32),
        ],
    )
    return f(dst2d)


def _sc_segscalar_body(u_hbm, src_hbm, dst_hbm, out_hbm,
                       uv, srcv, dstv, acc, total, tmpv, accsh):
    cid = lax.axis_index("c")
    sid = lax.axis_index("s")
    wid = sid * NC + cid

    _zero2d(acc, NR)

    pltpu.sync_copy(u_hbm, uv)
    pltpu.sync_copy(src_hbm.at[pl.ds(wid * STEPS, STEPS)], srcv)
    pltpu.sync_copy(dst_hbm.at[pl.ds(wid * STEPS, STEPS)], dstv)

    def _seg(i, _):
        r = i // 8
        c = (i % 8) * 16
        s16 = srcv[r, pl.ds(c, 16)]
        d16 = dstv[r, pl.ds(c, 16)]
        vals = plsc.load_gather(uv, [s16 >> 7, s16 & 127])
        plsc.addupdate_scatter(acc, [d16 >> 7, d16 & 127], vals)
        return 0
    lax.fori_loop(0, EPW // 16, _seg, 0)

    _sc_scalar_common(acc, total, tmpv, accsh, out_hbm, cid, sid)


def _sc_segscalar(u2d, src2d, dst2d):
    mesh = plsc.VectorSubcoreMesh(core_axis_name="c", subcore_axis_name="s")
    f = pl.kernel(
        _sc_segscalar_body,
        out_type=jax.ShapeDtypeStruct((NC, NR, BE), jnp.float32),
        mesh=mesh,
        compiler_params=pltpu.CompilerParams(needs_layout_passes=False),
        scratch_types=[
            pltpu.VMEM((NR, BE), jnp.float32),
            pltpu.VMEM((STEPS, BE), jnp.int32),
            pltpu.VMEM((STEPS, BE), jnp.int32),
            pltpu.VMEM((NR, BE), jnp.float32),
            pltpu.VMEM((RED_CH, BE), jnp.float32),
            pltpu.VMEM((RED_CH, BE), jnp.float32),
            pltpu.VMEM_SHARED((NS, NR, BE), jnp.float32),
        ],
    )
    return f(u2d, src2d, dst2d)



def _tc_dense1_body(p0_ref, p1_ref, cnt_ref, x_ref, wl_ref, bl_ref, wr_ref,
                    y_ref, stats_ref):
    i = pl.program_id(0)

    @pl.when(i == 0)
    def _init():
        stats_ref[...] = jnp.zeros_like(stats_ref)

    agg = p0_ref[...] + p1_ref[...]
    cnt = cnt_ref[...]
    mean = agg / jnp.maximum(cnt, 1.0)
    y = (lax.dot_general(mean, wl_ref[...], (((1,), (1,)), ((), ())),
                         precision=_HIGH, preferred_element_type=jnp.float32)
         + bl_ref[...]
         + lax.dot_general(x_ref[...], wr_ref[...], (((1,), (1,)), ((), ())),
                           precision=_HIGH, preferred_element_type=jnp.float32))
    rows = i * RBLK + lax.broadcasted_iota(jnp.int32, (RBLK, 1), 0)
    y = jnp.where(rows < N, y, 0.0)
    y_ref[...] = y
    stats_ref[0:1, :] += jnp.sum(y, axis=0, keepdims=True)
    stats_ref[1:2, :] += jnp.sum(y * y, axis=0, keepdims=True)


def _tc_dense1(p0, p1, cnt_col, x, Wl, bl, Wr):
    return pl.pallas_call(
        _tc_dense1_body,
        grid=(NB,),
        in_specs=[
            pl.BlockSpec((RBLK, D), lambda i: (i, 0)),
            pl.BlockSpec((RBLK, D), lambda i: (i, 0)),
            pl.BlockSpec((RBLK, 1), lambda i: (i, 0)),
            pl.BlockSpec((RBLK, D), lambda i: (i, 0)),
            pl.BlockSpec((D, D), lambda i: (0, 0)),
            pl.BlockSpec((1, D), lambda i: (0, 0)),
            pl.BlockSpec((D, D), lambda i: (0, 0)),
        ],
        out_specs=[
            pl.BlockSpec((RBLK, D), lambda i: (i, 0)),
            pl.BlockSpec((2, D), lambda i: (0, 0)),
        ],
        out_shape=[
            jax.ShapeDtypeStruct((NPAD, D), jnp.float32),
            jax.ShapeDtypeStruct((2, D), jnp.float32),
        ],
    )(p0, p1, cnt_col, x, Wl, bl.reshape(1, D), Wr)



def _tc_dense2_body(y_ref, stats_ref, lnw_ref, lnb_ref, h_ref):
    i = pl.program_id(0)
    total = float(N * D)
    mu = jnp.sum(stats_ref[0:1, :]) / total
    var = jnp.sum(stats_ref[1:2, :]) / total - mu * mu
    inv = lax.rsqrt(var + EPS)
    z = (y_ref[...] - mu) * inv * lnw_ref[...] + lnb_ref[...]
    z = jnp.maximum(z, 0.0)
    rows = i * RBLK + lax.broadcasted_iota(jnp.int32, (RBLK, 1), 0)
    h_ref[...] = jnp.where(rows < N, z, 0.0)


def _tc_dense2(y, stats, lnw, lnb):
    return pl.pallas_call(
        _tc_dense2_body,
        grid=(NB,),
        in_specs=[
            pl.BlockSpec((RBLK, D), lambda i: (i, 0)),
            pl.BlockSpec((2, D), lambda i: (0, 0)),
            pl.BlockSpec((1, D), lambda i: (0, 0)),
            pl.BlockSpec((1, D), lambda i: (0, 0)),
        ],
        out_specs=pl.BlockSpec((RBLK, D), lambda i: (i, 0)),
        out_shape=jax.ShapeDtypeStruct((NPAD, D), jnp.float32),
    )(y, stats, lnw.reshape(1, D), lnb.reshape(1, D))



def _tc_score_body(h1_ref, h2_ref, h3_ref, wa1, wa2, wa3, wb1, wb2, wb3,
                   u_ref, r_ref):
    def proj(w1, w2, w3):
        return (lax.dot_general(h1_ref[...], w1[...], (((1,), (1,)), ((), ())),
                                precision=_HIGH,
                                preferred_element_type=jnp.float32)
                + lax.dot_general(h2_ref[...], w2[...],
                                  (((1,), (1,)), ((), ())), precision=_HIGH,
                                  preferred_element_type=jnp.float32)
                + lax.dot_general(h3_ref[...], w3[...],
                                  (((1,), (1,)), ((), ())), precision=_HIGH,
                                  preferred_element_type=jnp.float32))
    u_ref[...] = proj(wa1, wa2, wa3)
    r_ref[...] = proj(wb1, wb2, wb3)


def _tc_score(h1, h2, h3, Wrel, Wroot):
    wspecs = [pl.BlockSpec((1, D), lambda i: (0, 0))] * 6
    return pl.pallas_call(
        _tc_score_body,
        grid=(NB,),
        in_specs=[
            pl.BlockSpec((RBLK, D), lambda i: (i, 0)),
            pl.BlockSpec((RBLK, D), lambda i: (i, 0)),
            pl.BlockSpec((RBLK, D), lambda i: (i, 0)),
        ] + wspecs,
        out_specs=[
            pl.BlockSpec((RBLK, 1), lambda i: (i, 0)),
            pl.BlockSpec((RBLK, 1), lambda i: (i, 0)),
        ],
        out_shape=[
            jax.ShapeDtypeStruct((NPAD, 1), jnp.float32),
            jax.ShapeDtypeStruct((NPAD, 1), jnp.float32),
        ],
    )(h1, h2, h3,
      Wrel[:, 0:D], Wrel[:, D:2 * D], Wrel[:, 2 * D:3 * D],
      Wroot[:, 0:D], Wroot[:, D:2 * D], Wroot[:, 2 * D:3 * D])



def _tc_final_body(sa0_ref, sa1_ref, r_ref, brel_ref, h1_ref, h2_ref, h3_ref,
                   o1_ref, o2_ref, o3_ref, w_scr):
    b = pl.program_id(0)

    @pl.when(b == 0)
    def _thresh():
        score = sa0_ref[...] + sa1_ref[...] + r_ref[...] + brel_ref[0, 0]
        flat = (lax.broadcasted_iota(jnp.int32, (NFB, FB), 0) * FB
                + lax.broadcasted_iota(jnp.int32, (NFB, FB), 1))
        valid = flat < N
        bits = lax.bitcast_convert_type(score, jnp.uint32)
        neg = bits >> 31
        key = jnp.where(neg == 1, ~bits, bits | jnp.uint32(0x80000000))
        key = jnp.where(valid, key, jnp.uint32(0))

        def _bit(bi, t):
            cand = t | (jnp.uint32(1) << (31 - bi))
            c = jnp.sum((key >= cand).astype(jnp.float32))
            return jnp.where(c >= K, cand, t)
        tkey = lax.fori_loop(0, 32, _bit, jnp.uint32(0))

        c1 = jnp.sum((key > tkey).astype(jnp.float32))
        m = jnp.sum((key == tkey).astype(jnp.float32))
        frac = (K - c1) / jnp.maximum(m, 1.0)
        sel = jnp.where(key > tkey, 1.0, jnp.where(key == tkey, frac, 0.0))
        w_scr[...] = jnp.tanh(score) * sel
        o1_ref[...] = jnp.zeros_like(o1_ref)
        o2_ref[...] = jnp.zeros_like(o2_ref)
        o3_ref[...] = jnp.zeros_like(o3_ref)

    wrow = w_scr[pl.ds(b, 1), :]
    dn = (((1,), (0,)), ((), ()))
    o1_ref[...] += lax.dot_general(wrow, h1_ref[...], dn, precision=_HIGH,
                                   preferred_element_type=jnp.float32)
    o2_ref[...] += lax.dot_general(wrow, h2_ref[...], dn, precision=_HIGH,
                                   preferred_element_type=jnp.float32)
    o3_ref[...] += lax.dot_general(wrow, h3_ref[...], dn, precision=_HIGH,
                                   preferred_element_type=jnp.float32)


def _tc_final(sa0, sa1, r2d, brel, h1, h2, h3):
    return pl.pallas_call(
        _tc_final_body,
        grid=(NFB,),
        in_specs=[
            pl.BlockSpec((NFB, FB), lambda i: (0, 0)),
            pl.BlockSpec((NFB, FB), lambda i: (0, 0)),
            pl.BlockSpec((NFB, FB), lambda i: (0, 0)),
            pl.BlockSpec((1, 1), lambda i: (0, 0)),
            pl.BlockSpec((FB, D), lambda i: (i, 0)),
            pl.BlockSpec((FB, D), lambda i: (i, 0)),
            pl.BlockSpec((FB, D), lambda i: (i, 0)),
        ],
        out_specs=[
            pl.BlockSpec((1, D), lambda i: (0, 0)),
            pl.BlockSpec((1, D), lambda i: (0, 0)),
            pl.BlockSpec((1, D), lambda i: (0, 0)),
        ],
        out_shape=[
            jax.ShapeDtypeStruct((1, D), jnp.float32),
            jax.ShapeDtypeStruct((1, D), jnp.float32),
            jax.ShapeDtypeStruct((1, D), jnp.float32),
        ],
        scratch_shapes=[pltpu.VMEM((NFB, FB), jnp.float32)],
    )(sa0, sa1, r2d, brel, h1, h2, h3)



def kernel(x, edge_index, batch, Wl0, bl0, Wr0, lnw0, lnb0,
           Wl1, bl1, Wr1, lnw1, lnb1, Wl2, bl2, Wr2, lnw2, lnb2,
           Wrel, brel, Wroot):
    del batch

    src = edge_index[0]
    dst = edge_index[1]
    npad_e = EPAD - E
    src_flat = jnp.concatenate([src, jnp.zeros((npad_e,), jnp.int32)])
    dst_flat = jnp.concatenate([dst, jnp.full((npad_e,), N, jnp.int32)])
    src2d = src_flat.reshape(EPAD // BE, BE)
    dst2d = dst_flat.reshape(EPAD // BE, BE)

    xp = jnp.pad(x, ((0, NPAD - N), (0, 0)))

    cnt = _sc_count(dst2d)
    cnt_col = (cnt[0] + cnt[1]).reshape(NPAD, 1)

    params = [(Wl0, bl0, Wr0, lnw0, lnb0),
              (Wl1, bl1, Wr1, lnw1, lnb1),
              (Wl2, bl2, Wr2, lnw2, lnb2)]

    h = []
    cur = xp
    for (Wl, bl, Wr, lnw, lnb) in params:
        part = _sc_rowsum(cur, src2d, dst2d)
        y, stats = _tc_dense1(part[0], part[1], cnt_col, cur, Wl, bl, Wr)
        cur = _tc_dense2(y, stats, lnw, lnb)
        h.append(cur)

    h1, h2, h3 = h
    u, r = _tc_score(h1, h2, h3, Wrel, Wroot)
    sa = _sc_segscalar(u.reshape(NR, BE), src2d, dst2d)

    o1, o2, o3 = _tc_final(sa[0], sa[1],
                           r.reshape(NFB, FB), brel.reshape(1, 1),
                           h1, h2, h3)
    return jnp.concatenate([o1, o2, o3], axis=1)

# --- scband reference (transcript-rebuilt; emitter-appended) ---
"""Pipeline reference for scband-embedding-net-65704409694652 (READ-ONLY COPY).

The authoritative reference and input builder live on the scoring server;
editing this copy changes nothing except your own understanding.
"""

import jax, jax.numpy as jnp
import numpy as np

N = 10000
E = 320000
D_IN = 128
H = 128
L = 3
RATIO = 0.8
EPS = 1e-5


def setup_inputs(seed: int = 0):
    key = jax.random.key(seed)
    ks = jax.random.split(key, 64)
    inp = {}
    inp['x'] = jax.random.normal(ks[0], (N, D_IN), dtype=jnp.float32)
    inp['edge_index'] = jax.random.randint(ks[1], (2, E), 0, N, dtype=jnp.int32)
    inp['batch'] = jnp.zeros((N,), dtype=jnp.int32)
    kidx = 2
    for i in range(L):
        din = D_IN if i == 0 else H
        s = 1.0 / np.sqrt(din)
        inp['Wl%d' % i] = jax.random.uniform(ks[kidx], (H, din), jnp.float32, -s, s); kidx += 1
        inp['bl%d' % i] = jnp.zeros((H,), jnp.float32)
        inp['Wr%d' % i] = jax.random.uniform(ks[kidx], (H, din), jnp.float32, -s, s); kidx += 1
        inp['lnw%d' % i] = jnp.ones((H,), jnp.float32)
        inp['lnb%d' % i] = jnp.zeros((H,), jnp.float32)
    dp = L * H
    sp = 1.0 / np.sqrt(dp)
    inp['Wrel'] = jax.random.uniform(ks[kidx], (1, dp), jnp.float32, -sp, sp); kidx += 1
    inp['brel'] = jnp.zeros((1,), jnp.float32)
    inp['Wroot'] = jax.random.uniform(ks[kidx], (1, dp), jnp.float32, -sp, sp)
    return inp


def _sage(x, src, dst, Wl, bl, Wr, n):
    # SAGEConv: lin_l(mean of neighbor messages) + lin_r(x)
    agg = jax.ops.segment_sum(x[src], dst, num_segments=n)
    cnt = jax.ops.segment_sum(jnp.ones((src.shape[0],), x.dtype), dst, num_segments=n)
    mean = agg / jnp.clip(cnt, 1.0, None)[:, None]
    return mean @ Wl.T + bl + x @ Wr.T


def _graph_layernorm(x, w, b):
    # PyG LayerNorm mode='graph' called without batch -> normalize over all nodes+channels
    mu = jnp.mean(x)
    var = jnp.mean((x - mu) ** 2)
    return (x - mu) / jnp.sqrt(var + EPS) * w + b


def _forward(x, edge_index, batch, params, pool_params):
    src = edge_index[0]
    dst = edge_index[1]
    n = x.shape[0]
    h = []
    for (Wl, bl, Wr, lw, lb) in params:
        x = _sage(x, src, dst, Wl, bl, Wr, n)
        x = _graph_layernorm(x, lw, lb)
        x = jax.nn.relu(x)
        h.append(x)
    xc = jnp.concatenate(h, axis=1)
    # SAGPooling: score = GraphConv(xc, edge_index) with out_channels=1 (aggr='add')
    Wrel, brel, Wroot = pool_params
    agg = jax.ops.segment_sum(xc[src], dst, num_segments=n)
    score = (agg @ Wrel.T + brel + xc @ Wroot.T)[:, 0]
    k = int(np.ceil(RATIO * n))
    _, perm = jax.lax.top_k(score, k)
    xs = xc[perm] * jnp.tanh(score[perm])[:, None]
    bsel = batch[perm]
    # global_add_pool (single graph: batch is all zeros)
    return jax.ops.segment_sum(xs, bsel, num_segments=1)


def reference(x, edge_index, batch, Wl0, bl0, Wr0, lnw0, lnb0, Wl1, bl1, Wr1, lnw1, lnb1, Wl2, bl2, Wr2, lnw2, lnb2, Wrel, brel, Wroot):
    params = [(Wl0, bl0, Wr0, lnw0, lnb0), (Wl1, bl1, Wr1, lnw1, lnb1), (Wl2, bl2, Wr2, lnw2, lnb2)]
    return _forward(x, edge_index, batch, params, (Wrel, brel, Wroot))

if __name__ == "__main__":
    import jax
    _d = setup_inputs()
    print(jax.jit(kernel)(*tuple(_d.values())))

</pallas_src>

<mosaic_0001>
#map = affine_map<(d0, d1) -> (0, 0)>
#map1 = affine_map<(d0, d1) -> (0, 0, 0)>
module attributes {stable_mosaic.version = 14 : i64} {
  func.func @_sc_rowsum_body(%arg0: i32, %arg1: i32, %arg2: memref<10240x128xf32, #tpu.memory_space<hbm>>, %arg3: memref<2560x128xi32, #tpu.memory_space<hbm>>, %arg4: memref<2560x128xi32, #tpu.memory_space<hbm>>, %arg5: memref<2x10240x128xf32, #tpu.memory_space<hbm>>, %arg6: memref<40x128xi32, #tpu.memory_space<vmem>>, %arg7: memref<40x128xi32, #tpu.memory_space<vmem>>, %arg8: memref<128x128xf32, #tpu.memory_space<vmem>>, %arg9: memref<128x128xf32, #tpu.memory_space<vmem>>, %arg10: memref<10240x128xf32, #tpu.memory_space<vmem_shared>>, %arg11: memref<!tpu.dma_semaphore, #tpu.memory_space<semaphore_mem>>, %arg12: memref<!tpu.dma_semaphore, #tpu.memory_space<semaphore_mem>>, %arg13: memref<!tpu.dma_semaphore, #tpu.memory_space<semaphore_mem>>, %arg14: memref<!tpu.dma_semaphore, #tpu.memory_space<semaphore_mem>>) attributes {dimension_semantics = [#tpu.dimension_semantics<core_parallel>, #tpu.dimension_semantics<subcore_parallel>], iteration_bounds = array<i64: 2, 16>, scalar_prefetch = 0 : i64, scratch_operands = 9 : i64, tpu.core_type = #tpu.core_type<sc_vector_subcore>, window_params = [{transform_indices = #map}, {transform_indices = #map}, {transform_indices = #map}, {transform_indices = #map1}]} {
    %mul3A = arith.constant 2 : i32
    %mul3A_0 = arith.muli %arg1, %mul3A : i32
    %add3A = arith.addi %mul3A_0, %arg0 : i32
    %scan3A = arith.constant 0 : i32
    %scan3A_1 = arith.constant 0 : i32
    %scan3A_2 = arith.constant 1024 : i32
    %scan3A_3 = arith.addi %scan3A_1, %scan3A_2 : i32
    %scan3A_4 = arith.constant 1 : i32
    %scan3A_5 = scf.for %scan3A_41 = %scan3A_1 to %scan3A_3 step %scan3A_4 iter_args(%scan3A_42 = %scan3A) -> (i32)  : i32 {
      %jit3A_43 = arith.constant 8 : i32
      %div3A = arith.divsi %scan3A_41, %jit3A_43 : i32
      %sign3A = arith.constant 0 : i32
      %sign3A_44 = arith.cmpi sgt, %scan3A_41, %sign3A : i32
      %sign3A_45 = arith.extui %sign3A_44 : i1 to i32
      %sign3A_46 = arith.constant 0 : i32
      %sign3A_47 = arith.cmpi slt, %scan3A_41, %sign3A_46 : i32
      %sign3A_48 = arith.extui %sign3A_47 : i1 to i32
      %sign3A_49 = arith.subi %sign3A_45, %sign3A_48 : i32
      %sign3A_50 = arith.constant 0 : i32
      %sign3A_51 = arith.cmpi sgt, %jit3A_43, %sign3A_50 : i32
      %sign3A_52 = arith.extui %sign3A_51 : i1 to i32
      %sign3A_53 = arith.constant 0 : i32
      %sign3A_54 = arith.cmpi slt, %jit3A_43, %sign3A_53 : i32
      %sign3A_55 = arith.extui %sign3A_54 : i1 to i32
      %sign3A_56 = arith.subi %sign3A_52, %sign3A_55 : i32
      %ne3A = arith.cmpi ne, %sign3A_49, %sign3A_56 : i32
      %rem3A = arith.remsi %scan3A_41, %jit3A_43 : i32
      %ne3A_57 = arith.constant 0 : i32
      %ne3A_58 = arith.cmpi ne, %rem3A, %ne3A_57 : i32
      %and3A = arith.andi %ne3A, %ne3A_58 : i1
      %sub3A = arith.constant 1 : i32
      %sub3A_59 = arith.subi %div3A, %sub3A : i32
      %select_n3A_60 = arith.select %and3A, %sub3A_59, %div3A : i32
      %jit3A_61 = arith.constant 8 : i32
      %eq3A_62 = arith.constant 0 : i32
      %eq3A_63 = arith.cmpi eq, %jit3A_61, %eq3A_62 : i32
      %jit3A_64 = arith.constant 1 : i32
      %select_n3A_65 = arith.select %eq3A_63, %jit3A_64, %jit3A_61 : i32
      %rem3A_66 = arith.remsi %scan3A_41, %select_n3A_65 : i32
      %ne3A_67 = arith.constant 0 : i32
      %ne3A_68 = arith.cmpi ne, %rem3A_66, %ne3A_67 : i32
      %lt3A = arith.constant 0 : i32
      %lt3A_69 = arith.cmpi slt, %rem3A_66, %lt3A : i32
      %lt3A_70 = arith.constant 0 : i32
      %lt3A_71 = arith.cmpi slt, %select_n3A_65, %lt3A_70 : i32
      %ne3A_72 = arith.xori %lt3A_69, %lt3A_71 : i1
      %and3A_73 = arith.andi %ne3A_72, %ne3A_68 : i1
      %add3A_74 = arith.addi %rem3A_66, %select_n3A_65 : i32
      %select_n3A_75 = arith.select %and3A_73, %add3A_74, %rem3A_66 : i32
      %mul3A_76 = arith.constant 16 : i32
      %mul3A_77 = arith.muli %select_n3A_75, %mul3A_76 : i32
      %broadcast_in_dim3A = arith.constant 0.000000e+00 : f32
      %broadcast_in_dim3A_78 = vector.broadcast %broadcast_in_dim3A : f32 to vector<16xf32>
      %swap3A = arith.index_cast %select_n3A_60 : i32 to index
      %swap3A_79 = arith.index_cast %mul3A_77 : i32 to index
      %swap3A_80 = tpu.vector_load %arg8[%swap3A, %swap3A_79] {strides = array<i32>} : memref<128x128xf32, #tpu.memory_space<vmem>>, vector<16xf32>,
      tpu.vector_store %arg8[%swap3A, %swap3A_79], %broadcast_in_dim3A_78 {strides = array<i32>} : memref<128x128xf32, #tpu.memory_space<vmem>>, vector<16xf32>,
      %scan3A_81 = arith.constant 0 : i32
      scf.yield %scan3A_81 : i32
    }
    %scan3A_6 = arith.constant 1024 : i32
    %scan3A_7 = arith.constant 0 : i32
    %scan3A_8 = arith.constant 0 : i32
    %scan3A_9 = arith.constant 5 : i32
    %scan3A_10 = arith.addi %scan3A_8, %scan3A_9 : i32
    %scan3A_11 = arith.constant 1 : i32
    %scan3A_12 = scf.for %scan3A_41 = %scan3A_8 to %scan3A_10 step %scan3A_11 iter_args(%scan3A_42 = %scan3A_7) -> (i32)  : i32 {
      %mul3A_43 = arith.constant 640 : i32
      %mul3A_44 = arith.muli %arg1, %mul3A_43 : i32
      %mul3A_45 = arith.constant 128 : i32
      %mul3A_46 = arith.muli %scan3A_41, %mul3A_45 : i32
      %add3A_47 = arith.addi %mul3A_44, %mul3A_46 : i32
      "tpu.region"() ({
        %run_scoped3A = tpu.sem_alloc : memref<!tpu.dma_semaphore, #tpu.memory_space<semaphore_mem>>
        %dma_start3A = arith.constant 0 : i32
        %dma_start3A_49 = tpu.memref_slice %arg10[%add3A_47, %dma_start3A] : memref<10240x128xf32, #tpu.memory_space<vmem_shared>> -> memref<128x128xf32, #tpu.memory_space<vmem_shared>>
        %dma_start3A_50 = arith.constant 0 : i32
        %dma_start3A_51 = tpu.memref_slice %arg10[%add3A_47, %dma_start3A_50] : memref<10240x128xf32, #tpu.memory_space<vmem_shared>> -> memref<128x128xf32, #tpu.memory_space<vmem_shared>>
        tpu.enqueue_dma source(%arg8 : memref<128x128xf32, #tpu.memory_space<vmem>>) target(%dma_start3A_51 : memref<128x128xf32, #tpu.memory_space<vmem_shared>>) target_semaphore(%run_scoped3A : memref<!tpu.dma_semaphore, #tpu.memory_space<semaphore_mem>>)
        %dma_wait3A = arith.constant 0 : i32
        %dma_wait3A_52 = tpu.memref_slice %arg10[%add3A_47, %dma_wait3A] : memref<10240x128xf32, #tpu.memory_space<vmem_shared>> -> memref<128x128xf32, #tpu.memory_space<vmem_shared>>
        %dma_wait3A_53 = arith.constant 0 : i32
        %dma_wait3A_54 = tpu.memref_slice %arg10[%add3A_47, %dma_wait3A_53] : memref<10240x128xf32, #tpu.memory_space<vmem_shared>> -> memref<128x128xf32, #tpu.memory_space<vmem_shared>>
        tpu.wait_dma2 semaphore(%run_scoped3A : memref<!tpu.dma_semaphore, #tpu.memory_space<semaphore_mem>>) src(%arg8 : memref<128x128xf32, #tpu.memory_space<vmem>>) dst(%dma_wait3A_54 : memref<128x128xf32, #tpu.memory_space<vmem_shared>>)
        tpu.yield
      }) : () -> ()
      %scan3A_48 = arith.constant 0 : i32
      scf.yield %scan3A_48 : i32
    }
    %scan3A_13 = arith.constant 5 : i32
    %barrier3A = arith.constant 0 : index
    tpu.barrier barrier_id(%barrier3A)
    %eq3A = arith.constant 0 : i32
    %eq3A_14 = arith.cmpi eq, %arg0, %eq3A : i32
    %jit3A = arith.constant 1 : i32
    %jit3A_15 = arith.constant 3 : i32
    %select_n3A = arith.select %eq3A_14, %jit3A, %jit3A_15 : i32
    %eq3A_16 = arith.constant 0 : i32
    %eq3A_17 = arith.cmpi eq, %arg0, %eq3A_16 : i32
    %mul3A_18 = arith.constant 40 : i32
    %mul3A_19 = arith.muli %arg1, %mul3A_18 : i32
    %mul3A_20 = arith.constant 120 : i32
    %mul3A_21 = arith.muli %arg1, %mul3A_20 : i32
    %add3A_22 = arith.constant 640 : i32
    %add3A_23 = arith.addi %add3A_22, %mul3A_21 : i32
    %select_n3A_24 = arith.select %eq3A_17, %mul3A_19, %add3A_23 : i32
    %while3A = arith.constant 0 : i32
    %while3A_25 = arith.constant 0 : i32
    %while3A_26 = arith.subi %select_n3A, %while3A : i32
    %while3A_27 = arith.addi %while3A, %while3A_26 : i32
    %while3A_28 = arith.constant 1 : i32
    %while3A_29 = arith.divsi %while3A_26, %while3A_28 : i32
    %while3A_30 = arith.muli %while3A_29, %while3A_28 : i32
    %while3A_31 = arith.addi %while3A, %while3A_30 : i32
    %while3A_32 = arith.constant 1 : i32
    %while3A_33 = scf.for %while3A_41 = %while3A to %while3A_31 step %while3A_32 iter_args(%while3A_42 = %while3A_25) -> (i32)  : i32 {
      %mul3A_43 = arith.constant 40 : i32
      %mul3A_44 = arith.muli %while3A_41, %mul3A_43 : i32
      %add3A_45 = arith.addi %select_n3A_24, %mul3A_44 : i32
      "tpu.region"() ({
        %run_scoped3A = tpu.sem_alloc : memref<!tpu.dma_semaphore, #tpu.memory_space<semaphore_mem>>
        %dma_start3A_73 = arith.constant 0 : i32
        %dma_start3A_74 = tpu.memref_slice %arg3[%add3A_45, %dma_start3A_73] : memref<2560x128xi32, #tpu.memory_space<hbm>> -> memref<40x128xi32, #tpu.memory_space<hbm>>
        %dma_start3A_75 = arith.constant 0 : i32
        %dma_start3A_76 = tpu.memref_slice %arg3[%add3A_45, %dma_start3A_75] : memref<2560x128xi32, #tpu.memory_space<hbm>> -> memref<40x128xi32, #tpu.memory_space<hbm>>
        tpu.enqueue_dma source(%dma_start3A_76 : memref<40x128xi32, #tpu.memory_space<hbm>>) target(%arg6 : memref<40x128xi32, #tpu.memory_space<vmem>>) target_semaphore(%run_scoped3A : memref<!tpu.dma_semaphore, #tpu.memory_space<semaphore_mem>>)
        %dma_wait3A_77 = arith.constant 0 : i32
        %dma_wait3A_78 = tpu.memref_slice %arg3[%add3A_45, %dma_wait3A_77] : memref<2560x128xi32, #tpu.memory_space<hbm>> -> memref<40x128xi32, #tpu.memory_space<hbm>>
        %dma_wait3A_79 = arith.constant 0 : i32
        %dma_wait3A_80 = tpu.memref_slice %arg3[%add3A_45, %dma_wait3A_79] : memref<2560x128xi32, #tpu.memory_space<hbm>> -> memref<40x128xi32, #tpu.memory_space<hbm>>
        tpu.wait_dma2 semaphore(%run_scoped3A : memref<!tpu.dma_semaphore, #tpu.memory_space<semaphore_mem>>) src(%dma_wait3A_80 : memref<40x128xi32, #tpu.memory_space<hbm>>) dst(%arg6 : memref<40x128xi32, #tpu.memory_space<vmem>>)
        tpu.yield
      }) : () -> ()
      "tpu.region"() ({
        %run_scoped3A = tpu.sem_alloc : memref<!tpu.dma_semaphore, #tpu.memory_space<semaphore_mem>>
        %dma_start3A_73 = arith.constant 0 : i32
        %dma_start3A_74 = tpu.memref_slice %arg4[%add3A_45, %dma_start3A_73] : memref<2560x128xi32, #tpu.memory_space<hbm>> -> memref<40x128xi32, #tpu.memory_space<hbm>>
        %dma_start3A_75 = arith.constant 0 : i32
        %dma_start3A_76 = tpu.memref_slice %arg4[%add3A_45, %dma_start3A_75] : memref<2560x128xi32, #tpu.memory_space<hbm>> -> memref<40x128xi32, #tpu.memory_space<hbm>>
        tpu.enqueue_dma source(%dma_start3A_76 : memref<40x128xi32, #tpu.memory_space<hbm>>) target(%arg7 : memref<40x128xi32, #tpu.memory_space<vmem>>) target_semaphore(%run_scoped3A : memref<!tpu.dma_semaphore, #tpu.memory_space<semaphore_mem>>)
        %dma_wait3A_77 = arith.constant 0 : i32
        %dma_wait3A_78 = tpu.memref_slice %arg4[%add3A_45, %dma_wait3A_77] : memref<2560x128xi32, #tpu.memory_space<hbm>> -> memref<40x128xi32, #tpu.memory_space<hbm>>
        %dma_wait3A_79 = arith.constant 0 : i32
        %dma_wait3A_80 = tpu.memref_slice %arg4[%add3A_45, %dma_wait3A_79] : memref<2560x128xi32, #tpu.memory_space<hbm>> -> memref<40x128xi32, #tpu.memory_space<hbm>>
        tpu.wait_dma2 semaphore(%run_scoped3A : memref<!tpu.dma_semaphore, #tpu.memory_space<semaphore_mem>>) src(%dma_wait3A_80 : memref<40x128xi32, #tpu.memory_space<hbm>>) dst(%arg7 : memref<40x128xi32, #tpu.memory_space<vmem>>)
        tpu.yield
      }) : () -> ()
      %dma_start3A = arith.constant 0 : i32
      %dma_start3A_46 = arith.constant 0 : i32
      %dma_start3A_47 = tpu.memref_slice %arg6[%dma_start3A, %dma_start3A_46] : memref<40x128xi32, #tpu.memory_space<vmem>> -> memref<1x128xi32, #tpu.memory_space<vmem>>
      %dma_start3A_48 = tpu.memref_squeeze %dma_start3A_47 : memref<1x128xi32, #tpu.memory_space<vmem>> -> memref<128xi32, #tpu.memory_space<vmem>>
      %dma_start3A_49 = arith.constant 0 : i32
      %dma_start3A_50 = arith.constant 0 : i32
      %dma_start3A_51 = tpu.memref_slice %arg2[%dma_start3A_49, %dma_start3A_50] : memref<10240x128xf32, #tpu.memory_space<hbm>> -> memref<10240x128xf32, #tpu.memory_space<hbm>>
      tpu.enqueue_indirect_dma source(%dma_start3A_51 : memref<10240x128xf32, #tpu.memory_space<hbm>>) target(%arg8 : memref<128x128xf32, #tpu.memory_space<vmem>>) offsets(%dma_start3A_48 : memref<128xi32, #tpu.memory_space<vmem>>) semaphore(%arg11 : memref<!tpu.dma_semaphore, #tpu.memory_space<semaphore_mem>>)
      %scan3A_52 = arith.constant 0 : i32
      %scan3A_53 = arith.constant 0 : i32
      %scan3A_54 = arith.constant 20 : i32
      %scan3A_55 = arith.addi %scan3A_53, %scan3A_54 : i32
      %scan3A_56 = arith.constant 1 : i32
      %scan3A_57 = scf.for %scan3A_73 = %scan3A_53 to %scan3A_55 step %scan3A_56 iter_args(%scan3A_74 = %scan3A_52) -> (i32)  : i32 {
        %mul3A_75 = arith.constant 2 : i32
        %mul3A_76 = arith.muli %mul3A_75, %scan3A_73 : i32
        %mul3A_77 = arith.constant 2 : i32
        %mul3A_78 = arith.muli %mul3A_77, %scan3A_73 : i32
        %add3A_79 = arith.constant 1 : i32
        %add3A_80 = arith.addi %mul3A_78, %add3A_79 : i32
        %dma_wait3A_81 = arith.constant 0 : i32
        %dma_wait3A_82 = tpu.memref_slice %arg6[%mul3A_76, %dma_wait3A_81] : memref<40x128xi32, #tpu.memory_space<vmem>> -> memref<1x128xi32, #tpu.memory_space<vmem>>
        %dma_wait3A_83 = tpu.memref_squeeze %dma_wait3A_82 : memref<1x128xi32, #tpu.memory_space<vmem>> -> memref<128xi32, #tpu.memory_space<vmem>>
        %dma_wait3A_84 = arith.constant 0 : i32
        %dma_wait3A_85 = arith.constant 0 : i32
        %dma_wait3A_86 = tpu.memref_slice %arg2[%dma_wait3A_84, %dma_wait3A_85] : memref<10240x128xf32, #tpu.memory_space<hbm>> -> memref<10240x128xf32, #tpu.memory_space<hbm>>
        tpu.wait_indirect_dma semaphore(%arg11 : memref<!tpu.dma_semaphore, #tpu.memory_space<semaphore_mem>>) src(%dma_wait3A_86 : memref<10240x128xf32, #tpu.memory_space<hbm>>) dst(%arg8 : memref<128x128xf32, #tpu.memory_space<vmem>>)
        %ge3A = arith.constant 1 : i32
        %ge3A_87 = arith.cmpi sge, %scan3A_73, %ge3A : i32
        %convert_element_type3A = arith.extui %ge3A_87 : i1 to i32
        %cond3A = arith.constant 0 : i32
        %cond3A_88 = arith.cmpi ne, %convert_element_type3A, %cond3A : i32
        scf.if %cond3A_88 {
          %sub3A = arith.constant 1 : i32
          %sub3A_118 = arith.subi %mul3A_76, %sub3A : i32
          %dma_wait3A_119 = arith.constant 0 : i32
          %dma_wait3A_120 = tpu.memref_slice %arg7[%sub3A_118, %dma_wait3A_119] : memref<40x128xi32, #tpu.memory_space<vmem>> -> memref<1x128xi32, #tpu.memory_space<vmem>>
          %dma_wait3A_121 = tpu.memref_squeeze %dma_wait3A_120 : memref<1x128xi32, #tpu.memory_space<vmem>> -> memref<128xi32, #tpu.memory_space<vmem>>
          %dma_wait3A_122 = arith.constant 0 : i32
          %dma_wait3A_123 = arith.constant 0 : i32
          %dma_wait3A_124 = tpu.memref_slice %arg10[%dma_wait3A_122, %dma_wait3A_123] : memref<10240x128xf32, #tpu.memory_space<vmem_shared>> -> memref<10240x128xf32, #tpu.memory_space<vmem_shared>>
          tpu.wait_indirect_dma semaphore(%arg14 : memref<!tpu.dma_semaphore, #tpu.memory_space<semaphore_mem>>) src(%arg9 : memref<128x128xf32, #tpu.memory_space<vmem>>) dst(%dma_wait3A_124 : memref<10240x128xf32, #tpu.memory_space<vmem_shared>>)
        } else {
        }
        %dma_start3A_89 = arith.constant 0 : i32
        %dma_start3A_90 = tpu.memref_slice %arg6[%add3A_80, %dma_start3A_89] : memref<40x128xi32, #tpu.memory_space<vmem>> -> memref<1x128xi32, #tpu.memory_space<vmem>>
        %dma_start3A_91 = tpu.memref_squeeze %dma_start3A_90 : memref<1x128xi32, #tpu.memory_space<vmem>> -> memref<128xi32, #tpu.memory_space<vmem>>
        %dma_start3A_92 = arith.constant 0 : i32
        %dma_start3A_93 = arith.constant 0 : i32
        %dma_start3A_94 = tpu.memref_slice %arg2[%dma_start3A_92, %dma_start3A_93] : memref<10240x128xf32, #tpu.memory_space<hbm>> -> memref<10240x128xf32, #tpu.memory_space<hbm>>
        tpu.enqueue_indirect_dma source(%dma_start3A_94 : memref<10240x128xf32, #tpu.memory_space<hbm>>) target(%arg9 : memref<128x128xf32, #tpu.memory_space<vmem>>) offsets(%dma_start3A_91 : memref<128xi32, #tpu.memory_space<vmem>>) semaphore(%arg12 : memref<!tpu.dma_semaphore, #tpu.memory_space<semaphore_mem>>)
        %dma_start3A_95 = arith.constant 0 : i32
        %dma_start3A_96 = tpu.memref_slice %arg7[%mul3A_76, %dma_start3A_95] : memref<40x128xi32, #tpu.memory_space<vmem>> -> memref<1x128xi32, #tpu.memory_space<vmem>>
        %dma_start3A_97 = tpu.memref_squeeze %dma_start3A_96 : memref<1x128xi32, #tpu.memory_space<vmem>> -> memref<128xi32, #tpu.memory_space<vmem>>
        %dma_start3A_98 = arith.constant 0 : i32
        %dma_start3A_99 = arith.constant 0 : i32
        %dma_start3A_100 = tpu.memref_slice %arg10[%dma_start3A_98, %dma_start3A_99] : memref<10240x128xf32, #tpu.memory_space<vmem_shared>> -> memref<10240x128xf32, #tpu.memory_space<vmem_shared>>
        tpu.enqueue_indirect_dma source(%arg8 : memref<128x128xf32, #tpu.memory_space<vmem>>) target(%dma_start3A_100 : memref<10240x128xf32, #tpu.memory_space<vmem_shared>>) offsets(%dma_start3A_97 : memref<128xi32, #tpu.memory_space<vmem>>) semaphore(%arg13 : memref<!tpu.dma_semaphore, #tpu.memory_space<semaphore_mem>>) {add = true}
        %dma_wait3A_101 = arith.constant 0 : i32
        %dma_wait3A_102 = tpu.memref_slice %arg6[%add3A_80, %dma_wait3A_101] : memref<40x128xi32, #tpu.memory_space<vmem>> -> memref<1x128xi32, #tpu.memory_space<vmem>>
        %dma_wait3A_103 = tpu.memref_squeeze %dma_wait3A_102 : memref<1x128xi32, #tpu.memory_space<vmem>> -> memref<128xi32, #tpu.memory_space<vmem>>
        %dma_wait3A_104 = arith.constant 0 : i32
        %dma_wait3A_105 = arith.constant 0 : i32
        %dma_wait3A_106 = tpu.memref_slice %arg2[%dma_wait3A_104, %dma_wait3A_105] : memref<10240x128xf32, #tpu.memory_space<hbm>> -> memref<10240x128xf32, #tpu.memory_space<hbm>>
        tpu.wait_indirect_dma semaphore(%arg12 : memref<!tpu.dma_semaphore, #tpu.memory_space<semaphore_mem>>) src(%dma_wait3A_106 : memref<10240x128xf32, #tpu.memory_space<hbm>>) dst(%arg9 : memref<128x128xf32, #tpu.memory_space<vmem>>)
        %lt3A = arith.constant 19 : i32
        %lt3A_107 = arith.cmpi slt, %scan3A_73, %lt3A : i32
        %convert_element_type3A_108 = arith.extui %lt3A_107 : i1 to i32
        %cond3A_109 = arith.constant 0 : i32
        %cond3A_110 = arith.cmpi ne, %convert_element_type3A_108, %cond3A_109 : i32
        scf.if %cond3A_110 {
          %dma_wait3A_118 = arith.constant 0 : i32
          %dma_wait3A_119 = tpu.memref_slice %arg7[%mul3A_76, %dma_wait3A_118] : memref<40x128xi32, #tpu.memory_space<vmem>> -> memref<1x128xi32, #tpu.memory_space<vmem>>
          %dma_wait3A_120 = tpu.memref_squeeze %dma_wait3A_119 : memref<1x128xi32, #tpu.memory_space<vmem>> -> memref<128xi32, #tpu.memory_space<vmem>>
          %dma_wait3A_121 = arith.constant 0 : i32
          %dma_wait3A_122 = arith.constant 0 : i32
          %dma_wait3A_123 = tpu.memref_slice %arg10[%dma_wait3A_121, %dma_wait3A_122] : memref<10240x128xf32, #tpu.memory_space<vmem_shared>> -> memref<10240x128xf32, #tpu.memory_space<vmem_shared>>
          tpu.wait_indirect_dma semaphore(%arg13 : memref<!tpu.dma_semaphore, #tpu.memory_space<semaphore_mem>>) src(%arg8 : memref<128x128xf32, #tpu.memory_space<vmem>>) dst(%dma_wait3A_123 : memref<10240x128xf32, #tpu.memory_space<vmem_shared>>)
          %add3A_124 = arith.constant 1 : i32
          %add3A_125 = arith.addi %add3A_80, %add3A_124 : i32
          %dma_start3A_126 = arith.constant 0 : i32
          %dma_start3A_127 = tpu.memref_slice %arg6[%add3A_125, %dma_start3A_126] : memref<40x128xi32, #tpu.memory_space<vmem>> -> memref<1x128xi32, #tpu.memory_space<vmem>>
          %dma_start3A_128 = tpu.memref_squeeze %dma_start3A_127 : memref<1x128xi32, #tpu.memory_space<vmem>> -> memref<128xi32, #tpu.memory_space<vmem>>
          %dma_start3A_129 = arith.constant 0 : i32
          %dma_start3A_130 = arith.constant 0 : i32
          %dma_start3A_131 = tpu.memref_slice %arg2[%dma_start3A_129, %dma_start3A_130] : memref<10240x128xf32, #tpu.memory_space<hbm>> -> memref<10240x128xf32, #tpu.memory_space<hbm>>
          tpu.enqueue_indirect_dma source(%dma_start3A_131 : memref<10240x128xf32, #tpu.memory_space<hbm>>) target(%arg8 : memref<128x128xf32, #tpu.memory_space<vmem>>) offsets(%dma_start3A_128 : memref<128xi32, #tpu.memory_space<vmem>>) semaphore(%arg11 : memref<!tpu.dma_semaphore, #tpu.memory_space<semaphore_mem>>)
        } else {
        }
        %dma_start3A_111 = arith.constant 0 : i32
        %dma_start3A_112 = tpu.memref_slice %arg7[%add3A_80, %dma_start3A_111] : memref<40x128xi32, #tpu.memory_space<vmem>> -> memref<1x128xi32, #tpu.memory_space<vmem>>
        %dma_start3A_113 = tpu.memref_squeeze %dma_start3A_112 : memref<1x128xi32, #tpu.memory_space<vmem>> -> memref<128xi32, #tpu.memory_space<vmem>>
        %dma_start3A_114 = arith.constant 0 : i32
        %dma_start3A_115 = arith.constant 0 : i32
        %dma_start3A_116 = tpu.memref_slice %arg10[%dma_start3A_114, %dma_start3A_115] : memref<10240x128xf32, #tpu.memory_space<vmem_shared>> -> memref<10240x128xf32, #tpu.memory_space<vmem_shared>>
        tpu.enqueue_indirect_dma source(%arg9 : memref<128x128xf32, #tpu.memory_space<vmem>>) target(%dma_start3A_116 : memref<10240x128xf32, #tpu.memory_space<vmem_shared>>) offsets(%dma_start3A_113 : memref<128xi32, #tpu.memory_space<vmem>>) semaphore(%arg14 : memref<!tpu.dma_semaphore, #tpu.memory_space<semaphore_mem>>) {add = true}
        %scan3A_117 = arith.constant 0 : i32
        scf.yield %scan3A_117 : i32
      }
      %scan3A_58 = arith.constant 20 : i32
      %dma_wait3A = arith.constant 38 : i32
      %dma_wait3A_59 = arith.constant 0 : i32
      %dma_wait3A_60 = tpu.memref_slice %arg7[%dma_wait3A, %dma_wait3A_59] : memref<40x128xi32, #tpu.memory_space<vmem>> -> memref<1x128xi32, #tpu.memory_space<vmem>>
      %dma_wait3A_61 = tpu.memref_squeeze %dma_wait3A_60 : memref<1x128xi32, #tpu.memory_space<vmem>> -> memref<128xi32, #tpu.memory_space<vmem>>
      %dma_wait3A_62 = arith.constant 0 : i32
      %dma_wait3A_63 = arith.constant 0 : i32
      %dma_wait3A_64 = tpu.memref_slice %arg10[%dma_wait3A_62, %dma_wait3A_63] : memref<10240x128xf32, #tpu.memory_space<vmem_shared>> -> memref<10240x128xf32, #tpu.memory_space<vmem_shared>>
      tpu.wait_indirect_dma semaphore(%arg13 : memref<!tpu.dma_semaphore, #tpu.memory_space<semaphore_mem>>) src(%arg8 : memref<128x128xf32, #tpu.memory_space<vmem>>) dst(%dma_wait3A_64 : memref<10240x128xf32, #tpu.memory_space<vmem_shared>>)
      %dma_wait3A_65 = arith.constant 39 : i32
      %dma_wait3A_66 = arith.constant 0 : i32
      %dma_wait3A_67 = tpu.memref_slice %arg7[%dma_wait3A_65, %dma_wait3A_66] : memref<40x128xi32, #tpu.memory_space<vmem>> -> memref<1x128xi32, #tpu.memory_space<vmem>>
      %dma_wait3A_68 = tpu.memref_squeeze %dma_wait3A_67 : memref<1x128xi32, #tpu.memory_space<vmem>> -> memref<128xi32, #tpu.memory_space<vmem>>
      %dma_wait3A_69 = arith.constant 0 : i32
      %dma_wait3A_70 = arith.constant 0 : i32
      %dma_wait3A_71 = tpu.memref_slice %arg10[%dma_wait3A_69, %dma_wait3A_70] : memref<10240x128xf32, #tpu.memory_space<vmem_shared>> -> memref<10240x128xf32, #tpu.memory_space<vmem_shared>>
      tpu.wait_indirect_dma semaphore(%arg14 : memref<!tpu.dma_semaphore, #tpu.memory_space<semaphore_mem>>) src(%arg9 : memref<128x128xf32, #tpu.memory_space<vmem>>) dst(%dma_wait3A_71 : memref<10240x128xf32, #tpu.memory_space<vmem_shared>>)
      %while3A_72 = arith.constant 0 : i32
      scf.yield %while3A_72 : i32
    }
    %while3A_34 = arith.constant 1 : i32
    %while3A_35 = scf.for %while3A_41 = %while3A_31 to %while3A_27 step %while3A_34 iter_args(%while3A_42 = %while3A_33) -> (i32)  : i32 {
      %mul3A_43 = arith.constant 40 : i32
      %mul3A_44 = arith.muli %while3A_41, %mul3A_43 : i32
      %add3A_45 = arith.addi %select_n3A_24, %mul3A_44 : i32
      "tpu.region"() ({
        %run_scoped3A = tpu.sem_alloc : memref<!tpu.dma_semaphore, #tpu.memory_space<semaphore_mem>>
        %dma_start3A_73 = arith.constant 0 : i32
        %dma_start3A_74 = tpu.memref_slice %arg3[%add3A_45, %dma_start3A_73] : memref<2560x128xi32, #tpu.memory_space<hbm>> -> memref<40x128xi32, #tpu.memory_space<hbm>>
        %dma_start3A_75 = arith.constant 0 : i32
        %dma_start3A_76 = tpu.memref_slice %arg3[%add3A_45, %dma_start3A_75] : memref<2560x128xi32, #tpu.memory_space<hbm>> -> memref<40x128xi32, #tpu.memory_space<hbm>>
        tpu.enqueue_dma source(%dma_start3A_76 : memref<40x128xi32, #tpu.memory_space<hbm>>) target(%arg6 : memref<40x128xi32, #tpu.memory_space<vmem>>) target_semaphore(%run_scoped3A : memref<!tpu.dma_semaphore, #tpu.memory_space<semaphore_mem>>)
        %dma_wait3A_77 = arith.constant 0 : i32
        %dma_wait3A_78 = tpu.memref_slice %arg3[%add3A_45, %dma_wait3A_77] : memref<2560x128xi32, #tpu.memory_space<hbm>> -> memref<40x128xi32, #tpu.memory_space<hbm>>
        %dma_wait3A_79 = arith.constant 0 : i32
        %dma_wait3A_80 = tpu.memref_slice %arg3[%add3A_45, %dma_wait3A_79] : memref<2560x128xi32, #tpu.memory_space<hbm>> -> memref<40x128xi32, #tpu.memory_space<hbm>>
        tpu.wait_dma2 semaphore(%run_scoped3A : memref<!tpu.dma_semaphore, #tpu.memory_space<semaphore_mem>>) src(%dma_wait3A_80 : memref<40x128xi32, #tpu.memory_space<hbm>>) dst(%arg6 : memref<40x128xi32, #tpu.memory_space<vmem>>)
        tpu.yield
      }) : () -> ()
      "tpu.region"() ({
        %run_scoped3A = tpu.sem_alloc : memref<!tpu.dma_semaphore, #tpu.memory_space<semaphore_mem>>
        %dma_start3A_73 = arith.constant 0 : i32
        %dma_start3A_74 = tpu.memref_slice %arg4[%add3A_45, %dma_start3A_73] : memref<2560x128xi32, #tpu.memory_space<hbm>> -> memref<40x128xi32, #tpu.memory_space<hbm>>
        %dma_start3A_75 = arith.constant 0 : i32
        %dma_start3A_76 = tpu.memref_slice %arg4[%add3A_45, %dma_start3A_75] : memref<2560x128xi32, #tpu.memory_space<hbm>> -> memref<40x128xi32, #tpu.memory_space<hbm>>
        tpu.enqueue_dma source(%dma_start3A_76 : memref<40x128xi32, #tpu.memory_space<hbm>>) target(%arg7 : memref<40x128xi32, #tpu.memory_space<vmem>>) target_semaphore(%run_scoped3A : memref<!tpu.dma_semaphore, #tpu.memory_space<semaphore_mem>>)
        %dma_wait3A_77 = arith.constant 0 : i32
        %dma_wait3A_78 = tpu.memref_slice %arg4[%add3A_45, %dma_wait3A_77] : memref<2560x128xi32, #tpu.memory_space<hbm>> -> memref<40x128xi32, #tpu.memory_space<hbm>>
        %dma_wait3A_79 = arith.constant 0 : i32
        %dma_wait3A_80 = tpu.memref_slice %arg4[%add3A_45, %dma_wait3A_79] : memref<2560x128xi32, #tpu.memory_space<hbm>> -> memref<40x128xi32, #tpu.memory_space<hbm>>
        tpu.wait_dma2 semaphore(%run_scoped3A : memref<!tpu.dma_semaphore, #tpu.memory_space<semaphore_mem>>) src(%dma_wait3A_80 : memref<40x128xi32, #tpu.memory_space<hbm>>) dst(%arg7 : memref<40x128xi32, #tpu.memory_space<vmem>>)
        tpu.yield
      }) : () -> ()
      %dma_start3A = arith.constant 0 : i32
      %dma_start3A_46 = arith.constant 0 : i32
      %dma_start3A_47 = tpu.memref_slice %arg6[%dma_start3A, %dma_start3A_46] : memref<40x128xi32, #tpu.memory_space<vmem>> -> memref<1x128xi32, #tpu.memory_space<vmem>>
      %dma_start3A_48 = tpu.memref_squeeze %dma_start3A_47 : memref<1x128xi32, #tpu.memory_space<vmem>> -> memref<128xi32, #tpu.memory_space<vmem>>
      %dma_start3A_49 = arith.constant 0 : i32
      %dma_start3A_50 = arith.constant 0 : i32
      %dma_start3A_51 = tpu.memref_slice %arg2[%dma_start3A_49, %dma_start3A_50] : memref<10240x128xf32, #tpu.memory_space<hbm>> -> memref<10240x128xf32, #tpu.memory_space<hbm>>
      tpu.enqueue_indirect_dma source(%dma_start3A_51 : memref<10240x128xf32, #tpu.memory_space<hbm>>) target(%arg8 : memref<128x128xf32, #tpu.memory_space<vmem>>) offsets(%dma_start3A_48 : memref<128xi32, #tpu.memory_space<vmem>>) semaphore(%arg11 : memref<!tpu.dma_semaphore, #tpu.memory_space<semaphore_mem>>)
      %scan3A_52 = arith.constant 0 : i32
      %scan3A_53 = arith.constant 0 : i32
      %scan3A_54 = arith.constant 20 : i32
      %scan3A_55 = arith.addi %scan3A_53, %scan3A_54 : i32
      %scan3A_56 = arith.constant 1 : i32
      %scan3A_57 = scf.for %scan3A_73 = %scan3A_53 to %scan3A_55 step %scan3A_56 iter_args(%scan3A_74 = %scan3A_52) -> (i32)  : i32 {
        %mul3A_75 = arith.constant 2 : i32
        %mul3A_76 = arith.muli %mul3A_75, %scan3A_73 : i32
        %mul3A_77 = arith.constant 2 : i32
        %mul3A_78 = arith.muli %mul3A_77, %scan3A_73 : i32
        %add3A_79 = arith.constant 1 : i32
        %add3A_80 = arith.addi %mul3A_78, %add3A_79 : i32
        %dma_wait3A_81 = arith.constant 0 : i32
        %dma_wait3A_82 = tpu.memref_slice %arg6[%mul3A_76, %dma_wait3A_81] : memref<40x128xi32, #tpu.memory_space<vmem>> -> memref<1x128xi32, #tpu.memory_space<vmem>>
        %dma_wait3A_83 = tpu.memref_squeeze %dma_wait3A_82 : memref<1x128xi32, #tpu.memory_space<vmem>> -> memref<128xi32, #tpu.memory_space<vmem>>
        %dma_wait3A_84 = arith.constant 0 : i32
        %dma_wait3A_85 = arith.constant 0 : i32
        %dma_wait3A_86 = tpu.memref_slice %arg2[%dma_wait3A_84, %dma_wait3A_85] : memref<10240x128xf32, #tpu.memory_space<hbm>> -> memref<10240x128xf32, #tpu.memory_space<hbm>>
        tpu.wait_indirect_dma semaphore(%arg11 : memref<!tpu.dma_semaphore, #tpu.memory_space<semaphore_mem>>) src(%dma_wait3A_86 : memref<10240x128xf32, #tpu.memory_space<hbm>>) dst(%arg8 : memref<128x128xf32, #tpu.memory_space<vmem>>)
        %ge3A = arith.constant 1 : i32
        %ge3A_87 = arith.cmpi sge, %scan3A_73, %ge3A : i32
        %convert_element_type3A = arith.extui %ge3A_87 : i1 to i32
        %cond3A = arith.constant 0 : i32
        %cond3A_88 = arith.cmpi ne, %convert_element_type3A, %cond3A : i32
        scf.if %cond3A_88 {
          %sub3A = arith.constant 1 : i32
          %sub3A_118 = arith.subi %mul3A_76, %sub3A : i32
          %dma_wait3A_119 = arith.constant 0 : i32
          %dma_wait3A_120 = tpu.memref_slice %arg7[%sub3A_118, %dma_wait3A_119] : memref<40x128xi32, #tpu.memory_space<vmem>> -> memref<1x128xi32, #tpu.memory_space<vmem>>
          %dma_wait3A_121 = tpu.memref_squeeze %dma_wait3A_120 : memref<1x128xi32, #tpu.memory_space<vmem>> -> memref<128xi32, #tpu.memory_space<vmem>>
          %dma_wait3A_122 = arith.constant 0 : i32
          %dma_wait3A_123 = arith.constant 0 : i32
          %dma_wait3A_124 = tpu.memref_slice %arg10[%dma_wait3A_122, %dma_wait3A_123] : memref<10240x128xf32, #tpu.memory_space<vmem_shared>> -> memref<10240x128xf32, #tpu.memory_space<vmem_shared>>
          tpu.wait_indirect_dma semaphore(%arg14 : memref<!tpu.dma_semaphore, #tpu.memory_space<semaphore_mem>>) src(%arg9 : memref<128x128xf32, #tpu.memory_space<vmem>>) dst(%dma_wait3A_124 : memref<10240x128xf32, #tpu.memory_space<vmem_shared>>)
        } else {
        }
        %dma_start3A_89 = arith.constant 0 : i32
        %dma_start3A_90 = tpu.memref_slice %arg6[%add3A_80, %dma_start3A_89] : memref<40x128xi32, #tpu.memory_space<vmem>> -> memref<1x128xi32, #tpu.memory_space<vmem>>
        %dma_start3A_91 = tpu.memref_squeeze %dma_start3A_90 : memref<1x128xi32, #tpu.memory_space<vmem>> -> memref<128xi32, #tpu.memory_space<vmem>>
        %dma_start3A_92 = arith.constant 0 : i32
        %dma_start3A_93 = arith.constant 0 : i32
        %dma_start3A_94 = tpu.memref_slice %arg2[%dma_start3A_92, %dma_start3A_93] : memref<10240x128xf32, #tpu.memory_space<hbm>> -> memref<10240x128xf32, #tpu.memory_space<hbm>>
        tpu.enqueue_indirect_dma source(%dma_start3A_94 : memref<10240x128xf32, #tpu.memory_space<hbm>>) target(%arg9 : memref<128x128xf32, #tpu.memory_space<vmem>>) offsets(%dma_start3A_91 : memref<128xi32, #tpu.memory_space<vmem>>) semaphore(%arg12 : memref<!tpu.dma_semaphore, #tpu.memory_space<semaphore_mem>>)
        %dma_start3A_95 = arith.constant 0 : i32
        %dma_start3A_96 = tpu.memref_slice %arg7[%mul3A_76, %dma_start3A_95] : memref<40x128xi32, #tpu.memory_space<vmem>> -> memref<1x128xi32, #tpu.memory_space<vmem>>
        %dma_start3A_97 = tpu.memref_squeeze %dma_start3A_96 : memref<1x128xi32, #tpu.memory_space<vmem>> -> memref<128xi32, #tpu.memory_space<vmem>>
        %dma_start3A_98 = arith.constant 0 : i32
        %dma_start3A_99 = arith.constant 0 : i32
        %dma_start3A_100 = tpu.memref_slice %arg10[%dma_start3A_98, %dma_start3A_99] : memref<10240x128xf32, #tpu.memory_space<vmem_shared>> -> memref<10240x128xf32, #tpu.memory_space<vmem_shared>>
        tpu.enqueue_indirect_dma source(%arg8 : memref<128x128xf32, #tpu.memory_space<vmem>>) target(%dma_start3A_100 : memref<10240x128xf32, #tpu.memory_space<vmem_shared>>) offsets(%dma_start3A_97 : memref<128xi32, #tpu.memory_space<vmem>>) semaphore(%arg13 : memref<!tpu.dma_semaphore, #tpu.memory_space<semaphore_mem>>) {add = true}
        %dma_wait3A_101 = arith.constant 0 : i32
        %dma_wait3A_102 = tpu.memref_slice %arg6[%add3A_80, %dma_wait3A_101] : memref<40x128xi32, #tpu.memory_space<vmem>> -> memref<1x128xi32, #tpu.memory_space<vmem>>
        %dma_wait3A_103 = tpu.memref_squeeze %dma_wait3A_102 : memref<1x128xi32, #tpu.memory_space<vmem>> -> memref<128xi32, #tpu.memory_space<vmem>>
        %dma_wait3A_104 = arith.constant 0 : i32
        %dma_wait3A_105 = arith.constant 0 : i32
        %dma_wait3A_106 = tpu.memref_slice %arg2[%dma_wait3A_104, %dma_wait3A_105] : memref<10240x128xf32, #tpu.memory_space<hbm>> -> memref<10240x128xf32, #tpu.memory_space<hbm>>
        tpu.wait_indirect_dma semaphore(%arg12 : memref<!tpu.dma_semaphore, #tpu.memory_space<semaphore_mem>>) src(%dma_wait3A_106 : memref<10240x128xf32, #tpu.memory_space<hbm>>) dst(%arg9 : memref<128x128xf32, #tpu.memory_space<vmem>>)
        %lt3A = arith.constant 19 : i32
        %lt3A_107 = arith.cmpi slt, %scan3A_73, %lt3A : i32
        %convert_element_type3A_108 = arith.extui %lt3A_107 : i1 to i32
        %cond3A_109 = arith.constant 0 : i32
        %cond3A_110 = arith.cmpi ne, %convert_element_type3A_108, %cond3A_109 : i32
        scf.if %cond3A_110 {
          %dma_wait3A_118 = arith.constant 0 : i32
          %dma_wait3A_119 = tpu.memref_slice %arg7[%mul3A_76, %dma_wait3A_118] : memref<40x128xi32, #tpu.memory_space<vmem>> -> memref<1x128xi32, #tpu.memory_space<vmem>>
          %dma_wait3A_120 = tpu.memref_squeeze %dma_wait3A_119 : memref<1x128xi32, #tpu.memory_space<vmem>> -> memref<128xi32, #tpu.memory_space<vmem>>
          %dma_wait3A_121 = arith.constant 0 : i32
          %dma_wait3A_122 = arith.constant 0 : i32
          %dma_wait3A_123 = tpu.memref_slice %arg10[%dma_wait3A_121, %dma_wait3A_122] : memref<10240x128xf32, #tpu.memory_space<vmem_shared>> -> memref<10240x128xf32, #tpu.memory_space<vmem_shared>>
          tpu.wait_indirect_dma semaphore(%arg13 : memref<!tpu.dma_semaphore, #tpu.memory_space<semaphore_mem>>) src(%arg8 : memref<128x128xf32, #tpu.memory_space<vmem>>) dst(%dma_wait3A_123 : memref<10240x128xf32, #tpu.memory_space<vmem_shared>>)
          %add3A_124 = arith.constant 1 : i32
          %add3A_125 = arith.addi %add3A_80, %add3A_124 : i32
          %dma_start3A_126 = arith.constant 0 : i32
          %dma_start3A_127 = tpu.memref_slice %arg6[%add3A_125, %dma_start3A_126] : memref<40x128xi32, #tpu.memory_space<vmem>> -> memref<1x128xi32, #tpu.memory_space<vmem>>
          %dma_start3A_128 = tpu.memref_squeeze %dma_start3A_127 : memref<1x128xi32, #tpu.memory_space<vmem>> -> memref<128xi32, #tpu.memory_space<vmem>>
          %dma_start3A_129 = arith.constant 0 : i32
          %dma_start3A_130 = arith.constant 0 : i32
          %dma_start3A_131 = tpu.memref_slice %arg2[%dma_start3A_129, %dma_start3A_130] : memref<10240x128xf32, #tpu.memory_space<hbm>> -> memref<10240x128xf32, #tpu.memory_space<hbm>>
          tpu.enqueue_indirect_dma source(%dma_start3A_131 : memref<10240x128xf32, #tpu.memory_space<hbm>>) target(%arg8 : memref<128x128xf32, #tpu.memory_space<vmem>>) offsets(%dma_start3A_128 : memref<128xi32, #tpu.memory_space<vmem>>) semaphore(%arg11 : memref<!tpu.dma_semaphore, #tpu.memory_space<semaphore_mem>>)
        } else {
        }
        %dma_start3A_111 = arith.constant 0 : i32
        %dma_start3A_112 = tpu.memref_slice %arg7[%add3A_80, %dma_start3A_111] : memref<40x128xi32, #tpu.memory_space<vmem>> -> memref<1x128xi32, #tpu.memory_space<vmem>>
        %dma_start3A_113 = tpu.memref_squeeze %dma_start3A_112 : memref<1x128xi32, #tpu.memory_space<vmem>> -> memref<128xi32, #tpu.memory_space<vmem>>
        %dma_start3A_114 = arith.constant 0 : i32
        %dma_start3A_115 = arith.constant 0 : i32
        %dma_start3A_116 = tpu.memref_slice %arg10[%dma_start3A_114, %dma_start3A_115] : memref<10240x128xf32, #tpu.memory_space<vmem_shared>> -> memref<10240x128xf32, #tpu.memory_space<vmem_shared>>
        tpu.enqueue_indirect_dma source(%arg9 : memref<128x128xf32, #tpu.memory_space<vmem>>) target(%dma_start3A_116 : memref<10240x128xf32, #tpu.memory_space<vmem_shared>>) offsets(%dma_start3A_113 : memref<128xi32, #tpu.memory_space<vmem>>) semaphore(%arg14 : memref<!tpu.dma_semaphore, #tpu.memory_space<semaphore_mem>>) {add = true}
        %scan3A_117 = arith.constant 0 : i32
        scf.yield %scan3A_117 : i32
      }
      %scan3A_58 = arith.constant 20 : i32
      %dma_wait3A = arith.constant 38 : i32
      %dma_wait3A_59 = arith.constant 0 : i32
      %dma_wait3A_60 = tpu.memref_slice %arg7[%dma_wait3A, %dma_wait3A_59] : memref<40x128xi32, #tpu.memory_space<vmem>> -> memref<1x128xi32, #tpu.memory_space<vmem>>
      %dma_wait3A_61 = tpu.memref_squeeze %dma_wait3A_60 : memref<1x128xi32, #tpu.memory_space<vmem>> -> memref<128xi32, #tpu.memory_space<vmem>>
      %dma_wait3A_62 = arith.constant 0 : i32
      %dma_wait3A_63 = arith.constant 0 : i32
      %dma_wait3A_64 = tpu.memref_slice %arg10[%dma_wait3A_62, %dma_wait3A_63] : memref<10240x128xf32, #tpu.memory_space<vmem_shared>> -> memref<10240x128xf32, #tpu.memory_space<vmem_shared>>
      tpu.wait_indirect_dma semaphore(%arg13 : memref<!tpu.dma_semaphore, #tpu.memory_space<semaphore_mem>>) src(%arg8 : memref<128x128xf32, #tpu.memory_space<vmem>>) dst(%dma_wait3A_64 : memref<10240x128xf32, #tpu.memory_space<vmem_shared>>)
      %dma_wait3A_65 = arith.constant 39 : i32
      %dma_wait3A_66 = arith.constant 0 : i32
      %dma_wait3A_67 = tpu.memref_slice %arg7[%dma_wait3A_65, %dma_wait3A_66] : memref<40x128xi32, #tpu.memory_space<vmem>> -> memref<1x128xi32, #tpu.memory_space<vmem>>
      %dma_wait3A_68 = tpu.memref_squeeze %dma_wait3A_67 : memref<1x128xi32, #tpu.memory_space<vmem>> -> memref<128xi32, #tpu.memory_space<vmem>>
      %dma_wait3A_69 = arith.constant 0 : i32
      %dma_wait3A_70 = arith.constant 0 : i32
      %dma_wait3A_71 = tpu.memref_slice %arg10[%dma_wait3A_69, %dma_wait3A_70] : memref<10240x128xf32, #tpu.memory_space<vmem_shared>> -> memref<10240x128xf32, #tpu.memory_space<vmem_shared>>
      tpu.wait_indirect_dma semaphore(%arg14 : memref<!tpu.dma_semaphore, #tpu.memory_space<semaphore_mem>>) src(%arg9 : memref<128x128xf32, #tpu.memory_space<vmem>>) dst(%dma_wait3A_71 : memref<10240x128xf32, #tpu.memory_space<vmem_shared>>)
      %while3A_72 = arith.constant 0 : i32
      scf.yield %while3A_72 : i32
    }
    %barrier3A_36 = arith.constant 0 : index
    tpu.barrier barrier_id(%barrier3A_36)
    %mul3A_37 = arith.constant 640 : i32
    %mul3A_38 = arith.muli %arg1, %mul3A_37 : i32
    %mul3A_39 = arith.constant 640 : i32
    %mul3A_40 = arith.muli %arg1, %mul3A_39 : i32
    "tpu.region"() ({
      %run_scoped3A = tpu.sem_alloc : memref<!tpu.dma_semaphore, #tpu.memory_space<semaphore_mem>>
      %dma_start3A = arith.constant 0 : i32
      %dma_start3A_41 = tpu.memref_slice %arg5[%arg0, %mul3A_40, %dma_start3A] : memref<2x10240x128xf32, #tpu.memory_space<hbm>> -> memref<1x640x128xf32, #tpu.memory_space<hbm>>
      %dma_start3A_42 = tpu.memref_squeeze %dma_start3A_41 : memref<1x640x128xf32, #tpu.memory_space<hbm>> -> memref<640x128xf32, #tpu.memory_space<hbm>>
      %dma_start3A_43 = arith.constant 0 : i32
      %dma_start3A_44 = tpu.memref_slice %arg10[%mul3A_38, %dma_start3A_43] : memref<10240x128xf32, #tpu.memory_space<vmem_shared>> -> memref<640x128xf32, #tpu.memory_space<vmem_shared>>
      tpu.enqueue_dma source(%dma_start3A_44 : memref<640x128xf32, #tpu.memory_space<vmem_shared>>) target(%dma_start3A_42 : memref<640x128xf32, #tpu.memory_space<hbm>>) target_semaphore(%run_scoped3A : memref<!tpu.dma_semaphore, #tpu.memory_space<semaphore_mem>>)
      %dma_wait3A = arith.constant 0 : i32
      %dma_wait3A_45 = tpu.memref_slice %arg5[%arg0, %mul3A_40, %dma_wait3A] : memref<2x10240x128xf32, #tpu.memory_space<hbm>> -> memref<1x640x128xf32, #tpu.memory_space<hbm>>
      %dma_wait3A_46 = tpu.memref_squeeze %dma_wait3A_45 : memref<1x640x128xf32, #tpu.memory_space<hbm>> -> memref<640x128xf32, #tpu.memory_space<hbm>>
      %dma_wait3A_47 = arith.constant 0 : i32
      %dma_wait3A_48 = tpu.memref_slice %arg10[%mul3A_38, %dma_wait3A_47] : memref<10240x128xf32, #tpu.memory_space<vmem_shared>> -> memref<640x128xf32, #tpu.memory_space<vmem_shared>>
      tpu.wait_dma2 semaphore(%run_scoped3A : memref<!tpu.dma_semaphore, #tpu.memory_space<semaphore_mem>>) src(%dma_wait3A_48 : memref<640x128xf32, #tpu.memory_space<vmem_shared>>) dst(%dma_wait3A_46 : memref<640x128xf32, #tpu.memory_space<hbm>>)
      tpu.yield
    }) : () -> ()
    return
  }
}

#map = affine_map<(d0, d1) -> (0, 0)>
#map1 = affine_map<(d0, d1) -> (0, 0, 0)>
module attributes {stable_mosaic.version = 14 : i64} {
  func.func @_sc_count_body(%arg0: i32, %arg1: i32, %arg2: memref<2560x128xi32, #tpu.memory_space<hbm>>, %arg3: memref<2x80x128xf32, #tpu.memory_space<hbm>>, %arg4: memref<80x128xi32, #tpu.memory_space<vmem>>, %arg5: memref<80x128xf32, #tpu.memory_space<vmem>>, %arg6: memref<8x128xf32, #tpu.memory_space<vmem>>, %arg7: memref<8x128xf32, #tpu.memory_space<vmem>>, %arg8: memref<16x80x128xf32, #tpu.memory_space<vmem_shared>>) attributes {dimension_semantics = [#tpu.dimension_semantics<core_parallel>, #tpu.dimension_semantics<subcore_parallel>], iteration_bounds = array<i64: 2, 16>, scalar_prefetch = 0 : i64, scratch_operands = 5 : i64, tpu.core_type = #tpu.core_type<sc_vector_subcore>, window_params = [{transform_indices = #map}, {transform_indices = #map1}]} {
    %mul3A = arith.constant 2 : i32
    %mul3A_0 = arith.muli %arg1, %mul3A : i32
    %add3A = arith.addi %mul3A_0, %arg0 : i32
    %scan3A = arith.constant 0 : i32
    %scan3A_1 = arith.constant 0 : i32
    %scan3A_2 = arith.constant 640 : i32
    %scan3A_3 = arith.addi %scan3A_1, %scan3A_2 : i32
    %scan3A_4 = arith.constant 1 : i32
    %scan3A_5 = scf.for %scan3A_19 = %scan3A_1 to %scan3A_3 step %scan3A_4 iter_args(%scan3A_20 = %scan3A) -> (i32)  : i32 {
      %jit3A = arith.constant 8 : i32
      %div3A = arith.divsi %scan3A_19, %jit3A : i32
      %sign3A = arith.constant 0 : i32
      %sign3A_21 = arith.cmpi sgt, %scan3A_19, %sign3A : i32
      %sign3A_22 = arith.extui %sign3A_21 : i1 to i32
      %sign3A_23 = arith.constant 0 : i32
      %sign3A_24 = arith.cmpi slt, %scan3A_19, %sign3A_23 : i32
      %sign3A_25 = arith.extui %sign3A_24 : i1 to i32
      %sign3A_26 = arith.subi %sign3A_22, %sign3A_25 : i32
      %sign3A_27 = arith.constant 0 : i32
      %sign3A_28 = arith.cmpi sgt, %jit3A, %sign3A_27 : i32
      %sign3A_29 = arith.extui %sign3A_28 : i1 to i32
      %sign3A_30 = arith.constant 0 : i32
      %sign3A_31 = arith.cmpi slt, %jit3A, %sign3A_30 : i32
      %sign3A_32 = arith.extui %sign3A_31 : i1 to i32
      %sign3A_33 = arith.subi %sign3A_29, %sign3A_32 : i32
      %ne3A = arith.cmpi ne, %sign3A_26, %sign3A_33 : i32
      %rem3A = arith.remsi %scan3A_19, %jit3A : i32
      %ne3A_34 = arith.constant 0 : i32
      %ne3A_35 = arith.cmpi ne, %rem3A, %ne3A_34 : i32
      %and3A = arith.andi %ne3A, %ne3A_35 : i1
      %sub3A = arith.constant 1 : i32
      %sub3A_36 = arith.subi %div3A, %sub3A : i32
      %select_n3A = arith.select %and3A, %sub3A_36, %div3A : i32
      %jit3A_37 = arith.constant 8 : i32
      %eq3A = arith.constant 0 : i32
      %eq3A_38 = arith.cmpi eq, %jit3A_37, %eq3A : i32
      %jit3A_39 = arith.constant 1 : i32
      %select_n3A_40 = arith.select %eq3A_38, %jit3A_39, %jit3A_37 : i32
      %rem3A_41 = arith.remsi %scan3A_19, %select_n3A_40 : i32
      %ne3A_42 = arith.constant 0 : i32
      %ne3A_43 = arith.cmpi ne, %rem3A_41, %ne3A_42 : i32
      %lt3A_44 = arith.constant 0 : i32
      %lt3A_45 = arith.cmpi slt, %rem3A_41, %lt3A_44 : i32
      %lt3A_46 = arith.constant 0 : i32
      %lt3A_47 = arith.cmpi slt, %select_n3A_40, %lt3A_46 : i32
      %ne3A_48 = arith.xori %lt3A_45, %lt3A_47 : i1
      %and3A_49 = arith.andi %ne3A_48, %ne3A_43 : i1
      %add3A_50 = arith.addi %rem3A_41, %select_n3A_40 : i32
      %select_n3A_51 = arith.select %and3A_49, %add3A_50, %rem3A_41 : i32
      %mul3A_52 = arith.constant 16 : i32
      %mul3A_53 = arith.muli %select_n3A_51, %mul3A_52 : i32
      %broadcast_in_dim3A_54 = arith.constant 0.000000e+00 : f32
      %broadcast_in_dim3A_55 = vector.broadcast %broadcast_in_dim3A_54 : f32 to vector<16xf32>
      %swap3A = arith.index_cast %select_n3A : i32 to index
      %swap3A_56 = arith.index_cast %mul3A_53 : i32 to index
      %swap3A_57 = tpu.vector_load %arg5[%swap3A, %swap3A_56] {strides = array<i32>} : memref<80x128xf32, #tpu.memory_space<vmem>>, vector<16xf32>,
      tpu.vector_store %arg5[%swap3A, %swap3A_56], %broadcast_in_dim3A_55 {strides = array<i32>} : memref<80x128xf32, #tpu.memory_space<vmem>>, vector<16xf32>,
      %scan3A_58 = arith.constant 0 : i32
      scf.yield %scan3A_58 : i32
    }
    %scan3A_6 = arith.constant 640 : i32
    %mul3A_7 = arith.constant 80 : i32
    %mul3A_8 = arith.muli %add3A, %mul3A_7 : i32
    "tpu.region"() ({
      %run_scoped3A = tpu.sem_alloc : memref<!tpu.dma_semaphore, #tpu.memory_space<semaphore_mem>>
      %dma_start3A = arith.constant 0 : i32
      %dma_start3A_19 = tpu.memref_slice %arg2[%mul3A_8, %dma_start3A] : memref<2560x128xi32, #tpu.memory_space<hbm>> -> memref<80x128xi32, #tpu.memory_space<hbm>>
      %dma_start3A_20 = arith.constant 0 : i32
      %dma_start3A_21 = tpu.memref_slice %arg2[%mul3A_8, %dma_start3A_20] : memref<2560x128xi32, #tpu.memory_space<hbm>> -> memref<80x128xi32, #tpu.memory_space<hbm>>
      tpu.enqueue_dma source(%dma_start3A_21 : memref<80x128xi32, #tpu.memory_space<hbm>>) target(%arg4 : memref<80x128xi32, #tpu.memory_space<vmem>>) target_semaphore(%run_scoped3A : memref<!tpu.dma_semaphore, #tpu.memory_space<semaphore_mem>>)
      %dma_wait3A = arith.constant 0 : i32
      %dma_wait3A_22 = tpu.memref_slice %arg2[%mul3A_8, %dma_wait3A] : memref<2560x128xi32, #tpu.memory_space<hbm>> -> memref<80x128xi32, #tpu.memory_space<hbm>>
      %dma_wait3A_23 = arith.constant 0 : i32
      %dma_wait3A_24 = tpu.memref_slice %arg2[%mul3A_8, %dma_wait3A_23] : memref<2560x128xi32, #tpu.memory_space<hbm>> -> memref<80x128xi32, #tpu.memory_space<hbm>>
      tpu.wait_dma2 semaphore(%run_scoped3A : memref<!tpu.dma_semaphore, #tpu.memory_space<semaphore_mem>>) src(%dma_wait3A_24 : memref<80x128xi32, #tpu.memory_space<hbm>>) dst(%arg4 : memref<80x128xi32, #tpu.memory_space<vmem>>)
      tpu.yield
    }) : () -> ()
    %broadcast_in_dim3A = arith.constant 1.000000e+00 : f32
    %broadcast_in_dim3A_9 = vector.broadcast %broadcast_in_dim3A : f32 to vector<16xf32>
    %scan3A_10 = arith.constant 0 : i32
    %scan3A_11 = arith.constant 0 : i32
    %scan3A_12 = arith.constant 640 : i32
    %scan3A_13 = arith.addi %scan3A_11, %scan3A_12 : i32
    %scan3A_14 = arith.constant 1 : i32
    %scan3A_15 = scf.for %scan3A_19 = %scan3A_11 to %scan3A_13 step %scan3A_14 iter_args(%scan3A_20 = %scan3A_10) -> (i32)  : i32 {
      %jit3A = arith.constant 8 : i32
      %div3A = arith.divsi %scan3A_19, %jit3A : i32
      %sign3A = arith.constant 0 : i32
      %sign3A_21 = arith.cmpi sgt, %scan3A_19, %sign3A : i32
      %sign3A_22 = arith.extui %sign3A_21 : i1 to i32
      %sign3A_23 = arith.constant 0 : i32
      %sign3A_24 = arith.cmpi slt, %scan3A_19, %sign3A_23 : i32
      %sign3A_25 = arith.extui %sign3A_24 : i1 to i32
      %sign3A_26 = arith.subi %sign3A_22, %sign3A_25 : i32
      %sign3A_27 = arith.constant 0 : i32
      %sign3A_28 = arith.cmpi sgt, %jit3A, %sign3A_27 : i32
      %sign3A_29 = arith.extui %sign3A_28 : i1 to i32
      %sign3A_30 = arith.constant 0 : i32
      %sign3A_31 = arith.cmpi slt, %jit3A, %sign3A_30 : i32
      %sign3A_32 = arith.extui %sign3A_31 : i1 to i32
      %sign3A_33 = arith.subi %sign3A_29, %sign3A_32 : i32
      %ne3A = arith.cmpi ne, %sign3A_26, %sign3A_33 : i32
      %rem3A = arith.remsi %scan3A_19, %jit3A : i32
      %ne3A_34 = arith.constant 0 : i32
      %ne3A_35 = arith.cmpi ne, %rem3A, %ne3A_34 : i32
      %and3A = arith.andi %ne3A, %ne3A_35 : i1
      %sub3A = arith.constant 1 : i32
      %sub3A_36 = arith.subi %div3A, %sub3A : i32
      %select_n3A = arith.select %and3A, %sub3A_36, %div3A : i32
      %jit3A_37 = arith.constant 8 : i32
      %eq3A = arith.constant 0 : i32
      %eq3A_38 = arith.cmpi eq, %jit3A_37, %eq3A : i32
      %jit3A_39 = arith.constant 1 : i32
      %select_n3A_40 = arith.select %eq3A_38, %jit3A_39, %jit3A_37 : i32
      %rem3A_41 = arith.remsi %scan3A_19, %select_n3A_40 : i32
      %ne3A_42 = arith.constant 0 : i32
      %ne3A_43 = arith.cmpi ne, %rem3A_41, %ne3A_42 : i32
      %lt3A_44 = arith.constant 0 : i32
      %lt3A_45 = arith.cmpi slt, %rem3A_41, %lt3A_44 : i32
      %lt3A_46 = arith.constant 0 : i32
      %lt3A_47 = arith.cmpi slt, %select_n3A_40, %lt3A_46 : i32
      %ne3A_48 = arith.xori %lt3A_45, %lt3A_47 : i1
      %and3A_49 = arith.andi %ne3A_48, %ne3A_43 : i1
      %add3A_50 = arith.addi %rem3A_41, %select_n3A_40 : i32
      %select_n3A_51 = arith.select %and3A_49, %add3A_50, %rem3A_41 : i32
      %mul3A_52 = arith.constant 16 : i32
      %mul3A_53 = arith.muli %select_n3A_51, %mul3A_52 : i32
      %get3A = arith.index_cast %select_n3A : i32 to index
      %get3A_54 = arith.index_cast %mul3A_53 : i32 to index
      %get3A_55 = tpu.vector_load %arg4[%get3A, %get3A_54] {strides = array<i32>} : memref<80x128xi32, #tpu.memory_space<vmem>>, vector<16xi32>,
      %shift_right_arithmetic3A = arith.constant 7 : i32
      %shift_right_arithmetic3A_56 = vector.broadcast %shift_right_arithmetic3A : i32 to vector<16xi32>
      %shift_right_arithmetic3A_57 = arith.shrsi %get3A_55, %shift_right_arithmetic3A_56 : vector<16xi32>
      %and3A_58 = arith.constant 127 : i32
      %and3A_59 = vector.broadcast %and3A_58 : i32 to vector<16xi32>
      %and3A_60 = arith.andi %get3A_55, %and3A_59 : vector<16xi32>
      tpu.vector_store_idx %arg5[%shift_right_arithmetic3A_57, %and3A_60], %broadcast_in_dim3A_9 {add = true} : memref<80x128xf32, #tpu.memory_space<vmem>>[vector<16xi32>, vector<16xi32>], vector<16xf32>,
      %scan3A_61 = arith.constant 0 : i32
      scf.yield %scan3A_61 : i32
    }
    %scan3A_16 = arith.constant 640 : i32
    "tpu.region"() ({
      %run_scoped3A = tpu.sem_alloc : memref<!tpu.dma_semaphore, #tpu.memory_space<semaphore_mem>>
      %dma_start3A = arith.constant 0 : i32
      %dma_start3A_19 = arith.constant 0 : i32
      %dma_start3A_20 = tpu.memref_slice %arg8[%arg1, %dma_start3A, %dma_start3A_19] : memref<16x80x128xf32, #tpu.memory_space<vmem_shared>> -> memref<1x80x128xf32, #tpu.memory_space<vmem_shared>>
      %dma_start3A_21 = tpu.memref_squeeze %dma_start3A_20 : memref<1x80x128xf32, #tpu.memory_space<vmem_shared>> -> memref<80x128xf32, #tpu.memory_space<vmem_shared>>
      %dma_start3A_22 = arith.constant 0 : i32
      %dma_start3A_23 = arith.constant 0 : i32
      %dma_start3A_24 = tpu.memref_slice %arg8[%arg1, %dma_start3A_22, %dma_start3A_23] : memref<16x80x128xf32, #tpu.memory_space<vmem_shared>> -> memref<1x80x128xf32, #tpu.memory_space<vmem_shared>>
      %dma_start3A_25 = tpu.memref_squeeze %dma_start3A_24 : memref<1x80x128xf32, #tpu.memory_space<vmem_shared>> -> memref<80x128xf32, #tpu.memory_space<vmem_shared>>
      tpu.enqueue_dma source(%arg5 : memref<80x128xf32, #tpu.memory_space<vmem>>) target(%dma_start3A_25 : memref<80x128xf32, #tpu.memory_space<vmem_shared>>) target_semaphore(%run_scoped3A : memref<!tpu.dma_semaphore, #tpu.memory_space<semaphore_mem>>)
      %dma_wait3A = arith.constant 0 : i32
      %dma_wait3A_26 = arith.constant 0 : i32
      %dma_wait3A_27 = tpu.memref_slice %arg8[%arg1, %dma_wait3A, %dma_wait3A_26] : memref<16x80x128xf32, #tpu.memory_space<vmem_shared>> -> memref<1x80x128xf32, #tpu.memory_space<vmem_shared>>
      %dma_wait3A_28 = tpu.memref_squeeze %dma_wait3A_27 : memref<1x80x128xf32, #tpu.memory_space<vmem_shared>> -> memref<80x128xf32, #tpu.memory_space<vmem_shared>>
      %dma_wait3A_29 = arith.constant 0 : i32
      %dma_wait3A_30 = arith.constant 0 : i32
      %dma_wait3A_31 = tpu.memref_slice %arg8[%arg1, %dma_wait3A_29, %dma_wait3A_30] : memref<16x80x128xf32, #tpu.memory_space<vmem_shared>> -> memref<1x80x128xf32, #tpu.memory_space<vmem_shared>>
      %dma_wait3A_32 = tpu.memref_squeeze %dma_wait3A_31 : memref<1x80x128xf32, #tpu.memory_space<vmem_shared>> -> memref<80x128xf32, #tpu.memory_space<vmem_shared>>
      tpu.wait_dma2 semaphore(%run_scoped3A : memref<!tpu.dma_semaphore, #tpu.memory_space<semaphore_mem>>) src(%arg5 : memref<80x128xf32, #tpu.memory_space<vmem>>) dst(%dma_wait3A_32 : memref<80x128xf32, #tpu.memory_space<vmem_shared>>)
      tpu.yield
    }) : () -> ()
    %barrier3A = arith.constant 0 : index
    tpu.barrier barrier_id(%barrier3A)
    %lt3A = arith.constant 10 : i32
    %lt3A_17 = arith.cmpi slt, %arg1, %lt3A : i32
    %convert_element_type3A = arith.extui %lt3A_17 : i1 to i32
    %cond3A = arith.constant 0 : i32
    %cond3A_18 = arith.cmpi ne, %convert_element_type3A, %cond3A : i32
    scf.if %cond3A_18 {
      %scan3A_19 = arith.constant 0 : i32
      %scan3A_20 = arith.constant 0 : i32
      %scan3A_21 = arith.constant 64 : i32
      %scan3A_22 = arith.addi %scan3A_20, %scan3A_21 : i32
      %scan3A_23 = arith.constant 1 : i32
      %scan3A_24 = scf.for %scan3A_35 = %scan3A_20 to %scan3A_22 step %scan3A_23 iter_args(%scan3A_36 = %scan3A_19) -> (i32)  : i32 {
        %jit3A = arith.constant 8 : i32
        %div3A = arith.divsi %scan3A_35, %jit3A : i32
        %sign3A = arith.constant 0 : i32
        %sign3A_37 = arith.cmpi sgt, %scan3A_35, %sign3A : i32
        %sign3A_38 = arith.extui %sign3A_37 : i1 to i32
        %sign3A_39 = arith.constant 0 : i32
        %sign3A_40 = arith.cmpi slt, %scan3A_35, %sign3A_39 : i32
        %sign3A_41 = arith.extui %sign3A_40 : i1 to i32
        %sign3A_42 = arith.subi %sign3A_38, %sign3A_41 : i32
        %sign3A_43 = arith.constant 0 : i32
        %sign3A_44 = arith.cmpi sgt, %jit3A, %sign3A_43 : i32
        %sign3A_45 = arith.extui %sign3A_44 : i1 to i32
        %sign3A_46 = arith.constant 0 : i32
        %sign3A_47 = arith.cmpi slt, %jit3A, %sign3A_46 : i32
        %sign3A_48 = arith.extui %sign3A_47 : i1 to i32
        %sign3A_49 = arith.subi %sign3A_45, %sign3A_48 : i32
        %ne3A = arith.cmpi ne, %sign3A_42, %sign3A_49 : i32
        %rem3A = arith.remsi %scan3A_35, %jit3A : i32
        %ne3A_50 = arith.constant 0 : i32
        %ne3A_51 = arith.cmpi ne, %rem3A, %ne3A_50 : i32
        %and3A = arith.andi %ne3A, %ne3A_51 : i1
        %sub3A = arith.constant 1 : i32
        %sub3A_52 = arith.subi %div3A, %sub3A : i32
        %select_n3A = arith.select %and3A, %sub3A_52, %div3A : i32
        %jit3A_53 = arith.constant 8 : i32
        %eq3A = arith.constant 0 : i32
        %eq3A_54 = arith.cmpi eq, %jit3A_53, %eq3A : i32
        %jit3A_55 = arith.constant 1 : i32
        %select_n3A_56 = arith.select %eq3A_54, %jit3A_55, %jit3A_53 : i32
        %rem3A_57 = arith.remsi %scan3A_35, %select_n3A_56 : i32
        %ne3A_58 = arith.constant 0 : i32
        %ne3A_59 = arith.cmpi ne, %rem3A_57, %ne3A_58 : i32
        %lt3A_60 = arith.constant 0 : i32
        %lt3A_61 = arith.cmpi slt, %rem3A_57, %lt3A_60 : i32
        %lt3A_62 = arith.constant 0 : i32
        %lt3A_63 = arith.cmpi slt, %select_n3A_56, %lt3A_62 : i32
        %ne3A_64 = arith.xori %lt3A_61, %lt3A_63 : i1
        %and3A_65 = arith.andi %ne3A_64, %ne3A_59 : i1
        %add3A_66 = arith.addi %rem3A_57, %select_n3A_56 : i32
        %select_n3A_67 = arith.select %and3A_65, %add3A_66, %rem3A_57 : i32
        %mul3A_68 = arith.constant 16 : i32
        %mul3A_69 = arith.muli %select_n3A_67, %mul3A_68 : i32
        %broadcast_in_dim3A_70 = arith.constant 0.000000e+00 : f32
        %broadcast_in_dim3A_71 = vector.broadcast %broadcast_in_dim3A_70 : f32 to vector<16xf32>
        %swap3A = arith.index_cast %select_n3A : i32 to index
        %swap3A_72 = arith.index_cast %mul3A_69 : i32 to index
        %swap3A_73 = tpu.vector_load %arg6[%swap3A, %swap3A_72] {strides = array<i32>} : memref<8x128xf32, #tpu.memory_space<vmem>>, vector<16xf32>,
        tpu.vector_store %arg6[%swap3A, %swap3A_72], %broadcast_in_dim3A_71 {strides = array<i32>} : memref<8x128xf32, #tpu.memory_space<vmem>>, vector<16xf32>,
        %scan3A_74 = arith.constant 0 : i32
        scf.yield %scan3A_74 : i32
      }
      %scan3A_25 = arith.constant 64 : i32
      %scan3A_26 = arith.constant 0 : i32
      %scan3A_27 = arith.constant 0 : i32
      %scan3A_28 = arith.constant 16 : i32
      %scan3A_29 = arith.addi %scan3A_27, %scan3A_28 : i32
      %scan3A_30 = arith.constant 1 : i32
      %scan3A_31 = scf.for %scan3A_35 = %scan3A_27 to %scan3A_29 step %scan3A_30 iter_args(%scan3A_36 = %scan3A_26) -> (i32)  : i32 {
        %mul3A_37 = arith.constant 8 : i32
        %mul3A_38 = arith.muli %arg1, %mul3A_37 : i32
        "tpu.region"() ({
          %run_scoped3A = tpu.sem_alloc : memref<!tpu.dma_semaphore, #tpu.memory_space<semaphore_mem>>
          %dma_start3A = arith.constant 0 : i32
          %dma_start3A_47 = tpu.memref_slice %arg8[%scan3A_35, %mul3A_38, %dma_start3A] : memref<16x80x128xf32, #tpu.memory_space<vmem_shared>> -> memref<1x8x128xf32, #tpu.memory_space<vmem_shared>>
          %dma_start3A_48 = tpu.memref_squeeze %dma_start3A_47 : memref<1x8x128xf32, #tpu.memory_space<vmem_shared>> -> memref<8x128xf32, #tpu.memory_space<vmem_shared>>
          %dma_start3A_49 = arith.constant 0 : i32
          %dma_start3A_50 = tpu.memref_slice %arg8[%scan3A_35, %mul3A_38, %dma_start3A_49] : memref<16x80x128xf32, #tpu.memory_space<vmem_shared>> -> memref<1x8x128xf32, #tpu.memory_space<vmem_shared>>
          %dma_start3A_51 = tpu.memref_squeeze %dma_start3A_50 : memref<1x8x128xf32, #tpu.memory_space<vmem_shared>> -> memref<8x128xf32, #tpu.memory_space<vmem_shared>>
          tpu.enqueue_dma source(%dma_start3A_51 : memref<8x128xf32, #tpu.memory_space<vmem_shared>>) target(%arg7 : memref<8x128xf32, #tpu.memory_space<vmem>>) target_semaphore(%run_scoped3A : memref<!tpu.dma_semaphore, #tpu.memory_space<semaphore_mem>>)
          %dma_wait3A = arith.constant 0 : i32
          %dma_wait3A_52 = tpu.memref_slice %arg8[%scan3A_35, %mul3A_38, %dma_wait3A] : memref<16x80x128xf32, #tpu.memory_space<vmem_shared>> -> memref<1x8x128xf32, #tpu.memory_space<vmem_shared>>
          %dma_wait3A_53 = tpu.memref_squeeze %dma_wait3A_52 : memref<1x8x128xf32, #tpu.memory_space<vmem_shared>> -> memref<8x128xf32, #tpu.memory_space<vmem_shared>>
          %dma_wait3A_54 = arith.constant 0 : i32
          %dma_wait3A_55 = tpu.memref_slice %arg8[%scan3A_35, %mul3A_38, %dma_wait3A_54] : memref<16x80x128xf32, #tpu.memory_space<vmem_shared>> -> memref<1x8x128xf32, #tpu.memory_space<vmem_shared>>
          %dma_wait3A_56 = tpu.memref_squeeze %dma_wait3A_55 : memref<1x8x128xf32, #tpu.memory_space<vmem_shared>> -> memref<8x128xf32, #tpu.memory_space<vmem_shared>>
          tpu.wait_dma2 semaphore(%run_scoped3A : memref<!tpu.dma_semaphore, #tpu.memory_space<semaphore_mem>>) src(%dma_wait3A_56 : memref<8x128xf32, #tpu.memory_space<vmem_shared>>) dst(%arg7 : memref<8x128xf32, #tpu.memory_space<vmem>>)
          tpu.yield
        }) : () -> ()
        %scan3A_39 = arith.constant 0 : i32
        %scan3A_40 = arith.constant 0 : i32
        %scan3A_41 = arith.constant 64 : i32
        %scan3A_42 = arith.addi %scan3A_40, %scan3A_41 : i32
        %scan3A_43 = arith.constant 1 : i32
        %scan3A_44 = scf.for %scan3A_47 = %scan3A_40 to %scan3A_42 step %scan3A_43 iter_args(%scan3A_48 = %scan3A_39) -> (i32)  : i32 {
          %jit3A = arith.constant 8 : i32
          %div3A = arith.divsi %scan3A_47, %jit3A : i32
          %sign3A = arith.constant 0 : i32
          %sign3A_49 = arith.cmpi sgt, %scan3A_47, %sign3A : i32
          %sign3A_50 = arith.extui %sign3A_49 : i1 to i32
          %sign3A_51 = arith.constant 0 : i32
          %sign3A_52 = arith.cmpi slt, %scan3A_47, %sign3A_51 : i32
          %sign3A_53 = arith.extui %sign3A_52 : i1 to i32
          %sign3A_54 = arith.subi %sign3A_50, %sign3A_53 : i32
          %sign3A_55 = arith.constant 0 : i32
          %sign3A_56 = arith.cmpi sgt, %jit3A, %sign3A_55 : i32
          %sign3A_57 = arith.extui %sign3A_56 : i1 to i32
          %sign3A_58 = arith.constant 0 : i32
          %sign3A_59 = arith.cmpi slt, %jit3A, %sign3A_58 : i32
          %sign3A_60 = arith.extui %sign3A_59 : i1 to i32
          %sign3A_61 = arith.subi %sign3A_57, %sign3A_60 : i32
          %ne3A = arith.cmpi ne, %sign3A_54, %sign3A_61 : i32
          %rem3A = arith.remsi %scan3A_47, %jit3A : i32
          %ne3A_62 = arith.constant 0 : i32
          %ne3A_63 = arith.cmpi ne, %rem3A, %ne3A_62 : i32
          %and3A = arith.andi %ne3A, %ne3A_63 : i1
          %sub3A = arith.constant 1 : i32
          %sub3A_64 = arith.subi %div3A, %sub3A : i32
          %select_n3A = arith.select %and3A, %sub3A_64, %div3A : i32
          %jit3A_65 = arith.constant 8 : i32
          %eq3A = arith.constant 0 : i32
          %eq3A_66 = arith.cmpi eq, %jit3A_65, %eq3A : i32
          %jit3A_67 = arith.constant 1 : i32
          %select_n3A_68 = arith.select %eq3A_66, %jit3A_67, %jit3A_65 : i32
          %rem3A_69 = arith.remsi %scan3A_47, %select_n3A_68 : i32
          %ne3A_70 = arith.constant 0 : i32
          %ne3A_71 = arith.cmpi ne, %rem3A_69, %ne3A_70 : i32
          %lt3A_72 = arith.constant 0 : i32
          %lt3A_73 = arith.cmpi slt, %rem3A_69, %lt3A_72 : i32
          %lt3A_74 = arith.constant 0 : i32
          %lt3A_75 = arith.cmpi slt, %select_n3A_68, %lt3A_74 : i32
          %ne3A_76 = arith.xori %lt3A_73, %lt3A_75 : i1
          %and3A_77 = arith.andi %ne3A_76, %ne3A_71 : i1
          %add3A_78 = arith.addi %rem3A_69, %select_n3A_68 : i32
          %select_n3A_79 = arith.select %and3A_77, %add3A_78, %rem3A_69 : i32
          %mul3A_80 = arith.constant 16 : i32
          %mul3A_81 = arith.muli %select_n3A_79, %mul3A_80 : i32
          %get3A = arith.index_cast %select_n3A : i32 to index
          %get3A_82 = arith.index_cast %mul3A_81 : i32 to index
          %get3A_83 = tpu.vector_load %arg6[%get3A, %get3A_82] {strides = array<i32>} : memref<8x128xf32, #tpu.memory_space<vmem>>, vector<16xf32>,
          %get3A_84 = arith.index_cast %select_n3A : i32 to index
          %get3A_85 = arith.index_cast %mul3A_81 : i32 to index
          %get3A_86 = tpu.vector_load %arg7[%get3A_84, %get3A_85] {strides = array<i32>} : memref<8x128xf32, #tpu.memory_space<vmem>>, vector<16xf32>,
          %add3A_87 = arith.addf %get3A_83, %get3A_86 : vector<16xf32>
          %swap3A = arith.index_cast %select_n3A : i32 to index
          %swap3A_88 = arith.index_cast %mul3A_81 : i32 to index
          %swap3A_89 = tpu.vector_load %arg6[%swap3A, %swap3A_88] {strides = array<i32>} : memref<8x128xf32, #tpu.memory_space<vmem>>, vector<16xf32>,
          tpu.vector_store %arg6[%swap3A, %swap3A_88], %add3A_87 {strides = array<i32>} : memref<8x128xf32, #tpu.memory_space<vmem>>, vector<16xf32>,
          %scan3A_90 = arith.constant 0 : i32
          scf.yield %scan3A_90 : i32
        }
        %scan3A_45 = arith.constant 64 : i32
        %scan3A_46 = arith.constant 0 : i32
        scf.yield %scan3A_46 : i32
      }
      %scan3A_32 = arith.constant 16 : i32
      %mul3A_33 = arith.constant 8 : i32
      %mul3A_34 = arith.muli %arg1, %mul3A_33 : i32
      "tpu.region"() ({
        %run_scoped3A = tpu.sem_alloc : memref<!tpu.dma_semaphore, #tpu.memory_space<semaphore_mem>>
        %dma_start3A = arith.constant 0 : i32
        %dma_start3A_35 = tpu.memref_slice %arg3[%arg0, %mul3A_34, %dma_start3A] : memref<2x80x128xf32, #tpu.memory_space<hbm>> -> memref<1x8x128xf32, #tpu.memory_space<hbm>>
        %dma_start3A_36 = tpu.memref_squeeze %dma_start3A_35 : memref<1x8x128xf32, #tpu.memory_space<hbm>> -> memref<8x128xf32, #tpu.memory_space<hbm>>
        %dma_start3A_37 = arith.constant 0 : i32
        %dma_start3A_38 = tpu.memref_slice %arg3[%arg0, %mul3A_34, %dma_start3A_37] : memref<2x80x128xf32, #tpu.memory_space<hbm>> -> memref<1x8x128xf32, #tpu.memory_space<hbm>>
        %dma_start3A_39 = tpu.memref_squeeze %dma_start3A_38 : memref<1x8x128xf32, #tpu.memory_space<hbm>> -> memref<8x128xf32, #tpu.memory_space<hbm>>
        tpu.enqueue_dma source(%arg6 : memref<8x128xf32, #tpu.memory_space<vmem>>) target(%dma_start3A_39 : memref<8x128xf32, #tpu.memory_space<hbm>>) target_semaphore(%run_scoped3A : memref<!tpu.dma_semaphore, #tpu.memory_space<semaphore_mem>>)
        %dma_wait3A = arith.constant 0 : i32
        %dma_wait3A_40 = tpu.memref_slice %arg3[%arg0, %mul3A_34, %dma_wait3A] : memref<2x80x128xf32, #tpu.memory_space<hbm>> -> memref<1x8x128xf32, #tpu.memory_space<hbm>>
        %dma_wait3A_41 = tpu.memref_squeeze %dma_wait3A_40 : memref<1x8x128xf32, #tpu.memory_space<hbm>> -> memref<8x128xf32, #tpu.memory_space<hbm>>
        %dma_wait3A_42 = arith.constant 0 : i32
        %dma_wait3A_43 = tpu.memref_slice %arg3[%arg0, %mul3A_34, %dma_wait3A_42] : memref<2x80x128xf32, #tpu.memory_space<hbm>> -> memref<1x8x128xf32, #tpu.memory_space<hbm>>
        %dma_wait3A_44 = tpu.memref_squeeze %dma_wait3A_43 : memref<1x8x128xf32, #tpu.memory_space<hbm>> -> memref<8x128xf32, #tpu.memory_space<hbm>>
        tpu.wait_dma2 semaphore(%run_scoped3A : memref<!tpu.dma_semaphore, #tpu.memory_space<semaphore_mem>>) src(%arg6 : memref<8x128xf32, #tpu.memory_space<vmem>>) dst(%dma_wait3A_44 : memref<8x128xf32, #tpu.memory_space<hbm>>)
        tpu.yield
      }) : () -> ()
    } else {
    }
    return
  }
}

#map = affine_map<(d0, d1) -> (0, 0)>
#map1 = affine_map<(d0, d1) -> (0, 0, 0)>
module attributes {stable_mosaic.version = 14 : i64} {
  func.func @_sc_rowsum_body(%arg0: i32, %arg1: i32, %arg2: memref<10240x128xf32, #tpu.memory_space<hbm>>, %arg3: memref<2560x128xi32, #tpu.memory_space<hbm>>, %arg4: memref<2560x128xi32, #tpu.memory_space<hbm>>, %arg5: memref<2x10240x128xf32, #tpu.memory_space<hbm>>, %arg6: memref<40x128xi32, #tpu.memory_space<vmem>>, %arg7: memref<40x128xi32, #tpu.memory_space<vmem>>, %arg8: memref<128x128xf32, #tpu.memory_space<vmem>>, %arg9: memref<128x128xf32, #tpu.memory_space<vmem>>, %arg10: memref<10240x128xf32, #tpu.memory_space<vmem_shared>>, %arg11: memref<!tpu.dma_semaphore, #tpu.memory_space<semaphore_mem>>, %arg12: memref<!tpu.dma_semaphore, #tpu.memory_space<semaphore_mem>>, %arg13: memref<!tpu.dma_semaphore, #tpu.memory_space<semaphore_mem>>, %arg14: memref<!tpu.dma_semaphore, #tpu.memory_space<semaphore_mem>>) attributes {dimension_semantics = [#tpu.dimension_semantics<core_parallel>, #tpu.dimension_semantics<subcore_parallel>], iteration_bounds = array<i64: 2, 16>, scalar_prefetch = 0 : i64, scratch_operands = 9 : i64, tpu.core_type = #tpu.core_type<sc_vector_subcore>, window_params = [{transform_indices = #map}, {transform_indices = #map}, {transform_indices = #map}, {transform_indices = #map1}]} {
    %mul3A = arith.constant 2 : i32
    %mul3A_0 = arith.muli %arg1, %mul3A : i32
    %add3A = arith.addi %mul3A_0, %arg0 : i32
    %scan3A = arith.constant 0 : i32
    %scan3A_1 = arith.constant 0 : i32
    %scan3A_2 = arith.constant 1024 : i32
    %scan3A_3 = arith.addi %scan3A_1, %scan3A_2 : i32
    %scan3A_4 = arith.constant 1 : i32
    %scan3A_5 = scf.for %scan3A_41 = %scan3A_1 to %scan3A_3 step %scan3A_4 iter_args(%scan3A_42 = %scan3A) -> (i32)  : i32 {
      %jit3A_43 = arith.constant 8 : i32
      %div3A = arith.divsi %scan3A_41, %jit3A_43 : i32
      %sign3A = arith.constant 0 : i32
      %sign3A_44 = arith.cmpi sgt, %scan3A_41, %sign3A : i32
      %sign3A_45 = arith.extui %sign3A_44 : i1 to i32
      %sign3A_46 = arith.constant 0 : i32
      %sign3A_47 = arith.cmpi slt, %scan3A_41, %sign3A_46 : i32
      %sign3A_48 = arith.extui %sign3A_47 : i1 to i32
      %sign3A_49 = arith.subi %sign3A_45, %sign3A_48 : i32
      %sign3A_50 = arith.constant 0 : i32
      %sign3A_51 = arith.cmpi sgt, %jit3A_43, %sign3A_50 : i32
      %sign3A_52 = arith.extui %sign3A_51 : i1 to i32
      %sign3A_53 = arith.constant 0 : i32
      %sign3A_54 = arith.cmpi slt, %jit3A_43, %sign3A_53 : i32
      %sign3A_55 = arith.extui %sign3A_54 : i1 to i32
      %sign3A_56 = arith.subi %sign3A_52, %sign3A_55 : i32
      %ne3A = arith.cmpi ne, %sign3A_49, %sign3A_56 : i32
      %rem3A = arith.remsi %scan3A_41, %jit3A_43 : i32
      %ne3A_57 = arith.constant 0 : i32
      %ne3A_58 = arith.cmpi ne, %rem3A, %ne3A_57 : i32
      %and3A = arith.andi %ne3A, %ne3A_58 : i1
      %sub3A = arith.constant 1 : i32
      %sub3A_59 = arith.subi %div3A, %sub3A : i32
      %select_n3A_60 = arith.select %and3A, %sub3A_59, %div3A : i32
      %jit3A_61 = arith.constant 8 : i32
      %eq3A_62 = arith.constant 0 : i32
      %eq3A_63 = arith.cmpi eq, %jit3A_61, %eq3A_62 : i32
      %jit3A_64 = arith.constant 1 : i32
      %select_n3A_65 = arith.select %eq3A_63, %jit3A_64, %jit3A_61 : i32
      %rem3A_66 = arith.remsi %scan3A_41, %select_n3A_65 : i32
      %ne3A_67 = arith.constant 0 : i32
      %ne3A_68 = arith.cmpi ne, %rem3A_66, %ne3A_67 : i32
      %lt3A = arith.constant 0 : i32
      %lt3A_69 = arith.cmpi slt, %rem3A_66, %lt3A : i32
      %lt3A_70 = arith.constant 0 : i32
      %lt3A_71 = arith.cmpi slt, %select_n3A_65, %lt3A_70 : i32
      %ne3A_72 = arith.xori %lt3A_69, %lt3A_71 : i1
      %and3A_73 = arith.andi %ne3A_72, %ne3A_68 : i1
      %add3A_74 = arith.addi %rem3A_66, %select_n3A_65 : i32
      %select_n3A_75 = arith.select %and3A_73, %add3A_74, %rem3A_66 : i32
      %mul3A_76 = arith.constant 16 : i32
      %mul3A_77 = arith.muli %select_n3A_75, %mul3A_76 : i32
      %broadcast_in_dim3A = arith.constant 0.000000e+00 : f32
      %broadcast_in_dim3A_78 = vector.broadcast %broadcast_in_dim3A : f32 to vector<16xf32>
      %swap3A = arith.index_cast %select_n3A_60 : i32 to index
      %swap3A_79 = arith.index_cast %mul3A_77 : i32 to index
      %swap3A_80 = tpu.vector_load %arg8[%swap3A, %swap3A_79] {strides = array<i32>} : memref<128x128xf32, #tpu.memory_space<vmem>>, vector<16xf32>,
      tpu.vector_store %arg8[%swap3A, %swap3A_79], %broadcast_in_dim3A_78 {strides = array<i32>} : memref<128x128xf32, #tpu.memory_space<vmem>>, vector<16xf32>,
      %scan3A_81 = arith.constant 0 : i32
      scf.yield %scan3A_81 : i32
    }
    %scan3A_6 = arith.constant 1024 : i32
    %scan3A_7 = arith.constant 0 : i32
    %scan3A_8 = arith.constant 0 : i32
    %scan3A_9 = arith.constant 5 : i32
    %scan3A_10 = arith.addi %scan3A_8, %scan3A_9 : i32
    %scan3A_11 = arith.constant 1 : i32
    %scan3A_12 = scf.for %scan3A_41 = %scan3A_8 to %scan3A_10 step %scan3A_11 iter_args(%scan3A_42 = %scan3A_7) -> (i32)  : i32 {
      %mul3A_43 = arith.constant 640 : i32
      %mul3A_44 = arith.muli %arg1, %mul3A_43 : i32
      %mul3A_45 = arith.constant 128 : i32
      %mul3A_46 = arith.muli %scan3A_41, %mul3A_45 : i32
      %add3A_47 = arith.addi %mul3A_44, %mul3A_46 : i32
      "tpu.region"() ({
        %run_scoped3A = tpu.sem_alloc : memref<!tpu.dma_semaphore, #tpu.memory_space<semaphore_mem>>
        %dma_start3A = arith.constant 0 : i32
        %dma_start3A_49 = tpu.memref_slice %arg10[%add3A_47, %dma_start3A] : memref<10240x128xf32, #tpu.memory_space<vmem_shared>> -> memref<128x128xf32, #tpu.memory_space<vmem_shared>>
        %dma_start3A_50 = arith.constant 0 : i32
        %dma_start3A_51 = tpu.memref_slice %arg10[%add3A_47, %dma_start3A_50] : memref<10240x128xf32, #tpu.memory_space<vmem_shared>> -> memref<128x128xf32, #tpu.memory_space<vmem_shared>>
        tpu.enqueue_dma source(%arg8 : memref<128x128xf32, #tpu.memory_space<vmem>>) target(%dma_start3A_51 : memref<128x128xf32, #tpu.memory_space<vmem_shared>>) target_semaphore(%run_scoped3A : memref<!tpu.dma_semaphore, #tpu.memory_space<semaphore_mem>>)
        %dma_wait3A = arith.constant 0 : i32
        %dma_wait3A_52 = tpu.memref_slice %arg10[%add3A_47, %dma_wait3A] : memref<10240x128xf32, #tpu.memory_space<vmem_shared>> -> memref<128x128xf32, #tpu.memory_space<vmem_shared>>
        %dma_wait3A_53 = arith.constant 0 : i32
        %dma_wait3A_54 = tpu.memref_slice %arg10[%add3A_47, %dma_wait3A_53] : memref<10240x128xf32, #tpu.memory_space<vmem_shared>> -> memref<128x128xf32, #tpu.memory_space<vmem_shared>>
        tpu.wait_dma2 semaphore(%run_scoped3A : memref<!tpu.dma_semaphore, #tpu.memory_space<semaphore_mem>>) src(%arg8 : memref<128x128xf32, #tpu.memory_space<vmem>>) dst(%dma_wait3A_54 : memref<128x128xf32, #tpu.memory_space<vmem_shared>>)
        tpu.yield
      }) : () -> ()
      %scan3A_48 = arith.constant 0 : i32
      scf.yield %scan3A_48 : i32
    }
    %scan3A_13 = arith.constant 5 : i32
    %barrier3A = arith.constant 0 : index
    tpu.barrier barrier_id(%barrier3A)
    %eq3A = arith.constant 0 : i32
    %eq3A_14 = arith.cmpi eq, %arg0, %eq3A : i32
    %jit3A = arith.constant 1 : i32
    %jit3A_15 = arith.constant 3 : i32
    %select_n3A = arith.select %eq3A_14, %jit3A, %jit3A_15 : i32
    %eq3A_16 = arith.constant 0 : i32
    %eq3A_17 = arith.cmpi eq, %arg0, %eq3A_16 : i32
    %mul3A_18 = arith.constant 40 : i32
    %mul3A_19 = arith.muli %arg1, %mul3A_18 : i32
    %mul3A_20 = arith.constant 120 : i32
    %mul3A_21 = arith.muli %arg1, %mul3A_20 : i32
    %add3A_22 = arith.constant 640 : i32
    %add3A_23 = arith.addi %add3A_22, %mul3A_21 : i32
    %select_n3A_24 = arith.select %eq3A_17, %mul3A_19, %add3A_23 : i32
    %while3A = arith.constant 0 : i32
    %while3A_25 = arith.constant 0 : i32
    %while3A_26 = arith.subi %select_n3A, %while3A : i32
    %while3A_27 = arith.addi %while3A, %while3A_26 : i32
    %while3A_28 = arith.constant 1 : i32
    %while3A_29 = arith.divsi %while3A_26, %while3A_28 : i32
    %while3A_30 = arith.muli %while3A_29, %while3A_28 : i32
    %while3A_31 = arith.addi %while3A, %while3A_30 : i32
    %while3A_32 = arith.constant 1 : i32
    %while3A_33 = scf.for %while3A_41 = %while3A to %while3A_31 step %while3A_32 iter_args(%while3A_42 = %while3A_25) -> (i32)  : i32 {
      %mul3A_43 = arith.constant 40 : i32
      %mul3A_44 = arith.muli %while3A_41, %mul3A_43 : i32
      %add3A_45 = arith.addi %select_n3A_24, %mul3A_44 : i32
      "tpu.region"() ({
        %run_scoped3A = tpu.sem_alloc : memref<!tpu.dma_semaphore, #tpu.memory_space<semaphore_mem>>
        %dma_start3A_73 = arith.constant 0 : i32
        %dma_start3A_74 = tpu.memref_slice %arg3[%add3A_45, %dma_start3A_73] : memref<2560x128xi32, #tpu.memory_space<hbm>> -> memref<40x128xi32, #tpu.memory_space<hbm>>
        %dma_start3A_75 = arith.constant 0 : i32
        %dma_start3A_76 = tpu.memref_slice %arg3[%add3A_45, %dma_start3A_75] : memref<2560x128xi32, #tpu.memory_space<hbm>> -> memref<40x128xi32, #tpu.memory_space<hbm>>
        tpu.enqueue_dma source(%dma_start3A_76 : memref<40x128xi32, #tpu.memory_space<hbm>>) target(%arg6 : memref<40x128xi32, #tpu.memory_space<vmem>>) target_semaphore(%run_scoped3A : memref<!tpu.dma_semaphore, #tpu.memory_space<semaphore_mem>>)
        %dma_wait3A_77 = arith.constant 0 : i32
        %dma_wait3A_78 = tpu.memref_slice %arg3[%add3A_45, %dma_wait3A_77] : memref<2560x128xi32, #tpu.memory_space<hbm>> -> memref<40x128xi32, #tpu.memory_space<hbm>>
        %dma_wait3A_79 = arith.constant 0 : i32
        %dma_wait3A_80 = tpu.memref_slice %arg3[%add3A_45, %dma_wait3A_79] : memref<2560x128xi32, #tpu.memory_space<hbm>> -> memref<40x128xi32, #tpu.memory_space<hbm>>
        tpu.wait_dma2 semaphore(%run_scoped3A : memref<!tpu.dma_semaphore, #tpu.memory_space<semaphore_mem>>) src(%dma_wait3A_80 : memref<40x128xi32, #tpu.memory_space<hbm>>) dst(%arg6 : memref<40x128xi32, #tpu.memory_space<vmem>>)
        tpu.yield
      }) : () -> ()
      "tpu.region"() ({
        %run_scoped3A = tpu.sem_alloc : memref<!tpu.dma_semaphore, #tpu.memory_space<semaphore_mem>>
        %dma_start3A_73 = arith.constant 0 : i32
        %dma_start3A_74 = tpu.memref_slice %arg4[%add3A_45, %dma_start3A_73] : memref<2560x128xi32, #tpu.memory_space<hbm>> -> memref<40x128xi32, #tpu.memory_space<hbm>>
        %dma_start3A_75 = arith.constant 0 : i32
        %dma_start3A_76 = tpu.memref_slice %arg4[%add3A_45, %dma_start3A_75] : memref<2560x128xi32, #tpu.memory_space<hbm>> -> memref<40x128xi32, #tpu.memory_space<hbm>>
        tpu.enqueue_dma source(%dma_start3A_76 : memref<40x128xi32, #tpu.memory_space<hbm>>) target(%arg7 : memref<40x128xi32, #tpu.memory_space<vmem>>) target_semaphore(%run_scoped3A : memref<!tpu.dma_semaphore, #tpu.memory_space<semaphore_mem>>)
        %dma_wait3A_77 = arith.constant 0 : i32
        %dma_wait3A_78 = tpu.memref_slice %arg4[%add3A_45, %dma_wait3A_77] : memref<2560x128xi32, #tpu.memory_space<hbm>> -> memref<40x128xi32, #tpu.memory_space<hbm>>
        %dma_wait3A_79 = arith.constant 0 : i32
        %dma_wait3A_80 = tpu.memref_slice %arg4[%add3A_45, %dma_wait3A_79] : memref<2560x128xi32, #tpu.memory_space<hbm>> -> memref<40x128xi32, #tpu.memory_space<hbm>>
        tpu.wait_dma2 semaphore(%run_scoped3A : memref<!tpu.dma_semaphore, #tpu.memory_space<semaphore_mem>>) src(%dma_wait3A_80 : memref<40x128xi32, #tpu.memory_space<hbm>>) dst(%arg7 : memref<40x128xi32, #tpu.memory_space<vmem>>)
        tpu.yield
      }) : () -> ()
      %dma_start3A = arith.constant 0 : i32
      %dma_start3A_46 = arith.constant 0 : i32
      %dma_start3A_47 = tpu.memref_slice %arg6[%dma_start3A, %dma_start3A_46] : memref<40x128xi32, #tpu.memory_space<vmem>> -> memref<1x128xi32, #tpu.memory_space<vmem>>
      %dma_start3A_48 = tpu.memref_squeeze %dma_start3A_47 : memref<1x128xi32, #tpu.memory_space<vmem>> -> memref<128xi32, #tpu.memory_space<vmem>>
      %dma_start3A_49 = arith.constant 0 : i32
      %dma_start3A_50 = arith.constant 0 : i32
      %dma_start3A_51 = tpu.memref_slice %arg2[%dma_start3A_49, %dma_start3A_50] : memref<10240x128xf32, #tpu.memory_space<hbm>> -> memref<10240x128xf32, #tpu.memory_space<hbm>>
      tpu.enqueue_indirect_dma source(%dma_start3A_51 : memref<10240x128xf32, #tpu.memory_space<hbm>>) target(%arg8 : memref<128x128xf32, #tpu.memory_space<vmem>>) offsets(%dma_start3A_48 : memref<128xi32, #tpu.memory_space<vmem>>) semaphore(%arg11 : memref<!tpu.dma_semaphore, #tpu.memory_space<semaphore_mem>>)
      %scan3A_52 = arith.constant 0 : i32
      %scan3A_53 = arith.constant 0 : i32
      %scan3A_54 = arith.constant 20 : i32
      %scan3A_55 = arith.addi %scan3A_53, %scan3A_54 : i32
      %scan3A_56 = arith.constant 1 : i32
      %scan3A_57 = scf.for %scan3A_73 = %scan3A_53 to %scan3A_55 step %scan3A_56 iter_args(%scan3A_74 = %scan3A_52) -> (i32)  : i32 {
        %mul3A_75 = arith.constant 2 : i32
        %mul3A_76 = arith.muli %mul3A_75, %scan3A_73 : i32
        %mul3A_77 = arith.constant 2 : i32
        %mul3A_78 = arith.muli %mul3A_77, %scan3A_73 : i32
        %add3A_79 = arith.constant 1 : i32
        %add3A_80 = arith.addi %mul3A_78, %add3A_79 : i32
        %dma_wait3A_81 = arith.constant 0 : i32
        %dma_wait3A_82 = tpu.memref_slice %arg6[%mul3A_76, %dma_wait3A_81] : memref<40x128xi32, #tpu.memory_space<vmem>> -> memref<1x128xi32, #tpu.memory_space<vmem>>
        %dma_wait3A_83 = tpu.memref_squeeze %dma_wait3A_82 : memref<1x128xi32, #tpu.memory_space<vmem>> -> memref<128xi32, #tpu.memory_space<vmem>>
        %dma_wait3A_84 = arith.constant 0 : i32
        %dma_wait3A_85 = arith.constant 0 : i32
        %dma_wait3A_86 = tpu.memref_slice %arg2[%dma_wait3A_84, %dma_wait3A_85] : memref<10240x128xf32, #tpu.memory_space<hbm>> -> memref<10240x128xf32, #tpu.memory_space<hbm>>
        tpu.wait_indirect_dma semaphore(%arg11 : memref<!tpu.dma_semaphore, #tpu.memory_space<semaphore_mem>>) src(%dma_wait3A_86 : memref<10240x128xf32, #tpu.memory_space<hbm>>) dst(%arg8 : memref<128x128xf32, #tpu.memory_space<vmem>>)
        %ge3A = arith.constant 1 : i32
        %ge3A_87 = arith.cmpi sge, %scan3A_73, %ge3A : i32
        %convert_element_type3A = arith.extui %ge3A_87 : i1 to i32
        %cond3A = arith.constant 0 : i32
        %cond3A_88 = arith.cmpi ne, %convert_element_type3A, %cond3A : i32
        scf.if %cond3A_88 {
          %sub3A = arith.constant 1 : i32
          %sub3A_118 = arith.subi %mul3A_76, %sub3A : i32
          %dma_wait3A_119 = arith.constant 0 : i32
          %dma_wait3A_120 = tpu.memref_slice %arg7[%sub3A_118, %dma_wait3A_119] : memref<40x128xi32, #tpu.memory_space<vmem>> -> memref<1x128xi32, #tpu.memory_space<vmem>>
          %dma_wait3A_121 = tpu.memref_squeeze %dma_wait3A_120 : memref<1x128xi32, #tpu.memory_space<vmem>> -> memref<128xi32, #tpu.memory_space<vmem>>
          %dma_wait3A_122 = arith.constant 0 : i32
          %dma_wait3A_123 = arith.constant 0 : i32
          %dma_wait3A_124 = tpu.memref_slice %arg10[%dma_wait3A_122, %dma_wait3A_123] : memref<10240x128xf32, #tpu.memory_space<vmem_shared>> -> memref<10240x128xf32, #tpu.memory_space<vmem_shared>>
          tpu.wait_indirect_dma semaphore(%arg14 : memref<!tpu.dma_semaphore, #tpu.memory_space<semaphore_mem>>) src(%arg9 : memref<128x128xf32, #tpu.memory_space<vmem>>) dst(%dma_wait3A_124 : memref<10240x128xf32, #tpu.memory_space<vmem_shared>>)
        } else {
        }
        %dma_start3A_89 = arith.constant 0 : i32
        %dma_start3A_90 = tpu.memref_slice %arg6[%add3A_80, %dma_start3A_89] : memref<40x128xi32, #tpu.memory_space<vmem>> -> memref<1x128xi32, #tpu.memory_space<vmem>>
        %dma_start3A_91 = tpu.memref_squeeze %dma_start3A_90 : memref<1x128xi32, #tpu.memory_space<vmem>> -> memref<128xi32, #tpu.memory_space<vmem>>
        %dma_start3A_92 = arith.constant 0 : i32
        %dma_start3A_93 = arith.constant 0 : i32
        %dma_start3A_94 = tpu.memref_slice %arg2[%dma_start3A_92, %dma_start3A_93] : memref<10240x128xf32, #tpu.memory_space<hbm>> -> memref<10240x128xf32, #tpu.memory_space<hbm>>
        tpu.enqueue_indirect_dma source(%dma_start3A_94 : memref<10240x128xf32, #tpu.memory_space<hbm>>) target(%arg9 : memref<128x128xf32, #tpu.memory_space<vmem>>) offsets(%dma_start3A_91 : memref<128xi32, #tpu.memory_space<vmem>>) semaphore(%arg12 : memref<!tpu.dma_semaphore, #tpu.memory_space<semaphore_mem>>)
        %dma_start3A_95 = arith.constant 0 : i32
        %dma_start3A_96 = tpu.memref_slice %arg7[%mul3A_76, %dma_start3A_95] : memref<40x128xi32, #tpu.memory_space<vmem>> -> memref<1x128xi32, #tpu.memory_space<vmem>>
        %dma_start3A_97 = tpu.memref_squeeze %dma_start3A_96 : memref<1x128xi32, #tpu.memory_space<vmem>> -> memref<128xi32, #tpu.memory_space<vmem>>
        %dma_start3A_98 = arith.constant 0 : i32
        %dma_start3A_99 = arith.constant 0 : i32
        %dma_start3A_100 = tpu.memref_slice %arg10[%dma_start3A_98, %dma_start3A_99] : memref<10240x128xf32, #tpu.memory_space<vmem_shared>> -> memref<10240x128xf32, #tpu.memory_space<vmem_shared>>
        tpu.enqueue_indirect_dma source(%arg8 : memref<128x128xf32, #tpu.memory_space<vmem>>) target(%dma_start3A_100 : memref<10240x128xf32, #tpu.memory_space<vmem_shared>>) offsets(%dma_start3A_97 : memref<128xi32, #tpu.memory_space<vmem>>) semaphore(%arg13 : memref<!tpu.dma_semaphore, #tpu.memory_space<semaphore_mem>>) {add = true}
        %dma_wait3A_101 = arith.constant 0 : i32
        %dma_wait3A_102 = tpu.memref_slice %arg6[%add3A_80, %dma_wait3A_101] : memref<40x128xi32, #tpu.memory_space<vmem>> -> memref<1x128xi32, #tpu.memory_space<vmem>>
        %dma_wait3A_103 = tpu.memref_squeeze %dma_wait3A_102 : memref<1x128xi32, #tpu.memory_space<vmem>> -> memref<128xi32, #tpu.memory_space<vmem>>
        %dma_wait3A_104 = arith.constant 0 : i32
        %dma_wait3A_105 = arith.constant 0 : i32
        %dma_wait3A_106 = tpu.memref_slice %arg2[%dma_wait3A_104, %dma_wait3A_105] : memref<10240x128xf32, #tpu.memory_space<hbm>> -> memref<10240x128xf32, #tpu.memory_space<hbm>>
        tpu.wait_indirect_dma semaphore(%arg12 : memref<!tpu.dma_semaphore, #tpu.memory_space<semaphore_mem>>) src(%dma_wait3A_106 : memref<10240x128xf32, #tpu.memory_space<hbm>>) dst(%arg9 : memref<128x128xf32, #tpu.memory_space<vmem>>)
        %lt3A = arith.constant 19 : i32
        %lt3A_107 = arith.cmpi slt, %scan3A_73, %lt3A : i32
        %convert_element_type3A_108 = arith.extui %lt3A_107 : i1 to i32
        %cond3A_109 = arith.constant 0 : i32
        %cond3A_110 = arith.cmpi ne, %convert_element_type3A_108, %cond3A_109 : i32
        scf.if %cond3A_110 {
          %dma_wait3A_118 = arith.constant 0 : i32
          %dma_wait3A_119 = tpu.memref_slice %arg7[%mul3A_76, %dma_wait3A_118] : memref<40x128xi32, #tpu.memory_space<vmem>> -> memref<1x128xi32, #tpu.memory_space<vmem>>
          %dma_wait3A_120 = tpu.memref_squeeze %dma_wait3A_119 : memref<1x128xi32, #tpu.memory_space<vmem>> -> memref<128xi32, #tpu.memory_space<vmem>>
          %dma_wait3A_121 = arith.constant 0 : i32
          %dma_wait3A_122 = arith.constant 0 : i32
          %dma_wait3A_123 = tpu.memref_slice %arg10[%dma_wait3A_121, %dma_wait3A_122] : memref<10240x128xf32, #tpu.memory_space<vmem_shared>> -> memref<10240x128xf32, #tpu.memory_space<vmem_shared>>
          tpu.wait_indirect_dma semaphore(%arg13 : memref<!tpu.dma_semaphore, #tpu.memory_space<semaphore_mem>>) src(%arg8 : memref<128x128xf32, #tpu.memory_space<vmem>>) dst(%dma_wait3A_123 : memref<10240x128xf32, #tpu.memory_space<vmem_shared>>)
          %add3A_124 = arith.constant 1 : i32
          %add3A_125 = arith.addi %add3A_80, %add3A_124 : i32
          %dma_start3A_126 = arith.constant 0 : i32
          %dma_start3A_127 = tpu.memref_slice %arg6[%add3A_125, %dma_start3A_126] : memref<40x128xi32, #tpu.memory_space<vmem>> -> memref<1x128xi32, #tpu.memory_space<vmem>>
          %dma_start3A_128 = tpu.memref_squeeze %dma_start3A_127 : memref<1x128xi32, #tpu.memory_space<vmem>> -> memref<128xi32, #tpu.memory_space<vmem>>
          %dma_start3A_129 = arith.constant 0 : i32
          %dma_start3A_130 = arith.constant 0 : i32
          %dma_start3A_131 = tpu.memref_slice %arg2[%dma_start3A_129, %dma_start3A_130] : memref<10240x128xf32, #tpu.memory_space<hbm>> -> memref<10240x128xf32, #tpu.memory_space<hbm>>
          tpu.enqueue_indirect_dma source(%dma_start3A_131 : memref<10240x128xf32, #tpu.memory_space<hbm>>) target(%arg8 : memref<128x128xf32, #tpu.memory_space<vmem>>) offsets(%dma_start3A_128 : memref<128xi32, #tpu.memory_space<vmem>>) semaphore(%arg11 : memref<!tpu.dma_semaphore, #tpu.memory_space<semaphore_mem>>)
        } else {
        }
        %dma_start3A_111 = arith.constant 0 : i32
        %dma_start3A_112 = tpu.memref_slice %arg7[%add3A_80, %dma_start3A_111] : memref<40x128xi32, #tpu.memory_space<vmem>> -> memref<1x128xi32, #tpu.memory_space<vmem>>
        %dma_start3A_113 = tpu.memref_squeeze %dma_start3A_112 : memref<1x128xi32, #tpu.memory_space<vmem>> -> memref<128xi32, #tpu.memory_space<vmem>>
        %dma_start3A_114 = arith.constant 0 : i32
        %dma_start3A_115 = arith.constant 0 : i32
        %dma_start3A_116 = tpu.memref_slice %arg10[%dma_start3A_114, %dma_start3A_115] : memref<10240x128xf32, #tpu.memory_space<vmem_shared>> -> memref<10240x128xf32, #tpu.memory_space<vmem_shared>>
        tpu.enqueue_indirect_dma source(%arg9 : memref<128x128xf32, #tpu.memory_space<vmem>>) target(%dma_start3A_116 : memref<10240x128xf32, #tpu.memory_space<vmem_shared>>) offsets(%dma_start3A_113 : memref<128xi32, #tpu.memory_space<vmem>>) semaphore(%arg14 : memref<!tpu.dma_semaphore, #tpu.memory_space<semaphore_mem>>) {add = true}
        %scan3A_117 = arith.constant 0 : i32
        scf.yield %scan3A_117 : i32
      }
      %scan3A_58 = arith.constant 20 : i32
      %dma_wait3A = arith.constant 38 : i32
      %dma_wait3A_59 = arith.constant 0 : i32
      %dma_wait3A_60 = tpu.memref_slice %arg7[%dma_wait3A, %dma_wait3A_59] : memref<40x128xi32, #tpu.memory_space<vmem>> -> memref<1x128xi32, #tpu.memory_space<vmem>>
      %dma_wait3A_61 = tpu.memref_squeeze %dma_wait3A_60 : memref<1x128xi32, #tpu.memory_space<vmem>> -> memref<128xi32, #tpu.memory_space<vmem>>
      %dma_wait3A_62 = arith.constant 0 : i32
      %dma_wait3A_63 = arith.constant 0 : i32
      %dma_wait3A_64 = tpu.memref_slice %arg10[%dma_wait3A_62, %dma_wait3A_63] : memref<10240x128xf32, #tpu.memory_space<vmem_shared>> -> memref<10240x128xf32, #tpu.memory_space<vmem_shared>>
      tpu.wait_indirect_dma semaphore(%arg13 : memref<!tpu.dma_semaphore, #tpu.memory_space<semaphore_mem>>) src(%arg8 : memref<128x128xf32, #tpu.memory_space<vmem>>) dst(%dma_wait3A_64 : memref<10240x128xf32, #tpu.memory_space<vmem_shared>>)
      %dma_wait3A_65 = arith.constant 39 : i32
      %dma_wait3A_66 = arith.constant 0 : i32
      %dma_wait3A_67 = tpu.memref_slice %arg7[%dma_wait3A_65, %dma_wait3A_66] : memref<40x128xi32, #tpu.memory_space<vmem>> -> memref<1x128xi32, #tpu.memory_space<vmem>>
      %dma_wait3A_68 = tpu.memref_squeeze %dma_wait3A_67 : memref<1x128xi32, #tpu.memory_space<vmem>> -> memref<128xi32, #tpu.memory_space<vmem>>
      %dma_wait3A_69 = arith.constant 0 : i32
      %dma_wait3A_70 = arith.constant 0 : i32
      %dma_wait3A_71 = tpu.memref_slice %arg10[%dma_wait3A_69, %dma_wait3A_70] : memref<10240x128xf32, #tpu.memory_space<vmem_shared>> -> memref<10240x128xf32, #tpu.memory_space<vmem_shared>>
      tpu.wait_indirect_dma semaphore(%arg14 : memref<!tpu.dma_semaphore, #tpu.memory_space<semaphore_mem>>) src(%arg9 : memref<128x128xf32, #tpu.memory_space<vmem>>) dst(%dma_wait3A_71 : memref<10240x128xf32, #tpu.memory_space<vmem_shared>>)
      %while3A_72 = arith.constant 0 : i32
      scf.yield %while3A_72 : i32
    }
    %while3A_34 = arith.constant 1 : i32
    %while3A_35 = scf.for %while3A_41 = %while3A_31 to %while3A_27 step %while3A_34 iter_args(%while3A_42 = %while3A_33) -> (i32)  : i32 {
      %mul3A_43 = arith.constant 40 : i32
      %mul3A_44 = arith.muli %while3A_41, %mul3A_43 : i32
      %add3A_45 = arith.addi %select_n3A_24, %mul3A_44 : i32
      "tpu.region"() ({
        %run_scoped3A = tpu.sem_alloc : memref<!tpu.dma_semaphore, #tpu.memory_space<semaphore_mem>>
        %dma_start3A_73 = arith.constant 0 : i32
        %dma_start3A_74 = tpu.memref_slice %arg3[%add3A_45, %dma_start3A_73] : memref<2560x128xi32, #tpu.memory_space<hbm>> -> memref<40x128xi32, #tpu.memory_space<hbm>>
        %dma_start3A_75 = arith.constant 0 : i32
        %dma_start3A_76 = tpu.memref_slice %arg3[%add3A_45, %dma_start3A_75] : memref<2560x128xi32, #tpu.memory_space<hbm>> -> memref<40x128xi32, #tpu.memory_space<hbm>>
        tpu.enqueue_dma source(%dma_start3A_76 : memref<40x128xi32, #tpu.memory_space<hbm>>) target(%arg6 : memref<40x128xi32, #tpu.memory_space<vmem>>) target_semaphore(%run_scoped3A : memref<!tpu.dma_semaphore, #tpu.memory_space<semaphore_mem>>)
        %dma_wait3A_77 = arith.constant 0 : i32
        %dma_wait3A_78 = tpu.memref_slice %arg3[%add3A_45, %dma_wait3A_77] : memref<2560x128xi32, #tpu.memory_space<hbm>> -> memref<40x128xi32, #tpu.memory_space<hbm>>
        %dma_wait3A_79 = arith.constant 0 : i32
        %dma_wait3A_80 = tpu.memref_slice %arg3[%add3A_45, %dma_wait3A_79] : memref<2560x128xi32, #tpu.memory_space<hbm>> -> memref<40x128xi32, #tpu.memory_space<hbm>>
        tpu.wait_dma2 semaphore(%run_scoped3A : memref<!tpu.dma_semaphore, #tpu.memory_space<semaphore_mem>>) src(%dma_wait3A_80 : memref<40x128xi32, #tpu.memory_space<hbm>>) dst(%arg6 : memref<40x128xi32, #tpu.memory_space<vmem>>)
        tpu.yield
      }) : () -> ()
      "tpu.region"() ({
        %run_scoped3A = tpu.sem_alloc : memref<!tpu.dma_semaphore, #tpu.memory_space<semaphore_mem>>
        %dma_start3A_73 = arith.constant 0 : i32
        %dma_start3A_74 = tpu.memref_slice %arg4[%add3A_45, %dma_start3A_73] : memref<2560x128xi32, #tpu.memory_space<hbm>> -> memref<40x128xi32, #tpu.memory_space<hbm>>
        %dma_start3A_75 = arith.constant 0 : i32
        %dma_start3A_76 = tpu.memref_slice %arg4[%add3A_45, %dma_start3A_75] : memref<2560x128xi32, #tpu.memory_space<hbm>> -> memref<40x128xi32, #tpu.memory_space<hbm>>
        tpu.enqueue_dma source(%dma_start3A_76 : memref<40x128xi32, #tpu.memory_space<hbm>>) target(%arg7 : memref<40x128xi32, #tpu.memory_space<vmem>>) target_semaphore(%run_scoped3A : memref<!tpu.dma_semaphore, #tpu.memory_space<semaphore_mem>>)
        %dma_wait3A_77 = arith.constant 0 : i32
        %dma_wait3A_78 = tpu.memref_slice %arg4[%add3A_45, %dma_wait3A_77] : memref<2560x128xi32, #tpu.memory_space<hbm>> -> memref<40x128xi32, #tpu.memory_space<hbm>>
        %dma_wait3A_79 = arith.constant 0 : i32
        %dma_wait3A_80 = tpu.memref_slice %arg4[%add3A_45, %dma_wait3A_79] : memref<2560x128xi32, #tpu.memory_space<hbm>> -> memref<40x128xi32, #tpu.memory_space<hbm>>
        tpu.wait_dma2 semaphore(%run_scoped3A : memref<!tpu.dma_semaphore, #tpu.memory_space<semaphore_mem>>) src(%dma_wait3A_80 : memref<40x128xi32, #tpu.memory_space<hbm>>) dst(%arg7 : memref<40x128xi32, #tpu.memory_space<vmem>>)
        tpu.yield
      }) : () -> ()
      %dma_start3A = arith.constant 0 : i32
      %dma_start3A_46 = arith.constant 0 : i32
      %dma_start3A_47 = tpu.memref_slice %arg6[%dma_start3A, %dma_start3A_46] : memref<40x128xi32, #tpu.memory_space<vmem>> -> memref<1x128xi32, #tpu.memory_space<vmem>>
      %dma_start3A_48 = tpu.memref_squeeze %dma_start3A_47 : memref<1x128xi32, #tpu.memory_space<vmem>> -> memref<128xi32, #tpu.memory_space<vmem>>
      %dma_start3A_49 = arith.constant 0 : i32
      %dma_start3A_50 = arith.constant 0 : i32
      %dma_start3A_51 = tpu.memref_slice %arg2[%dma_start3A_49, %dma_start3A_50] : memref<10240x128xf32, #tpu.memory_space<hbm>> -> memref<10240x128xf32, #tpu.memory_space<hbm>>
      tpu.enqueue_indirect_dma source(%dma_start3A_51 : memref<10240x128xf32, #tpu.memory_space<hbm>>) target(%arg8 : memref<128x128xf32, #tpu.memory_space<vmem>>) offsets(%dma_start3A_48 : memref<128xi32, #tpu.memory_space<vmem>>) semaphore(%arg11 : memref<!tpu.dma_semaphore, #tpu.memory_space<semaphore_mem>>)
      %scan3A_52 = arith.constant 0 : i32
      %scan3A_53 = arith.constant 0 : i32
      %scan3A_54 = arith.constant 20 : i32
      %scan3A_55 = arith.addi %scan3A_53, %scan3A_54 : i32
      %scan3A_56 = arith.constant 1 : i32
      %scan3A_57 = scf.for %scan3A_73 = %scan3A_53 to %scan3A_55 step %scan3A_56 iter_args(%scan3A_74 = %scan3A_52) -> (i32)  : i32 {
        %mul3A_75 = arith.constant 2 : i32
        %mul3A_76 = arith.muli %mul3A_75, %scan3A_73 : i32
        %mul3A_77 = arith.constant 2 : i32
        %mul3A_78 = arith.muli %mul3A_77, %scan3A_73 : i32
        %add3A_79 = arith.constant 1 : i32
        %add3A_80 = arith.addi %mul3A_78, %add3A_79 : i32
        %dma_wait3A_81 = arith.constant 0 : i32
        %dma_wait3A_82 = tpu.memref_slice %arg6[%mul3A_76, %dma_wait3A_81] : memref<40x128xi32, #tpu.memory_space<vmem>> -> memref<1x128xi32, #tpu.memory_space<vmem>>
        %dma_wait3A_83 = tpu.memref_squeeze %dma_wait3A_82 : memref<1x128xi32, #tpu.memory_space<vmem>> -> memref<128xi32, #tpu.memory_space<vmem>>
        %dma_wait3A_84 = arith.constant 0 : i32
        %dma_wait3A_85 = arith.constant 0 : i32
        %dma_wait3A_86 = tpu.memref_slice %arg2[%dma_wait3A_84, %dma_wait3A_85] : memref<10240x128xf32, #tpu.memory_space<hbm>> -> memref<10240x128xf32, #tpu.memory_space<hbm>>
        tpu.wait_indirect_dma semaphore(%arg11 : memref<!tpu.dma_semaphore, #tpu.memory_space<semaphore_mem>>) src(%dma_wait3A_86 : memref<10240x128xf32, #tpu.memory_space<hbm>>) dst(%arg8 : memref<128x128xf32, #tpu.memory_space<vmem>>)
        %ge3A = arith.constant 1 : i32
        %ge3A_87 = arith.cmpi sge, %scan3A_73, %ge3A : i32
        %convert_element_type3A = arith.extui %ge3A_87 : i1 to i32
        %cond3A = arith.constant 0 : i32
        %cond3A_88 = arith.cmpi ne, %convert_element_type3A, %cond3A : i32
        scf.if %cond3A_88 {
          %sub3A = arith.constant 1 : i32
          %sub3A_118 = arith.subi %mul3A_76, %sub3A : i32
          %dma_wait3A_119 = arith.constant 0 : i32
          %dma_wait3A_120 = tpu.memref_slice %arg7[%sub3A_118, %dma_wait3A_119] : memref<40x128xi32, #tpu.memory_space<vmem>> -> memref<1x128xi32, #tpu.memory_space<vmem>>
          %dma_wait3A_121 = tpu.memref_squeeze %dma_wait3A_120 : memref<1x128xi32, #tpu.memory_space<vmem>> -> memref<128xi32, #tpu.memory_space<vmem>>
          %dma_wait3A_122 = arith.constant 0 : i32
          %dma_wait3A_123 = arith.constant 0 : i32
          %dma_wait3A_124 = tpu.memref_slice %arg10[%dma_wait3A_122, %dma_wait3A_123] : memref<10240x128xf32, #tpu.memory_space<vmem_shared>> -> memref<10240x128xf32, #tpu.memory_space<vmem_shared>>
          tpu.wait_indirect_dma semaphore(%arg14 : memref<!tpu.dma_semaphore, #tpu.memory_space<semaphore_mem>>) src(%arg9 : memref<128x128xf32, #tpu.memory_space<vmem>>) dst(%dma_wait3A_124 : memref<10240x128xf32, #tpu.memory_space<vmem_shared>>)
        } else {
        }
        %dma_start3A_89 = arith.constant 0 : i32
        %dma_start3A_90 = tpu.memref_slice %arg6[%add3A_80, %dma_start3A_89] : memref<40x128xi32, #tpu.memory_space<vmem>> -> memref<1x128xi32, #tpu.memory_space<vmem>>
        %dma_start3A_91 = tpu.memref_squeeze %dma_start3A_90 : memref<1x128xi32, #tpu.memory_space<vmem>> -> memref<128xi32, #tpu.memory_space<vmem>>
        %dma_start3A_92 = arith.constant 0 : i32
        %dma_start3A_93 = arith.constant 0 : i32
        %dma_start3A_94 = tpu.memref_slice %arg2[%dma_start3A_92, %dma_start3A_93] : memref<10240x128xf32, #tpu.memory_space<hbm>> -> memref<10240x128xf32, #tpu.memory_space<hbm>>
        tpu.enqueue_indirect_dma source(%dma_start3A_94 : memref<10240x128xf32, #tpu.memory_space<hbm>>) target(%arg9 : memref<128x128xf32, #tpu.memory_space<vmem>>) offsets(%dma_start3A_91 : memref<128xi32, #tpu.memory_space<vmem>>) semaphore(%arg12 : memref<!tpu.dma_semaphore, #tpu.memory_space<semaphore_mem>>)
        %dma_start3A_95 = arith.constant 0 : i32
        %dma_start3A_96 = tpu.memref_slice %arg7[%mul3A_76, %dma_start3A_95] : memref<40x128xi32, #tpu.memory_space<vmem>> -> memref<1x128xi32, #tpu.memory_space<vmem>>
        %dma_start3A_97 = tpu.memref_squeeze %dma_start3A_96 : memref<1x128xi32, #tpu.memory_space<vmem>> -> memref<128xi32, #tpu.memory_space<vmem>>
        %dma_start3A_98 = arith.constant 0 : i32
        %dma_start3A_99 = arith.constant 0 : i32
        %dma_start3A_100 = tpu.memref_slice %arg10[%dma_start3A_98, %dma_start3A_99] : memref<10240x128xf32, #tpu.memory_space<vmem_shared>> -> memref<10240x128xf32, #tpu.memory_space<vmem_shared>>
        tpu.enqueue_indirect_dma source(%arg8 : memref<128x128xf32, #tpu.memory_space<vmem>>) target(%dma_start3A_100 : memref<10240x128xf32, #tpu.memory_space<vmem_shared>>) offsets(%dma_start3A_97 : memref<128xi32, #tpu.memory_space<vmem>>) semaphore(%arg13 : memref<!tpu.dma_semaphore, #tpu.memory_space<semaphore_mem>>) {add = true}
        %dma_wait3A_101 = arith.constant 0 : i32
        %dma_wait3A_102 = tpu.memref_slice %arg6[%add3A_80, %dma_wait3A_101] : memref<40x128xi32, #tpu.memory_space<vmem>> -> memref<1x128xi32, #tpu.memory_space<vmem>>
        %dma_wait3A_103 = tpu.memref_squeeze %dma_wait3A_102 : memref<1x128xi32, #tpu.memory_space<vmem>> -> memref<128xi32, #tpu.memory_space<vmem>>
        %dma_wait3A_104 = arith.constant 0 : i32
        %dma_wait3A_105 = arith.constant 0 : i32
        %dma_wait3A_106 = tpu.memref_slice %arg2[%dma_wait3A_104, %dma_wait3A_105] : memref<10240x128xf32, #tpu.memory_space<hbm>> -> memref<10240x128xf32, #tpu.memory_space<hbm>>
        tpu.wait_indirect_dma semaphore(%arg12 : memref<!tpu.dma_semaphore, #tpu.memory_space<semaphore_mem>>) src(%dma_wait3A_106 : memref<10240x128xf32, #tpu.memory_space<hbm>>) dst(%arg9 : memref<128x128xf32, #tpu.memory_space<vmem>>)
        %lt3A = arith.constant 19 : i32
        %lt3A_107 = arith.cmpi slt, %scan3A_73, %lt3A : i32
        %convert_element_type3A_108 = arith.extui %lt3A_107 : i1 to i32
        %cond3A_109 = arith.constant 0 : i32
        %cond3A_110 = arith.cmpi ne, %convert_element_type3A_108, %cond3A_109 : i32
        scf.if %cond3A_110 {
          %dma_wait3A_118 = arith.constant 0 : i32
          %dma_wait3A_119 = tpu.memref_slice %arg7[%mul3A_76, %dma_wait3A_118] : memref<40x128xi32, #tpu.memory_space<vmem>> -> memref<1x128xi32, #tpu.memory_space<vmem>>
          %dma_wait3A_120 = tpu.memref_squeeze %dma_wait3A_119 : memref<1x128xi32, #tpu.memory_space<vmem>> -> memref<128xi32, #tpu.memory_space<vmem>>
          %dma_wait3A_121 = arith.constant 0 : i32
          %dma_wait3A_122 = arith.constant 0 : i32
          %dma_wait3A_123 = tpu.memref_slice %arg10[%dma_wait3A_121, %dma_wait3A_122] : memref<10240x128xf32, #tpu.memory_space<vmem_shared>> -> memref<10240x128xf32, #tpu.memory_space<vmem_shared>>
          tpu.wait_indirect_dma semaphore(%arg13 : memref<!tpu.dma_semaphore, #tpu.memory_space<semaphore_mem>>) src(%arg8 : memref<128x128xf32, #tpu.memory_space<vmem>>) dst(%dma_wait3A_123 : memref<10240x128xf32, #tpu.memory_space<vmem_shared>>)
          %add3A_124 = arith.constant 1 : i32
          %add3A_125 = arith.addi %add3A_80, %add3A_124 : i32
          %dma_start3A_126 = arith.constant 0 : i32
          %dma_start3A_127 = tpu.memref_slice %arg6[%add3A_125, %dma_start3A_126] : memref<40x128xi32, #tpu.memory_space<vmem>> -> memref<1x128xi32, #tpu.memory_space<vmem>>
          %dma_start3A_128 = tpu.memref_squeeze %dma_start3A_127 : memref<1x128xi32, #tpu.memory_space<vmem>> -> memref<128xi32, #tpu.memory_space<vmem>>
          %dma_start3A_129 = arith.constant 0 : i32
          %dma_start3A_130 = arith.constant 0 : i32
          %dma_start3A_131 = tpu.memref_slice %arg2[%dma_start3A_129, %dma_start3A_130] : memref<10240x128xf32, #tpu.memory_space<hbm>> -> memref<10240x128xf32, #tpu.memory_space<hbm>>
          tpu.enqueue_indirect_dma source(%dma_start3A_131 : memref<10240x128xf32, #tpu.memory_space<hbm>>) target(%arg8 : memref<128x128xf32, #tpu.memory_space<vmem>>) offsets(%dma_start3A_128 : memref<128xi32, #tpu.memory_space<vmem>>) semaphore(%arg11 : memref<!tpu.dma_semaphore, #tpu.memory_space<semaphore_mem>>)
        } else {
        }
        %dma_start3A_111 = arith.constant 0 : i32
        %dma_start3A_112 = tpu.memref_slice %arg7[%add3A_80, %dma_start3A_111] : memref<40x128xi32, #tpu.memory_space<vmem>> -> memref<1x128xi32, #tpu.memory_space<vmem>>
        %dma_start3A_113 = tpu.memref_squeeze %dma_start3A_112 : memref<1x128xi32, #tpu.memory_space<vmem>> -> memref<128xi32, #tpu.memory_space<vmem>>
        %dma_start3A_114 = arith.constant 0 : i32
        %dma_start3A_115 = arith.constant 0 : i32
        %dma_start3A_116 = tpu.memref_slice %arg10[%dma_start3A_114, %dma_start3A_115] : memref<10240x128xf32, #tpu.memory_space<vmem_shared>> -> memref<10240x128xf32, #tpu.memory_space<vmem_shared>>
        tpu.enqueue_indirect_dma source(%arg9 : memref<128x128xf32, #tpu.memory_space<vmem>>) target(%dma_start3A_116 : memref<10240x128xf32, #tpu.memory_space<vmem_shared>>) offsets(%dma_start3A_113 : memref<128xi32, #tpu.memory_space<vmem>>) semaphore(%arg14 : memref<!tpu.dma_semaphore, #tpu.memory_space<semaphore_mem>>) {add = true}
        %scan3A_117 = arith.constant 0 : i32
        scf.yield %scan3A_117 : i32
      }
      %scan3A_58 = arith.constant 20 : i32
      %dma_wait3A = arith.constant 38 : i32
      %dma_wait3A_59 = arith.constant 0 : i32
      %dma_wait3A_60 = tpu.memref_slice %arg7[%dma_wait3A, %dma_wait3A_59] : memref<40x128xi32, #tpu.memory_space<vmem>> -> memref<1x128xi32, #tpu.memory_space<vmem>>
      %dma_wait3A_61 = tpu.memref_squeeze %dma_wait3A_60 : memref<1x128xi32, #tpu.memory_space<vmem>> -> memref<128xi32, #tpu.memory_space<vmem>>
      %dma_wait3A_62 = arith.constant 0 : i32
      %dma_wait3A_63 = arith.constant 0 : i32
      %dma_wait3A_64 = tpu.memref_slice %arg10[%dma_wait3A_62, %dma_wait3A_63] : memref<10240x128xf32, #tpu.memory_space<vmem_shared>> -> memref<10240x128xf32, #tpu.memory_space<vmem_shared>>
      tpu.wait_indirect_dma semaphore(%arg13 : memref<!tpu.dma_semaphore, #tpu.memory_space<semaphore_mem>>) src(%arg8 : memref<128x128xf32, #tpu.memory_space<vmem>>) dst(%dma_wait3A_64 : memref<10240x128xf32, #tpu.memory_space<vmem_shared>>)
      %dma_wait3A_65 = arith.constant 39 : i32
      %dma_wait3A_66 = arith.constant 0 : i32
      %dma_wait3A_67 = tpu.memref_slice %arg7[%dma_wait3A_65, %dma_wait3A_66] : memref<40x128xi32, #tpu.memory_space<vmem>> -> memref<1x128xi32, #tpu.memory_space<vmem>>
      %dma_wait3A_68 = tpu.memref_squeeze %dma_wait3A_67 : memref<1x128xi32, #tpu.memory_space<vmem>> -> memref<128xi32, #tpu.memory_space<vmem>>
      %dma_wait3A_69 = arith.constant 0 : i32
      %dma_wait3A_70 = arith.constant 0 : i32
      %dma_wait3A_71 = tpu.memref_slice %arg10[%dma_wait3A_69, %dma_wait3A_70] : memref<10240x128xf32, #tpu.memory_space<vmem_shared>> -> memref<10240x128xf32, #tpu.memory_space<vmem_shared>>
      tpu.wait_indirect_dma semaphore(%arg14 : memref<!tpu.dma_semaphore, #tpu.memory_space<semaphore_mem>>) src(%arg9 : memref<128x128xf32, #tpu.memory_space<vmem>>) dst(%dma_wait3A_71 : memref<10240x128xf32, #tpu.memory_space<vmem_shared>>)
      %while3A_72 = arith.constant 0 : i32
      scf.yield %while3A_72 : i32
    }
    %barrier3A_36 = arith.constant 0 : index
    tpu.barrier barrier_id(%barrier3A_36)
    %mul3A_37 = arith.constant 640 : i32
    %mul3A_38 = arith.muli %arg1, %mul3A_37 : i32
    %mul3A_39 = arith.constant 640 : i32
    %mul3A_40 = arith.muli %arg1, %mul3A_39 : i32
    "tpu.region"() ({
      %run_scoped3A = tpu.sem_alloc : memref<!tpu.dma_semaphore, #tpu.memory_space<semaphore_mem>>
      %dma_start3A = arith.constant 0 : i32
      %dma_start3A_41 = tpu.memref_slice %arg5[%arg0, %mul3A_40, %dma_start3A] : memref<2x10240x128xf32, #tpu.memory_space<hbm>> -> memref<1x640x128xf32, #tpu.memory_space<hbm>>
      %dma_start3A_42 = tpu.memref_squeeze %dma_start3A_41 : memref<1x640x128xf32, #tpu.memory_space<hbm>> -> memref<640x128xf32, #tpu.memory_space<hbm>>
      %dma_start3A_43 = arith.constant 0 : i32
      %dma_start3A_44 = tpu.memref_slice %arg10[%mul3A_38, %dma_start3A_43] : memref<10240x128xf32, #tpu.memory_space<vmem_shared>> -> memref<640x128xf32, #tpu.memory_space<vmem_shared>>
      tpu.enqueue_dma source(%dma_start3A_44 : memref<640x128xf32, #tpu.memory_space<vmem_shared>>) target(%dma_start3A_42 : memref<640x128xf32, #tpu.memory_space<hbm>>) target_semaphore(%run_scoped3A : memref<!tpu.dma_semaphore, #tpu.memory_space<semaphore_mem>>)
      %dma_wait3A = arith.constant 0 : i32
      %dma_wait3A_45 = tpu.memref_slice %arg5[%arg0, %mul3A_40, %dma_wait3A] : memref<2x10240x128xf32, #tpu.memory_space<hbm>> -> memref<1x640x128xf32, #tpu.memory_space<hbm>>
      %dma_wait3A_46 = tpu.memref_squeeze %dma_wait3A_45 : memref<1x640x128xf32, #tpu.memory_space<hbm>> -> memref<640x128xf32, #tpu.memory_space<hbm>>
      %dma_wait3A_47 = arith.constant 0 : i32
      %dma_wait3A_48 = tpu.memref_slice %arg10[%mul3A_38, %dma_wait3A_47] : memref<10240x128xf32, #tpu.memory_space<vmem_shared>> -> memref<640x128xf32, #tpu.memory_space<vmem_shared>>
      tpu.wait_dma2 semaphore(%run_scoped3A : memref<!tpu.dma_semaphore, #tpu.memory_space<semaphore_mem>>) src(%dma_wait3A_48 : memref<640x128xf32, #tpu.memory_space<vmem_shared>>) dst(%dma_wait3A_46 : memref<640x128xf32, #tpu.memory_space<hbm>>)
      tpu.yield
    }) : () -> ()
    return
  }
}

#map = affine_map<(d0, d1) -> (0, 0)>
#map1 = affine_map<(d0, d1) -> (0, 0, 0)>
module attributes {stable_mosaic.version = 14 : i64} {
  func.func @_sc_rowsum_body(%arg0: i32, %arg1: i32, %arg2: memref<10240x128xf32, #tpu.memory_space<hbm>>, %arg3: memref<2560x128xi32, #tpu.memory_space<hbm>>, %arg4: memref<2560x128xi32, #tpu.memory_space<hbm>>, %arg5: memref<2x10240x128xf32, #tpu.memory_space<hbm>>, %arg6: memref<40x128xi32, #tpu.memory_space<vmem>>, %arg7: memref<40x128xi32, #tpu.memory_space<vmem>>, %arg8: memref<128x128xf32, #tpu.memory_space<vmem>>, %arg9: memref<128x128xf32, #tpu.memory_space<vmem>>, %arg10: memref<10240x128xf32, #tpu.memory_space<vmem_shared>>, %arg11: memref<!tpu.dma_semaphore, #tpu.memory_space<semaphore_mem>>, %arg12: memref<!tpu.dma_semaphore, #tpu.memory_space<semaphore_mem>>, %arg13: memref<!tpu.dma_semaphore, #tpu.memory_space<semaphore_mem>>, %arg14: memref<!tpu.dma_semaphore, #tpu.memory_space<semaphore_mem>>) attributes {dimension_semantics = [#tpu.dimension_semantics<core_parallel>, #tpu.dimension_semantics<subcore_parallel>], iteration_bounds = array<i64: 2, 16>, scalar_prefetch = 0 : i64, scratch_operands = 9 : i64, tpu.core_type = #tpu.core_type<sc_vector_subcore>, window_params = [{transform_indices = #map}, {transform_indices = #map}, {transform_indices = #map}, {transform_indices = #map1}]} {
    %mul3A = arith.constant 2 : i32
    %mul3A_0 = arith.muli %arg1, %mul3A : i32
    %add3A = arith.addi %mul3A_0, %arg0 : i32
    %scan3A = arith.constant 0 : i32
    %scan3A_1 = arith.constant 0 : i32
    %scan3A_2 = arith.constant 1024 : i32
    %scan3A_3 = arith.addi %scan3A_1, %scan3A_2 : i32
    %scan3A_4 = arith.constant 1 : i32
    %scan3A_5 = scf.for %scan3A_41 = %scan3A_1 to %scan3A_3 step %scan3A_4 iter_args(%scan3A_42 = %scan3A) -> (i32)  : i32 {
      %jit3A_43 = arith.constant 8 : i32
      %div3A = arith.divsi %scan3A_41, %jit3A_43 : i32
      %sign3A = arith.constant 0 : i32
      %sign3A_44 = arith.cmpi sgt, %scan3A_41, %sign3A : i32
      %sign3A_45 = arith.extui %sign3A_44 : i1 to i32
      %sign3A_46 = arith.constant 0 : i32
      %sign3A_47 = arith.cmpi slt, %scan3A_41, %sign3A_46 : i32
      %sign3A_48 = arith.extui %sign3A_47 : i1 to i32
      %sign3A_49 = arith.subi %sign3A_45, %sign3A_48 : i32
      %sign3A_50 = arith.constant 0 : i32
      %sign3A_51 = arith.cmpi sgt, %jit3A_43, %sign3A_50 : i32
      %sign3A_52 = arith.extui %sign3A_51 : i1 to i32
      %sign3A_53 = arith.constant 0 : i32
      %sign3A_54 = arith.cmpi slt, %jit3A_43, %sign3A_53 : i32
      %sign3A_55 = arith.extui %sign3A_54 : i1 to i32
      %sign3A_56 = arith.subi %sign3A_52, %sign3A_55 : i32
      %ne3A = arith.cmpi ne, %sign3A_49, %sign3A_56 : i32
      %rem3A = arith.remsi %scan3A_41, %jit3A_43 : i32
      %ne3A_57 = arith.constant 0 : i32
      %ne3A_58 = arith.cmpi ne, %rem3A, %ne3A_57 : i32
      %and3A = arith.andi %ne3A, %ne3A_58 : i1
      %sub3A = arith.constant 1 : i32
      %sub3A_59 = arith.subi %div3A, %sub3A : i32
      %select_n3A_60 = arith.select %and3A, %sub3A_59, %div3A : i32
      %jit3A_61 = arith.constant 8 : i32
      %eq3A_62 = arith.constant 0 : i32
      %eq3A_63 = arith.cmpi eq, %jit3A_61, %eq3A_62 : i32
      %jit3A_64 = arith.constant 1 : i32
      %select_n3A_65 = arith.select %eq3A_63, %jit3A_64, %jit3A_61 : i32
      %rem3A_66 = arith.remsi %scan3A_41, %select_n3A_65 : i32
      %ne3A_67 = arith.constant 0 : i32
      %ne3A_68 = arith.cmpi ne, %rem3A_66, %ne3A_67 : i32
      %lt3A = arith.constant 0 : i32
      %lt3A_69 = arith.cmpi slt, %rem3A_66, %lt3A : i32
      %lt3A_70 = arith.constant 0 : i32
      %lt3A_71 = arith.cmpi slt, %select_n3A_65, %lt3A_70 : i32
      %ne3A_72 = arith.xori %lt3A_69, %lt3A_71 : i1
      %and3A_73 = arith.andi %ne3A_72, %ne3A_68 : i1
      %add3A_74 = arith.addi %rem3A_66, %select_n3A_65 : i32
      %select_n3A_75 = arith.select %and3A_73, %add3A_74, %rem3A_66 : i32
      %mul3A_76 = arith.constant 16 : i32
      %mul3A_77 = arith.muli %select_n3A_75, %mul3A_76 : i32
      %broadcast_in_dim3A = arith.constant 0.000000e+00 : f32
      %broadcast_in_dim3A_78 = vector.broadcast %broadcast_in_dim3A : f32 to vector<16xf32>
      %swap3A = arith.index_cast %select_n3A_60 : i32 to index
      %swap3A_79 = arith.index_cast %mul3A_77 : i32 to index
      %swap3A_80 = tpu.vector_load %arg8[%swap3A, %swap3A_79] {strides = array<i32>} : memref<128x128xf32, #tpu.memory_space<vmem>>, vector<16xf32>,
      tpu.vector_store %arg8[%swap3A, %swap3A_79], %broadcast_in_dim3A_78 {strides = array<i32>} : memref<128x128xf32, #tpu.memory_space<vmem>>, vector<16xf32>,
      %scan3A_81 = arith.constant 0 : i32
      scf.yield %scan3A_81 : i32
    }
    %scan3A_6 = arith.constant 1024 : i32
    %scan3A_7 = arith.constant 0 : i32
    %scan3A_8 = arith.constant 0 : i32
    %scan3A_9 = arith.constant 5 : i32
    %scan3A_10 = arith.addi %scan3A_8, %scan3A_9 : i32
    %scan3A_11 = arith.constant 1 : i32
    %scan3A_12 = scf.for %scan3A_41 = %scan3A_8 to %scan3A_10 step %scan3A_11 iter_args(%scan3A_42 = %scan3A_7) -> (i32)  : i32 {
      %mul3A_43 = arith.constant 640 : i32
      %mul3A_44 = arith.muli %arg1, %mul3A_43 : i32
      %mul3A_45 = arith.constant 128 : i32
      %mul3A_46 = arith.muli %scan3A_41, %mul3A_45 : i32
      %add3A_47 = arith.addi %mul3A_44, %mul3A_46 : i32
      "tpu.region"() ({
        %run_scoped3A = tpu.sem_alloc : memref<!tpu.dma_semaphore, #tpu.memory_space<semaphore_mem>>
        %dma_start3A = arith.constant 0 : i32
        %dma_start3A_49 = tpu.memref_slice %arg10[%add3A_47, %dma_start3A] : memref<10240x128xf32, #tpu.memory_space<vmem_shared>> -> memref<128x128xf32, #tpu.memory_space<vmem_shared>>
        %dma_start3A_50 = arith.constant 0 : i32
        %dma_start3A_51 = tpu.memref_slice %arg10[%add3A_47, %dma_start3A_50] : memref<10240x128xf32, #tpu.memory_space<vmem_shared>> -> memref<128x128xf32, #tpu.memory_space<vmem_shared>>
        tpu.enqueue_dma source(%arg8 : memref<128x128xf32, #tpu.memory_space<vmem>>) target(%dma_start3A_51 : memref<128x128xf32, #tpu.memory_space<vmem_shared>>) target_semaphore(%run_scoped3A : memref<!tpu.dma_semaphore, #tpu.memory_space<semaphore_mem>>)
        %dma_wait3A = arith.constant 0 : i32
        %dma_wait3A_52 = tpu.memref_slice %arg10[%add3A_47, %dma_wait3A] : memref<10240x128xf32, #tpu.memory_space<vmem_shared>> -> memref<128x128xf32, #tpu.memory_space<vmem_shared>>
        %dma_wait3A_53 = arith.constant 0 : i32
        %dma_wait3A_54 = tpu.memref_slice %arg10[%add3A_47, %dma_wait3A_53] : memref<10240x128xf32, #tpu.memory_space<vmem_shared>> -> memref<128x128xf32, #tpu.memory_space<vmem_shared>>
        tpu.wait_dma2 semaphore(%run_scoped3A : memref<!tpu.dma_semaphore, #tpu.memory_space<semaphore_mem>>) src(%arg8 : memref<128x128xf32, #tpu.memory_space<vmem>>) dst(%dma_wait3A_54 : memref<128x128xf32, #tpu.memory_space<vmem_shared>>)
        tpu.yield
      }) : () -> ()
      %scan3A_48 = arith.constant 0 : i32
      scf.yield %scan3A_48 : i32
    }
    %scan3A_13 = arith.constant 5 : i32
    %barrier3A = arith.constant 0 : index
    tpu.barrier barrier_id(%barrier3A)
    %eq3A = arith.constant 0 : i32
    %eq3A_14 = arith.cmpi eq, %arg0, %eq3A : i32
    %jit3A = arith.constant 1 : i32
    %jit3A_15 = arith.constant 3 : i32
    %select_n3A = arith.select %eq3A_14, %jit3A, %jit3A_15 : i32
    %eq3A_16 = arith.constant 0 : i32
    %eq3A_17 = arith.cmpi eq, %arg0, %eq3A_16 : i32
    %mul3A_18 = arith.constant 40 : i32
    %mul3A_19 = arith.muli %arg1, %mul3A_18 : i32
    %mul3A_20 = arith.constant 120 : i32
    %mul3A_21 = arith.muli %arg1, %mul3A_20 : i32
    %add3A_22 = arith.constant 640 : i32
    %add3A_23 = arith.addi %add3A_22, %mul3A_21 : i32
    %select_n3A_24 = arith.select %eq3A_17, %mul3A_19, %add3A_23 : i32
    %while3A = arith.constant 0 : i32
    %while3A_25 = arith.constant 0 : i32
    %while3A_26 = arith.subi %select_n3A, %while3A : i32
    %while3A_27 = arith.addi %while3A, %while3A_26 : i32
    %while3A_28 = arith.constant 1 : i32
    %while3A_29 = arith.divsi %while3A_26, %while3A_28 : i32
    %while3A_30 = arith.muli %while3A_29, %while3A_28 : i32
    %while3A_31 = arith.addi %while3A, %while3A_30 : i32
    %while3A_32 = arith.constant 1 : i32
    %while3A_33 = scf.for %while3A_41 = %while3A to %while3A_31 step %while3A_32 iter_args(%while3A_42 = %while3A_25) -> (i32)  : i32 {
      %mul3A_43 = arith.constant 40 : i32
      %mul3A_44 = arith.muli %while3A_41, %mul3A_43 : i32
      %add3A_45 = arith.addi %select_n3A_24, %mul3A_44 : i32
      "tpu.region"() ({
        %run_scoped3A = tpu.sem_alloc : memref<!tpu.dma_semaphore, #tpu.memory_space<semaphore_mem>>
        %dma_start3A_73 = arith.constant 0 : i32
        %dma_start3A_74 = tpu.memref_slice %arg3[%add3A_45, %dma_start3A_73] : memref<2560x128xi32, #tpu.memory_space<hbm>> -> memref<40x128xi32, #tpu.memory_space<hbm>>
        %dma_start3A_75 = arith.constant 0 : i32
        %dma_start3A_76 = tpu.memref_slice %arg3[%add3A_45, %dma_start3A_75] : memref<2560x128xi32, #tpu.memory_space<hbm>> -> memref<40x128xi32, #tpu.memory_space<hbm>>
        tpu.enqueue_dma source(%dma_start3A_76 : memref<40x128xi32, #tpu.memory_space<hbm>>) target(%arg6 : memref<40x128xi32, #tpu.memory_space<vmem>>) target_semaphore(%run_scoped3A : memref<!tpu.dma_semaphore, #tpu.memory_space<semaphore_mem>>)
        %dma_wait3A_77 = arith.constant 0 : i32
        %dma_wait3A_78 = tpu.memref_slice %arg3[%add3A_45, %dma_wait3A_77] : memref<2560x128xi32, #tpu.memory_space<hbm>> -> memref<40x128xi32, #tpu.memory_space<hbm>>
        %dma_wait3A_79 = arith.constant 0 : i32
        %dma_wait3A_80 = tpu.memref_slice %arg3[%add3A_45, %dma_wait3A_79] : memref<2560x128xi32, #tpu.memory_space<hbm>> -> memref<40x128xi32, #tpu.memory_space<hbm>>
        tpu.wait_dma2 semaphore(%run_scoped3A : memref<!tpu.dma_semaphore, #tpu.memory_space<semaphore_mem>>) src(%dma_wait3A_80 : memref<40x128xi32, #tpu.memory_space<hbm>>) dst(%arg6 : memref<40x128xi32, #tpu.memory_space<vmem>>)
        tpu.yield
      }) : () -> ()
      "tpu.region"() ({
        %run_scoped3A = tpu.sem_alloc : memref<!tpu.dma_semaphore, #tpu.memory_space<semaphore_mem>>
        %dma_start3A_73 = arith.constant 0 : i32
        %dma_start3A_74 = tpu.memref_slice %arg4[%add3A_45, %dma_start3A_73] : memref<2560x128xi32, #tpu.memory_space<hbm>> -> memref<40x128xi32, #tpu.memory_space<hbm>>
        %dma_start3A_75 = arith.constant 0 : i32
        %dma_start3A_76 = tpu.memref_slice %arg4[%add3A_45, %dma_start3A_75] : memref<2560x128xi32, #tpu.memory_space<hbm>> -> memref<40x128xi32, #tpu.memory_space<hbm>>
        tpu.enqueue_dma source(%dma_start3A_76 : memref<40x128xi32, #tpu.memory_space<hbm>>) target(%arg7 : memref<40x128xi32, #tpu.memory_space<vmem>>) target_semaphore(%run_scoped3A : memref<!tpu.dma_semaphore, #tpu.memory_space<semaphore_mem>>)
        %dma_wait3A_77 = arith.constant 0 : i32
        %dma_wait3A_78 = tpu.memref_slice %arg4[%add3A_45, %dma_wait3A_77] : memref<2560x128xi32, #tpu.memory_space<hbm>> -> memref<40x128xi32, #tpu.memory_space<hbm>>
        %dma_wait3A_79 = arith.constant 0 : i32
        %dma_wait3A_80 = tpu.memref_slice %arg4[%add3A_45, %dma_wait3A_79] : memref<2560x128xi32, #tpu.memory_space<hbm>> -> memref<40x128xi32, #tpu.memory_space<hbm>>
        tpu.wait_dma2 semaphore(%run_scoped3A : memref<!tpu.dma_semaphore, #tpu.memory_space<semaphore_mem>>) src(%dma_wait3A_80 : memref<40x128xi32, #tpu.memory_space<hbm>>) dst(%arg7 : memref<40x128xi32, #tpu.memory_space<vmem>>)
        tpu.yield
      }) : () -> ()
      %dma_start3A = arith.constant 0 : i32
      %dma_start3A_46 = arith.constant 0 : i32
      %dma_start3A_47 = tpu.memref_slice %arg6[%dma_start3A, %dma_start3A_46] : memref<40x128xi32, #tpu.memory_space<vmem>> -> memref<1x128xi32, #tpu.memory_space<vmem>>
      %dma_start3A_48 = tpu.memref_squeeze %dma_start3A_47 : memref<1x128xi32, #tpu.memory_space<vmem>> -> memref<128xi32, #tpu.memory_space<vmem>>
      %dma_start3A_49 = arith.constant 0 : i32
      %dma_start3A_50 = arith.constant 0 : i32
      %dma_start3A_51 = tpu.memref_slice %arg2[%dma_start3A_49, %dma_start3A_50] : memref<10240x128xf32, #tpu.memory_space<hbm>> -> memref<10240x128xf32, #tpu.memory_space<hbm>>
      tpu.enqueue_indirect_dma source(%dma_start3A_51 : memref<10240x128xf32, #tpu.memory_space<hbm>>) target(%arg8 : memref<128x128xf32, #tpu.memory_space<vmem>>) offsets(%dma_start3A_48 : memref<128xi32, #tpu.memory_space<vmem>>) semaphore(%arg11 : memref<!tpu.dma_semaphore, #tpu.memory_space<semaphore_mem>>)
      %scan3A_52 = arith.constant 0 : i32
      %scan3A_53 = arith.constant 0 : i32
      %scan3A_54 = arith.constant 20 : i32
      %scan3A_55 = arith.addi %scan3A_53, %scan3A_54 : i32
      %scan3A_56 = arith.constant 1 : i32
      %scan3A_57 = scf.for %scan3A_73 = %scan3A_53 to %scan3A_55 step %scan3A_56 iter_args(%scan3A_74 = %scan3A_52) -> (i32)  : i32 {
        %mul3A_75 = arith.constant 2 : i32
        %mul3A_76 = arith.muli %mul3A_75, %scan3A_73 : i32
        %mul3A_77 = arith.constant 2 : i32
        %mul3A_78 = arith.muli %mul3A_77, %scan3A_73 : i32
        %add3A_79 = arith.constant 1 : i32
        %add3A_80 = arith.addi %mul3A_78, %add3A_79 : i32
        %dma_wait3A_81 = arith.constant 0 : i32
        %dma_wait3A_82 = tpu.memref_slice %arg6[%mul3A_76, %dma_wait3A_81] : memref<40x128xi32, #tpu.memory_space<vmem>> -> memref<1x128xi32, #tpu.memory_space<vmem>>
        %dma_wait3A_83 = tpu.memref_squeeze %dma_wait3A_82 : memref<1x128xi32, #tpu.memory_space<vmem>> -> memref<128xi32, #tpu.memory_space<vmem>>
        %dma_wait3A_84 = arith.constant 0 : i32
        %dma_wait3A_85 = arith.constant 0 : i32
        %dma_wait3A_86 = tpu.memref_slice %arg2[%dma_wait3A_84, %dma_wait3A_85] : memref<10240x128xf32, #tpu.memory_space<hbm>> -> memref<10240x128xf32, #tpu.memory_space<hbm>>
        tpu.wait_indirect_dma semaphore(%arg11 : memref<!tpu.dma_semaphore, #tpu.memory_space<semaphore_mem>>) src(%dma_wait3A_86 : memref<10240x128xf32, #tpu.memory_space<hbm>>) dst(%arg8 : memref<128x128xf32, #tpu.memory_space<vmem>>)
        %ge3A = arith.constant 1 : i32
        %ge3A_87 = arith.cmpi sge, %scan3A_73, %ge3A : i32
        %convert_element_type3A = arith.extui %ge3A_87 : i1 to i32
        %cond3A = arith.constant 0 : i32
        %cond3A_88 = arith.cmpi ne, %convert_element_type3A, %cond3A : i32
        scf.if %cond3A_88 {
          %sub3A = arith.constant 1 : i32
          %sub3A_118 = arith.subi %mul3A_76, %sub3A : i32
          %dma_wait3A_119 = arith.constant 0 : i32
          %dma_wait3A_120 = tpu.memref_slice %arg7[%sub3A_118, %dma_wait3A_119] : memref<40x128xi32, #tpu.memory_space<vmem>> -> memref<1x128xi32, #tpu.memory_space<vmem>>
          %dma_wait3A_121 = tpu.memref_squeeze %dma_wait3A_120 : memref<1x128xi32, #tpu.memory_space<vmem>> -> memref<128xi32, #tpu.memory_space<vmem>>
          %dma_wait3A_122 = arith.constant 0 : i32
          %dma_wait3A_123 = arith.constant 0 : i32
          %dma_wait3A_124 = tpu.memref_slice %arg10[%dma_wait3A_122, %dma_wait3A_123] : memref<10240x128xf32, #tpu.memory_space<vmem_shared>> -> memref<10240x128xf32, #tpu.memory_space<vmem_shared>>
          tpu.wait_indirect_dma semaphore(%arg14 : memref<!tpu.dma_semaphore, #tpu.memory_space<semaphore_mem>>) src(%arg9 : memref<128x128xf32, #tpu.memory_space<vmem>>) dst(%dma_wait3A_124 : memref<10240x128xf32, #tpu.memory_space<vmem_shared>>)
        } else {
        }
        %dma_start3A_89 = arith.constant 0 : i32
        %dma_start3A_90 = tpu.memref_slice %arg6[%add3A_80, %dma_start3A_89] : memref<40x128xi32, #tpu.memory_space<vmem>> -> memref<1x128xi32, #tpu.memory_space<vmem>>
        %dma_start3A_91 = tpu.memref_squeeze %dma_start3A_90 : memref<1x128xi32, #tpu.memory_space<vmem>> -> memref<128xi32, #tpu.memory_space<vmem>>
        %dma_start3A_92 = arith.constant 0 : i32
        %dma_start3A_93 = arith.constant 0 : i32
        %dma_start3A_94 = tpu.memref_slice %arg2[%dma_start3A_92, %dma_start3A_93] : memref<10240x128xf32, #tpu.memory_space<hbm>> -> memref<10240x128xf32, #tpu.memory_space<hbm>>
        tpu.enqueue_indirect_dma source(%dma_start3A_94 : memref<10240x128xf32, #tpu.memory_space<hbm>>) target(%arg9 : memref<128x128xf32, #tpu.memory_space<vmem>>) offsets(%dma_start3A_91 : memref<128xi32, #tpu.memory_space<vmem>>) semaphore(%arg12 : memref<!tpu.dma_semaphore, #tpu.memory_space<semaphore_mem>>)
        %dma_start3A_95 = arith.constant 0 : i32
        %dma_start3A_96 = tpu.memref_slice %arg7[%mul3A_76, %dma_start3A_95] : memref<40x128xi32, #tpu.memory_space<vmem>> -> memref<1x128xi32, #tpu.memory_space<vmem>>
        %dma_start3A_97 = tpu.memref_squeeze %dma_start3A_96 : memref<1x128xi32, #tpu.memory_space<vmem>> -> memref<128xi32, #tpu.memory_space<vmem>>
        %dma_start3A_98 = arith.constant 0 : i32
        %dma_start3A_99 = arith.constant 0 : i32
        %dma_start3A_100 = tpu.memref_slice %arg10[%dma_start3A_98, %dma_start3A_99] : memref<10240x128xf32, #tpu.memory_space<vmem_shared>> -> memref<10240x128xf32, #tpu.memory_space<vmem_shared>>
        tpu.enqueue_indirect_dma source(%arg8 : memref<128x128xf32, #tpu.memory_space<vmem>>) target(%dma_start3A_100 : memref<10240x128xf32, #tpu.memory_space<vmem_shared>>) offsets(%dma_start3A_97 : memref<128xi32, #tpu.memory_space<vmem>>) semaphore(%arg13 : memref<!tpu.dma_semaphore, #tpu.memory_space<semaphore_mem>>) {add = true}
        %dma_wait3A_101 = arith.constant 0 : i32
        %dma_wait3A_102 = tpu.memref_slice %arg6[%add3A_80, %dma_wait3A_101] : memref<40x128xi32, #tpu.memory_space<vmem>> -> memref<1x128xi32, #tpu.memory_space<vmem>>
        %dma_wait3A_103 = tpu.memref_squeeze %dma_wait3A_102 : memref<1x128xi32, #tpu.memory_space<vmem>> -> memref<128xi32, #tpu.memory_space<vmem>>
        %dma_wait3A_104 = arith.constant 0 : i32
        %dma_wait3A_105 = arith.constant 0 : i32
        %dma_wait3A_106 = tpu.memref_slice %arg2[%dma_wait3A_104, %dma_wait3A_105] : memref<10240x128xf32, #tpu.memory_space<hbm>> -> memref<10240x128xf32, #tpu.memory_space<hbm>>
        tpu.wait_indirect_dma semaphore(%arg12 : memref<!tpu.dma_semaphore, #tpu.memory_space<semaphore_mem>>) src(%dma_wait3A_106 : memref<10240x128xf32, #tpu.memory_space<hbm>>) dst(%arg9 : memref<128x128xf32, #tpu.memory_space<vmem>>)
        %lt3A = arith.constant 19 : i32
        %lt3A_107 = arith.cmpi slt, %scan3A_73, %lt3A : i32
        %convert_element_type3A_108 = arith.extui %lt3A_107 : i1 to i32
        %cond3A_109 = arith.constant 0 : i32
        %cond3A_110 = arith.cmpi ne, %convert_element_type3A_108, %cond3A_109 : i32
        scf.if %cond3A_110 {
          %dma_wait3A_118 = arith.constant 0 : i32
          %dma_wait3A_119 = tpu.memref_slice %arg7[%mul3A_76, %dma_wait3A_118] : memref<40x128xi32, #tpu.memory_space<vmem>> -> memref<1x128xi32, #tpu.memory_space<vmem>>
          %dma_wait3A_120 = tpu.memref_squeeze %dma_wait3A_119 : memref<1x128xi32, #tpu.memory_space<vmem>> -> memref<128xi32, #tpu.memory_space<vmem>>
          %dma_wait3A_121 = arith.constant 0 : i32
          %dma_wait3A_122 = arith.constant 0 : i32
          %dma_wait3A_123 = tpu.memref_slice %arg10[%dma_wait3A_121, %dma_wait3A_122] : memref<10240x128xf32, #tpu.memory_space<vmem_shared>> -> memref<10240x128xf32, #tpu.memory_space<vmem_shared>>
          tpu.wait_indirect_dma semaphore(%arg13 : memref<!tpu.dma_semaphore, #tpu.memory_space<semaphore_mem>>) src(%arg8 : memref<128x128xf32, #tpu.memory_space<vmem>>) dst(%dma_wait3A_123 : memref<10240x128xf32, #tpu.memory_space<vmem_shared>>)
          %add3A_124 = arith.constant 1 : i32
          %add3A_125 = arith.addi %add3A_80, %add3A_124 : i32
          %dma_start3A_126 = arith.constant 0 : i32
          %dma_start3A_127 = tpu.memref_slice %arg6[%add3A_125, %dma_start3A_126] : memref<40x128xi32, #tpu.memory_space<vmem>> -> memref<1x128xi32, #tpu.memory_space<vmem>>
          %dma_start3A_128 = tpu.memref_squeeze %dma_start3A_127 : memref<1x128xi32, #tpu.memory_space<vmem>> -> memref<128xi32, #tpu.memory_space<vmem>>
          %dma_start3A_129 = arith.constant 0 : i32
          %dma_start3A_130 = arith.constant 0 : i32
          %dma_start3A_131 = tpu.memref_slice %arg2[%dma_start3A_129, %dma_start3A_130] : memref<10240x128xf32, #tpu.memory_space<hbm>> -> memref<10240x128xf32, #tpu.memory_space<hbm>>
          tpu.enqueue_indirect_dma source(%dma_start3A_131 : memref<10240x128xf32, #tpu.memory_space<hbm>>) target(%arg8 : memref<128x128xf32, #tpu.memory_space<vmem>>) offsets(%dma_start3A_128 : memref<128xi32, #tpu.memory_space<vmem>>) semaphore(%arg11 : memref<!tpu.dma_semaphore, #tpu.memory_space<semaphore_mem>>)
        } else {
        }
        %dma_start3A_111 = arith.constant 0 : i32
        %dma_start3A_112 = tpu.memref_slice %arg7[%add3A_80, %dma_start3A_111] : memref<40x128xi32, #tpu.memory_space<vmem>> -> memref<1x128xi32, #tpu.memory_space<vmem>>
        %dma_start3A_113 = tpu.memref_squeeze %dma_start3A_112 : memref<1x128xi32, #tpu.memory_space<vmem>> -> memref<128xi32, #tpu.memory_space<vmem>>
        %dma_start3A_114 = arith.constant 0 : i32
        %dma_start3A_115 = arith.constant 0 : i32
        %dma_start3A_116 = tpu.memref_slice %arg10[%dma_start3A_114, %dma_start3A_115] : memref<10240x128xf32, #tpu.memory_space<vmem_shared>> -> memref<10240x128xf32, #tpu.memory_space<vmem_shared>>
        tpu.enqueue_indirect_dma source(%arg9 : memref<128x128xf32, #tpu.memory_space<vmem>>) target(%dma_start3A_116 : memref<10240x128xf32, #tpu.memory_space<vmem_shared>>) offsets(%dma_start3A_113 : memref<128xi32, #tpu.memory_space<vmem>>) semaphore(%arg14 : memref<!tpu.dma_semaphore, #tpu.memory_space<semaphore_mem>>) {add = true}
        %scan3A_117 = arith.constant 0 : i32
        scf.yield %scan3A_117 : i32
      }
      %scan3A_58 = arith.constant 20 : i32
      %dma_wait3A = arith.constant 38 : i32
      %dma_wait3A_59 = arith.constant 0 : i32
      %dma_wait3A_60 = tpu.memref_slice %arg7[%dma_wait3A, %dma_wait3A_59] : memref<40x128xi32, #tpu.memory_space<vmem>> -> memref<1x128xi32, #tpu.memory_space<vmem>>
      %dma_wait3A_61 = tpu.memref_squeeze %dma_wait3A_60 : memref<1x128xi32, #tpu.memory_space<vmem>> -> memref<128xi32, #tpu.memory_space<vmem>>
      %dma_wait3A_62 = arith.constant 0 : i32
      %dma_wait3A_63 = arith.constant 0 : i32
      %dma_wait3A_64 = tpu.memref_slice %arg10[%dma_wait3A_62, %dma_wait3A_63] : memref<10240x128xf32, #tpu.memory_space<vmem_shared>> -> memref<10240x128xf32, #tpu.memory_space<vmem_shared>>
      tpu.wait_indirect_dma semaphore(%arg13 : memref<!tpu.dma_semaphore, #tpu.memory_space<semaphore_mem>>) src(%arg8 : memref<128x128xf32, #tpu.memory_space<vmem>>) dst(%dma_wait3A_64 : memref<10240x128xf32, #tpu.memory_space<vmem_shared>>)
      %dma_wait3A_65 = arith.constant 39 : i32
      %dma_wait3A_66 = arith.constant 0 : i32
      %dma_wait3A_67 = tpu.memref_slice %arg7[%dma_wait3A_65, %dma_wait3A_66] : memref<40x128xi32, #tpu.memory_space<vmem>> -> memref<1x128xi32, #tpu.memory_space<vmem>>
      %dma_wait3A_68 = tpu.memref_squeeze %dma_wait3A_67 : memref<1x128xi32, #tpu.memory_space<vmem>> -> memref<128xi32, #tpu.memory_space<vmem>>
      %dma_wait3A_69 = arith.constant 0 : i32
      %dma_wait3A_70 = arith.constant 0 : i32
      %dma_wait3A_71 = tpu.memref_slice %arg10[%dma_wait3A_69, %dma_wait3A_70] : memref<10240x128xf32, #tpu.memory_space<vmem_shared>> -> memref<10240x128xf32, #tpu.memory_space<vmem_shared>>
      tpu.wait_indirect_dma semaphore(%arg14 : memref<!tpu.dma_semaphore, #tpu.memory_space<semaphore_mem>>) src(%arg9 : memref<128x128xf32, #tpu.memory_space<vmem>>) dst(%dma_wait3A_71 : memref<10240x128xf32, #tpu.memory_space<vmem_shared>>)
      %while3A_72 = arith.constant 0 : i32
      scf.yield %while3A_72 : i32
    }
    %while3A_34 = arith.constant 1 : i32
    %while3A_35 = scf.for %while3A_41 = %while3A_31 to %while3A_27 step %while3A_34 iter_args(%while3A_42 = %while3A_33) -> (i32)  : i32 {
      %mul3A_43 = arith.constant 40 : i32
      %mul3A_44 = arith.muli %while3A_41, %mul3A_43 : i32
      %add3A_45 = arith.addi %select_n3A_24, %mul3A_44 : i32
      "tpu.region"() ({
        %run_scoped3A = tpu.sem_alloc : memref<!tpu.dma_semaphore, #tpu.memory_space<semaphore_mem>>
        %dma_start3A_73 = arith.constant 0 : i32
        %dma_start3A_74 = tpu.memref_slice %arg3[%add3A_45, %dma_start3A_73] : memref<2560x128xi32, #tpu.memory_space<hbm>> -> memref<40x128xi32, #tpu.memory_space<hbm>>
        %dma_start3A_75 = arith.constant 0 : i32
        %dma_start3A_76 = tpu.memref_slice %arg3[%add3A_45, %dma_start3A_75] : memref<2560x128xi32, #tpu.memory_space<hbm>> -> memref<40x128xi32, #tpu.memory_space<hbm>>
        tpu.enqueue_dma source(%dma_start3A_76 : memref<40x128xi32, #tpu.memory_space<hbm>>) target(%arg6 : memref<40x128xi32, #tpu.memory_space<vmem>>) target_semaphore(%run_scoped3A : memref<!tpu.dma_semaphore, #tpu.memory_space<semaphore_mem>>)
        %dma_wait3A_77 = arith.constant 0 : i32
        %dma_wait3A_78 = tpu.memref_slice %arg3[%add3A_45, %dma_wait3A_77] : memref<2560x128xi32, #tpu.memory_space<hbm>> -> memref<40x128xi32, #tpu.memory_space<hbm>>
        %dma_wait3A_79 = arith.constant 0 : i32
        %dma_wait3A_80 = tpu.memref_slice %arg3[%add3A_45, %dma_wait3A_79] : memref<2560x128xi32, #tpu.memory_space<hbm>> -> memref<40x128xi32, #tpu.memory_space<hbm>>
        tpu.wait_dma2 semaphore(%run_scoped3A : memref<!tpu.dma_semaphore, #tpu.memory_space<semaphore_mem>>) src(%dma_wait3A_80 : memref<40x128xi32, #tpu.memory_space<hbm>>) dst(%arg6 : memref<40x128xi32, #tpu.memory_space<vmem>>)
        tpu.yield
      }) : () -> ()
      "tpu.region"() ({
        %run_scoped3A = tpu.sem_alloc : memref<!tpu.dma_semaphore, #tpu.memory_space<semaphore_mem>>
        %dma_start3A_73 = arith.constant 0 : i32
        %dma_start3A_74 = tpu.memref_slice %arg4[%add3A_45, %dma_start3A_73] : memref<2560x128xi32, #tpu.memory_space<hbm>> -> memref<40x128xi32, #tpu.memory_space<hbm>>
        %dma_start3A_75 = arith.constant 0 : i32
        %dma_start3A_76 = tpu.memref_slice %arg4[%add3A_45, %dma_start3A_75] : memref<2560x128xi32, #tpu.memory_space<hbm>> -> memref<40x128xi32, #tpu.memory_space<hbm>>
        tpu.enqueue_dma source(%dma_start3A_76 : memref<40x128xi32, #tpu.memory_space<hbm>>) target(%arg7 : memref<40x128xi32, #tpu.memory_space<vmem>>) target_semaphore(%run_scoped3A : memref<!tpu.dma_semaphore, #tpu.memory_space<semaphore_mem>>)
        %dma_wait3A_77 = arith.constant 0 : i32
        %dma_wait3A_78 = tpu.memref_slice %arg4[%add3A_45, %dma_wait3A_77] : memref<2560x128xi32, #tpu.memory_space<hbm>> -> memref<40x128xi32, #tpu.memory_space<hbm>>
        %dma_wait3A_79 = arith.constant 0 : i32
        %dma_wait3A_80 = tpu.memref_slice %arg4[%add3A_45, %dma_wait3A_79] : memref<2560x128xi32, #tpu.memory_space<hbm>> -> memref<40x128xi32, #tpu.memory_space<hbm>>
        tpu.wait_dma2 semaphore(%run_scoped3A : memref<!tpu.dma_semaphore, #tpu.memory_space<semaphore_mem>>) src(%dma_wait3A_80 : memref<40x128xi32, #tpu.memory_space<hbm>>) dst(%arg7 : memref<40x128xi32, #tpu.memory_space<vmem>>)
        tpu.yield
      }) : () -> ()
      %dma_start3A = arith.constant 0 : i32
      %dma_start3A_46 = arith.constant 0 : i32
      %dma_start3A_47 = tpu.memref_slice %arg6[%dma_start3A, %dma_start3A_46] : memref<40x128xi32, #tpu.memory_space<vmem>> -> memref<1x128xi32, #tpu.memory_space<vmem>>
      %dma_start3A_48 = tpu.memref_squeeze %dma_start3A_47 : memref<1x128xi32, #tpu.memory_space<vmem>> -> memref<128xi32, #tpu.memory_space<vmem>>
      %dma_start3A_49 = arith.constant 0 : i32
      %dma_start3A_50 = arith.constant 0 : i32
      %dma_start3A_51 = tpu.memref_slice %arg2[%dma_start3A_49, %dma_start3A_50] : memref<10240x128xf32, #tpu.memory_space<hbm>> -> memref<10240x128xf32, #tpu.memory_space<hbm>>
      tpu.enqueue_indirect_dma source(%dma_start3A_51 : memref<10240x128xf32, #tpu.memory_space<hbm>>) target(%arg8 : memref<128x128xf32, #tpu.memory_space<vmem>>) offsets(%dma_start3A_48 : memref<128xi32, #tpu.memory_space<vmem>>) semaphore(%arg11 : memref<!tpu.dma_semaphore, #tpu.memory_space<semaphore_mem>>)
      %scan3A_52 = arith.constant 0 : i32
      %scan3A_53 = arith.constant 0 : i32
      %scan3A_54 = arith.constant 20 : i32
      %scan3A_55 = arith.addi %scan3A_53, %scan3A_54 : i32
      %scan3A_56 = arith.constant 1 : i32
      %scan3A_57 = scf.for %scan3A_73 = %scan3A_53 to %scan3A_55 step %scan3A_56 iter_args(%scan3A_74 = %scan3A_52) -> (i32)  : i32 {
        %mul3A_75 = arith.constant 2 : i32
        %mul3A_76 = arith.muli %mul3A_75, %scan3A_73 : i32
        %mul3A_77 = arith.constant 2 : i32
        %mul3A_78 = arith.muli %mul3A_77, %scan3A_73 : i32
        %add3A_79 = arith.constant 1 : i32
        %add3A_80 = arith.addi %mul3A_78, %add3A_79 : i32
        %dma_wait3A_81 = arith.constant 0 : i32
        %dma_wait3A_82 = tpu.memref_slice %arg6[%mul3A_76, %dma_wait3A_81] : memref<40x128xi32, #tpu.memory_space<vmem>> -> memref<1x128xi32, #tpu.memory_space<vmem>>
        %dma_wait3A_83 = tpu.memref_squeeze %dma_wait3A_82 : memref<1x128xi32, #tpu.memory_space<vmem>> -> memref<128xi32, #tpu.memory_space<vmem>>
        %dma_wait3A_84 = arith.constant 0 : i32
        %dma_wait3A_85 = arith.constant 0 : i32
        %dma_wait3A_86 = tpu.memref_slice %arg2[%dma_wait3A_84, %dma_wait3A_85] : memref<10240x128xf32, #tpu.memory_space<hbm>> -> memref<10240x128xf32, #tpu.memory_space<hbm>>
        tpu.wait_indirect_dma semaphore(%arg11 : memref<!tpu.dma_semaphore, #tpu.memory_space<semaphore_mem>>) src(%dma_wait3A_86 : memref<10240x128xf32, #tpu.memory_space<hbm>>) dst(%arg8 : memref<128x128xf32, #tpu.memory_space<vmem>>)
        %ge3A = arith.constant 1 : i32
        %ge3A_87 = arith.cmpi sge, %scan3A_73, %ge3A : i32
        %convert_element_type3A = arith.extui %ge3A_87 : i1 to i32
        %cond3A = arith.constant 0 : i32
        %cond3A_88 = arith.cmpi ne, %convert_element_type3A, %cond3A : i32
        scf.if %cond3A_88 {
          %sub3A = arith.constant 1 : i32
          %sub3A_118 = arith.subi %mul3A_76, %sub3A : i32
          %dma_wait3A_119 = arith.constant 0 : i32
          %dma_wait3A_120 = tpu.memref_slice %arg7[%sub3A_118, %dma_wait3A_119] : memref<40x128xi32, #tpu.memory_space<vmem>> -> memref<1x128xi32, #tpu.memory_space<vmem>>
          %dma_wait3A_121 = tpu.memref_squeeze %dma_wait3A_120 : memref<1x128xi32, #tpu.memory_space<vmem>> -> memref<128xi32, #tpu.memory_space<vmem>>
          %dma_wait3A_122 = arith.constant 0 : i32
          %dma_wait3A_123 = arith.constant 0 : i32
          %dma_wait3A_124 = tpu.memref_slice %arg10[%dma_wait3A_122, %dma_wait3A_123] : memref<10240x128xf32, #tpu.memory_space<vmem_shared>> -> memref<10240x128xf32, #tpu.memory_space<vmem_shared>>
          tpu.wait_indirect_dma semaphore(%arg14 : memref<!tpu.dma_semaphore, #tpu.memory_space<semaphore_mem>>) src(%arg9 : memref<128x128xf32, #tpu.memory_space<vmem>>) dst(%dma_wait3A_124 : memref<10240x128xf32, #tpu.memory_space<vmem_shared>>)
        } else {
        }
        %dma_start3A_89 = arith.constant 0 : i32
        %dma_start3A_90 = tpu.memref_slice %arg6[%add3A_80, %dma_start3A_89] : memref<40x128xi32, #tpu.memory_space<vmem>> -> memref<1x128xi32, #tpu.memory_space<vmem>>
        %dma_start3A_91 = tpu.memref_squeeze %dma_start3A_90 : memref<1x128xi32, #tpu.memory_space<vmem>> -> memref<128xi32, #tpu.memory_space<vmem>>
        %dma_start3A_92 = arith.constant 0 : i32
        %dma_start3A_93 = arith.constant 0 : i32
        %dma_start3A_94 = tpu.memref_slice %arg2[%dma_start3A_92, %dma_start3A_93] : memref<10240x128xf32, #tpu.memory_space<hbm>> -> memref<10240x128xf32, #tpu.memory_space<hbm>>
        tpu.enqueue_indirect_dma source(%dma_start3A_94 : memref<10240x128xf32, #tpu.memory_space<hbm>>) target(%arg9 : memref<128x128xf32, #tpu.memory_space<vmem>>) offsets(%dma_start3A_91 : memref<128xi32, #tpu.memory_space<vmem>>) semaphore(%arg12 : memref<!tpu.dma_semaphore, #tpu.memory_space<semaphore_mem>>)
        %dma_start3A_95 = arith.constant 0 : i32
        %dma_start3A_96 = tpu.memref_slice %arg7[%mul3A_76, %dma_start3A_95] : memref<40x128xi32, #tpu.memory_space<vmem>> -> memref<1x128xi32, #tpu.memory_space<vmem>>
        %dma_start3A_97 = tpu.memref_squeeze %dma_start3A_96 : memref<1x128xi32, #tpu.memory_space<vmem>> -> memref<128xi32, #tpu.memory_space<vmem>>
        %dma_start3A_98 = arith.constant 0 : i32
        %dma_start3A_99 = arith.constant 0 : i32
        %dma_start3A_100 = tpu.memref_slice %arg10[%dma_start3A_98, %dma_start3A_99] : memref<10240x128xf32, #tpu.memory_space<vmem_shared>> -> memref<10240x128xf32, #tpu.memory_space<vmem_shared>>
        tpu.enqueue_indirect_dma source(%arg8 : memref<128x128xf32, #tpu.memory_space<vmem>>) target(%dma_start3A_100 : memref<10240x128xf32, #tpu.memory_space<vmem_shared>>) offsets(%dma_start3A_97 : memref<128xi32, #tpu.memory_space<vmem>>) semaphore(%arg13 : memref<!tpu.dma_semaphore, #tpu.memory_space<semaphore_mem>>) {add = true}
        %dma_wait3A_101 = arith.constant 0 : i32
        %dma_wait3A_102 = tpu.memref_slice %arg6[%add3A_80, %dma_wait3A_101] : memref<40x128xi32, #tpu.memory_space<vmem>> -> memref<1x128xi32, #tpu.memory_space<vmem>>
        %dma_wait3A_103 = tpu.memref_squeeze %dma_wait3A_102 : memref<1x128xi32, #tpu.memory_space<vmem>> -> memref<128xi32, #tpu.memory_space<vmem>>
        %dma_wait3A_104 = arith.constant 0 : i32
        %dma_wait3A_105 = arith.constant 0 : i32
        %dma_wait3A_106 = tpu.memref_slice %arg2[%dma_wait3A_104, %dma_wait3A_105] : memref<10240x128xf32, #tpu.memory_space<hbm>> -> memref<10240x128xf32, #tpu.memory_space<hbm>>
        tpu.wait_indirect_dma semaphore(%arg12 : memref<!tpu.dma_semaphore, #tpu.memory_space<semaphore_mem>>) src(%dma_wait3A_106 : memref<10240x128xf32, #tpu.memory_space<hbm>>) dst(%arg9 : memref<128x128xf32, #tpu.memory_space<vmem>>)
        %lt3A = arith.constant 19 : i32
        %lt3A_107 = arith.cmpi slt, %scan3A_73, %lt3A : i32
        %convert_element_type3A_108 = arith.extui %lt3A_107 : i1 to i32
        %cond3A_109 = arith.constant 0 : i32
        %cond3A_110 = arith.cmpi ne, %convert_element_type3A_108, %cond3A_109 : i32
        scf.if %cond3A_110 {
          %dma_wait3A_118 = arith.constant 0 : i32
          %dma_wait3A_119 = tpu.memref_slice %arg7[%mul3A_76, %dma_wait3A_118] : memref<40x128xi32, #tpu.memory_space<vmem>> -> memref<1x128xi32, #tpu.memory_space<vmem>>
          %dma_wait3A_120 = tpu.memref_squeeze %dma_wait3A_119 : memref<1x128xi32, #tpu.memory_space<vmem>> -> memref<128xi32, #tpu.memory_space<vmem>>
          %dma_wait3A_121 = arith.constant 0 : i32
          %dma_wait3A_122 = arith.constant 0 : i32
          %dma_wait3A_123 = tpu.memref_slice %arg10[%dma_wait3A_121, %dma_wait3A_122] : memref<10240x128xf32, #tpu.memory_space<vmem_shared>> -> memref<10240x128xf32, #tpu.memory_space<vmem_shared>>
          tpu.wait_indirect_dma semaphore(%arg13 : memref<!tpu.dma_semaphore, #tpu.memory_space<semaphore_mem>>) src(%arg8 : memref<128x128xf32, #tpu.memory_space<vmem>>) dst(%dma_wait3A_123 : memref<10240x128xf32, #tpu.memory_space<vmem_shared>>)
          %add3A_124 = arith.constant 1 : i32
          %add3A_125 = arith.addi %add3A_80, %add3A_124 : i32
          %dma_start3A_126 = arith.constant 0 : i32
          %dma_start3A_127 = tpu.memref_slice %arg6[%add3A_125, %dma_start3A_126] : memref<40x128xi32, #tpu.memory_space<vmem>> -> memref<1x128xi32, #tpu.memory_space<vmem>>
          %dma_start3A_128 = tpu.memref_squeeze %dma_start3A_127 : memref<1x128xi32, #tpu.memory_space<vmem>> -> memref<128xi32, #tpu.memory_space<vmem>>
          %dma_start3A_129 = arith.constant 0 : i32
          %dma_start3A_130 = arith.constant 0 : i32
          %dma_start3A_131 = tpu.memref_slice %arg2[%dma_start3A_129, %dma_start3A_130] : memref<10240x128xf32, #tpu.memory_space<hbm>> -> memref<10240x128xf32, #tpu.memory_space<hbm>>
          tpu.enqueue_indirect_dma source(%dma_start3A_131 : memref<10240x128xf32, #tpu.memory_space<hbm>>) target(%arg8 : memref<128x128xf32, #tpu.memory_space<vmem>>) offsets(%dma_start3A_128 : memref<128xi32, #tpu.memory_space<vmem>>) semaphore(%arg11 : memref<!tpu.dma_semaphore, #tpu.memory_space<semaphore_mem>>)
        } else {
        }
        %dma_start3A_111 = arith.constant 0 : i32
        %dma_start3A_112 = tpu.memref_slice %arg7[%add3A_80, %dma_start3A_111] : memref<40x128xi32, #tpu.memory_space<vmem>> -> memref<1x128xi32, #tpu.memory_space<vmem>>
        %dma_start3A_113 = tpu.memref_squeeze %dma_start3A_112 : memref<1x128xi32, #tpu.memory_space<vmem>> -> memref<128xi32, #tpu.memory_space<vmem>>
        %dma_start3A_114 = arith.constant 0 : i32
        %dma_start3A_115 = arith.constant 0 : i32
        %dma_start3A_116 = tpu.memref_slice %arg10[%dma_start3A_114, %dma_start3A_115] : memref<10240x128xf32, #tpu.memory_space<vmem_shared>> -> memref<10240x128xf32, #tpu.memory_space<vmem_shared>>
        tpu.enqueue_indirect_dma source(%arg9 : memref<128x128xf32, #tpu.memory_space<vmem>>) target(%dma_start3A_116 : memref<10240x128xf32, #tpu.memory_space<vmem_shared>>) offsets(%dma_start3A_113 : memref<128xi32, #tpu.memory_space<vmem>>) semaphore(%arg14 : memref<!tpu.dma_semaphore, #tpu.memory_space<semaphore_mem>>) {add = true}
        %scan3A_117 = arith.constant 0 : i32
        scf.yield %scan3A_117 : i32
      }
      %scan3A_58 = arith.constant 20 : i32
      %dma_wait3A = arith.constant 38 : i32
      %dma_wait3A_59 = arith.constant 0 : i32
      %dma_wait3A_60 = tpu.memref_slice %arg7[%dma_wait3A, %dma_wait3A_59] : memref<40x128xi32, #tpu.memory_space<vmem>> -> memref<1x128xi32, #tpu.memory_space<vmem>>
      %dma_wait3A_61 = tpu.memref_squeeze %dma_wait3A_60 : memref<1x128xi32, #tpu.memory_space<vmem>> -> memref<128xi32, #tpu.memory_space<vmem>>
      %dma_wait3A_62 = arith.constant 0 : i32
      %dma_wait3A_63 = arith.constant 0 : i32
      %dma_wait3A_64 = tpu.memref_slice %arg10[%dma_wait3A_62, %dma_wait3A_63] : memref<10240x128xf32, #tpu.memory_space<vmem_shared>> -> memref<10240x128xf32, #tpu.memory_space<vmem_shared>>
      tpu.wait_indirect_dma semaphore(%arg13 : memref<!tpu.dma_semaphore, #tpu.memory_space<semaphore_mem>>) src(%arg8 : memref<128x128xf32, #tpu.memory_space<vmem>>) dst(%dma_wait3A_64 : memref<10240x128xf32, #tpu.memory_space<vmem_shared>>)
      %dma_wait3A_65 = arith.constant 39 : i32
      %dma_wait3A_66 = arith.constant 0 : i32
      %dma_wait3A_67 = tpu.memref_slice %arg7[%dma_wait3A_65, %dma_wait3A_66] : memref<40x128xi32, #tpu.memory_space<vmem>> -> memref<1x128xi32, #tpu.memory_space<vmem>>
      %dma_wait3A_68 = tpu.memref_squeeze %dma_wait3A_67 : memref<1x128xi32, #tpu.memory_space<vmem>> -> memref<128xi32, #tpu.memory_space<vmem>>
      %dma_wait3A_69 = arith.constant 0 : i32
      %dma_wait3A_70 = arith.constant 0 : i32
      %dma_wait3A_71 = tpu.memref_slice %arg10[%dma_wait3A_69, %dma_wait3A_70] : memref<10240x128xf32, #tpu.memory_space<vmem_shared>> -> memref<10240x128xf32, #tpu.memory_space<vmem_shared>>
      tpu.wait_indirect_dma semaphore(%arg14 : memref<!tpu.dma_semaphore, #tpu.memory_space<semaphore_mem>>) src(%arg9 : memref<128x128xf32, #tpu.memory_space<vmem>>) dst(%dma_wait3A_71 : memref<10240x128xf32, #tpu.memory_space<vmem_shared>>)
      %while3A_72 = arith.constant 0 : i32
      scf.yield %while3A_72 : i32
    }
    %barrier3A_36 = arith.constant 0 : index
    tpu.barrier barrier_id(%barrier3A_36)
    %mul3A_37 = arith.constant 640 : i32
    %mul3A_38 = arith.muli %arg1, %mul3A_37 : i32
    %mul3A_39 = arith.constant 640 : i32
    %mul3A_40 = arith.muli %arg1, %mul3A_39 : i32
    "tpu.region"() ({
      %run_scoped3A = tpu.sem_alloc : memref<!tpu.dma_semaphore, #tpu.memory_space<semaphore_mem>>
      %dma_start3A = arith.constant 0 : i32
      %dma_start3A_41 = tpu.memref_slice %arg5[%arg0, %mul3A_40, %dma_start3A] : memref<2x10240x128xf32, #tpu.memory_space<hbm>> -> memref<1x640x128xf32, #tpu.memory_space<hbm>>
      %dma_start3A_42 = tpu.memref_squeeze %dma_start3A_41 : memref<1x640x128xf32, #tpu.memory_space<hbm>> -> memref<640x128xf32, #tpu.memory_space<hbm>>
      %dma_start3A_43 = arith.constant 0 : i32
      %dma_start3A_44 = tpu.memref_slice %arg10[%mul3A_38, %dma_start3A_43] : memref<10240x128xf32, #tpu.memory_space<vmem_shared>> -> memref<640x128xf32, #tpu.memory_space<vmem_shared>>
      tpu.enqueue_dma source(%dma_start3A_44 : memref<640x128xf32, #tpu.memory_space<vmem_shared>>) target(%dma_start3A_42 : memref<640x128xf32, #tpu.memory_space<hbm>>) target_semaphore(%run_scoped3A : memref<!tpu.dma_semaphore, #tpu.memory_space<semaphore_mem>>)
      %dma_wait3A = arith.constant 0 : i32
      %dma_wait3A_45 = tpu.memref_slice %arg5[%arg0, %mul3A_40, %dma_wait3A] : memref<2x10240x128xf32, #tpu.memory_space<hbm>> -> memref<1x640x128xf32, #tpu.memory_space<hbm>>
      %dma_wait3A_46 = tpu.memref_squeeze %dma_wait3A_45 : memref<1x640x128xf32, #tpu.memory_space<hbm>> -> memref<640x128xf32, #tpu.memory_space<hbm>>
      %dma_wait3A_47 = arith.constant 0 : i32
      %dma_wait3A_48 = tpu.memref_slice %arg10[%mul3A_38, %dma_wait3A_47] : memref<10240x128xf32, #tpu.memory_space<vmem_shared>> -> memref<640x128xf32, #tpu.memory_space<vmem_shared>>
      tpu.wait_dma2 semaphore(%run_scoped3A : memref<!tpu.dma_semaphore, #tpu.memory_space<semaphore_mem>>) src(%dma_wait3A_48 : memref<640x128xf32, #tpu.memory_space<vmem_shared>>) dst(%dma_wait3A_46 : memref<640x128xf32, #tpu.memory_space<hbm>>)
      tpu.yield
    }) : () -> ()
    return
  }
}

#map = affine_map<(d0, d1) -> (0, 0)>
#map1 = affine_map<(d0, d1) -> (0, 0, 0)>
module attributes {stable_mosaic.version = 14 : i64} {
  func.func @_sc_segscalar_body(%arg0: i32, %arg1: i32, %arg2: memref<80x128xf32, #tpu.memory_space<hbm>>, %arg3: memref<2560x128xi32, #tpu.memory_space<hbm>>, %arg4: memref<2560x128xi32, #tpu.memory_space<hbm>>, %arg5: memref<2x80x128xf32, #tpu.memory_space<hbm>>, %arg6: memref<80x128xf32, #tpu.memory_space<vmem>>, %arg7: memref<80x128xi32, #tpu.memory_space<vmem>>, %arg8: memref<80x128xi32, #tpu.memory_space<vmem>>, %arg9: memref<80x128xf32, #tpu.memory_space<vmem>>, %arg10: memref<8x128xf32, #tpu.memory_space<vmem>>, %arg11: memref<8x128xf32, #tpu.memory_space<vmem>>, %arg12: memref<16x80x128xf32, #tpu.memory_space<vmem_shared>>) attributes {dimension_semantics = [#tpu.dimension_semantics<core_parallel>, #tpu.dimension_semantics<subcore_parallel>], iteration_bounds = array<i64: 2, 16>, scalar_prefetch = 0 : i64, scratch_operands = 7 : i64, tpu.core_type = #tpu.core_type<sc_vector_subcore>, window_params = [{transform_indices = #map}, {transform_indices = #map}, {transform_indices = #map}, {transform_indices = #map1}]} {
    %mul3A = arith.constant 2 : i32
    %mul3A_0 = arith.muli %arg1, %mul3A : i32
    %add3A = arith.addi %mul3A_0, %arg0 : i32
    %scan3A = arith.constant 0 : i32
    %scan3A_1 = arith.constant 0 : i32
    %scan3A_2 = arith.constant 640 : i32
    %scan3A_3 = arith.addi %scan3A_1, %scan3A_2 : i32
    %scan3A_4 = arith.constant 1 : i32
    %scan3A_5 = scf.for %scan3A_20 = %scan3A_1 to %scan3A_3 step %scan3A_4 iter_args(%scan3A_21 = %scan3A) -> (i32)  : i32 {
      %jit3A = arith.constant 8 : i32
      %div3A = arith.divsi %scan3A_20, %jit3A : i32
      %sign3A = arith.constant 0 : i32
      %sign3A_22 = arith.cmpi sgt, %scan3A_20, %sign3A : i32
      %sign3A_23 = arith.extui %sign3A_22 : i1 to i32
      %sign3A_24 = arith.constant 0 : i32
      %sign3A_25 = arith.cmpi slt, %scan3A_20, %sign3A_24 : i32
      %sign3A_26 = arith.extui %sign3A_25 : i1 to i32
      %sign3A_27 = arith.subi %sign3A_23, %sign3A_26 : i32
      %sign3A_28 = arith.constant 0 : i32
      %sign3A_29 = arith.cmpi sgt, %jit3A, %sign3A_28 : i32
      %sign3A_30 = arith.extui %sign3A_29 : i1 to i32
      %sign3A_31 = arith.constant 0 : i32
      %sign3A_32 = arith.cmpi slt, %jit3A, %sign3A_31 : i32
      %sign3A_33 = arith.extui %sign3A_32 : i1 to i32
      %sign3A_34 = arith.subi %sign3A_30, %sign3A_33 : i32
      %ne3A = arith.cmpi ne, %sign3A_27, %sign3A_34 : i32
      %rem3A = arith.remsi %scan3A_20, %jit3A : i32
      %ne3A_35 = arith.constant 0 : i32
      %ne3A_36 = arith.cmpi ne, %rem3A, %ne3A_35 : i32
      %and3A = arith.andi %ne3A, %ne3A_36 : i1
      %sub3A = arith.constant 1 : i32
      %sub3A_37 = arith.subi %div3A, %sub3A : i32
      %select_n3A = arith.select %and3A, %sub3A_37, %div3A : i32
      %jit3A_38 = arith.constant 8 : i32
      %eq3A = arith.constant 0 : i32
      %eq3A_39 = arith.cmpi eq, %jit3A_38, %eq3A : i32
      %jit3A_40 = arith.constant 1 : i32
      %select_n3A_41 = arith.select %eq3A_39, %jit3A_40, %jit3A_38 : i32
      %rem3A_42 = arith.remsi %scan3A_20, %select_n3A_41 : i32
      %ne3A_43 = arith.constant 0 : i32
      %ne3A_44 = arith.cmpi ne, %rem3A_42, %ne3A_43 : i32
      %lt3A_45 = arith.constant 0 : i32
      %lt3A_46 = arith.cmpi slt, %rem3A_42, %lt3A_45 : i32
      %lt3A_47 = arith.constant 0 : i32
      %lt3A_48 = arith.cmpi slt, %select_n3A_41, %lt3A_47 : i32
      %ne3A_49 = arith.xori %lt3A_46, %lt3A_48 : i1
      %and3A_50 = arith.andi %ne3A_49, %ne3A_44 : i1
      %add3A_51 = arith.addi %rem3A_42, %select_n3A_41 : i32
      %select_n3A_52 = arith.select %and3A_50, %add3A_51, %rem3A_42 : i32
      %mul3A_53 = arith.constant 16 : i32
      %mul3A_54 = arith.muli %select_n3A_52, %mul3A_53 : i32
      %broadcast_in_dim3A = arith.constant 0.000000e+00 : f32
      %broadcast_in_dim3A_55 = vector.broadcast %broadcast_in_dim3A : f32 to vector<16xf32>
      %swap3A = arith.index_cast %select_n3A : i32 to index
      %swap3A_56 = arith.index_cast %mul3A_54 : i32 to index
      %swap3A_57 = tpu.vector_load %arg9[%swap3A, %swap3A_56] {strides = array<i32>} : memref<80x128xf32, #tpu.memory_space<vmem>>, vector<16xf32>,
      tpu.vector_store %arg9[%swap3A, %swap3A_56], %broadcast_in_dim3A_55 {strides = array<i32>} : memref<80x128xf32, #tpu.memory_space<vmem>>, vector<16xf32>,
      %scan3A_58 = arith.constant 0 : i32
      scf.yield %scan3A_58 : i32
    }
    %scan3A_6 = arith.constant 640 : i32
    "tpu.region"() ({
      %run_scoped3A = tpu.sem_alloc : memref<!tpu.dma_semaphore, #tpu.memory_space<semaphore_mem>>
      tpu.enqueue_dma source(%arg2 : memref<80x128xf32, #tpu.memory_space<hbm>>) target(%arg6 : memref<80x128xf32, #tpu.memory_space<vmem>>) target_semaphore(%run_scoped3A : memref<!tpu.dma_semaphore, #tpu.memory_space<semaphore_mem>>)
      tpu.wait_dma2 semaphore(%run_scoped3A : memref<!tpu.dma_semaphore, #tpu.memory_space<semaphore_mem>>) src(%arg2 : memref<80x128xf32, #tpu.memory_space<hbm>>) dst(%arg6 : memref<80x128xf32, #tpu.memory_space<vmem>>)
      tpu.yield
    }) : () -> ()
    %mul3A_7 = arith.constant 80 : i32
    %mul3A_8 = arith.muli %add3A, %mul3A_7 : i32
    "tpu.region"() ({
      %run_scoped3A = tpu.sem_alloc : memref<!tpu.dma_semaphore, #tpu.memory_space<semaphore_mem>>
      %dma_start3A = arith.constant 0 : i32
      %dma_start3A_20 = tpu.memref_slice %arg3[%mul3A_8, %dma_start3A] : memref<2560x128xi32, #tpu.memory_space<hbm>> -> memref<80x128xi32, #tpu.memory_space<hbm>>
      %dma_start3A_21 = arith.constant 0 : i32
      %dma_start3A_22 = tpu.memref_slice %arg3[%mul3A_8, %dma_start3A_21] : memref<2560x128xi32, #tpu.memory_space<hbm>> -> memref<80x128xi32, #tpu.memory_space<hbm>>
      tpu.enqueue_dma source(%dma_start3A_22 : memref<80x128xi32, #tpu.memory_space<hbm>>) target(%arg7 : memref<80x128xi32, #tpu.memory_space<vmem>>) target_semaphore(%run_scoped3A : memref<!tpu.dma_semaphore, #tpu.memory_space<semaphore_mem>>)
      %dma_wait3A = arith.constant 0 : i32
      %dma_wait3A_23 = tpu.memref_slice %arg3[%mul3A_8, %dma_wait3A] : memref<2560x128xi32, #tpu.memory_space<hbm>> -> memref<80x128xi32, #tpu.memory_space<hbm>>
      %dma_wait3A_24 = arith.constant 0 : i32
      %dma_wait3A_25 = tpu.memref_slice %arg3[%mul3A_8, %dma_wait3A_24] : memref<2560x128xi32, #tpu.memory_space<hbm>> -> memref<80x128xi32, #tpu.memory_space<hbm>>
      tpu.wait_dma2 semaphore(%run_scoped3A : memref<!tpu.dma_semaphore, #tpu.memory_space<semaphore_mem>>) src(%dma_wait3A_25 : memref<80x128xi32, #tpu.memory_space<hbm>>) dst(%arg7 : memref<80x128xi32, #tpu.memory_space<vmem>>)
      tpu.yield
    }) : () -> ()
    %mul3A_9 = arith.constant 80 : i32
    %mul3A_10 = arith.muli %add3A, %mul3A_9 : i32
    "tpu.region"() ({
      %run_scoped3A = tpu.sem_alloc : memref<!tpu.dma_semaphore, #tpu.memory_space<semaphore_mem>>
      %dma_start3A = arith.constant 0 : i32
      %dma_start3A_20 = tpu.memref_slice %arg4[%mul3A_10, %dma_start3A] : memref<2560x128xi32, #tpu.memory_space<hbm>> -> memref<80x128xi32, #tpu.memory_space<hbm>>
      %dma_start3A_21 = arith.constant 0 : i32
      %dma_start3A_22 = tpu.memref_slice %arg4[%mul3A_10, %dma_start3A_21] : memref<2560x128xi32, #tpu.memory_space<hbm>> -> memref<80x128xi32, #tpu.memory_space<hbm>>
      tpu.enqueue_dma source(%dma_start3A_22 : memref<80x128xi32, #tpu.memory_space<hbm>>) target(%arg8 : memref<80x128xi32, #tpu.memory_space<vmem>>) target_semaphore(%run_scoped3A : memref<!tpu.dma_semaphore, #tpu.memory_space<semaphore_mem>>)
      %dma_wait3A = arith.constant 0 : i32
      %dma_wait3A_23 = tpu.memref_slice %arg4[%mul3A_10, %dma_wait3A] : memref<2560x128xi32, #tpu.memory_space<hbm>> -> memref<80x128xi32, #tpu.memory_space<hbm>>
      %dma_wait3A_24 = arith.constant 0 : i32
      %dma_wait3A_25 = tpu.memref_slice %arg4[%mul3A_10, %dma_wait3A_24] : memref<2560x128xi32, #tpu.memory_space<hbm>> -> memref<80x128xi32, #tpu.memory_space<hbm>>
      tpu.wait_dma2 semaphore(%run_scoped3A : memref<!tpu.dma_semaphore, #tpu.memory_space<semaphore_mem>>) src(%dma_wait3A_25 : memref<80x128xi32, #tpu.memory_space<hbm>>) dst(%arg8 : memref<80x128xi32, #tpu.memory_space<vmem>>)
      tpu.yield
    }) : () -> ()
    %scan3A_11 = arith.constant 0 : i32
    %scan3A_12 = arith.constant 0 : i32
    %scan3A_13 = arith.constant 640 : i32
    %scan3A_14 = arith.addi %scan3A_12, %scan3A_13 : i32
    %scan3A_15 = arith.constant 1 : i32
    %scan3A_16 = scf.for %scan3A_20 = %scan3A_12 to %scan3A_14 step %scan3A_15 iter_args(%scan3A_21 = %scan3A_11) -> (i32)  : i32 {
      %jit3A = arith.constant 8 : i32
      %div3A = arith.divsi %scan3A_20, %jit3A : i32
      %sign3A = arith.constant 0 : i32
      %sign3A_22 = arith.cmpi sgt, %scan3A_20, %sign3A : i32
      %sign3A_23 = arith.extui %sign3A_22 : i1 to i32
      %sign3A_24 = arith.constant 0 : i32
      %sign3A_25 = arith.cmpi slt, %scan3A_20, %sign3A_24 : i32
      %sign3A_26 = arith.extui %sign3A_25 : i1 to i32
      %sign3A_27 = arith.subi %sign3A_23, %sign3A_26 : i32
      %sign3A_28 = arith.constant 0 : i32
      %sign3A_29 = arith.cmpi sgt, %jit3A, %sign3A_28 : i32
      %sign3A_30 = arith.extui %sign3A_29 : i1 to i32
      %sign3A_31 = arith.constant 0 : i32
      %sign3A_32 = arith.cmpi slt, %jit3A, %sign3A_31 : i32
      %sign3A_33 = arith.extui %sign3A_32 : i1 to i32
      %sign3A_34 = arith.subi %sign3A_30, %sign3A_33 : i32
      %ne3A = arith.cmpi ne, %sign3A_27, %sign3A_34 : i32
      %rem3A = arith.remsi %scan3A_20, %jit3A : i32
      %ne3A_35 = arith.constant 0 : i32
      %ne3A_36 = arith.cmpi ne, %rem3A, %ne3A_35 : i32
      %and3A = arith.andi %ne3A, %ne3A_36 : i1
      %sub3A = arith.constant 1 : i32
      %sub3A_37 = arith.subi %div3A, %sub3A : i32
      %select_n3A = arith.select %and3A, %sub3A_37, %div3A : i32
      %jit3A_38 = arith.constant 8 : i32
      %eq3A = arith.constant 0 : i32
      %eq3A_39 = arith.cmpi eq, %jit3A_38, %eq3A : i32
      %jit3A_40 = arith.constant 1 : i32
      %select_n3A_41 = arith.select %eq3A_39, %jit3A_40, %jit3A_38 : i32
      %rem3A_42 = arith.remsi %scan3A_20, %select_n3A_41 : i32
      %ne3A_43 = arith.constant 0 : i32
      %ne3A_44 = arith.cmpi ne, %rem3A_42, %ne3A_43 : i32
      %lt3A_45 = arith.constant 0 : i32
      %lt3A_46 = arith.cmpi slt, %rem3A_42, %lt3A_45 : i32
      %lt3A_47 = arith.constant 0 : i32
      %lt3A_48 = arith.cmpi slt, %select_n3A_41, %lt3A_47 : i32
      %ne3A_49 = arith.xori %lt3A_46, %lt3A_48 : i1
      %and3A_50 = arith.andi %ne3A_49, %ne3A_44 : i1
      %add3A_51 = arith.addi %rem3A_42, %select_n3A_41 : i32
      %select_n3A_52 = arith.select %and3A_50, %add3A_51, %rem3A_42 : i32
      %mul3A_53 = arith.constant 16 : i32
      %mul3A_54 = arith.muli %select_n3A_52, %mul3A_53 : i32
      %get3A = arith.index_cast %select_n3A : i32 to index
      %get3A_55 = arith.index_cast %mul3A_54 : i32 to index
      %get3A_56 = tpu.vector_load %arg7[%get3A, %get3A_55] {strides = array<i32>} : memref<80x128xi32, #tpu.memory_space<vmem>>, vector<16xi32>,
      %get3A_57 = arith.index_cast %select_n3A : i32 to index
      %get3A_58 = arith.index_cast %mul3A_54 : i32 to index
      %get3A_59 = tpu.vector_load %arg8[%get3A_57, %get3A_58] {strides = array<i32>} : memref<80x128xi32, #tpu.memory_space<vmem>>, vector<16xi32>,
      %shift_right_arithmetic3A = arith.constant 7 : i32
      %shift_right_arithmetic3A_60 = vector.broadcast %shift_right_arithmetic3A : i32 to vector<16xi32>
      %shift_right_arithmetic3A_61 = arith.shrsi %get3A_56, %shift_right_arithmetic3A_60 : vector<16xi32>
      %and3A_62 = arith.constant 127 : i32
      %and3A_63 = vector.broadcast %and3A_62 : i32 to vector<16xi32>
      %and3A_64 = arith.andi %get3A_56, %and3A_63 : vector<16xi32>
      %gather3A = tpu.vector_load_idx %arg6[%shift_right_arithmetic3A_61, %and3A_64] : memref<80x128xf32, #tpu.memory_space<vmem>>[vector<16xi32>, vector<16xi32>], vector<16xf32>,
      %shift_right_arithmetic3A_65 = arith.constant 7 : i32
      %shift_right_arithmetic3A_66 = vector.broadcast %shift_right_arithmetic3A_65 : i32 to vector<16xi32>
      %shift_right_arithmetic3A_67 = arith.shrsi %get3A_59, %shift_right_arithmetic3A_66 : vector<16xi32>
      %and3A_68 = arith.constant 127 : i32
      %and3A_69 = vector.broadcast %and3A_68 : i32 to vector<16xi32>
      %and3A_70 = arith.andi %get3A_59, %and3A_69 : vector<16xi32>
      tpu.vector_store_idx %arg9[%shift_right_arithmetic3A_67, %and3A_70], %gather3A {add = true} : memref<80x128xf32, #tpu.memory_space<vmem>>[vector<16xi32>, vector<16xi32>], vector<16xf32>,
      %scan3A_71 = arith.constant 0 : i32
      scf.yield %scan3A_71 : i32
    }
    %scan3A_17 = arith.constant 640 : i32
    "tpu.region"() ({
      %run_scoped3A = tpu.sem_alloc : memref<!tpu.dma_semaphore, #tpu.memory_space<semaphore_mem>>
      %dma_start3A = arith.constant 0 : i32
      %dma_start3A_20 = arith.constant 0 : i32
      %dma_start3A_21 = tpu.memref_slice %arg12[%arg1, %dma_start3A, %dma_start3A_20] : memref<16x80x128xf32, #tpu.memory_space<vmem_shared>> -> memref<1x80x128xf32, #tpu.memory_space<vmem_shared>>
      %dma_start3A_22 = tpu.memref_squeeze %dma_start3A_21 : memref<1x80x128xf32, #tpu.memory_space<vmem_shared>> -> memref<80x128xf32, #tpu.memory_space<vmem_shared>>
      %dma_start3A_23 = arith.constant 0 : i32
      %dma_start3A_24 = arith.constant 0 : i32
      %dma_start3A_25 = tpu.memref_slice %arg12[%arg1, %dma_start3A_23, %dma_start3A_24] : memref<16x80x128xf32, #tpu.memory_space<vmem_shared>> -> memref<1x80x128xf32, #tpu.memory_space<vmem_shared>>
      %dma_start3A_26 = tpu.memref_squeeze %dma_start3A_25 : memref<1x80x128xf32, #tpu.memory_space<vmem_shared>> -> memref<80x128xf32, #tpu.memory_space<vmem_shared>>
      tpu.enqueue_dma source(%arg9 : memref<80x128xf32, #tpu.memory_space<vmem>>) target(%dma_start3A_26 : memref<80x128xf32, #tpu.memory_space<vmem_shared>>) target_semaphore(%run_scoped3A : memref<!tpu.dma_semaphore, #tpu.memory_space<semaphore_mem>>)
      %dma_wait3A = arith.constant 0 : i32
      %dma_wait3A_27 = arith.constant 0 : i32
      %dma_wait3A_28 = tpu.memref_slice %arg12[%arg1, %dma_wait3A, %dma_wait3A_27] : memref<16x80x128xf32, #tpu.memory_space<vmem_shared>> -> memref<1x80x128xf32, #tpu.memory_space<vmem_shared>>
      %dma_wait3A_29 = tpu.memref_squeeze %dma_wait3A_28 : memref<1x80x128xf32, #tpu.memory_space<vmem_shared>> -> memref<80x128xf32, #tpu.memory_space<vmem_shared>>
      %dma_wait3A_30 = arith.constant 0 : i32
      %dma_wait3A_31 = arith.constant 0 : i32
      %dma_wait3A_32 = tpu.memref_slice %arg12[%arg1, %dma_wait3A_30, %dma_wait3A_31] : memref<16x80x128xf32, #tpu.memory_space<vmem_shared>> -> memref<1x80x128xf32, #tpu.memory_space<vmem_shared>>
      %dma_wait3A_33 = tpu.memref_squeeze %dma_wait3A_32 : memref<1x80x128xf32, #tpu.memory_space<vmem_shared>> -> memref<80x128xf32, #tpu.memory_space<vmem_shared>>
      tpu.wait_dma2 semaphore(%run_scoped3A : memref<!tpu.dma_semaphore, #tpu.memory_space<semaphore_mem>>) src(%arg9 : memref<80x128xf32, #tpu.memory_space<vmem>>) dst(%dma_wait3A_33 : memref<80x128xf32, #tpu.memory_space<vmem_shared>>)
      tpu.yield
    }) : () -> ()
    %barrier3A = arith.constant 0 : index
    tpu.barrier barrier_id(%barrier3A)
    %lt3A = arith.constant 10 : i32
    %lt3A_18 = arith.cmpi slt, %arg1, %lt3A : i32
    %convert_element_type3A = arith.extui %lt3A_18 : i1 to i32
    %cond3A = arith.constant 0 : i32
    %cond3A_19 = arith.cmpi ne, %convert_element_type3A, %cond3A : i32
    scf.if %cond3A_19 {
      %scan3A_20 = arith.constant 0 : i32
      %scan3A_21 = arith.constant 0 : i32
      %scan3A_22 = arith.constant 64 : i32
      %scan3A_23 = arith.addi %scan3A_21, %scan3A_22 : i32
      %scan3A_24 = arith.constant 1 : i32
      %scan3A_25 = scf.for %scan3A_36 = %scan3A_21 to %scan3A_23 step %scan3A_24 iter_args(%scan3A_37 = %scan3A_20) -> (i32)  : i32 {
        %jit3A = arith.constant 8 : i32
        %div3A = arith.divsi %scan3A_36, %jit3A : i32
        %sign3A = arith.constant 0 : i32
        %sign3A_38 = arith.cmpi sgt, %scan3A_36, %sign3A : i32
        %sign3A_39 = arith.extui %sign3A_38 : i1 to i32
        %sign3A_40 = arith.constant 0 : i32
        %sign3A_41 = arith.cmpi slt, %scan3A_36, %sign3A_40 : i32
        %sign3A_42 = arith.extui %sign3A_41 : i1 to i32
        %sign3A_43 = arith.subi %sign3A_39, %sign3A_42 : i32
        %sign3A_44 = arith.constant 0 : i32
        %sign3A_45 = arith.cmpi sgt, %jit3A, %sign3A_44 : i32
        %sign3A_46 = arith.extui %sign3A_45 : i1 to i32
        %sign3A_47 = arith.constant 0 : i32
        %sign3A_48 = arith.cmpi slt, %jit3A, %sign3A_47 : i32
        %sign3A_49 = arith.extui %sign3A_48 : i1 to i32
        %sign3A_50 = arith.subi %sign3A_46, %sign3A_49 : i32
        %ne3A = arith.cmpi ne, %sign3A_43, %sign3A_50 : i32
        %rem3A = arith.remsi %scan3A_36, %jit3A : i32
        %ne3A_51 = arith.constant 0 : i32
        %ne3A_52 = arith.cmpi ne, %rem3A, %ne3A_51 : i32
        %and3A = arith.andi %ne3A, %ne3A_52 : i1
        %sub3A = arith.constant 1 : i32
        %sub3A_53 = arith.subi %div3A, %sub3A : i32
        %select_n3A = arith.select %and3A, %sub3A_53, %div3A : i32
        %jit3A_54 = arith.constant 8 : i32
        %eq3A = arith.constant 0 : i32
        %eq3A_55 = arith.cmpi eq, %jit3A_54, %eq3A : i32
        %jit3A_56 = arith.constant 1 : i32
        %select_n3A_57 = arith.select %eq3A_55, %jit3A_56, %jit3A_54 : i32
        %rem3A_58 = arith.remsi %scan3A_36, %select_n3A_57 : i32
        %ne3A_59 = arith.constant 0 : i32
        %ne3A_60 = arith.cmpi ne, %rem3A_58, %ne3A_59 : i32
        %lt3A_61 = arith.constant 0 : i32
        %lt3A_62 = arith.cmpi slt, %rem3A_58, %lt3A_61 : i32
        %lt3A_63 = arith.constant 0 : i32
        %lt3A_64 = arith.cmpi slt, %select_n3A_57, %lt3A_63 : i32
        %ne3A_65 = arith.xori %lt3A_62, %lt3A_64 : i1
        %and3A_66 = arith.andi %ne3A_65, %ne3A_60 : i1
        %add3A_67 = arith.addi %rem3A_58, %select_n3A_57 : i32
        %select_n3A_68 = arith.select %and3A_66, %add3A_67, %rem3A_58 : i32
        %mul3A_69 = arith.constant 16 : i32
        %mul3A_70 = arith.muli %select_n3A_68, %mul3A_69 : i32
        %broadcast_in_dim3A = arith.constant 0.000000e+00 : f32
        %broadcast_in_dim3A_71 = vector.broadcast %broadcast_in_dim3A : f32 to vector<16xf32>
        %swap3A = arith.index_cast %select_n3A : i32 to index
        %swap3A_72 = arith.index_cast %mul3A_70 : i32 to index
        %swap3A_73 = tpu.vector_load %arg10[%swap3A, %swap3A_72] {strides = array<i32>} : memref<8x128xf32, #tpu.memory_space<vmem>>, vector<16xf32>,
        tpu.vector_store %arg10[%swap3A, %swap3A_72], %broadcast_in_dim3A_71 {strides = array<i32>} : memref<8x128xf32, #tpu.memory_space<vmem>>, vector<16xf32>,
        %scan3A_74 = arith.constant 0 : i32
        scf.yield %scan3A_74 : i32
      }
      %scan3A_26 = arith.constant 64 : i32
      %scan3A_27 = arith.constant 0 : i32
      %scan3A_28 = arith.constant 0 : i32
      %scan3A_29 = arith.constant 16 : i32
      %scan3A_30 = arith.addi %scan3A_28, %scan3A_29 : i32
      %scan3A_31 = arith.constant 1 : i32
      %scan3A_32 = scf.for %scan3A_36 = %scan3A_28 to %scan3A_30 step %scan3A_31 iter_args(%scan3A_37 = %scan3A_27) -> (i32)  : i32 {
        %mul3A_38 = arith.constant 8 : i32
        %mul3A_39 = arith.muli %arg1, %mul3A_38 : i32
        "tpu.region"() ({
          %run_scoped3A = tpu.sem_alloc : memref<!tpu.dma_semaphore, #tpu.memory_space<semaphore_mem>>
          %dma_start3A = arith.constant 0 : i32
          %dma_start3A_48 = tpu.memref_slice %arg12[%scan3A_36, %mul3A_39, %dma_start3A] : memref<16x80x128xf32, #tpu.memory_space<vmem_shared>> -> memref<1x8x128xf32, #tpu.memory_space<vmem_shared>>
          %dma_start3A_49 = tpu.memref_squeeze %dma_start3A_48 : memref<1x8x128xf32, #tpu.memory_space<vmem_shared>> -> memref<8x128xf32, #tpu.memory_space<vmem_shared>>
          %dma_start3A_50 = arith.constant 0 : i32
          %dma_start3A_51 = tpu.memref_slice %arg12[%scan3A_36, %mul3A_39, %dma_start3A_50] : memref<16x80x128xf32, #tpu.memory_space<vmem_shared>> -> memref<1x8x128xf32, #tpu.memory_space<vmem_shared>>
          %dma_start3A_52 = tpu.memref_squeeze %dma_start3A_51 : memref<1x8x128xf32, #tpu.memory_space<vmem_shared>> -> memref<8x128xf32, #tpu.memory_space<vmem_shared>>
          tpu.enqueue_dma source(%dma_start3A_52 : memref<8x128xf32, #tpu.memory_space<vmem_shared>>) target(%arg11 : memref<8x128xf32, #tpu.memory_space<vmem>>) target_semaphore(%run_scoped3A : memref<!tpu.dma_semaphore, #tpu.memory_space<semaphore_mem>>)
          %dma_wait3A = arith.constant 0 : i32
          %dma_wait3A_53 = tpu.memref_slice %arg12[%scan3A_36, %mul3A_39, %dma_wait3A] : memref<16x80x128xf32, #tpu.memory_space<vmem_shared>> -> memref<1x8x128xf32, #tpu.memory_space<vmem_shared>>
          %dma_wait3A_54 = tpu.memref_squeeze %dma_wait3A_53 : memref<1x8x128xf32, #tpu.memory_space<vmem_shared>> -> memref<8x128xf32, #tpu.memory_space<vmem_shared>>
          %dma_wait3A_55 = arith.constant 0 : i32
          %dma_wait3A_56 = tpu.memref_slice %arg12[%scan3A_36, %mul3A_39, %dma_wait3A_55] : memref<16x80x128xf32, #tpu.memory_space<vmem_shared>> -> memref<1x8x128xf32, #tpu.memory_space<vmem_shared>>
          %dma_wait3A_57 = tpu.memref_squeeze %dma_wait3A_56 : memref<1x8x128xf32, #tpu.memory_space<vmem_shared>> -> memref<8x128xf32, #tpu.memory_space<vmem_shared>>
          tpu.wait_dma2 semaphore(%run_scoped3A : memref<!tpu.dma_semaphore, #tpu.memory_space<semaphore_mem>>) src(%dma_wait3A_57 : memref<8x128xf32, #tpu.memory_space<vmem_shared>>) dst(%arg11 : memref<8x128xf32, #tpu.memory_space<vmem>>)
          tpu.yield
        }) : () -> ()
        %scan3A_40 = arith.constant 0 : i32
        %scan3A_41 = arith.constant 0 : i32
        %scan3A_42 = arith.constant 64 : i32
        %scan3A_43 = arith.addi %scan3A_41, %scan3A_42 : i32
        %scan3A_44 = arith.constant 1 : i32
        %scan3A_45 = scf.for %scan3A_48 = %scan3A_41 to %scan3A_43 step %scan3A_44 iter_args(%scan3A_49 = %scan3A_40) -> (i32)  : i32 {
          %jit3A = arith.constant 8 : i32
          %div3A = arith.divsi %scan3A_48, %jit3A : i32
          %sign3A = arith.constant 0 : i32
          %sign3A_50 = arith.cmpi sgt, %scan3A_48, %sign3A : i32
          %sign3A_51 = arith.extui %sign3A_50 : i1 to i32
          %sign3A_52 = arith.constant 0 : i32
          %sign3A_53 = arith.cmpi slt, %scan3A_48, %sign3A_52 : i32
          %sign3A_54 = arith.extui %sign3A_53 : i1 to i32
          %sign3A_55 = arith.subi %sign3A_51, %sign3A_54 : i32
          %sign3A_56 = arith.constant 0 : i32
          %sign3A_57 = arith.cmpi sgt, %jit3A, %sign3A_56 : i32
          %sign3A_58 = arith.extui %sign3A_57 : i1 to i32
          %sign3A_59 = arith.constant 0 : i32
          %sign3A_60 = arith.cmpi slt, %jit3A, %sign3A_59 : i32
          %sign3A_61 = arith.extui %sign3A_60 : i1 to i32
          %sign3A_62 = arith.subi %sign3A_58, %sign3A_61 : i32
          %ne3A = arith.cmpi ne, %sign3A_55, %sign3A_62 : i32
          %rem3A = arith.remsi %scan3A_48, %jit3A : i32
          %ne3A_63 = arith.constant 0 : i32
          %ne3A_64 = arith.cmpi ne, %rem3A, %ne3A_63 : i32
          %and3A = arith.andi %ne3A, %ne3A_64 : i1
          %sub3A = arith.constant 1 : i32
          %sub3A_65 = arith.subi %div3A, %sub3A : i32
          %select_n3A = arith.select %and3A, %sub3A_65, %div3A : i32
          %jit3A_66 = arith.constant 8 : i32
          %eq3A = arith.constant 0 : i32
          %eq3A_67 = arith.cmpi eq, %jit3A_66, %eq3A : i32
          %jit3A_68 = arith.constant 1 : i32
          %select_n3A_69 = arith.select %eq3A_67, %jit3A_68, %jit3A_66 : i32
          %rem3A_70 = arith.remsi %scan3A_48, %select_n3A_69 : i32
          %ne3A_71 = arith.constant 0 : i32
          %ne3A_72 = arith.cmpi ne, %rem3A_70, %ne3A_71 : i32
          %lt3A_73 = arith.constant 0 : i32
          %lt3A_74 = arith.cmpi slt, %rem3A_70, %lt3A_73 : i32
          %lt3A_75 = arith.constant 0 : i32
          %lt3A_76 = arith.cmpi slt, %select_n3A_69, %lt3A_75 : i32
          %ne3A_77 = arith.xori %lt3A_74, %lt3A_76 : i1
          %and3A_78 = arith.andi %ne3A_77, %ne3A_72 : i1
          %add3A_79 = arith.addi %rem3A_70, %select_n3A_69 : i32
          %select_n3A_80 = arith.select %and3A_78, %add3A_79, %rem3A_70 : i32
          %mul3A_81 = arith.constant 16 : i32
          %mul3A_82 = arith.muli %select_n3A_80, %mul3A_81 : i32
          %get3A = arith.index_cast %select_n3A : i32 to index
          %get3A_83 = arith.index_cast %mul3A_82 : i32 to index
          %get3A_84 = tpu.vector_load %arg10[%get3A, %get3A_83] {strides = array<i32>} : memref<8x128xf32, #tpu.memory_space<vmem>>, vector<16xf32>,
          %get3A_85 = arith.index_cast %select_n3A : i32 to index
          %get3A_86 = arith.index_cast %mul3A_82 : i32 to index
          %get3A_87 = tpu.vector_load %arg11[%get3A_85, %get3A_86] {strides = array<i32>} : memref<8x128xf32, #tpu.memory_space<vmem>>, vector<16xf32>,
          %add3A_88 = arith.addf %get3A_84, %get3A_87 : vector<16xf32>
          %swap3A = arith.index_cast %select_n3A : i32 to index
          %swap3A_89 = arith.index_cast %mul3A_82 : i32 to index
          %swap3A_90 = tpu.vector_load %arg10[%swap3A, %swap3A_89] {strides = array<i32>} : memref<8x128xf32, #tpu.memory_space<vmem>>, vector<16xf32>,
          tpu.vector_store %arg10[%swap3A, %swap3A_89], %add3A_88 {strides = array<i32>} : memref<8x128xf32, #tpu.memory_space<vmem>>, vector<16xf32>,
          %scan3A_91 = arith.constant 0 : i32
          scf.yield %scan3A_91 : i32
        }
        %scan3A_46 = arith.constant 64 : i32
        %scan3A_47 = arith.constant 0 : i32
        scf.yield %scan3A_47 : i32
      }
      %scan3A_33 = arith.constant 16 : i32
      %mul3A_34 = arith.constant 8 : i32
      %mul3A_35 = arith.muli %arg1, %mul3A_34 : i32
      "tpu.region"() ({
        %run_scoped3A = tpu.sem_alloc : memref<!tpu.dma_semaphore, #tpu.memory_space<semaphore_mem>>
        %dma_start3A = arith.constant 0 : i32
        %dma_start3A_36 = tpu.memref_slice %arg5[%arg0, %mul3A_35, %dma_start3A] : memref<2x80x128xf32, #tpu.memory_space<hbm>> -> memref<1x8x128xf32, #tpu.memory_space<hbm>>
        %dma_start3A_37 = tpu.memref_squeeze %dma_start3A_36 : memref<1x8x128xf32, #tpu.memory_space<hbm>> -> memref<8x128xf32, #tpu.memory_space<hbm>>
        %dma_start3A_38 = arith.constant 0 : i32
        %dma_start3A_39 = tpu.memref_slice %arg5[%arg0, %mul3A_35, %dma_start3A_38] : memref<2x80x128xf32, #tpu.memory_space<hbm>> -> memref<1x8x128xf32, #tpu.memory_space<hbm>>
        %dma_start3A_40 = tpu.memref_squeeze %dma_start3A_39 : memref<1x8x128xf32, #tpu.memory_space<hbm>> -> memref<8x128xf32, #tpu.memory_space<hbm>>
        tpu.enqueue_dma source(%arg10 : memref<8x128xf32, #tpu.memory_space<vmem>>) target(%dma_start3A_40 : memref<8x128xf32, #tpu.memory_space<hbm>>) target_semaphore(%run_scoped3A : memref<!tpu.dma_semaphore, #tpu.memory_space<semaphore_mem>>)
        %dma_wait3A = arith.constant 0 : i32
        %dma_wait3A_41 = tpu.memref_slice %arg5[%arg0, %mul3A_35, %dma_wait3A] : memref<2x80x128xf32, #tpu.memory_space<hbm>> -> memref<1x8x128xf32, #tpu.memory_space<hbm>>
        %dma_wait3A_42 = tpu.memref_squeeze %dma_wait3A_41 : memref<1x8x128xf32, #tpu.memory_space<hbm>> -> memref<8x128xf32, #tpu.memory_space<hbm>>
        %dma_wait3A_43 = arith.constant 0 : i32
        %dma_wait3A_44 = tpu.memref_slice %arg5[%arg0, %mul3A_35, %dma_wait3A_43] : memref<2x80x128xf32, #tpu.memory_space<hbm>> -> memref<1x8x128xf32, #tpu.memory_space<hbm>>
        %dma_wait3A_45 = tpu.memref_squeeze %dma_wait3A_44 : memref<1x8x128xf32, #tpu.memory_space<hbm>> -> memref<8x128xf32, #tpu.memory_space<hbm>>
        tpu.wait_dma2 semaphore(%run_scoped3A : memref<!tpu.dma_semaphore, #tpu.memory_space<semaphore_mem>>) src(%arg10 : memref<8x128xf32, #tpu.memory_space<vmem>>) dst(%dma_wait3A_45 : memref<8x128xf32, #tpu.memory_space<hbm>>)
        tpu.yield
      }) : () -> ()
    } else {
    }
    return
  }
}

module attributes {stable_mosaic.version = 14 : i64} {
  func.func @_tc_dense1_body(%arg0: i32, %arg1: memref<512x128xf32, #tpu.memory_space<vmem>>, %arg2: memref<512x128xf32, #tpu.memory_space<vmem>>, %arg3: memref<512x1xf32, #tpu.memory_space<vmem>>, %arg4: memref<512x128xf32, #tpu.memory_space<vmem>>, %arg5: memref<128x128xf32, #tpu.memory_space<vmem>>, %arg6: memref<1x128xf32, #tpu.memory_space<vmem>>, %arg7: memref<128x128xf32, #tpu.memory_space<vmem>>, %arg8: memref<512x128xf32, #tpu.memory_space<vmem>>, %arg9: memref<2x128xf32, #tpu.memory_space<vmem>>) attributes {dimension_semantics = [#tpu.dimension_semantics<arbitrary>], iteration_bounds = array<i64: 20>, scalar_prefetch = 0 : i64, scratch_operands = 0 : i64, tpu.core_type = #tpu.core_type<tc>, window_params = [{transform_indices = @transform_0, window_bounds = array<i64: 512, 128>}, {transform_indices = @transform_1, window_bounds = array<i64: 512, 128>}, {transform_indices = @transform_2, window_bounds = array<i64: 512, 1>}, {transform_indices = @transform_3, window_bounds = array<i64: 512, 128>}, {pipeline_mode = #tpu.pipeline_mode<synchronous>, transform_indices = @transform_4, window_bounds = array<i64: 128, 128>}, {pipeline_mode = #tpu.pipeline_mode<synchronous>, transform_indices = @transform_5, window_bounds = array<i64: 1, 128>}, {pipeline_mode = #tpu.pipeline_mode<synchronous>, transform_indices = @transform_6, window_bounds = array<i64: 128, 128>}, {transform_indices = @transform_7, window_bounds = array<i64: 512, 128>}, {pipeline_mode = #tpu.pipeline_mode<synchronous>, transform_indices = @transform_8, window_bounds = array<i64: 2, 128>}]} {
    %eq3A = arith.constant 0 : i32
    %eq3A_0 = arith.cmpi eq, %arg0, %eq3A : i32
    %convert_element_type3A = arith.extui %eq3A_0 : i1 to i32
    %cond3A = arith.constant 0 : i32
    %cond3A_1 = arith.cmpi ne, %convert_element_type3A, %cond3A : i32
    scf.if %cond3A_1 {
      %broadcast_in_dim3A_60 = arith.constant 0.000000e+00 : f32
      %broadcast_in_dim3A_61 = vector.broadcast %broadcast_in_dim3A_60 : f32 to vector<2x128xf32>
      %swap3A_62 = arith.constant 0 : index
      %swap3A_63 = arith.constant 0 : index
      %swap3A_64 = vector.load %arg9[%swap3A_62, %swap3A_63] : memref<2x128xf32, #tpu.memory_space<vmem>>, vector<2x128xf32>
      tpu.vector_store %arg9[%swap3A_62, %swap3A_63], %broadcast_in_dim3A_61 {strides = array<i32>} : memref<2x128xf32, #tpu.memory_space<vmem>>, vector<2x128xf32>,
    } else {
    }
    %get3A = arith.constant 0 : index
    %get3A_2 = arith.constant 0 : index
    %get3A_3 = vector.load %arg1[%get3A, %get3A_2] : memref<512x128xf32, #tpu.memory_space<vmem>>, vector<512x128xf32>
    %get3A_4 = arith.constant 0 : index
    %get3A_5 = arith.constant 0 : index
    %get3A_6 = vector.load %arg2[%get3A_4, %get3A_5] : memref<512x128xf32, #tpu.memory_space<vmem>>, vector<512x128xf32>
    %add3A = arith.addf %get3A_3, %get3A_6 : vector<512x128xf32>
    %get3A_7 = arith.constant 0 : index
    %get3A_8 = arith.constant 0 : index
    %get3A_9 = vector.load %arg3[%get3A_7, %get3A_8] : memref<512x1xf32, #tpu.memory_space<vmem>>, vector<512x1xf32>
    %max3A = arith.constant 1.000000e+00 : f32
    %max3A_10 = vector.broadcast %max3A : f32 to vector<512x1xf32>
    %max3A_11 = arith.maximumf %get3A_9, %max3A_10 : vector<512x1xf32>
    %div3A = vector.broadcast %max3A_11 : vector<512x1xf32> to vector<512x128xf32>
    %div3A_12 = arith.divf %add3A, %div3A : vector<512x128xf32>
    %get3A_13 = arith.constant 0 : index
    %get3A_14 = arith.constant 0 : index
    %get3A_15 = vector.load %arg5[%get3A_13, %get3A_14] : memref<128x128xf32, #tpu.memory_space<vmem>>, vector<128x128xf32>
    %dot_general3A = arith.constant dense<0.000000e+00> : vector<512x128xf32>
    %dot_general3A_16 = tpu.matmul %div3A_12, %get3A_15, %dot_general3A {dimension_numbers = #tpu.dot_dimension_numbers<[1], [1], [0], [0], [0, 0, 1, 0], [], []>, precision = #tpu.contract_precision<fp32>, transpose_lhs_hint = false} : vector<512x128xf32>, vector<128x128xf32>, vector<512x128xf32> -> vector<512x128xf32>
    %get3A_17 = arith.constant 0 : index
    %get3A_18 = arith.constant 0 : index
    %get3A_19 = vector.load %arg6[%get3A_17, %get3A_18] : memref<1x128xf32, #tpu.memory_space<vmem>>, vector<1x128xf32>
    %add3A_20 = vector.broadcast %get3A_19 : vector<1x128xf32> to vector<512x128xf32>
    %add3A_21 = arith.addf %dot_general3A_16, %add3A_20 : vector<512x128xf32>
    %get3A_22 = arith.constant 0 : index
    %get3A_23 = arith.constant 0 : index
    %get3A_24 = vector.load %arg4[%get3A_22, %get3A_23] : memref<512x128xf32, #tpu.memory_space<vmem>>, vector<512x128xf32>
    %get3A_25 = arith.constant 0 : index
    %get3A_26 = arith.constant 0 : index
    %get3A_27 = vector.load %arg7[%get3A_25, %get3A_26] : memref<128x128xf32, #tpu.memory_space<vmem>>, vector<128x128xf32>
    %dot_general3A_28 = arith.constant dense<0.000000e+00> : vector<512x128xf32>
    %dot_general3A_29 = tpu.matmul %get3A_24, %get3A_27, %dot_general3A_28 {dimension_numbers = #tpu.dot_dimension_numbers<[1], [1], [0], [0], [0, 0, 1, 0], [], []>, precision = #tpu.contract_precision<fp32>, transpose_lhs_hint = false} : vector<512x128xf32>, vector<128x128xf32>, vector<512x128xf32> -> vector<512x128xf32>
    %add3A_30 = arith.addf %add3A_21, %dot_general3A_29 : vector<512x128xf32>
    %mul3A = arith.constant 512 : i32
    %mul3A_31 = arith.muli %arg0, %mul3A : i32
    %iota3A = tpu.iota {dimensions = array<i32: 0>} : vector<512x1xi32>
    %add3A_32 = vector.broadcast %mul3A_31 : i32 to vector<512x1xi32>
    %add3A_33 = arith.addi %add3A_32, %iota3A : vector<512x1xi32>
    %lt3A = arith.constant 10000 : i32
    %lt3A_34 = vector.broadcast %lt3A : i32 to vector<512x1xi32>
    %lt3A_35 = arith.cmpi slt, %add3A_33, %lt3A_34 : vector<512x1xi32>
    %jit3A = arith.constant 0.000000e+00 : f32
    %broadcast_in_dim3A = vector.shape_cast %lt3A_35 : vector<512x1xi1> to vector<512x1xi1>
    %broadcast_in_dim3A_36 = vector.broadcast %broadcast_in_dim3A : vector<512x1xi1> to vector<512x128xi1>
    %broadcast_in_dim3A_37 = vector.broadcast %jit3A : f32 to vector<512x128xf32>
    %select_n3A = arith.select %broadcast_in_dim3A_36, %add3A_30, %broadcast_in_dim3A_37 : vector<512x128xi1>, vector<512x128xf32>
    %swap3A = arith.constant 0 : index
    %swap3A_38 = arith.constant 0 : index
    %swap3A_39 = vector.load %arg8[%swap3A, %swap3A_38] : memref<512x128xf32, #tpu.memory_space<vmem>>, vector<512x128xf32>
    tpu.vector_store %arg8[%swap3A, %swap3A_38], %select_n3A {strides = array<i32>} : memref<512x128xf32, #tpu.memory_space<vmem>>, vector<512x128xf32>,
    %get3A_40 = arith.constant 0 : index
    %get3A_41 = arith.constant 0 : index
    %get3A_42 = vector.load %arg9[%get3A_40, %get3A_41] : memref<2x128xf32, #tpu.memory_space<vmem>>, vector<1x128xf32>
    %reduce_sum3A = arith.constant dense<0.000000e+00> : vector<128xf32>
    %reduce_sum3A_43 = vector.multi_reduction <add>, %select_n3A, %reduce_sum3A [0] : vector<512x128xf32> to vector<128xf32>
    %broadcast_in_dim3A_44 = vector.shape_cast %reduce_sum3A_43 : vector<128xf32> to vector<1x128xf32>
    %add3A_45 = arith.addf %get3A_42, %broadcast_in_dim3A_44 : vector<1x128xf32>
    %swap3A_46 = arith.constant 0 : index
    %swap3A_47 = arith.constant 0 : index
    %swap3A_48 = vector.load %arg9[%swap3A_46, %swap3A_47] : memref<2x128xf32, #tpu.memory_space<vmem>>, vector<1x128xf32>
    tpu.vector_store %arg9[%swap3A_46, %swap3A_47], %add3A_45 {strides = array<i32>} : memref<2x128xf32, #tpu.memory_space<vmem>>, vector<1x128xf32>,
    %get3A_49 = arith.constant 1 : index
    %get3A_50 = arith.constant 0 : index
    %get3A_51 = vector.load %arg9[%get3A_49, %get3A_50] : memref<2x128xf32, #tpu.memory_space<vmem>>, vector<1x128xf32>
    %mul3A_52 = arith.mulf %select_n3A, %select_n3A : vector<512x128xf32>
    %reduce_sum3A_53 = arith.constant dense<0.000000e+00> : vector<128xf32>
    %reduce_sum3A_54 = vector.multi_reduction <add>, %mul3A_52, %reduce_sum3A_53 [0] : vector<512x128xf32> to vector<128xf32>
    %broadcast_in_dim3A_55 = vector.shape_cast %reduce_sum3A_54 : vector<128xf32> to vector<1x128xf32>
    %add3A_56 = arith.addf %get3A_51, %broadcast_in_dim3A_55 : vector<1x128xf32>
    %swap3A_57 = arith.constant 1 : index
    %swap3A_58 = arith.constant 0 : index
    %swap3A_59 = vector.load %arg9[%swap3A_57, %swap3A_58] : memref<2x128xf32, #tpu.memory_space<vmem>>, vector<1x128xf32>
    tpu.vector_store %arg9[%swap3A_57, %swap3A_58], %add3A_56 {strides = array<i32>} : memref<2x128xf32, #tpu.memory_space<vmem>>, vector<1x128xf32>,
    return
  }
  func.func @transform_0(%arg0: i32) -> (i32, i32) {
    %c0_i32 = arith.constant 0 : i32
    %c0_i32_0 = arith.constant 0 : i32
    return %arg0, %c0_i32 : i32, i32
  }
  func.func @transform_1(%arg0: i32) -> (i32, i32) {
    %c0_i32 = arith.constant 0 : i32
    %c0_i32_0 = arith.constant 0 : i32
    return %arg0, %c0_i32 : i32, i32
  }
  func.func @transform_2(%arg0: i32) -> (i32, i32) {
    %c0_i32 = arith.constant 0 : i32
    %c0_i32_0 = arith.constant 0 : i32
    return %arg0, %c0_i32 : i32, i32
  }
  func.func @transform_3(%arg0: i32) -> (i32, i32) {
    %c0_i32 = arith.constant 0 : i32
    %c0_i32_0 = arith.constant 0 : i32
    return %arg0, %c0_i32 : i32, i32
  }
  func.func @transform_4(%arg0: i32) -> (i32, i32) {
    %c0_i32 = arith.constant 0 : i32
    %c0_i32_0 = arith.constant 0 : i32
    %c0_i32_1 = arith.constant 0 : i32
    return %c0_i32, %c0_i32_0 : i32, i32
  }
  func.func @transform_5(%arg0: i32) -> (i32, i32) {
    %c0_i32 = arith.constant 0 : i32
    %c0_i32_0 = arith.constant 0 : i32
    %c0_i32_1 = arith.constant 0 : i32
    return %c0_i32, %c0_i32_0 : i32, i32
  }
  func.func @transform_6(%arg0: i32) -> (i32, i32) {
    %c0_i32 = arith.constant 0 : i32
    %c0_i32_0 = arith.constant 0 : i32
    %c0_i32_1 = arith.constant 0 : i32
    return %c0_i32, %c0_i32_0 : i32, i32
  }
  func.func @transform_7(%arg0: i32) -> (i32, i32) {
    %c0_i32 = arith.constant 0 : i32
    %c0_i32_0 = arith.constant 0 : i32
    return %arg0, %c0_i32 : i32, i32
  }
  func.func @transform_8(%arg0: i32) -> (i32, i32) {
    %c0_i32 = arith.constant 0 : i32
    %c0_i32_0 = arith.constant 0 : i32
    %c0_i32_1 = arith.constant 0 : i32
    return %c0_i32, %c0_i32_0 : i32, i32
  }
}

module attributes {stable_mosaic.version = 14 : i64} {
  func.func @_tc_dense2_body(%arg0: i32, %arg1: memref<512x128xf32, #tpu.memory_space<vmem>>, %arg2: memref<2x128xf32, #tpu.memory_space<vmem>>, %arg3: memref<1x128xf32, #tpu.memory_space<vmem>>, %arg4: memref<1x128xf32, #tpu.memory_space<vmem>>, %arg5: memref<512x128xf32, #tpu.memory_space<vmem>>) attributes {dimension_semantics = [#tpu.dimension_semantics<arbitrary>], iteration_bounds = array<i64: 20>, scalar_prefetch = 0 : i64, scratch_operands = 0 : i64, tpu.core_type = #tpu.core_type<tc>, window_params = [{transform_indices = @transform_0, window_bounds = array<i64: 512, 128>}, {pipeline_mode = #tpu.pipeline_mode<synchronous>, transform_indices = @transform_1, window_bounds = array<i64: 2, 128>}, {pipeline_mode = #tpu.pipeline_mode<synchronous>, transform_indices = @transform_2, window_bounds = array<i64: 1, 128>}, {pipeline_mode = #tpu.pipeline_mode<synchronous>, transform_indices = @transform_3, window_bounds = array<i64: 1, 128>}, {transform_indices = @transform_4, window_bounds = array<i64: 512, 128>}]} {
    %get3A = arith.constant 0 : index
    %get3A_0 = arith.constant 0 : index
    %get3A_1 = vector.load %arg2[%get3A, %get3A_0] : memref<2x128xf32, #tpu.memory_space<vmem>>, vector<1x128xf32>
    %reduce_sum3A = vector.shape_cast %get3A_1 : vector<1x128xf32> to vector<1x1x128xf32>
    %reduce_sum3A_2 = arith.constant dense<0.000000e+00> : vector<1xf32>
    %reduce_sum3A_3 = vector.multi_reduction <add>, %reduce_sum3A, %reduce_sum3A_2 [1, 2] : vector<1x1x128xf32> to vector<1xf32>
    %reduce_sum3A_4 = vector.shape_cast %reduce_sum3A_3 : vector<1xf32> to vector<1x1x1xf32>
    %reduce_sum3A_5 = vector.extract %reduce_sum3A_4[0, 0, 0] : f32 from vector<1x1x1xf32>
    %div3A = arith.constant 1.280000e+06 : f32
    %div3A_6 = arith.divf %reduce_sum3A_5, %div3A : f32
    %get3A_7 = arith.constant 1 : index
    %get3A_8 = arith.constant 0 : index
    %get3A_9 = vector.load %arg2[%get3A_7, %get3A_8] : memref<2x128xf32, #tpu.memory_space<vmem>>, vector<1x128xf32>
    %reduce_sum3A_10 = vector.shape_cast %get3A_9 : vector<1x128xf32> to vector<1x1x128xf32>
    %reduce_sum3A_11 = arith.constant dense<0.000000e+00> : vector<1xf32>
    %reduce_sum3A_12 = vector.multi_reduction <add>, %reduce_sum3A_10, %reduce_sum3A_11 [1, 2] : vector<1x1x128xf32> to vector<1xf32>
    %reduce_sum3A_13 = vector.shape_cast %reduce_sum3A_12 : vector<1xf32> to vector<1x1x1xf32>
    %reduce_sum3A_14 = vector.extract %reduce_sum3A_13[0, 0, 0] : f32 from vector<1x1x1xf32>
    %div3A_15 = arith.constant 1.280000e+06 : f32
    %div3A_16 = arith.divf %reduce_sum3A_14, %div3A_15 : f32
    %mul3A = arith.mulf %div3A_6, %div3A_6 : f32
    %sub3A = arith.subf %div3A_16, %mul3A : f32
    %add3A = arith.constant 9.99999974E-6 : f32
    %add3A_17 = arith.addf %sub3A, %add3A : f32
    %rsqrt3A = math.rsqrt %add3A_17 : f32
    %get3A_18 = arith.constant 0 : index
    %get3A_19 = arith.constant 0 : index
    %get3A_20 = vector.load %arg1[%get3A_18, %get3A_19] : memref<512x128xf32, #tpu.memory_space<vmem>>, vector<512x128xf32>
    %sub3A_21 = vector.broadcast %div3A_6 : f32 to vector<512x128xf32>
    %sub3A_22 = arith.subf %get3A_20, %sub3A_21 : vector<512x128xf32>
    %mul3A_23 = vector.broadcast %rsqrt3A : f32 to vector<512x128xf32>
    %mul3A_24 = arith.mulf %sub3A_22, %mul3A_23 : vector<512x128xf32>
    %get3A_25 = arith.constant 0 : index
    %get3A_26 = arith.constant 0 : index
    %get3A_27 = vector.load %arg3[%get3A_25, %get3A_26] : memref<1x128xf32, #tpu.memory_space<vmem>>, vector<1x128xf32>
    %mul3A_28 = vector.broadcast %get3A_27 : vector<1x128xf32> to vector<512x128xf32>
    %mul3A_29 = arith.mulf %mul3A_24, %mul3A_28 : vector<512x128xf32>
    %get3A_30 = arith.constant 0 : index
    %get3A_31 = arith.constant 0 : index
    %get3A_32 = vector.load %arg4[%get3A_30, %get3A_31] : memref<1x128xf32, #tpu.memory_space<vmem>>, vector<1x128xf32>
    %add3A_33 = vector.broadcast %get3A_32 : vector<1x128xf32> to vector<512x128xf32>
    %add3A_34 = arith.addf %mul3A_29, %add3A_33 : vector<512x128xf32>
    %max3A = arith.constant 0.000000e+00 : f32
    %max3A_35 = vector.broadcast %max3A : f32 to vector<512x128xf32>
    %max3A_36 = arith.maximumf %add3A_34, %max3A_35 : vector<512x128xf32>
    %mul3A_37 = arith.constant 512 : i32
    %mul3A_38 = arith.muli %arg0, %mul3A_37 : i32
    %iota3A = tpu.iota {dimensions = array<i32: 0>} : vector<512x1xi32>
    %add3A_39 = vector.broadcast %mul3A_38 : i32 to vector<512x1xi32>
    %add3A_40 = arith.addi %add3A_39, %iota3A : vector<512x1xi32>
    %lt3A = arith.constant 10000 : i32
    %lt3A_41 = vector.broadcast %lt3A : i32 to vector<512x1xi32>
    %lt3A_42 = arith.cmpi slt, %add3A_40, %lt3A_41 : vector<512x1xi32>
    %jit3A = arith.constant 0.000000e+00 : f32
    %broadcast_in_dim3A = vector.shape_cast %lt3A_42 : vector<512x1xi1> to vector<512x1xi1>
    %broadcast_in_dim3A_43 = vector.broadcast %broadcast_in_dim3A : vector<512x1xi1> to vector<512x128xi1>
    %broadcast_in_dim3A_44 = vector.broadcast %jit3A : f32 to vector<512x128xf32>
    %select_n3A = arith.select %broadcast_in_dim3A_43, %max3A_36, %broadcast_in_dim3A_44 : vector<512x128xi1>, vector<512x128xf32>
    %swap3A = arith.constant 0 : index
    %swap3A_45 = arith.constant 0 : index
    %swap3A_46 = vector.load %arg5[%swap3A, %swap3A_45] : memref<512x128xf32, #tpu.memory_space<vmem>>, vector<512x128xf32>
    tpu.vector_store %arg5[%swap3A, %swap3A_45], %select_n3A {strides = array<i32>} : memref<512x128xf32, #tpu.memory_space<vmem>>, vector<512x128xf32>,
    return
  }
  func.func @transform_0(%arg0: i32) -> (i32, i32) {
    %c0_i32 = arith.constant 0 : i32
    %c0_i32_0 = arith.constant 0 : i32
    return %arg0, %c0_i32 : i32, i32
  }
  func.func @transform_1(%arg0: i32) -> (i32, i32) {
    %c0_i32 = arith.constant 0 : i32
    %c0_i32_0 = arith.constant 0 : i32
    %c0_i32_1 = arith.constant 0 : i32
    return %c0_i32, %c0_i32_0 : i32, i32
  }
  func.func @transform_2(%arg0: i32) -> (i32, i32) {
    %c0_i32 = arith.constant 0 : i32
    %c0_i32_0 = arith.constant 0 : i32
    %c0_i32_1 = arith.constant 0 : i32
    return %c0_i32, %c0_i32_0 : i32, i32
  }
  func.func @transform_3(%arg0: i32) -> (i32, i32) {
    %c0_i32 = arith.constant 0 : i32
    %c0_i32_0 = arith.constant 0 : i32
    %c0_i32_1 = arith.constant 0 : i32
    return %c0_i32, %c0_i32_0 : i32, i32
  }
  func.func @transform_4(%arg0: i32) -> (i32, i32) {
    %c0_i32 = arith.constant 0 : i32
    %c0_i32_0 = arith.constant 0 : i32
    return %arg0, %c0_i32 : i32, i32
  }
}

module attributes {stable_mosaic.version = 14 : i64} {
  func.func @_tc_score_body(%arg0: i32, %arg1: memref<512x128xf32, #tpu.memory_space<vmem>>, %arg2: memref<512x128xf32, #tpu.memory_space<vmem>>, %arg3: memref<512x128xf32, #tpu.memory_space<vmem>>, %arg4: memref<1x128xf32, #tpu.memory_space<vmem>>, %arg5: memref<1x128xf32, #tpu.memory_space<vmem>>, %arg6: memref<1x128xf32, #tpu.memory_space<vmem>>, %arg7: memref<1x128xf32, #tpu.memory_space<vmem>>, %arg8: memref<1x128xf32, #tpu.memory_space<vmem>>, %arg9: memref<1x128xf32, #tpu.memory_space<vmem>>, %arg10: memref<512x1xf32, #tpu.memory_space<vmem>>, %arg11: memref<512x1xf32, #tpu.memory_space<vmem>>) attributes {dimension_semantics = [#tpu.dimension_semantics<arbitrary>], iteration_bounds = array<i64: 20>, scalar_prefetch = 0 : i64, scratch_operands = 0 : i64, tpu.core_type = #tpu.core_type<tc>, window_params = [{transform_indices = @transform_0, window_bounds = array<i64: 512, 128>}, {transform_indices = @transform_1, window_bounds = array<i64: 512, 128>}, {transform_indices = @transform_2, window_bounds = array<i64: 512, 128>}, {pipeline_mode = #tpu.pipeline_mode<synchronous>, transform_indices = @transform_3, window_bounds = array<i64: 1, 128>}, {pipeline_mode = #tpu.pipeline_mode<synchronous>, transform_indices = @transform_4, window_bounds = array<i64: 1, 128>}, {pipeline_mode = #tpu.pipeline_mode<synchronous>, transform_indices = @transform_5, window_bounds = array<i64: 1, 128>}, {pipeline_mode = #tpu.pipeline_mode<synchronous>, transform_indices = @transform_6, window_bounds = array<i64: 1, 128>}, {pipeline_mode = #tpu.pipeline_mode<synchronous>, transform_indices = @transform_7, window_bounds = array<i64: 1, 128>}, {pipeline_mode = #tpu.pipeline_mode<synchronous>, transform_indices = @transform_8, window_bounds = array<i64: 1, 128>}, {transform_indices = @transform_9, window_bounds = array<i64: 512, 1>}, {transform_indices = @transform_10, window_bounds = array<i64: 512, 1>}]} {
    %get3A = arith.constant 0 : index
    %get3A_0 = arith.constant 0 : index
    %get3A_1 = vector.load %arg1[%get3A, %get3A_0] : memref<512x128xf32, #tpu.memory_space<vmem>>, vector<512x128xf32>
    %get3A_2 = arith.constant 0 : index
    %get3A_3 = arith.constant 0 : index
    %get3A_4 = vector.load %arg4[%get3A_2, %get3A_3] : memref<1x128xf32, #tpu.memory_space<vmem>>, vector<1x128xf32>
    %dot_general3A = arith.constant dense<0.000000e+00> : vector<512x1xf32>
    %dot_general3A_5 = tpu.matmul %get3A_1, %get3A_4, %dot_general3A {dimension_numbers = #tpu.dot_dimension_numbers<[1], [1], [0], [0], [0, 0, 1, 0], [], []>, precision = #tpu.contract_precision<fp32>, transpose_lhs_hint = false} : vector<512x128xf32>, vector<1x128xf32>, vector<512x1xf32> -> vector<512x1xf32>
    %get3A_6 = arith.constant 0 : index
    %get3A_7 = arith.constant 0 : index
    %get3A_8 = vector.load %arg2[%get3A_6, %get3A_7] : memref<512x128xf32, #tpu.memory_space<vmem>>, vector<512x128xf32>
    %get3A_9 = arith.constant 0 : index
    %get3A_10 = arith.constant 0 : index
    %get3A_11 = vector.load %arg5[%get3A_9, %get3A_10] : memref<1x128xf32, #tpu.memory_space<vmem>>, vector<1x128xf32>
    %dot_general3A_12 = arith.constant dense<0.000000e+00> : vector<512x1xf32>
    %dot_general3A_13 = tpu.matmul %get3A_8, %get3A_11, %dot_general3A_12 {dimension_numbers = #tpu.dot_dimension_numbers<[1], [1], [0], [0], [0, 0, 1, 0], [], []>, precision = #tpu.contract_precision<fp32>, transpose_lhs_hint = false} : vector<512x128xf32>, vector<1x128xf32>, vector<512x1xf32> -> vector<512x1xf32>
    %add3A = arith.addf %dot_general3A_5, %dot_general3A_13 : vector<512x1xf32>
    %get3A_14 = arith.constant 0 : index
    %get3A_15 = arith.constant 0 : index
    %get3A_16 = vector.load %arg3[%get3A_14, %get3A_15] : memref<512x128xf32, #tpu.memory_space<vmem>>, vector<512x128xf32>
    %get3A_17 = arith.constant 0 : index
    %get3A_18 = arith.constant 0 : index
    %get3A_19 = vector.load %arg6[%get3A_17, %get3A_18] : memref<1x128xf32, #tpu.memory_space<vmem>>, vector<1x128xf32>
    %dot_general3A_20 = arith.constant dense<0.000000e+00> : vector<512x1xf32>
    %dot_general3A_21 = tpu.matmul %get3A_16, %get3A_19, %dot_general3A_20 {dimension_numbers = #tpu.dot_dimension_numbers<[1], [1], [0], [0], [0, 0, 1, 0], [], []>, precision = #tpu.contract_precision<fp32>, transpose_lhs_hint = false} : vector<512x128xf32>, vector<1x128xf32>, vector<512x1xf32> -> vector<512x1xf32>
    %add3A_22 = arith.addf %add3A, %dot_general3A_21 : vector<512x1xf32>
    %swap3A = arith.constant 0 : index
    %swap3A_23 = arith.constant 0 : index
    %swap3A_24 = vector.load %arg10[%swap3A, %swap3A_23] : memref<512x1xf32, #tpu.memory_space<vmem>>, vector<512x1xf32>
    tpu.vector_store %arg10[%swap3A, %swap3A_23], %add3A_22 {strides = array<i32>} : memref<512x1xf32, #tpu.memory_space<vmem>>, vector<512x1xf32>,
    %get3A_25 = arith.constant 0 : index
    %get3A_26 = arith.constant 0 : index
    %get3A_27 = vector.load %arg1[%get3A_25, %get3A_26] : memref<512x128xf32, #tpu.memory_space<vmem>>, vector<512x128xf32>
    %get3A_28 = arith.constant 0 : index
    %get3A_29 = arith.constant 0 : index
    %get3A_30 = vector.load %arg7[%get3A_28, %get3A_29] : memref<1x128xf32, #tpu.memory_space<vmem>>, vector<1x128xf32>
    %dot_general3A_31 = arith.constant dense<0.000000e+00> : vector<512x1xf32>
    %dot_general3A_32 = tpu.matmul %get3A_27, %get3A_30, %dot_general3A_31 {dimension_numbers = #tpu.dot_dimension_numbers<[1], [1], [0], [0], [0, 0, 1, 0], [], []>, precision = #tpu.contract_precision<fp32>, transpose_lhs_hint = false} : vector<512x128xf32>, vector<1x128xf32>, vector<512x1xf32> -> vector<512x1xf32>
    %get3A_33 = arith.constant 0 : index
    %get3A_34 = arith.constant 0 : index
    %get3A_35 = vector.load %arg2[%get3A_33, %get3A_34] : memref<512x128xf32, #tpu.memory_space<vmem>>, vector<512x128xf32>
    %get3A_36 = arith.constant 0 : index
    %get3A_37 = arith.constant 0 : index
    %get3A_38 = vector.load %arg8[%get3A_36, %get3A_37] : memref<1x128xf32, #tpu.memory_space<vmem>>, vector<1x128xf32>
    %dot_general3A_39 = arith.constant dense<0.000000e+00> : vector<512x1xf32>
    %dot_general3A_40 = tpu.matmul %get3A_35, %get3A_38, %dot_general3A_39 {dimension_numbers = #tpu.dot_dimension_numbers<[1], [1], [0], [0], [0, 0, 1, 0], [], []>, precision = #tpu.contract_precision<fp32>, transpose_lhs_hint = false} : vector<512x128xf32>, vector<1x128xf32>, vector<512x1xf32> -> vector<512x1xf32>
    %add3A_41 = arith.addf %dot_general3A_32, %dot_general3A_40 : vector<512x1xf32>
    %get3A_42 = arith.constant 0 : index
    %get3A_43 = arith.constant 0 : index
    %get3A_44 = vector.load %arg3[%get3A_42, %get3A_43] : memref<512x128xf32, #tpu.memory_space<vmem>>, vector<512x128xf32>
    %get3A_45 = arith.constant 0 : index
    %get3A_46 = arith.constant 0 : index
    %get3A_47 = vector.load %arg9[%get3A_45, %get3A_46] : memref<1x128xf32, #tpu.memory_space<vmem>>, vector<1x128xf32>
    %dot_general3A_48 = arith.constant dense<0.000000e+00> : vector<512x1xf32>
    %dot_general3A_49 = tpu.matmul %get3A_44, %get3A_47, %dot_general3A_48 {dimension_numbers = #tpu.dot_dimension_numbers<[1], [1], [0], [0], [0, 0, 1, 0], [], []>, precision = #tpu.contract_precision<fp32>, transpose_lhs_hint = false} : vector<512x128xf32>, vector<1x128xf32>, vector<512x1xf32> -> vector<512x1xf32>
    %add3A_50 = arith.addf %add3A_41, %dot_general3A_49 : vector<512x1xf32>
    %swap3A_51 = arith.constant 0 : index
    %swap3A_52 = arith.constant 0 : index
    %swap3A_53 = vector.load %arg11[%swap3A_51, %swap3A_52] : memref<512x1xf32, #tpu.memory_space<vmem>>, vector<512x1xf32>
    tpu.vector_store %arg11[%swap3A_51, %swap3A_52], %add3A_50 {strides = array<i32>} : memref<512x1xf32, #tpu.memory_space<vmem>>, vector<512x1xf32>,
    return
  }
  func.func @transform_0(%arg0: i32) -> (i32, i32) {
    %c0_i32 = arith.constant 0 : i32
    %c0_i32_0 = arith.constant 0 : i32
    return %arg0, %c0_i32 : i32, i32
  }
  func.func @transform_1(%arg0: i32) -> (i32, i32) {
    %c0_i32 = arith.constant 0 : i32
    %c0_i32_0 = arith.constant 0 : i32
    return %arg0, %c0_i32 : i32, i32
  }
  func.func @transform_2(%arg0: i32) -> (i32, i32) {
    %c0_i32 = arith.constant 0 : i32
    %c0_i32_0 = arith.constant 0 : i32
    return %arg0, %c0_i32 : i32, i32
  }
  func.func @transform_3(%arg0: i32) -> (i32, i32) {
    %c0_i32 = arith.constant 0 : i32
    %c0_i32_0 = arith.constant 0 : i32
    %c0_i32_1 = arith.constant 0 : i32
    return %c0_i32, %c0_i32_0 : i32, i32
  }
  func.func @transform_4(%arg0: i32) -> (i32, i32) {
    %c0_i32 = arith.constant 0 : i32
    %c0_i32_0 = arith.constant 0 : i32
    %c0_i32_1 = arith.constant 0 : i32
    return %c0_i32, %c0_i32_0 : i32, i32
  }
  func.func @transform_5(%arg0: i32) -> (i32, i32) {
    %c0_i32 = arith.constant 0 : i32
    %c0_i32_0 = arith.constant 0 : i32
    %c0_i32_1 = arith.constant 0 : i32
    return %c0_i32, %c0_i32_0 : i32, i32
  }
  func.func @transform_6(%arg0: i32) -> (i32, i32) {
    %c0_i32 = arith.constant 0 : i32
    %c0_i32_0 = arith.constant 0 : i32
    %c0_i32_1 = arith.constant 0 : i32
    return %c0_i32, %c0_i32_0 : i32, i32
  }
  func.func @transform_7(%arg0: i32) -> (i32, i32) {
    %c0_i32 = arith.constant 0 : i32
    %c0_i32_0 = arith.constant 0 : i32
    %c0_i32_1 = arith.constant 0 : i32
    return %c0_i32, %c0_i32_0 : i32, i32
  }
  func.func @transform_8(%arg0: i32) -> (i32, i32) {
    %c0_i32 = arith.constant 0 : i32
    %c0_i32_0 = arith.constant 0 : i32
    %c0_i32_1 = arith.constant 0 : i32
    return %c0_i32, %c0_i32_0 : i32, i32
  }
  func.func @transform_9(%arg0: i32) -> (i32, i32) {
    %c0_i32 = arith.constant 0 : i32
    %c0_i32_0 = arith.constant 0 : i32
    return %arg0, %c0_i32 : i32, i32
  }
  func.func @transform_10(%arg0: i32) -> (i32, i32) {
    %c0_i32 = arith.constant 0 : i32
    %c0_i32_0 = arith.constant 0 : i32
    return %arg0, %c0_i32 : i32, i32
  }
}

module attributes {stable_mosaic.version = 14 : i64} {
  func.func @_tc_final_body(%arg0: i32, %arg1: memref<80x128xf32, #tpu.memory_space<vmem>>, %arg2: memref<80x128xf32, #tpu.memory_space<vmem>>, %arg3: memref<80x128xf32, #tpu.memory_space<vmem>>, %arg4: memref<1x1xf32, #tpu.memory_space<vmem>>, %arg5: memref<128x128xf32, #tpu.memory_space<vmem>>, %arg6: memref<128x128xf32, #tpu.memory_space<vmem>>, %arg7: memref<128x128xf32, #tpu.memory_space<vmem>>, %arg8: memref<1x128xf32, #tpu.memory_space<vmem>>, %arg9: memref<1x128xf32, #tpu.memory_space<vmem>>, %arg10: memref<1x128xf32, #tpu.memory_space<vmem>>, %arg11: memref<80x128xf32, #tpu.memory_space<vmem>>) attributes {dimension_semantics = [#tpu.dimension_semantics<arbitrary>], iteration_bounds = array<i64: 80>, scalar_prefetch = 0 : i64, scratch_operands = 1 : i64, tpu.core_type = #tpu.core_type<tc>, window_params = [{pipeline_mode = #tpu.pipeline_mode<synchronous>, transform_indices = @transform_0, window_bounds = array<i64: 80, 128>}, {pipeline_mode = #tpu.pipeline_mode<synchronous>, transform_indices = @transform_1, window_bounds = array<i64: 80, 128>}, {pipeline_mode = #tpu.pipeline_mode<synchronous>, transform_indices = @transform_2, window_bounds = array<i64: 80, 128>}, {pipeline_mode = #tpu.pipeline_mode<synchronous>, transform_indices = @transform_3, window_bounds = array<i64: 1, 1>}, {transform_indices = @transform_4, window_bounds = array<i64: 128, 128>}, {transform_indices = @transform_5, window_bounds = array<i64: 128, 128>}, {transform_indices = @transform_6, window_bounds = array<i64: 128, 128>}, {pipeline_mode = #tpu.pipeline_mode<synchronous>, transform_indices = @transform_7, window_bounds = array<i64: 1, 128>}, {pipeline_mode = #tpu.pipeline_mode<synchronous>, transform_indices = @transform_8, window_bounds = array<i64: 1, 128>}, {pipeline_mode = #tpu.pipeline_mode<synchronous>, transform_indices = @transform_9, window_bounds = array<i64: 1, 128>}]} {
    %eq3A = arith.constant 0 : i32
    %eq3A_0 = arith.cmpi eq, %arg0, %eq3A : i32
    %convert_element_type3A = arith.extui %eq3A_0 : i1 to i32
    %cond3A = arith.constant 0 : i32
    %cond3A_1 = arith.cmpi ne, %convert_element_type3A, %cond3A : i32
    scf.if %cond3A_1 {
      %get3A_37 = arith.constant 0 : index
      %get3A_38 = arith.constant 0 : index
      %get3A_39 = vector.load %arg1[%get3A_37, %get3A_38] : memref<80x128xf32, #tpu.memory_space<vmem>>, vector<80x128xf32>
      %get3A_40 = arith.constant 0 : index
      %get3A_41 = arith.constant 0 : index
      %get3A_42 = vector.load %arg2[%get3A_40, %get3A_41] : memref<80x128xf32, #tpu.memory_space<vmem>>, vector<80x128xf32>
      %add3A_43 = arith.addf %get3A_39, %get3A_42 : vector<80x128xf32>
      %get3A_44 = arith.constant 0 : index
      %get3A_45 = arith.constant 0 : index
      %get3A_46 = vector.load %arg3[%get3A_44, %get3A_45] : memref<80x128xf32, #tpu.memory_space<vmem>>, vector<80x128xf32>
      %add3A_47 = arith.addf %add3A_43, %get3A_46 : vector<80x128xf32>
      %get3A_48 = arith.constant 0 : index
      %get3A_49 = arith.constant 0 : index
      %get3A_50 = vector.load %arg4[%get3A_48, %get3A_49] : memref<1x1xf32, #tpu.memory_space<vmem>>, vector<1x1xf32>
      %get3A_51 = vector.extract %get3A_50[0, 0] : f32 from vector<1x1xf32>
      %add3A_52 = vector.broadcast %get3A_51 : f32 to vector<80x128xf32>
      %add3A_53 = arith.addf %add3A_47, %add3A_52 : vector<80x128xf32>
      %iota3A = tpu.iota {dimensions = array<i32: 0>} : vector<80x128xi32>
      %mul3A = arith.constant 128 : i32
      %mul3A_54 = vector.broadcast %mul3A : i32 to vector<80x128xi32>
      %mul3A_55 = arith.muli %iota3A, %mul3A_54 : vector<80x128xi32>
      %iota3A_56 = tpu.iota {dimensions = array<i32: 1>} : vector<80x128xi32>
      %add3A_57 = arith.addi %mul3A_55, %iota3A_56 : vector<80x128xi32>
      %lt3A = arith.constant 10000 : i32
      %lt3A_58 = vector.broadcast %lt3A : i32 to vector<80x128xi32>
      %lt3A_59 = arith.cmpi slt, %add3A_57, %lt3A_58 : vector<80x128xi32>
      %bitcast_convert_type3A = tpu.bitcast %add3A_53 : vector<80x128xf32> -> vector<80x128xi32>
      %shift_right_logical3A = arith.constant 31 : i32
      %shift_right_logical3A_60 = vector.broadcast %shift_right_logical3A : i32 to vector<80x128xi32>
      %shift_right_logical3A_61 = arith.shrui %bitcast_convert_type3A, %shift_right_logical3A_60 : vector<80x128xi32>
      %eq3A_62 = arith.constant 1 : i32
      %eq3A_63 = vector.broadcast %eq3A_62 : i32 to vector<80x128xi32>
      %eq3A_64 = arith.cmpi eq, %shift_right_logical3A_61, %eq3A_63 : vector<80x128xi32>
      %not3A = arith.constant dense<-1> : vector<80x128xi32>
      %not3A_65 = arith.xori %bitcast_convert_type3A, %not3A : vector<80x128xi32>
      %or3A = arith.constant -2147483648 : i32
      %or3A_66 = vector.broadcast %or3A : i32 to vector<80x128xi32>
      %or3A_67 = arith.ori %bitcast_convert_type3A, %or3A_66 : vector<80x128xi32>
      %select_n3A = arith.select %eq3A_64, %not3A_65, %or3A_67 : vector<80x128xi1>, vector<80x128xi32>
      %jit3A = arith.constant 0 : i32
      %broadcast_in_dim3A = vector.broadcast %jit3A : i32 to vector<80x128xi32>
      %select_n3A_68 = arith.select %lt3A_59, %select_n3A, %broadcast_in_dim3A : vector<80x128xi1>, vector<80x128xi32>
      %scan3A = arith.constant 0 : i32
      %scan3A_69 = arith.constant 0 : i32
      %scan3A_70 = arith.constant 32 : i32
      %scan3A_71 = arith.addi %scan3A_69, %scan3A_70 : i32
      %scan3A_72 = arith.constant 1 : i32
      %scan3A_73 = scf.for %scan3A_123 = %scan3A_69 to %scan3A_71 step %scan3A_72 iter_args(%scan3A_124 = %scan3A) -> (i32)  : i32 {
        %sub3A_125 = arith.constant 31 : i32
        %sub3A_126 = arith.subi %sub3A_125, %scan3A_123 : i32
        %shift_left3A = arith.constant 1 : i32
        %shift_left3A_127 = arith.shli %shift_left3A, %sub3A_126 : i32
        %or3A_128 = arith.ori %scan3A_124, %shift_left3A_127 : i32
        %ge3A = vector.broadcast %or3A_128 : i32 to vector<80x128xi32>
        %ge3A_129 = arith.cmpi uge, %select_n3A_68, %ge3A : vector<80x128xi32>
        %convert_element_type3A_130 = arith.extui %ge3A_129 : vector<80x128xi1> to vector<80x128xi32>
        %convert_element_type3A_131 = arith.sitofp %convert_element_type3A_130 : vector<80x128xi32> to vector<80x128xf32>
        %reduce_sum3A_132 = vector.shape_cast %convert_element_type3A_131 : vector<80x128xf32> to vector<1x80x128xf32>
        %reduce_sum3A_133 = arith.constant dense<0.000000e+00> : vector<1xf32>
        %reduce_sum3A_134 = vector.multi_reduction <add>, %reduce_sum3A_132, %reduce_sum3A_133 [1, 2] : vector<1x80x128xf32> to vector<1xf32>
        %reduce_sum3A_135 = vector.shape_cast %reduce_sum3A_134 : vector<1xf32> to vector<1x1x1xf32>
        %reduce_sum3A_136 = vector.extract %reduce_sum3A_135[0, 0, 0] : f32 from vector<1x1x1xf32>
        %ge3A_137 = arith.constant 8.000000e+03 : f32
        %ge3A_138 = arith.cmpf oge, %reduce_sum3A_136, %ge3A_137 : f32
        %select_n3A_139 = arith.select %ge3A_138, %or3A_128, %scan3A_124 : i32
        scf.yield %select_n3A_139 : i32
      }
      %scan3A_74 = arith.constant 32 : i32
      %gt3A = vector.broadcast %scan3A_73 : i32 to vector<80x128xi32>
      %gt3A_75 = arith.cmpi ugt, %select_n3A_68, %gt3A : vector<80x128xi32>
      %convert_element_type3A_76 = arith.extui %gt3A_75 : vector<80x128xi1> to vector<80x128xi32>
      %convert_element_type3A_77 = arith.sitofp %convert_element_type3A_76 : vector<80x128xi32> to vector<80x128xf32>
      %reduce_sum3A = vector.shape_cast %convert_element_type3A_77 : vector<80x128xf32> to vector<1x80x128xf32>
      %reduce_sum3A_78 = arith.constant dense<0.000000e+00> : vector<1xf32>
      %reduce_sum3A_79 = vector.multi_reduction <add>, %reduce_sum3A, %reduce_sum3A_78 [1, 2] : vector<1x80x128xf32> to vector<1xf32>
      %reduce_sum3A_80 = vector.shape_cast %reduce_sum3A_79 : vector<1xf32> to vector<1x1x1xf32>
      %reduce_sum3A_81 = vector.extract %reduce_sum3A_80[0, 0, 0] : f32 from vector<1x1x1xf32>
      %eq3A_82 = vector.broadcast %scan3A_73 : i32 to vector<80x128xi32>
      %eq3A_83 = arith.cmpi eq, %select_n3A_68, %eq3A_82 : vector<80x128xi32>
      %convert_element_type3A_84 = arith.extui %eq3A_83 : vector<80x128xi1> to vector<80x128xi32>
      %convert_element_type3A_85 = arith.sitofp %convert_element_type3A_84 : vector<80x128xi32> to vector<80x128xf32>
      %reduce_sum3A_86 = vector.shape_cast %convert_element_type3A_85 : vector<80x128xf32> to vector<1x80x128xf32>
      %reduce_sum3A_87 = arith.constant dense<0.000000e+00> : vector<1xf32>
      %reduce_sum3A_88 = vector.multi_reduction <add>, %reduce_sum3A_86, %reduce_sum3A_87 [1, 2] : vector<1x80x128xf32> to vector<1xf32>
      %reduce_sum3A_89 = vector.shape_cast %reduce_sum3A_88 : vector<1xf32> to vector<1x1x1xf32>
      %reduce_sum3A_90 = vector.extract %reduce_sum3A_89[0, 0, 0] : f32 from vector<1x1x1xf32>
      %sub3A = arith.constant 8.000000e+03 : f32
      %sub3A_91 = arith.subf %sub3A, %reduce_sum3A_81 : f32
      %max3A = arith.constant 1.000000e+00 : f32
      %max3A_92 = arith.maximumf %reduce_sum3A_90, %max3A : f32
      %div3A = arith.divf %sub3A_91, %max3A_92 : f32
      %gt3A_93 = vector.broadcast %scan3A_73 : i32 to vector<80x128xi32>
      %gt3A_94 = arith.cmpi ugt, %select_n3A_68, %gt3A_93 : vector<80x128xi32>
      %eq3A_95 = vector.broadcast %scan3A_73 : i32 to vector<80x128xi32>
      %eq3A_96 = arith.cmpi eq, %select_n3A_68, %eq3A_95 : vector<80x128xi32>
      %jit3A_97 = arith.constant 0.000000e+00 : f32
      %broadcast_in_dim3A_98 = vector.broadcast %div3A : f32 to vector<80x128xf32>
      %broadcast_in_dim3A_99 = vector.broadcast %jit3A_97 : f32 to vector<80x128xf32>
      %select_n3A_100 = arith.select %eq3A_96, %broadcast_in_dim3A_98, %broadcast_in_dim3A_99 : vector<80x128xi1>, vector<80x128xf32>
      %jit3A_101 = arith.constant 1.000000e+00 : f32
      %broadcast_in_dim3A_102 = vector.broadcast %jit3A_101 : f32 to vector<80x128xf32>
      %select_n3A_103 = arith.select %gt3A_94, %broadcast_in_dim3A_102, %select_n3A_100 : vector<80x128xi1>, vector<80x128xf32>
      %tanh3A = math.tanh %add3A_53 : vector<80x128xf32>
      %mul3A_104 = arith.mulf %tanh3A, %select_n3A_103 : vector<80x128xf32>
      %swap3A_105 = arith.constant 0 : index
      %swap3A_106 = arith.constant 0 : index
      %swap3A_107 = vector.load %arg11[%swap3A_105, %swap3A_106] : memref<80x128xf32, #tpu.memory_space<vmem>>, vector<80x128xf32>
      tpu.vector_store %arg11[%swap3A_105, %swap3A_106], %mul3A_104 {strides = array<i32>} : memref<80x128xf32, #tpu.memory_space<vmem>>, vector<80x128xf32>,
      %broadcast_in_dim3A_108 = arith.constant 0.000000e+00 : f32
      %broadcast_in_dim3A_109 = vector.broadcast %broadcast_in_dim3A_108 : f32 to vector<1x128xf32>
      %swap3A_110 = arith.constant 0 : index
      %swap3A_111 = arith.constant 0 : index
      %swap3A_112 = vector.load %arg8[%swap3A_110, %swap3A_111] : memref<1x128xf32, #tpu.memory_space<vmem>>, vector<1x128xf32>
      tpu.vector_store %arg8[%swap3A_110, %swap3A_111], %broadcast_in_dim3A_109 {strides = array<i32>} : memref<1x128xf32, #tpu.memory_space<vmem>>, vector<1x128xf32>,
      %broadcast_in_dim3A_113 = arith.constant 0.000000e+00 : f32
      %broadcast_in_dim3A_114 = vector.broadcast %broadcast_in_dim3A_113 : f32 to vector<1x128xf32>
      %swap3A_115 = arith.constant 0 : index
      %swap3A_116 = arith.constant 0 : index
      %swap3A_117 = vector.load %arg9[%swap3A_115, %swap3A_116] : memref<1x128xf32, #tpu.memory_space<vmem>>, vector<1x128xf32>
      tpu.vector_store %arg9[%swap3A_115, %swap3A_116], %broadcast_in_dim3A_114 {strides = array<i32>} : memref<1x128xf32, #tpu.memory_space<vmem>>, vector<1x128xf32>,
      %broadcast_in_dim3A_118 = arith.constant 0.000000e+00 : f32
      %broadcast_in_dim3A_119 = vector.broadcast %broadcast_in_dim3A_118 : f32 to vector<1x128xf32>
      %swap3A_120 = arith.constant 0 : index
      %swap3A_121 = arith.constant 0 : index
      %swap3A_122 = vector.load %arg10[%swap3A_120, %swap3A_121] : memref<1x128xf32, #tpu.memory_space<vmem>>, vector<1x128xf32>
      tpu.vector_store %arg10[%swap3A_120, %swap3A_121], %broadcast_in_dim3A_119 {strides = array<i32>} : memref<1x128xf32, #tpu.memory_space<vmem>>, vector<1x128xf32>,
    } else {
    }
    %get3A = arith.index_cast %arg0 : i32 to index
    %get3A_2 = arith.constant 0 : index
    %get3A_3 = vector.load %arg11[%get3A, %get3A_2] : memref<80x128xf32, #tpu.memory_space<vmem>>, vector<1x128xf32>
    %get3A_4 = arith.constant 0 : index
    %get3A_5 = arith.constant 0 : index
    %get3A_6 = vector.load %arg8[%get3A_4, %get3A_5] : memref<1x128xf32, #tpu.memory_space<vmem>>, vector<1x128xf32>
    %get3A_7 = arith.constant 0 : index
    %get3A_8 = arith.constant 0 : index
    %get3A_9 = vector.load %arg5[%get3A_7, %get3A_8] : memref<128x128xf32, #tpu.memory_space<vmem>>, vector<128x128xf32>
    %dot_general3A = arith.constant dense<0.000000e+00> : vector<1x128xf32>
    %dot_general3A_10 = tpu.matmul %get3A_3, %get3A_9, %dot_general3A {dimension_numbers = #tpu.dot_dimension_numbers<[1], [0], [0], [1], [0, 0, 1, 1], [], []>, precision = #tpu.contract_precision<fp32>, transpose_lhs_hint = false} : vector<1x128xf32>, vector<128x128xf32>, vector<1x128xf32> -> vector<1x128xf32>
    %add3A = arith.addf %get3A_6, %dot_general3A_10 : vector<1x128xf32>
    %swap3A = arith.constant 0 : index
    %swap3A_11 = arith.constant 0 : index
    %swap3A_12 = vector.load %arg8[%swap3A, %swap3A_11] : memref<1x128xf32, #tpu.memory_space<vmem>>, vector<1x128xf32>
    tpu.vector_store %arg8[%swap3A, %swap3A_11], %add3A {strides = array<i32>} : memref<1x128xf32, #tpu.memory_space<vmem>>, vector<1x128xf32>,
    %get3A_13 = arith.constant 0 : index
    %get3A_14 = arith.constant 0 : index
    %get3A_15 = vector.load %arg9[%get3A_13, %get3A_14] : memref<1x128xf32, #tpu.memory_space<vmem>>, vector<1x128xf32>
    %get3A_16 = arith.constant 0 : index
    %get3A_17 = arith.constant 0 : index
    %get3A_18 = vector.load %arg6[%get3A_16, %get3A_17] : memref<128x128xf32, #tpu.memory_space<vmem>>, vector<128x128xf32>
    %dot_general3A_19 = arith.constant dense<0.000000e+00> : vector<1x128xf32>
    %dot_general3A_20 = tpu.matmul %get3A_3, %get3A_18, %dot_general3A_19 {dimension_numbers = #tpu.dot_dimension_numbers<[1], [0], [0], [1], [0, 0, 1, 1], [], []>, precision = #tpu.contract_precision<fp32>, transpose_lhs_hint = false} : vector<1x128xf32>, vector<128x128xf32>, vector<1x128xf32> -> vector<1x128xf32>
    %add3A_21 = arith.addf %get3A_15, %dot_general3A_20 : vector<1x128xf32>
    %swap3A_22 = arith.constant 0 : index
    %swap3A_23 = arith.constant 0 : index
    %swap3A_24 = vector.load %arg9[%swap3A_22, %swap3A_23] : memref<1x128xf32, #tpu.memory_space<vmem>>, vector<1x128xf32>
    tpu.vector_store %arg9[%swap3A_22, %swap3A_23], %add3A_21 {strides = array<i32>} : memref<1x128xf32, #tpu.memory_space<vmem>>, vector<1x128xf32>,
    %get3A_25 = arith.constant 0 : index
    %get3A_26 = arith.constant 0 : index
    %get3A_27 = vector.load %arg10[%get3A_25, %get3A_26] : memref<1x128xf32, #tpu.memory_space<vmem>>, vector<1x128xf32>
    %get3A_28 = arith.constant 0 : index
    %get3A_29 = arith.constant 0 : index
    %get3A_30 = vector.load %arg7[%get3A_28, %get3A_29] : memref<128x128xf32, #tpu.memory_space<vmem>>, vector<128x128xf32>
    %dot_general3A_31 = arith.constant dense<0.000000e+00> : vector<1x128xf32>
    %dot_general3A_32 = tpu.matmul %get3A_3, %get3A_30, %dot_general3A_31 {dimension_numbers = #tpu.dot_dimension_numbers<[1], [0], [0], [1], [0, 0, 1, 1], [], []>, precision = #tpu.contract_precision<fp32>, transpose_lhs_hint = false} : vector<1x128xf32>, vector<128x128xf32>, vector<1x128xf32> -> vector<1x128xf32>
    %add3A_33 = arith.addf %get3A_27, %dot_general3A_32 : vector<1x128xf32>
    %swap3A_34 = arith.constant 0 : index
    %swap3A_35 = arith.constant 0 : index
    %swap3A_36 = vector.load %arg10[%swap3A_34, %swap3A_35] : memref<1x128xf32, #tpu.memory_space<vmem>>, vector<1x128xf32>
    tpu.vector_store %arg10[%swap3A_34, %swap3A_35], %add3A_33 {strides = array<i32>} : memref<1x128xf32, #tpu.memory_space<vmem>>, vector<1x128xf32>,
    return
  }
  func.func @transform_0(%arg0: i32) -> (i32, i32) {
    %c0_i32 = arith.constant 0 : i32
    %c0_i32_0 = arith.constant 0 : i32
    %c0_i32_1 = arith.constant 0 : i32
    return %c0_i32, %c0_i32_0 : i32, i32
  }
  func.func @transform_1(%arg0: i32) -> (i32, i32) {
    %c0_i32 = arith.constant 0 : i32
    %c0_i32_0 = arith.constant 0 : i32
    %c0_i32_1 = arith.constant 0 : i32
    return %c0_i32, %c0_i32_0 : i32, i32
  }
  func.func @transform_2(%arg0: i32) -> (i32, i32) {
    %c0_i32 = arith.constant 0 : i32
    %c0_i32_0 = arith.constant 0 : i32
    %c0_i32_1 = arith.constant 0 : i32
    return %c0_i32, %c0_i32_0 : i32, i32
  }
  func.func @transform_3(%arg0: i32) -> (i32, i32) {
    %c0_i32 = arith.constant 0 : i32
    %c0_i32_0 = arith.constant 0 : i32
    %c0_i32_1 = arith.constant 0 : i32
    return %c0_i32, %c0_i32_0 : i32, i32
  }
  func.func @transform_4(%arg0: i32) -> (i32, i32) {
    %c0_i32 = arith.constant 0 : i32
    %c0_i32_0 = arith.constant 0 : i32
    return %arg0, %c0_i32 : i32, i32
  }
  func.func @transform_5(%arg0: i32) -> (i32, i32) {
    %c0_i32 = arith.constant 0 : i32
    %c0_i32_0 = arith.constant 0 : i32
    return %arg0, %c0_i32 : i32, i32
  }
  func.func @transform_6(%arg0: i32) -> (i32, i32) {
    %c0_i32 = arith.constant 0 : i32
    %c0_i32_0 = arith.constant 0 : i32
    return %arg0, %c0_i32 : i32, i32
  }
  func.func @transform_7(%arg0: i32) -> (i32, i32) {
    %c0_i32 = arith.constant 0 : i32
    %c0_i32_0 = arith.constant 0 : i32
    %c0_i32_1 = arith.constant 0 : i32
    return %c0_i32, %c0_i32_0 : i32, i32
  }
  func.func @transform_8(%arg0: i32) -> (i32, i32) {
    %c0_i32 = arith.constant 0 : i32
    %c0_i32_0 = arith.constant 0 : i32
    %c0_i32_1 = arith.constant 0 : i32
    return %c0_i32, %c0_i32_0 : i32, i32
  }
  func.func @transform_9(%arg0: i32) -> (i32, i32) {
    %c0_i32 = arith.constant 0 : i32
    %c0_i32_0 = arith.constant 0 : i32
    %c0_i32_1 = arith.constant 0 : i32
    return %c0_i32, %c0_i32_0 : i32, i32
  }
}

</mosaic_0001>

<sc_bundles>
// kernel: kernel.15.cloned.1.call-start
scs
__scs_entry_jumppad:
0x0: {  	(pc) =	sbr.rel $0x88, $3  }
0x1: {  	(tag) =	ssettag $0x0;
	lr =	simm.s32 $0x1  }
0x2: {  	[smem:$0x3F8D] =	sst lr;
	_ =	strace $0xD0000000  }
0x3: {  	_ = 	snop  }
0x4: {  	_ = 	snop  }
0x5: {  	_ = 	snop  }
0x6: {  	_ = 	snop  }
0x7: {  	_ = 	snop  }
__scs_overlays_trampoline_lowered:
0x8: {  	[smem:$0x3F9C] =	sst s0  }
0x9: {  	[smem:$0x3F9D] =	sst s1  }
0xa: {  	[smem:$0x3F9E] =	sst s2  }
0xb: {  	[smem:$0x3F9F] =	sst s3  }
0xc: {  	[smem:$0x3FA0] =	sst s4  }
0xd: {  	[smem:$0x3FA1] =	sst s5  }
0xe: {  	[smem:$0x3FA2] =	sst s6  }
0xf: {  	[smem:$0x3FA3] =	sst s7  }
0x10: {  	[smem:$0x3FA4] =	sst s8  }
0x11: {  	[smem:$0x3FA5] =	sst s9;
	s0 =	simm.s32 @!p0 $0x0  }
0x12: {  	s1 =	sld [smem:$0x3F8B];
	s0 =	simm.s32 @p0 $0x1  }
0x13: {  	[smem:$0x3FA6] =	sst s0;
	s0 =	simm.s32 @!p1 $0x0  }
0x14: {  	s2 =	sld [smem:$0x3F8A];
	s0 =	simm.s32 @p1 $0x1  }
0x15: {  	[smem:$0x3FA7] =	sst s0;
	s0 =	simm.s32 @!p2 $0x0  }
0x16: {  	s3 =	sld [smem:$0x3FDB];
	s0 =	simm.s32 @p2 $0x1  }
0x17: {  	s4 =	simm.s32 $0x1BF5;
	[smem:$0x3FA9] =	sst s0  }
0x18: {  	s0 =	sld [smem:$0x3F8C];
	_ =	swait.ge [sflag:s4], $0x0  }
0x19: {  	s7 =	sld [smem:$0x3F8D]  }
0x1a: {  	s8 =	sadd.s32 $0xFFFFE003, lr  }
0x1b: {  	s9 =	sadd.s32 $0xFFFFFEF7, lr;
	s5 =	simm.s32 $0xFFFFFFFF;
	p2 =	slt.u32 s8, $0xFFFFF086  }
0x1c: {  	p1 =	slt.u32 s9, $0xF7A;
	s5 =	simm.s32 @!p2 $0x0  }
0x1d: {  	s5 =	simm.s32 @p1 $0x1;
	p0 =	seq.s32 s7, s2  }
0x1e: {  	s7 =	smul.u32 @!p0 $0xF7A, s2;
	p2 =	seq.s32 @!p0 s5, $0x0  }
0x1f: {  	s9 =	smul.u32 $0xF7A, s1;
	s8 =	simm.s32 @!p0 $0x1BF5;
	p2 =	por !p2, p0  }
0x20: {  	[sflag:s8] =	ssyncset.s32 @!p0 $0xFFFFF086;
	s6 =	sadd.s32 @!p0 s3, s7;
	s7 =	simm.s32 @!p0 $0x108  }
0x21: {  	s3 =	sadd.s32 s3, s9;
	s6 =	sadd.s32 @!p0 $0x88, s6;
	s7 =	simm.s32 @p2 $0x1082  }
0x22: {  	[simem:s7], [sflag:s8] =	dma.local @!p0 [hbm:s6], $0xF7A  }
0x23: {  	s9 =	sor.u32 $0xD0000000, s2;
	s6 =	simm.s32 $0x108;
	_ =	swait.ge @!p0 [sflag:s8], $0x0  }
0x24: {  	s3 =	sadd.s32 $0x88, s3;
	s6 =	simm.s32 @!p1 $0x1082;
	[sflag:s4] =	ssyncset.s32 $0xFFFFF086  }
0x25: {  	[simem:s6], [sflag:s4] =	dma.local [hbm:s3], $0xF7A  }
0x26: {  	[smem:$0x3F8D] =	sst s1;
	(tag) =	ssettag s2;
	_ =	strace s9  }
0x27: {  	s1 =	sld [smem:$0x3F9D]  }
0x28: {  	s2 =	sld [smem:$0x3F9E]  }
0x29: {  	s4 =	sld [smem:$0x3FA0]  }
0x2a: {  	p0 =	seq.s32 s5, $0x0;
	s5 =	sld [smem:$0x3FA1]  }
0x2b: {  	s6 =	sld [smem:$0x3FA2]  }
0x2c: {  	s7 =	sld [smem:$0x3FA3]  }
0x2d: {  	s3 =	simm.s32 $0x108;
	s8 =	sld [smem:$0x3FA4]  }
0x2e: {  	s3 =	simm.s32 @!p0 $0x1082;
	s9 =	sld [smem:$0x3FA5]  }
0x2f: {  	lr =	sadd.s32 s0, s3;
	s0 =	sld [smem:$0x3F9C]  }
0x30: {  	s3 =	sld [smem:$0x3F9F]  }
0x31: {  	[smem:$0x3FA8] =	sst s10  }
0x32: {  	s10 =	sld [smem:$0x3FA6];
	_ =	sdelay $0x3  }
0x33: {  	p0 =	seq.s32 s10, $0x1;
	s10 =	sld [smem:$0x3FA8];
	_ =	sdelay $0x3  }
0x34: {  	[smem:$0x3FA8] =	sst s10  }
0x35: {  	s10 =	sld [smem:$0x3FA7];
	_ =	sdelay $0x3  }
0x36: {  	p1 =	seq.s32 s10, $0x1;
	s10 =	sld [smem:$0x3FA8];
	_ =	sdelay $0x3  }
0x37: {  	[smem:$0x3FA8] =	sst s10  }
0x38: {  	s10 =	sld [smem:$0x3FA9]  }
0x39: {  	_ = 	snop;
	(pc) =	sbr.ind lr, $3  }
0x3a: {  	_ = 	snop  }
0x3b: {  	_ = 	snop  }
0x3c: {  	p2 =	seq.s32 s10, $0x1;
	s10 =	sld [smem:$0x3FA8]  }
0x3d: {  	_ =	shalt  }
0x3e: {  	_ =	shalt  }
0x3f: {  	_ =	shalt  }
0x40: {  	_ =	shalt  }
0x41: {  	_ =	shalt  }
0x42: {  	_ =	shalt  }
0x43: {  	_ =	shalt  }
0x44: {  	_ =	shalt  }
0x45: {  	_ =	shalt  }
0x46: {  	_ =	shalt  }
0x47: {  	_ =	shalt  }
0x48: {  	_ =	shalt  }
0x49: {  	_ =	shalt  }
0x4a: {  	_ =	shalt  }
0x4b: {  	_ =	shalt  }
0x4c: {  	_ =	shalt  }
0x4d: {  	_ =	shalt  }
0x4e: {  	_ =	shalt  }
0x4f: {  	_ =	shalt  }
0x50: {  	_ =	shalt  }
0x51: {  	_ =	shalt  }
0x52: {  	_ =	shalt  }
0x53: {  	_ =	shalt  }
0x54: {  	_ =	shalt  }
0x55: {  	_ =	shalt  }
0x56: {  	_ =	shalt  }
0x57: {  	_ =	shalt  }
0x58: {  	_ =	shalt  }
0x59: {  	_ =	shalt  }
0x5a: {  	_ =	shalt  }
0x5b: {  	_ =	shalt  }
0x5c: {  	_ =	shalt  }
0x5d: {  	_ =	shalt  }
0x5e: {  	_ =	shalt  }
0x5f: {  	_ =	shalt  }
0x60: {  	_ =	shalt  }
0x61: {  	_ =	shalt  }
0x62: {  	_ =	shalt  }
0x63: {  	_ =	shalt  }
0x64: {  	_ =	shalt  }
0x65: {  	_ =	shalt  }
0x66: {  	_ =	shalt  }
0x67: {  	_ =	shalt  }
0x68: {  	_ =	shalt  }
0x69: {  	_ =	shalt  }
0x6a: {  	_ =	shalt  }
0x6b: {  	_ =	shalt  }
0x6c: {  	_ =	shalt  }
0x6d: {  	_ =	shalt  }
0x6e: {  	_ =	shalt  }
0x6f: {  	_ =	shalt  }
0x70: {  	_ =	shalt  }
0x71: {  	_ =	shalt  }
0x72: {  	_ =	shalt  }
0x73: {  	_ =	shalt  }
0x74: {  	_ =	shalt  }
0x75: {  	_ =	shalt  }
0x76: {  	_ =	shalt  }
0x77: {  	_ =	shalt  }
0x78: {  	_ =	shalt  }
0x79: {  	_ =	shalt  }
0x7a: {  	_ =	shalt  }
0x7b: {  	_ =	shalt  }
0x7c: {  	_ =	shalt  }
0x7d: {  	_ =	shalt  }
0x7e: {  	_ =	shalt  }
0x7f: {  	_ =	shalt  }
0x80: {  	_ =	shalt  }
0x81: {  	_ =	shalt  }
0x82: {  	_ =	shalt  }
0x83: {  	_ =	shalt  }
0x84: {  	_ =	shalt  }
0x85: {  	_ =	shalt  }
0x86: {  	_ =	shalt  }
0x87: {  	_ =	shalt  }
.Lfunc_end0:
.L_simem_size_0:
called_computation_lowered:
.L_overlay_start_0:
0x88: {  	s2 =	sld [smem:$0x3FD9]  }
0x89: {  	s3 =	sld [smem:$0x3FFE];
	_ =	sdelay $0x1  }
0x8a: {  	s1 =	srdreg.scid  }
0x8b: {  	s0 =	sand.u32 $0x1, s1  }
0x8c: {  	s16 =	sshll.u32 s0, $0xA;
	s2 =	sadd.s32 s3, s2  }
0x8d: {  	s2 =	sadd.s32 s2, s16  }
0x8e: {  	[smem:$0x3FB4] =	sst s2  }
0x8f: {  	_ = 	snop  }
0x90: {  	(tm) =	ssettm $0x1  }
0x91: {  	s17 =	sld [smem:$0x3FFB];
	_ =	sdelay $0x3  }
0x92: {  	_ =	strace s17  }
0x93: {  	s2 =	sld [smem:$0x3FFC];
	_ =	sdelay $0x3  }
0x94: {  	_ =	strace s2  }
0x95: {  	s2 =	sld [smem:$0x3FFD];
	_ =	sdelay $0x3  }
0x96: {  	_ =	strace s2  }
0x97: {  	_ =	strace $0x8FFFFFFF  }
0x98: {  	s18 =	sld [smem:$0x3FDB];
	_ =	sdelay $0x1  }
0x99: {  	s19 =	simm.s32 $_scs_section_size  }
0x9a: {  	s4 =	simm.s32 $_size__tile_overlayer_lowered;
	s5 =	simm.s32 $_tile_overlayer_lowered  }
0x9b: {  	s22 =	simm.s32 $0x1BFF;
	s21 =	sshll.u32 s5, $0x1;
	s2 =	sadd.s32 s19, s18  }
0x9c: {  	s6 =	simm.s32 $0x0;
	s20 =	sshll.u32 s4, $0x1;
	s4 =	sadd.s32 s21, s2  }
0x9d: {  	[timem:s6], [sflag:s22] =	dma.local [hbm:s4], s20  }
0x9e: {  	_ =	swait.ge [sflag:s22], s20  }
0x9f: {  	s3 =	ssub.s32 $0x0, s20;
	[sflag:s22] =	ssyncset.done $0x0  }
0xa0: {  	[sflag:s22] =	ssyncadd.s32 s3;
	_ =	sdelay $0x1  }
0xa1: {  	s23 =	simm.s32 $0x1B8B  }
0xa2: {  	_ =	swait.ge [sflag:s23], $0x1  }
0xa3: {  	[sflag:s23] =	ssyncset.done $0x0  }
0xa4: {  	s25 =	simm.s32 $0x1B8E;
	s24 =	sld [smem:$0x3FFE];
	[sflag:s23] =	ssyncadd.s32 $0xFFFFFFFF  }
0xa5: {  	s26 =	simm.s32 $execute0_lowered;
	[smem:$0x3FD2] =	sst s25  }
0xa6: {  	s4 =	sshll.u32 s26, $0x1;
	_ =	strace $0x80000046;
	[dreg:$0x1] =	wrdreg $0xFFFFFFFF  }
0xa7: {  	s28 =	simm.s32 $_size_execute0_lowered;
	s2 =	sadd.s32 s2, s4;
	[dreg:$0x0] =	wrdreg $0x0  }
0xa8: {  	s4 =	sshll.u32 s28, $0x1;
	[dreg:$0x2] =	wrdreg s2  }
0xa9: {  	[dreg:$0x3] =	wrdreg s4  }
0xaa: {  	[dreg:$0x4] =	wrdreg $0xC0  }
0xab: {  	_ =	task [dreg:s6], $0x5FFFF  }
0xac: {  	[dreg:$0x1] =	wrdreg $0xFFFFFFFF  }
0xad: {  	[dreg:$0x0] =	wrdreg $0x60  }
0xae: {  	[dreg:$0x2] =	wrdreg s24  }
0xaf: {  	[dreg:$0x3] =	wrdreg $0x58000  }
0xb0: {  	[dreg:$0x4] =	wrdreg $0x9  }
0xb1: {  	_ =	task.clear_ibuf [dreg:s6], $0x5FFFF;
	_ =	strace $0x90000046  }
0xb2: {  	s29 =	simm.s32 $0x9;
	_ =	strace $0x80000048  }
0xb3: {  	_ =	swait.ge [sflag:s29], $0x1  }
0xb4: {  	[sflag:s29] =	ssyncadd.s32 $0xFFFFFFFF  }
0xb5: {  	_ =	strace $0x90000048  }
0xb6: {  	_ =	sfence  }
0xb7: {  	s30 =	sld [smem:$0x0];
	_ =	sdelay $0x2  }
0xb8: {  	s31 =	sshll.u32 s1, $0xD;
	s1 =	sshrl.u32 s1, $0x2  }
0xb9: {  	s3 =	sand.u32 $0x4000, s31;
	s1 =	sadd.s32 s1, s30  }
0xba: {  	s0 =	sor.u32 s3, s0;
	s1 =	sshll.u32 s1, $0x11  }
0xbb: {  	s0 =	sor.u32 s1, s0  }
0xbc: {  	s0 =	sadd.s32 $0x8F2B, s0  }
0xbd: {  	[sflag:s0] =	ssyncadd.remote.s32 $0x1  }
0xbe: {  	_ =	sfence.sel $0xFFFF  }
0xbf: {  	[dreg:$0x0] =	wrdreg $0xFFFFFFFF;
	(pc) =	sbr.abs _section_cstart, $3  }
0xc0: {  	[dreg:$0x1] =	wrdreg $0xFFFFFFFF  }
0xc1: {  	_ =	task.clear_ibuf [dreg:s6], $0x2FFFF;
	_ =	strace $0x9FFFFFFF  }
0xc2: {  	(tm) =	ssettm $0x7FFFFFFF  }
0xc3: {  	_ =	shalt  }
tec
execute0_lowered:
.L_overlay_start_1:
0x0: {  	(tag) =	ssettag $0x1  }
0x1: {  	s3 =	rddreg [dreg:$0x0]  }
0x2: {  	s5 =	rddreg [dreg:$0x1];
	s2 =	srdreg.scid  }
0x3: {  	s1 =	stileid.u32;
	s0 =	rddreg [dreg:$0x2]  }
0x4: {  	s11 =	simm.s32 $0x5000;
	s12 =	simm.s32 $0x0;
	s4 =	sand.u32 $0x1, s2  }
0x5: {  	s6 =	sshll.u32 s1, $0x1;
	s2 =	simm.s32 $0x0;
	s8 =	sshll.u32 s1, $0xA  }
0x6: {  	s9 =	smul.u32 $0xA000, s1;
	p0 =	sgt.u32 s1, $0x9;
	s6 =	sor.u32 s4, s6  }
0x7: {  	s7 =	smul.u32 $0x2800, s4;
	[smem:$0x7FF] =	sst s2;
	s4 =	ssub.s32 $0x2, s4  }
0x8: {  	s6 =	smul.u32 $0x500, s6;
	_ =	strace $0x80000047;
	s31 =	sshrl.u32 s4, $0x1  }
.Ltmp0:
0x9: {  	s9 =	sshrl.u32 s9, $0x2;
	s7 =	sadd.s32 s8, s7;
	(pc) =	sbr.rel .LBB2_1-.Ltmp0, $4  }
0xa: {  	s10 =	ssub.s32 s4, s31;
	s4 =	sadd.s32 s9, s5;
	s5 =	sadd.s32 s8, s5  }
0xb: {  	s8 =	simm.s32 $0x1;
	s6 =	sadd.s32 s6, s3;
	s7 =	sshrl.u32 s7, $0x3  }
0xc: {  	s9 =	simm.s32 $0x2800;
	s7 =	sadd.s32 s7, s3;
	s3 =	sadd.s32 $0x6800, s6  }
0xd: {  	v0 =	vimm.f32 $0.0e+00;
	v1 =	vimm.f32 $1.000000000e+00;
	s6 =	sadd.s32 $0x1A800, s7;
	s7 =	smax.u32 s10, $0x1;
	s10 =	simm.s32 $0x5400  }
.LBB2_13:
0xe: {  	s12 =	sadd.s32 $0x1, s12  }
0xf: {  	p1 =	sne.s32 s12, s7  }
.Ltmp1:
0x10: {  	_ = 	snop;
	(pc) =	sbr.rel @!p1 .LBB2_14-.Ltmp1, $1  }
0x11: {  	_ =	sdelay $0x3  }
.LBB2_1:
0x12: {  	s13 =	sand.u32 $0xFE00, s2  }
0x13: {  	s14 =	sand.u32 $0x70, s2;
	s15 =	sshrl.u32 s13, $0x2  }
0x14: {  	s13 =	simm.s32 $0x40;
	s15 =	sor.u32 s14, s15;
	s14 =	simm.s32 $0x0  }
.LBB2_2:
0x15: {  	p1 =	sne.s32 s13, $0x9FC0  }
0x16: {  	[tilespmem:s15+$0x2800] =	vst v0;
	s14 =	sadd.s32 $0x10, s14;
	s15 =	smov.u32 s13;
	s13 =	sadd.s32 $0x40, s13  }
.Ltmp2:
0x17: {  	(pc) =	sbr.rel @p1 .LBB2_2-.Ltmp2, $4  }
0x18: {  	_ = 	snop  }
0x19: {  	s15 =	sand.u32 $0xFE00, s15  }
0x1a: {  	s16 =	sand.u32 $0x70, s14;
	s15 =	sshrl.u32 s15, $0x2  }
0x1b: {  	s15 =	sor.u32 s16, s15  }
0x1c: {  	[tilespmem:s15+$0x2800] =	vst v0;
	s13 =	simm.s32 $0x0  }
0x1d: {  	[tilespmem:s13], [sflag:$0x1] =	stream.linear.gather [hbm4b:s3+s13], $0x2800, $0x38;
	[tilespmem:$0x8000] =	vst v63  }
0x1e: {  	s14 =	sand.u32 $0xFE00, s13;
	_ =	swait.ge [sflag:s8], $0x2800  }
0x1f: {  	s13 =	sand.u32 $0x70, s13;
	s14 =	sshrl.u32 s14, $0x2;
	[sflag:s8] =	ssyncset.done $0x0  }
0x20: {  	s13 =	sor.u32 s13, s14;
	[sflag:s8] =	ssyncadd.s32 $0xFFFFD800  }
0x21: {  	v2 =	vld [tilespmem:s13+$0x0];
	_ =	sdelay $0x4  }
0x22: {  	s31 =	simm.s32 $0x40  }
0x23: {  	s15 =	sand.u32 $0xFE00, s31;
	s14 =	simm.s32 $0x80;
	s13 =	simm.s32 $0x10  }
.LBB2_4:
0x24: {  	p1 =	sne.s32 s14, $0x9FC0;
	s16 =	sand.u32 $0x70, s13;
	s15 =	sshrl.u32 s15, $0x2  }
0x25: {  	s15 =	sor.u32 s16, s15;
	[tilespmem:v2+s9+$0x0] =	vst.idx.add.f32.msk $0xffff, v1  }
0x26: {  	v2 =	vld [tilespmem:s15+$0x0];
	_ =	sdelay $0x1  }
.Ltmp3:
0x27: {  	(pc) =	sbr.rel @p1 .LBB2_4-.Ltmp3, $2  }
0x28: {  	_ =	sdelay $0x2  }
0x29: {  	s13 =	sadd.s32 $0x10, s13;
	s15 =	sand.u32 $0xFE00, s14;
	s14 =	sadd.s32 $0x40, s14  }
0x2a: {  	_ =	sdelay $0x2  }
0x2b: {  	s13 =	sand.u32 $0x70, s13;
	s14 =	sshrl.u32 s15, $0x2  }
0x2c: {  	[tilespmem:v2+s9+$0x0] =	vst.idx.add.f32.msk $0xffff, v1;
	s13 =	sor.u32 s13, s14  }
0x2d: {  	v2 =	vld [tilespmem:s13+$0x0];
	_ =	sdelay $0x7  }
0x2e: {  	[tilespmem:v2+s9+$0x0] =	vst.idx.add.f32.msk $0xffff, v1  }
0x2f: {  	[spmem:s4] =	stream.linear.scatter [tilespmem:s9], [sflag:$0x1], $0x2800, $0x38;
	[tilespmem:$0x8000] =	vst v63  }
.Ltmp4:
0x30: {  	_ =	swait.ge [sflag:s8], $0x2800;
	(pc) =	sbr.rel @p0 .LBB2_13-.Ltmp4, $4  }
0x31: {  	[sflag:s8] =	ssyncset.done $0x0  }
0x32: {  	[sflag:s8] =	ssyncadd.s32 $0xFFFFD800  }
0x33: {  	[bflag:$0x0] =	sbarrier.arrive $0xFFFF  }
0x34: {  	s13 =	simm.s32 $0x0  }
0x35: {  	s14 =	sand.u32 $0xE00, s13  }
0x36: {  	s15 =	sand.u32 $0x70, s13;
	s16 =	sshrl.u32 s14, $0x2  }
0x37: {  	s14 =	simm.s32 $0x40;
	s16 =	sor.u32 s15, s16;
	s15 =	simm.s32 $0x0  }
.LBB2_7:
0x38: {  	p1 =	sne.s32 s14, $0xFC0  }
0x39: {  	[tilespmem:s16+$0x5000] =	vst v0;
	s15 =	sadd.s32 $0x10, s15;
	s16 =	smov.u32 s14;
	s14 =	sadd.s32 $0x40, s14  }
.Ltmp5:
0x3a: {  	(pc) =	sbr.rel @p1 .LBB2_7-.Ltmp5, $4  }
0x3b: {  	_ = 	snop  }
0x3c: {  	s16 =	sand.u32 $0xE00, s16  }
0x3d: {  	s17 =	sand.u32 $0x70, s15;
	s16 =	sshrl.u32 s16, $0x2  }
0x3e: {  	s16 =	sor.u32 s17, s16  }
0x3f: {  	[tilespmem:s16+$0x5000] =	vst v0  }
.LBB2_9:
0x40: {  	s14 =	smul.u32 $0xA000, s13;
	_ =	sdelay $0x1  }
0x41: {  	s14 =	sshra.s32 s14, $0x2  }
0x42: {  	s14 =	sadd.s32 s14, s5  }
0x43: {  	[tilespmem:s10], [sflag:$0x1] =	stream.linear.gather [spmem:s14], $0x400, $0x38;
	[tilespmem:$0x8000] =	vst v63  }
0x44: {  	_ =	swait.ge [sflag:s8], $0x400  }
0x45: {  	[sflag:s8] =	ssyncset.done $0x0  }
0x46: {  	s14 =	simm.s32 $0x0;
	[sflag:s8] =	ssyncadd.s32 $0xFFFFFC00  }
0x47: {  	s15 =	simm.s32 $0x40;
	v2 =	vld [tilespmem:s14+$0x5400]  }
.LBB2_10:
0x48: {  	p1 =	sne.s32 s15, $0xFC0;
	v3 =	vld [tilespmem:s14+$0x5000];
	_ =	sdelay $0x2  }
.Ltmp6:
0x49: {  	(pc) =	sbr.rel @p1 .LBB2_10-.Ltmp6, $4  }
0x4a: {  	_ = 	snop  }
0x4b: {  	v3 =	vadd.f32 v2, v3  }
0x4c: {  	s16 =	sshra.s32 s15, $0x2  }
0x4d: {  	s15 =	sadd.s32 $0x40, s15;
	v2 =	vld [tilespmem:s16+$0x5400];
	[tilespmem:s14+$0x5000] =	vst v3;
	s14 =	smov.u32 s16  }
0x4e: {  	v3 =	vld [tilespmem:s14+$0x5000]  }
0x4f: {  	s13 =	sadd.s32 $0x1, s13  }
0x50: {  	p1 =	sne.s32 s13, $0x10  }
.Ltmp7:
0x51: {  	_ = 	snop;
	(pc) =	sbr.rel @p1 .LBB2_9-.Ltmp7, $3  }
0x52: {  	_ = 	snop  }
0x53: {  	v2 =	vadd.f32 v2, v3;
	_ =	sdelay $0x1  }
0x54: {  	[tilespmem:s14+$0x5000] =	vst v2  }
.Ltmp8:
0x55: {  	(pc) =	sbr.rel .LBB2_13-.Ltmp8, $4  }
0x56: {  	[hbm4b:s6+s2] =	stream.linear.scatter [tilespmem:s11], [sflag:$0x1], $0x400, $0x38;
	[tilespmem:$0x8000] =	vst v63  }
0x57: {  	_ =	swait.ge [sflag:s8], $0x400  }
0x58: {  	[sflag:s8] =	ssyncset.done $0x0  }
0x59: {  	[sflag:s8] =	ssyncadd.s32 $0xFFFFFC00  }
.LBB2_14:
0x5a: {  	_ =	sfence.sel $0x180000  }
0x5b: {  	[bflag:$0x0] =	sbarrier.arrive $0xFFFF  }
0x5c: {  	p0 =	sne.s32 s1, $0x0;
	_ =	strace $0x90000047  }
0x5d: {  	s0 =	sadd.s32 @!p0 $0x100000, s0;
	[bflag:$0x2] =	sbarrier.arrive $0xFFFF  }
0x5e: {  	[sflag:s0] =	ssyncadd.tile.s32 @!p0 $0x1;
	_ =	shalt  }
.Lfunc_end2:
_tile_overlayer_lowered:
.L_overlay_start_2:
0x5f: {  	(tag) =	ssettag $0x2  }
0x60: {  	s0 =	rddreg [dreg:$0x0];
	s2 =	stileid.u32  }
0x61: {  	s1 =	rddreg [dreg:$0x1];
	p0 =	sne.s32 s2, $0x0  }
0x62: {  	s3 =	rddreg [dreg:$0x2];
	[bflag:$0x3] =	sbarrier.arrive $0xFFFF;
	s2 =	simm.s32 @!p0 $0x1C01  }
0x63: {  	[timem:s3], [sflag:s2] =	dma.local @!p0 [hbm:s0], s1  }
0x64: {  	s0 =	simm.s32 @!p0 $0x1  }
0x65: {  	_ =	swait.ge @!p0 [sflag:s0], s1  }
0x66: {  	s1 =	ssub.s32 @!p0 $0x0, s1;
	[sflag:s0] =	ssyncset.done @!p0 $0x0  }
0x67: {  	[sflag:s0] =	ssyncadd.s32 @!p0 s1  }
0x68: {  	[bflag:$0x3] =	sbarrier.arrive $0xFFFF  }
0x69: {  	_ =	shalt  }

// kernel: kernel.18.cloned.1.call-start
scs
__scs_entry_jumppad:
0x0: {  	(pc) =	sbr.rel $0x88, $3  }
0x1: {  	(tag) =	ssettag $0x0;
	lr =	simm.s32 $0x1  }
0x2: {  	[smem:$0x3F8D] =	sst lr;
	_ =	strace $0xD0000000  }
0x3: {  	_ = 	snop  }
0x4: {  	_ = 	snop  }
0x5: {  	_ = 	snop  }
0x6: {  	_ = 	snop  }
0x7: {  	_ = 	snop  }
__scs_overlays_trampoline_lowered:
0x8: {  	[smem:$0x3F9C] =	sst s0  }
0x9: {  	[smem:$0x3F9D] =	sst s1  }
0xa: {  	[smem:$0x3F9E] =	sst s2  }
0xb: {  	[smem:$0x3F9F] =	sst s3  }
0xc: {  	[smem:$0x3FA0] =	sst s4  }
0xd: {  	[smem:$0x3FA1] =	sst s5  }
0xe: {  	[smem:$0x3FA2] =	sst s6  }
0xf: {  	[smem:$0x3FA3] =	sst s7  }
0x10: {  	[smem:$0x3FA4] =	sst s8  }
0x11: {  	[smem:$0x3FA5] =	sst s9;
	s0 =	simm.s32 @!p0 $0x0  }
0x12: {  	s1 =	sld [smem:$0x3F8B];
	s0 =	simm.s32 @p0 $0x1  }
0x13: {  	[smem:$0x3FA6] =	sst s0;
	s0 =	simm.s32 @!p1 $0x0  }
0x14: {  	s2 =	sld [smem:$0x3F8A];
	s0 =	simm.s32 @p1 $0x1  }
0x15: {  	[smem:$0x3FA7] =	sst s0;
	s0 =	simm.s32 @!p2 $0x0  }
0x16: {  	s3 =	sld [smem:$0x3FDB];
	s0 =	simm.s32 @p2 $0x1  }
0x17: {  	s4 =	simm.s32 $0x1BF5;
	[smem:$0x3FA9] =	sst s0  }
0x18: {  	s0 =	sld [smem:$0x3F8C];
	_ =	swait.ge [sflag:s4], $0x0  }
0x19: {  	s7 =	sld [smem:$0x3F8D]  }
0x1a: {  	s8 =	sadd.s32 $0xFFFFE003, lr  }
0x1b: {  	s9 =	sadd.s32 $0xFFFFFEF7, lr;
	s5 =	simm.s32 $0xFFFFFFFF;
	p2 =	slt.u32 s8, $0xFFFFF086  }
0x1c: {  	p1 =	slt.u32 s9, $0xF7A;
	s5 =	simm.s32 @!p2 $0x0  }
0x1d: {  	s5 =	simm.s32 @p1 $0x1;
	p0 =	seq.s32 s7, s2  }
0x1e: {  	s7 =	smul.u32 @!p0 $0xF7A, s2;
	p2 =	seq.s32 @!p0 s5, $0x0  }
0x1f: {  	s9 =	smul.u32 $0xF7A, s1;
	s8 =	simm.s32 @!p0 $0x1BF5;
	p2 =	por !p2, p0  }
0x20: {  	[sflag:s8] =	ssyncset.s32 @!p0 $0xFFFFF086;
	s6 =	sadd.s32 @!p0 s3, s7;
	s7 =	simm.s32 @!p0 $0x108  }
0x21: {  	s3 =	sadd.s32 s3, s9;
	s6 =	sadd.s32 @!p0 $0x88, s6;
	s7 =	simm.s32 @p2 $0x1082  }
0x22: {  	[simem:s7], [sflag:s8] =	dma.local @!p0 [hbm:s6], $0xF7A  }
0x23: {  	s9 =	sor.u32 $0xD0000000, s2;
	s6 =	simm.s32 $0x108;
	_ =	swait.ge @!p0 [sflag:s8], $0x0  }
0x24: {  	s3 =	sadd.s32 $0x88, s3;
	s6 =	simm.s32 @!p1 $0x1082;
	[sflag:s4] =	ssyncset.s32 $0xFFFFF086  }
0x25: {  	[simem:s6], [sflag:s4] =	dma.local [hbm:s3], $0xF7A  }
0x26: {  	[smem:$0x3F8D] =	sst s1;
	(tag) =	ssettag s2;
	_ =	strace s9  }
0x27: {  	s1 =	sld [smem:$0x3F9D]  }
0x28: {  	s2 =	sld [smem:$0x3F9E]  }
0x29: {  	s4 =	sld [smem:$0x3FA0]  }
0x2a: {  	p0 =	seq.s32 s5, $0x0;
	s5 =	sld [smem:$0x3FA1]  }
0x2b: {  	s6 =	sld [smem:$0x3FA2]  }
0x2c: {  	s7 =	sld [smem:$0x3FA3]  }
0x2d: {  	s3 =	simm.s32 $0x108;
	s8 =	sld [smem:$0x3FA4]  }
0x2e: {  	s3 =	simm.s32 @!p0 $0x1082;
	s9 =	sld [smem:$0x3FA5]  }
0x2f: {  	lr =	sadd.s32 s0, s3;
	s0 =	sld [smem:$0x3F9C]  }
0x30: {  	s3 =	sld [smem:$0x3F9F]  }
0x31: {  	[smem:$0x3FA8] =	sst s10  }
0x32: {  	s10 =	sld [smem:$0x3FA6];
	_ =	sdelay $0x3  }
0x33: {  	p0 =	seq.s32 s10, $0x1;
	s10 =	sld [smem:$0x3FA8];
	_ =	sdelay $0x3  }
0x34: {  	[smem:$0x3FA8] =	sst s10  }
0x35: {  	s10 =	sld [smem:$0x3FA7];
	_ =	sdelay $0x3  }
0x36: {  	p1 =	seq.s32 s10, $0x1;
	s10 =	sld [smem:$0x3FA8];
	_ =	sdelay $0x3  }
0x37: {  	[smem:$0x3FA8] =	sst s10  }
0x38: {  	s10 =	sld [smem:$0x3FA9]  }
0x39: {  	_ = 	snop;
	(pc) =	sbr.ind lr, $3  }
0x3a: {  	_ = 	snop  }
0x3b: {  	_ = 	snop  }
0x3c: {  	p2 =	seq.s32 s10, $0x1;
	s10 =	sld [smem:$0x3FA8]  }
0x3d: {  	_ =	shalt  }
0x3e: {  	_ =	shalt  }
0x3f: {  	_ =	shalt  }
0x40: {  	_ =	shalt  }
0x41: {  	_ =	shalt  }
0x42: {  	_ =	shalt  }
0x43: {  	_ =	shalt  }
0x44: {  	_ =	shalt  }
0x45: {  	_ =	shalt  }
0x46: {  	_ =	shalt  }
0x47: {  	_ =	shalt  }
0x48: {  	_ =	shalt  }
0x49: {  	_ =	shalt  }
0x4a: {  	_ =	shalt  }
0x4b: {  	_ =	shalt  }
0x4c: {  	_ =	shalt  }
0x4d: {  	_ =	shalt  }
0x4e: {  	_ =	shalt  }
0x4f: {  	_ =	shalt  }
0x50: {  	_ =	shalt  }
0x51: {  	_ =	shalt  }
0x52: {  	_ =	shalt  }
0x53: {  	_ =	shalt  }
0x54: {  	_ =	shalt  }
0x55: {  	_ =	shalt  }
0x56: {  	_ =	shalt  }
0x57: {  	_ =	shalt  }
0x58: {  	_ =	shalt  }
0x59: {  	_ =	shalt  }
0x5a: {  	_ =	shalt  }
0x5b: {  	_ =	shalt  }
0x5c: {  	_ =	shalt  }
0x5d: {  	_ =	shalt  }
0x5e: {  	_ =	shalt  }
0x5f: {  	_ =	shalt  }
0x60: {  	_ =	shalt  }
0x61: {  	_ =	shalt  }
0x62: {  	_ =	shalt  }
0x63: {  	_ =	shalt  }
0x64: {  	_ =	shalt  }
0x65: {  	_ =	shalt  }
0x66: {  	_ =	shalt  }
0x67: {  	_ =	shalt  }
0x68: {  	_ =	shalt  }
0x69: {  	_ =	shalt  }
0x6a: {  	_ =	shalt  }
0x6b: {  	_ =	shalt  }
0x6c: {  	_ =	shalt  }
0x6d: {  	_ =	shalt  }
0x6e: {  	_ =	shalt  }
0x6f: {  	_ =	shalt  }
0x70: {  	_ =	shalt  }
0x71: {  	_ =	shalt  }
0x72: {  	_ =	shalt  }
0x73: {  	_ =	shalt  }
0x74: {  	_ =	shalt  }
0x75: {  	_ =	shalt  }
0x76: {  	_ =	shalt  }
0x77: {  	_ =	shalt  }
0x78: {  	_ =	shalt  }
0x79: {  	_ =	shalt  }
0x7a: {  	_ =	shalt  }
0x7b: {  	_ =	shalt  }
0x7c: {  	_ =	shalt  }
0x7d: {  	_ =	shalt  }
0x7e: {  	_ =	shalt  }
0x7f: {  	_ =	shalt  }
0x80: {  	_ =	shalt  }
0x81: {  	_ =	shalt  }
0x82: {  	_ =	shalt  }
0x83: {  	_ =	shalt  }
0x84: {  	_ =	shalt  }
0x85: {  	_ =	shalt  }
0x86: {  	_ =	shalt  }
0x87: {  	_ =	shalt  }
.Lfunc_end0:
.L_simem_size_0:
called_computation.1_lowered:
.L_overlay_start_0:
0x88: {  	s2 =	sld [smem:$0x3FD9]  }
0x89: {  	s3 =	sld [smem:$0x3FFE];
	_ =	sdelay $0x1  }
0x8a: {  	s1 =	srdreg.scid  }
0x8b: {  	s0 =	sand.u32 $0x1, s1  }
0x8c: {  	s17 =	sshll.u32 s0, $0xA;
	s2 =	sadd.s32 s3, s2  }
0x8d: {  	s2 =	sadd.s32 s2, s17  }
0x8e: {  	[smem:$0x3FB4] =	sst s2  }
0x8f: {  	_ = 	snop  }
0x90: {  	(tm) =	ssettm $0x1  }
0x91: {  	s18 =	sld [smem:$0x3FFB];
	_ =	sdelay $0x3  }
0x92: {  	_ =	strace s18  }
0x93: {  	s2 =	sld [smem:$0x3FFC];
	_ =	sdelay $0x3  }
0x94: {  	_ =	strace s2  }
0x95: {  	s2 =	sld [smem:$0x3FFD];
	_ =	sdelay $0x3  }
0x96: {  	_ =	strace s2  }
0x97: {  	_ =	strace $0x8FFFFFFF  }
0x98: {  	s19 =	sld [smem:$0x3FDB];
	_ =	sdelay $0x1  }
0x99: {  	s20 =	simm.s32 $_scs_section_size  }
0x9a: {  	s4 =	simm.s32 $_size__tile_overlayer_lowered;
	s5 =	simm.s32 $_tile_overlayer_lowered  }
0x9b: {  	s6 =	simm.s32 $0x1BFF;
	s21 =	sshll.u32 s5, $0x1;
	s3 =	sadd.s32 s20, s19  }
0x9c: {  	s22 =	simm.s32 $0x0;
	s4 =	sshll.u32 s4, $0x1;
	s5 =	sadd.s32 s21, s3  }
0x9d: {  	[timem:s22], [sflag:s6] =	dma.local [hbm:s5], s4  }
0x9e: {  	_ =	swait.ge [sflag:s6], s4  }
0x9f: {  	s4 =	ssub.s32 $0x0, s4;
	[sflag:s6] =	ssyncset.done $0x0  }
0xa0: {  	[sflag:s6] =	ssyncadd.s32 s4;
	_ =	sdelay $0x1  }
0xa1: {  	s23 =	simm.s32 $0x1B8B  }
0xa2: {  	_ =	swait.ge [sflag:s23], $0x1  }
0xa3: {  	[sflag:s23] =	ssyncset.done $0x0  }
0xa4: {  	[sflag:s23] =	ssyncadd.s32 $0xFFFFFFFF  }
0xa5: {  	s4 =	sld [smem:$0x0]  }
0xa6: {  	s5 =	sand.u32 $0xFFFFFFFE, s1  }
0xa7: {  	p0 =	sne.s32 s1, s5  }
0xa8: {  	s5 =	sshll.u32 @p0 s5, $0xE  }
0xa9: {  	s5 =	sadd.s32 @p0 $0x11B8D, s5;
	s6 =	sshll.u32 @p0 s4, $0x11  }
0xaa: {  	s5 =	sor.u32 @p0 s6, s5  }
0xab: {  	[sflag:s5] =	ssyncadd.remote.s32 @p0 $0x1;
	_ =	sdelay $0x1  }
0xac: {  	s5 =	simm.s32 @p0 $0x1B8D  }
0xad: {  	_ =	swait.eq @p0 [sflag:s5], $0x1  }
0xae: {  	[sflag:s5] =	ssyncadd.s32 @p0 $0xFFFFFFFF  }
0xaf: {  	s6 =	sshll.u32 @!p0 s1, $0xE  }
0xb0: {  	s6 =	sor.u32 @!p0 $0x4000, s6;
	s5 =	simm.s32 @!p0 $0x1B8D  }
0xb1: {  	s4 =	sshll.u32 @!p0 s4, $0x11;
	s6 =	sadd.s32 @!p0 $0x11B8D, s6;
	_ =	swait.eq @!p0 [sflag:s5], $0x1  }
0xb2: {  	s4 =	sor.u32 @!p0 s4, s6;
	[sflag:s5] =	ssyncadd.s32 @!p0 $0xFFFFFFFF  }
0xb3: {  	s25 =	simm.s32 $0x1B8E;
	s24 =	sld [smem:$0x3FFE];
	[sflag:s4] =	ssyncadd.remote.s32 @!p0 $0x1  }
0xb4: {  	s26 =	simm.s32 $execute0_lowered;
	[smem:$0x3FD2] =	sst s25  }
0xb5: {  	s5 =	sshll.u32 s26, $0x1;
	_ =	strace $0x80000049;
	[dreg:$0x1] =	wrdreg $0xFFFFFFFF  }
0xb6: {  	s28 =	simm.s32 $_size_execute0_lowered;
	s3 =	sadd.s32 s3, s5;
	[dreg:$0x0] =	wrdreg $0x0  }
0xb7: {  	s5 =	sshll.u32 s28, $0x1;
	[dreg:$0x2] =	wrdreg s3  }
0xb8: {  	[dreg:$0x3] =	wrdreg s5  }
0xb9: {  	[dreg:$0x4] =	wrdreg $0xC0  }
0xba: {  	_ =	task [dreg:s22], $0x5FFFF  }
0xbb: {  	[dreg:$0x1] =	wrdreg $0xFFFFFFFF  }
0xbc: {  	[dreg:$0x0] =	wrdreg $0x60  }
0xbd: {  	[dreg:$0x2] =	wrdreg s24  }
0xbe: {  	[dreg:$0x3] =	wrdreg $0xA8000  }
0xbf: {  	[dreg:$0x4] =	wrdreg $0xA  }
0xc0: {  	_ =	task.clear_ibuf [dreg:s22], $0x5FFFF;
	_ =	strace $0x90000049  }
0xc1: {  	s29 =	simm.s32 $0xA;
	_ =	strace $0x8000004B  }
0xc2: {  	_ =	swait.ge [sflag:s29], $0x1  }
0xc3: {  	[sflag:s29] =	ssyncadd.s32 $0xFFFFFFFF  }
0xc4: {  	_ =	strace $0x9000004B  }
0xc5: {  	_ =	sfence  }
0xc6: {  	s30 =	sld [smem:$0x0];
	_ =	sdelay $0x2  }
0xc7: {  	s31 =	sshll.u32 s1, $0xD;
	s1 =	sshrl.u32 s1, $0x2  }
0xc8: {  	s4 =	sand.u32 $0x4000, s31;
	s1 =	sadd.s32 s1, s30  }
0xc9: {  	s0 =	sor.u32 s4, s0;
	s1 =	sshll.u32 s1, $0x11  }
0xca: {  	s0 =	sor.u32 s1, s0  }
0xcb: {  	s0 =	sadd.s32 $0x8F2B, s0  }
0xcc: {  	[sflag:s0] =	ssyncadd.remote.s32 $0x1  }
0xcd: {  	_ =	sfence.sel $0xFFFF  }
0xce: {  	[dreg:$0x0] =	wrdreg $0xFFFFFFFF;
	(pc) =	sbr.abs _section_cstart, $3  }
0xcf: {  	[dreg:$0x1] =	wrdreg $0xFFFFFFFF  }
0xd0: {  	_ =	task.clear_ibuf [dreg:s22], $0x2FFFF;
	_ =	strace $0x9FFFFFFF  }
0xd1: {  	(tm) =	ssettm $0x7FFFFFFF  }
tec
execute0_lowered:
.L_overlay_start_1:
0x0: {  	(tag) =	ssettag $0x1  }
0x1: {  	s7 =	rddreg [dreg:$0x0]  }
0x2: {  	s1 =	rddreg [dreg:$0x1]  }
0x3: {  	s2 =	srdreg.scid;
	s0 =	rddreg [dreg:$0x2];
	s3 =	simm.s32 $0x0  }
0x4: {  	s15 =	simm.s32 $0x2800;
	s16 =	simm.s32 $0x5;
	s17 =	simm.s32 $0x1400  }
0x5: {  	s18 =	simm.s32 $0x80;
	s19 =	simm.s32 $0x1;
	s20 =	simm.s32 $0x6800  }
0x6: {  	s21 =	simm.s32 $0x2;
	s22 =	simm.s32 $0x3;
	s23 =	simm.s32 $0x100  }
0x7: {  	s24 =	simm.s32 $0x1480;
	s25 =	simm.s32 $0x4;
	s8 =	sand.u32 $0x1, s2  }
0x8: {  	s26 =	simm.s32 $0x0;
	s2 =	stileid.u32;
	s9 =	smul.u32 $0x140000, s8  }
0x9: {  	[smem:$0x7FF] =	sst s3;
	s4 =	sadd.s32 $0x1B200, s7;
	s10 =	smul.u32 $0x14000, s2  }
0xa: {  	s5 =	sadd.s32 $0x10800, s7;
	s6 =	sadd.s32 $0x6800, s7;
	s31 =	smul.u32 $0x50000, s2  }
0xb: {  	_ =	strace $0x8000004A;
	s11 =	ssub.s32 $0x2, s8;
	s12 =	smul.u32 $0x78, s2  }
0xc: {  	p0 =	seq.s32 s8, $0x1;
	s13 =	sshrl.u32 s11, $0x1;
	s9 =	sadd.s32 s10, s9  }
.Ltmp0:
0xd: {  	s10 =	sshrl.u32 s31, $0x2;
	s12 =	sadd.s32 $0x280, s12;
	(pc) =	sbr.rel .LBB2_1-.Ltmp0, $4  }
0xe: {  	s11 =	ssub.s32 s11, s13;
	s9 =	sshrl.u32 s9, $0x3;
	s8 =	sadd.s32 s10, s1  }
0xf: {  	s10 =	smax.u32 s11, $0x1;
	s9 =	sadd.s32 s9, s7;
	s7 =	smul.u32 $0x28, s2  }
0x10: {  	s11 =	sadd.s32 $0x4000, s8;
	s13 =	sadd.s32 $0xC000, s8;
	s14 =	sadd.s32 $0x10000, s8  }
0x11: {  	v0 =	vimm.f32 $0.0e+00;
	s9 =	sadd.s32 $0x43200, s9;
	s7 =	smov.u32 @p0 s12;
	s12 =	sadd.s32 $0x8000, s8  }
.LBB2_8:
0x12: {  	s26 =	sadd.s32 $0x1, s26  }
0x13: {  	s28 =	sshll.u32 s2, $0x6;
	[bflag:$0x0] =	sbarrier.arrive $0xFFFF;
	p1 =	sne.s32 s26, s10  }
.Ltmp1:
0x14: {  	s29 =	sshrl.u32 s8, $0x3;
	s28 =	sor.u32 $0x1C05, s28;
	(pc) =	sbr.rel @!p1 .LBB2_9-.Ltmp1, $4  }
0x15: {  	[hbm:s9], [sflag:s28] =	dma.local [spmem:s29], $0x2800  }
0x16: {  	_ =	swait.ge [sflag:s16], $0x2800  }
0x17: {  	[sflag:s16] =	ssyncset.done $0x0  }
0x18: {  	[sflag:s16] =	ssyncadd.s32 $0xFFFFD800  }
.LBB2_1:
0x19: {  	s28 =	sand.u32 $0xFE00, s3  }
0x1a: {  	s29 =	sand.u32 $0x70, s3;
	s30 =	sshrl.u32 s28, $0x2  }
0x1b: {  	s28 =	simm.s32 $0x40;
	s30 =	sor.u32 s29, s30;
	s29 =	simm.s32 $0x0  }
.LBB2_2:
0x1c: {  	p1 =	sne.s32 s28, $0xFFC0  }
0x1d: {  	[tilespmem:s30+$0x2800] =	vst v0;
	s29 =	sadd.s32 $0x10, s29;
	s30 =	smov.u32 s28;
	s28 =	sadd.s32 $0x40, s28  }
.Ltmp2:
0x1e: {  	(pc) =	sbr.rel @p1 .LBB2_2-.Ltmp2, $4  }
0x1f: {  	_ = 	snop  }
0x20: {  	s30 =	sand.u32 $0xFE00, s30  }
0x21: {  	s31 =	sand.u32 $0x70, s29;
	s30 =	sshrl.u32 s30, $0x2  }
0x22: {  	s30 =	sor.u32 s31, s30  }
0x23: {  	[tilespmem:s30+$0x2800] =	vst v0  }
0x24: {  	[spmem:s8] =	stream.linear.scatter [tilespmem:s15], [sflag:$0x5], $0x4000, $0x38;
	[tilespmem:$0x1E800] =	vst v63  }
0x25: {  	_ =	swait.ge [sflag:s16], $0x4000  }
0x26: {  	[sflag:s16] =	ssyncset.done $0x0  }
0x27: {  	[sflag:s16] =	ssyncadd.s32 $0xFFFFC000  }
0x28: {  	[spmem:s11] =	stream.linear.scatter [tilespmem:s15], [sflag:$0x5], $0x4000, $0x38;
	[tilespmem:$0x1E800] =	vst v63  }
0x29: {  	_ =	swait.ge [sflag:s16], $0x4000  }
0x2a: {  	[sflag:s16] =	ssyncset.done $0x0  }
0x2b: {  	[sflag:s16] =	ssyncadd.s32 $0xFFFFC000  }
0x2c: {  	[spmem:s12] =	stream.linear.scatter [tilespmem:s15], [sflag:$0x5], $0x4000, $0x38;
	[tilespmem:$0x1E800] =	vst v63  }
0x2d: {  	_ =	swait.ge [sflag:s16], $0x4000  }
0x2e: {  	[sflag:s16] =	ssyncset.done $0x0  }
0x2f: {  	[sflag:s16] =	ssyncadd.s32 $0xFFFFC000  }
0x30: {  	[spmem:s13] =	stream.linear.scatter [tilespmem:s15], [sflag:$0x5], $0x4000, $0x38;
	[tilespmem:$0x1E800] =	vst v63  }
0x31: {  	_ =	swait.ge [sflag:s16], $0x4000  }
0x32: {  	[sflag:s16] =	ssyncset.done $0x0  }
0x33: {  	[sflag:s16] =	ssyncadd.s32 $0xFFFFC000  }
0x34: {  	[spmem:s14] =	stream.linear.scatter [tilespmem:s15], [sflag:$0x5], $0x4000, $0x38;
	[tilespmem:$0x1E800] =	vst v63  }
.Ltmp3:
0x35: {  	_ =	swait.ge [sflag:s16], $0x4000;
	(pc) =	sbr.rel .LBB2_4-.Ltmp3, $4  }
0x36: {  	[sflag:s16] =	ssyncset.done $0x0  }
0x37: {  	[sflag:s16] =	ssyncadd.s32 $0xFFFFC000  }
0x38: {  	[bflag:$0x0] =	sbarrier.arrive $0xFFFF  }
0x39: {  	s28 =	simm.s32 $0x0  }
.LBB2_7:
0x3a: {  	[spmem:s1] =	stream.indirect.scatter.add.f32 [tilespmem:s20], [sflag:$0x4], $0x80, s31, s18, $0xb8;
	[tilespmem:$0x1E800] =	vst v63  }
0x3b: {  	p1 =	slt.u32 s28, $0x2  }
0x3c: {  	p1 =	por !p0, !p1  }
0x3d: {  	_ =	swait.ge [sflag:s22], $0x4000;
	p1 =	por !p1, !p1  }
.Ltmp4:
0x3e: {  	[sflag:s22] =	ssyncset.done $0x0;
	(pc) =	sbr.rel @!p1 .LBB2_8-.Ltmp4, $4  }
0x3f: {  	[sflag:s22] =	ssyncadd.s32 $0xFFFFC000  }
0x40: {  	_ =	swait.ge [sflag:s25], $0x4000  }
0x41: {  	[sflag:s25] =	ssyncset.done $0x0  }
0x42: {  	s28 =	sadd.s32 $0x1, s28;
	[sflag:s25] =	ssyncadd.s32 $0xFFFFC000  }
.LBB2_4:
0x43: {  	s29 =	smul.u32 $0x28, s28;
	_ =	sdelay $0x1  }
0x44: {  	s29 =	sadd.s32 s7, s29  }
0x45: {  	s29 =	sshll.u32 s29, $0x4  }
0x46: {  	s30 =	sadd.s32 s5, s29  }
0x47: {  	[tilespmem:s3], [sflag:$0x5] =	stream.linear.gather [hbm4b:s30+s3], $0x1400, $0x38;
	[tilespmem:$0x1E800] =	vst v63  }
0x48: {  	_ =	swait.ge [sflag:s16], $0x1400  }
0x49: {  	[sflag:s16] =	ssyncset.done $0x0  }
0x4a: {  	s29 =	sadd.s32 s6, s29;
	[sflag:s16] =	ssyncadd.s32 $0xFFFFEC00  }
0x4b: {  	[tilespmem:s17], [sflag:$0x5] =	stream.linear.gather [hbm4b:s29+s3], $0x1400, $0x38;
	[tilespmem:$0x1E800] =	vst v63  }
0x4c: {  	_ =	swait.ge [sflag:s16], $0x1400  }
0x4d: {  	[sflag:s16] =	ssyncset.done $0x0  }
0x4e: {  	[sflag:s16] =	ssyncadd.s32 $0xFFFFEC00  }
0x4f: {  	[tilespmem:s15], [sflag:$0x1] =	stream.indirect.gather [hbm4b:s4+s18], $0x80, s3, s18, $0xb8;
	[tilespmem:$0x1E800] =	vst v63  }
0x50: {  	_ =	swait.ge [sflag:s19], $0x4000  }
0x51: {  	[sflag:s19] =	ssyncset.done $0x0  }
0x52: {  	[sflag:s19] =	ssyncadd.s32 $0xFFFFC000  }
0x53: {  	[tilespmem:s20], [sflag:$0x2] =	stream.indirect.gather [hbm4b:s4+s18], $0x80, s18, s18, $0xb8;
	[tilespmem:$0x1E800] =	vst v63  }
0x54: {  	_ = 	snop  }
0x55: {  	[spmem:s1] =	stream.indirect.scatter.add.f32 [tilespmem:s15], [sflag:$0x3], $0x80, s17, s18, $0xb8;
	[tilespmem:$0x1E800] =	vst v63  }
0x56: {  	_ =	swait.ge [sflag:s21], $0x4000  }
0x57: {  	[sflag:s21] =	ssyncset.done $0x0  }
0x58: {  	[sflag:s21] =	ssyncadd.s32 $0xFFFFC000  }
0x59: {  	_ =	swait.ge [sflag:s22], $0x4000  }
0x5a: {  	[sflag:s22] =	ssyncset.done $0x0  }
0x5b: {  	[sflag:s22] =	ssyncadd.s32 $0xFFFFC000  }
0x5c: {  	[tilespmem:s15], [sflag:$0x1] =	stream.indirect.gather [hbm4b:s4+s18], $0x80, s23, s18, $0xb8;
	[tilespmem:$0x1E800] =	vst v63  }
0x5d: {  	s29 =	simm.s32 $0xFFFFB800  }
0x5e: {  	[spmem:s1] =	stream.indirect.scatter.add.f32 [tilespmem:s20], [sflag:$0x4], $0x80, s24, s18, $0xb8;
	[tilespmem:$0x1E800] =	vst v63  }
.LBB2_5:
0x5f: {  	_ =	swait.ge [sflag:s19], $0x4000  }
0x60: {  	[sflag:s19] =	ssyncset.done $0x0  }
0x61: {  	[sflag:s19] =	ssyncadd.s32 $0xFFFFC000  }
0x62: {  	_ =	swait.ge [sflag:s25], $0x4000  }
0x63: {  	s30 =	sshra.s32 s29, $0x2;
	[sflag:s25] =	ssyncset.done $0x0  }
0x64: {  	p1 =	seq.s32 s29, $0x0;
	s31 =	sadd.s32 $0x1380, s30;
	[sflag:s25] =	ssyncadd.s32 $0xFFFFC000  }
0x65: {  	[tilespmem:s20], [sflag:$0x2] =	stream.indirect.gather [hbm4b:s4+s18], $0x80, s31, s18, $0xb8;
	[tilespmem:$0x1E800] =	vst v63  }
.Ltmp5:
0x66: {  	s31 =	sadd.s32 $0x2700, s30;
	(pc) =	sbr.rel @p1 .LBB2_7-.Ltmp5, $4  }
0x67: {  	[spmem:s1] =	stream.indirect.scatter.add.f32 [tilespmem:s15], [sflag:$0x3], $0x80, s31, s18, $0xb8;
	[tilespmem:$0x1E800] =	vst v63  }
0x68: {  	_ =	swait.ge [sflag:s21], $0x4000  }
0x69: {  	[sflag:s21] =	ssyncset.done $0x0  }
0x6a: {  	s31 =	sadd.s32 $0x2780, s30;
	[sflag:s21] =	ssyncadd.s32 $0xFFFFC000  }
0x6b: {  	_ =	swait.ge [sflag:s22], $0x4000  }
.Ltmp6:
0x6c: {  	[sflag:s22] =	ssyncset.done $0x0;
	(pc) =	sbr.rel .LBB2_5-.Ltmp6, $4  }
0x6d: {  	s30 =	sadd.s32 $0x1400, s30;
	[sflag:s22] =	ssyncadd.s32 $0xFFFFC000  }
0x6e: {  	[tilespmem:s15], [sflag:$0x1] =	stream.indirect.gather [hbm4b:s4+s18], $0x80, s30, s18, $0xb8;
	[tilespmem:$0x1E800] =	vst v63  }
0x6f: {  	s29 =	sadd.s32 $0x400, s29  }
0x70: {  	[spmem:s1] =	stream.indirect.scatter.add.f32 [tilespmem:s20], [sflag:$0x4], $0x80, s31, s18, $0xb8;
	[tilespmem:$0x1E800] =	vst v63  }
.LBB2_9:
0x71: {  	_ =	sfence.sel $0x180000  }
0x72: {  	[bflag:$0x0] =	sbarrier.arrive $0xFFFF  }
0x73: {  	p0 =	sne.s32 s2, $0x0;
	_ =	strace $0x9000004A  }
0x74: {  	s0 =	sadd.s32 @!p0 $0x100000, s0;
	[bflag:$0x2] =	sbarrier.arrive $0xFFFF  }
0x75: {  	[sflag:s0] =	ssyncadd.tile.s32 @!p0 $0x1;
	_ =	shalt  }
.Lfunc_end2:
_tile_overlayer_lowered:
.L_overlay_start_2:
0x76: {  	(tag) =	ssettag $0x2  }
0x77: {  	s0 =	rddreg [dreg:$0x0];
	s2 =	stileid.u32  }
0x78: {  	s1 =	rddreg [dreg:$0x1];
	p0 =	sne.s32 s2, $0x0  }
0x79: {  	s3 =	rddreg [dreg:$0x2];
	[bflag:$0x3] =	sbarrier.arrive $0xFFFF;
	s2 =	simm.s32 @!p0 $0x1C05  }
0x7a: {  	[timem:s3], [sflag:s2] =	dma.local @!p0 [hbm:s0], s1  }
0x7b: {  	s0 =	simm.s32 @!p0 $0x5  }
0x7c: {  	_ =	swait.ge @!p0 [sflag:s0], s1  }
0x7d: {  	s1 =	ssub.s32 @!p0 $0x0, s1;
	[sflag:s0] =	ssyncset.done @!p0 $0x0  }
0x7e: {  	[sflag:s0] =	ssyncadd.s32 @!p0 s1  }
0x7f: {  	[bflag:$0x3] =	sbarrier.arrive $0xFFFF  }
0x80: {  	_ =	shalt  }

// kernel: kernel.21.cloned.1.call-start
scs
__scs_entry_jumppad:
0x0: {  	(pc) =	sbr.rel $0x88, $3  }
0x1: {  	(tag) =	ssettag $0x0;
	lr =	simm.s32 $0x1  }
0x2: {  	[smem:$0x3F8D] =	sst lr;
	_ =	strace $0xD0000000  }
0x3: {  	_ = 	snop  }
0x4: {  	_ = 	snop  }
0x5: {  	_ = 	snop  }
0x6: {  	_ = 	snop  }
0x7: {  	_ = 	snop  }
__scs_overlays_trampoline_lowered:
0x8: {  	[smem:$0x3F9C] =	sst s0  }
0x9: {  	[smem:$0x3F9D] =	sst s1  }
0xa: {  	[smem:$0x3F9E] =	sst s2  }
0xb: {  	[smem:$0x3F9F] =	sst s3  }
0xc: {  	[smem:$0x3FA0] =	sst s4  }
0xd: {  	[smem:$0x3FA1] =	sst s5  }
0xe: {  	[smem:$0x3FA2] =	sst s6  }
0xf: {  	[smem:$0x3FA3] =	sst s7  }
0x10: {  	[smem:$0x3FA4] =	sst s8  }
0x11: {  	[smem:$0x3FA5] =	sst s9;
	s0 =	simm.s32 @!p0 $0x0  }
0x12: {  	s1 =	sld [smem:$0x3F8B];
	s0 =	simm.s32 @p0 $0x1  }
0x13: {  	[smem:$0x3FA6] =	sst s0;
	s0 =	simm.s32 @!p1 $0x0  }
0x14: {  	s2 =	sld [smem:$0x3F8A];
	s0 =	simm.s32 @p1 $0x1  }
0x15: {  	[smem:$0x3FA7] =	sst s0;
	s0 =	simm.s32 @!p2 $0x0  }
0x16: {  	s3 =	sld [smem:$0x3FDB];
	s0 =	simm.s32 @p2 $0x1  }
0x17: {  	s4 =	simm.s32 $0x1BF5;
	[smem:$0x3FA9] =	sst s0  }
0x18: {  	s0 =	sld [smem:$0x3F8C];
	_ =	swait.ge [sflag:s4], $0x0  }
0x19: {  	s7 =	sld [smem:$0x3F8D]  }
0x1a: {  	s8 =	sadd.s32 $0xFFFFE003, lr  }
0x1b: {  	s9 =	sadd.s32 $0xFFFFFEF7, lr;
	s5 =	simm.s32 $0xFFFFFFFF;
	p2 =	slt.u32 s8, $0xFFFFF086  }
0x1c: {  	p1 =	slt.u32 s9, $0xF7A;
	s5 =	simm.s32 @!p2 $0x0  }
0x1d: {  	s5 =	simm.s32 @p1 $0x1;
	p0 =	seq.s32 s7, s2  }
0x1e: {  	s7 =	smul.u32 @!p0 $0xF7A, s2;
	p2 =	seq.s32 @!p0 s5, $0x0  }
0x1f: {  	s9 =	smul.u32 $0xF7A, s1;
	s8 =	simm.s32 @!p0 $0x1BF5;
	p2 =	por !p2, p0  }
0x20: {  	[sflag:s8] =	ssyncset.s32 @!p0 $0xFFFFF086;
	s6 =	sadd.s32 @!p0 s3, s7;
	s7 =	simm.s32 @!p0 $0x108  }
0x21: {  	s3 =	sadd.s32 s3, s9;
	s6 =	sadd.s32 @!p0 $0x88, s6;
	s7 =	simm.s32 @p2 $0x1082  }
0x22: {  	[simem:s7], [sflag:s8] =	dma.local @!p0 [hbm:s6], $0xF7A  }
0x23: {  	s9 =	sor.u32 $0xD0000000, s2;
	s6 =	simm.s32 $0x108;
	_ =	swait.ge @!p0 [sflag:s8], $0x0  }
0x24: {  	s3 =	sadd.s32 $0x88, s3;
	s6 =	simm.s32 @!p1 $0x1082;
	[sflag:s4] =	ssyncset.s32 $0xFFFFF086  }
0x25: {  	[simem:s6], [sflag:s4] =	dma.local [hbm:s3], $0xF7A  }
0x26: {  	[smem:$0x3F8D] =	sst s1;
	(tag) =	ssettag s2;
	_ =	strace s9  }
0x27: {  	s1 =	sld [smem:$0x3F9D]  }
0x28: {  	s2 =	sld [smem:$0x3F9E]  }
0x29: {  	s4 =	sld [smem:$0x3FA0]  }
0x2a: {  	p0 =	seq.s32 s5, $0x0;
	s5 =	sld [smem:$0x3FA1]  }
0x2b: {  	s6 =	sld [smem:$0x3FA2]  }
0x2c: {  	s7 =	sld [smem:$0x3FA3]  }
0x2d: {  	s3 =	simm.s32 $0x108;
	s8 =	sld [smem:$0x3FA4]  }
0x2e: {  	s3 =	simm.s32 @!p0 $0x1082;
	s9 =	sld [smem:$0x3FA5]  }
0x2f: {  	lr =	sadd.s32 s0, s3;
	s0 =	sld [smem:$0x3F9C]  }
0x30: {  	s3 =	sld [smem:$0x3F9F]  }
0x31: {  	[smem:$0x3FA8] =	sst s10  }
0x32: {  	s10 =	sld [smem:$0x3FA6];
	_ =	sdelay $0x3  }
0x33: {  	p0 =	seq.s32 s10, $0x1;
	s10 =	sld [smem:$0x3FA8];
	_ =	sdelay $0x3  }
0x34: {  	[smem:$0x3FA8] =	sst s10  }
0x35: {  	s10 =	sld [smem:$0x3FA7];
	_ =	sdelay $0x3  }
0x36: {  	p1 =	seq.s32 s10, $0x1;
	s10 =	sld [smem:$0x3FA8];
	_ =	sdelay $0x3  }
0x37: {  	[smem:$0x3FA8] =	sst s10  }
0x38: {  	s10 =	sld [smem:$0x3FA9]  }
0x39: {  	_ = 	snop;
	(pc) =	sbr.ind lr, $3  }
0x3a: {  	_ = 	snop  }
0x3b: {  	_ = 	snop  }
0x3c: {  	p2 =	seq.s32 s10, $0x1;
	s10 =	sld [smem:$0x3FA8]  }
0x3d: {  	_ =	shalt  }
0x3e: {  	_ =	shalt  }
0x3f: {  	_ =	shalt  }
0x40: {  	_ =	shalt  }
0x41: {  	_ =	shalt  }
0x42: {  	_ =	shalt  }
0x43: {  	_ =	shalt  }
0x44: {  	_ =	shalt  }
0x45: {  	_ =	shalt  }
0x46: {  	_ =	shalt  }
0x47: {  	_ =	shalt  }
0x48: {  	_ =	shalt  }
0x49: {  	_ =	shalt  }
0x4a: {  	_ =	shalt  }
0x4b: {  	_ =	shalt  }
0x4c: {  	_ =	shalt  }
0x4d: {  	_ =	shalt  }
0x4e: {  	_ =	shalt  }
0x4f: {  	_ =	shalt  }
0x50: {  	_ =	shalt  }
0x51: {  	_ =	shalt  }
0x52: {  	_ =	shalt  }
0x53: {  	_ =	shalt  }
0x54: {  	_ =	shalt  }
0x55: {  	_ =	shalt  }
0x56: {  	_ =	shalt  }
0x57: {  	_ =	shalt  }
0x58: {  	_ =	shalt  }
0x59: {  	_ =	shalt  }
0x5a: {  	_ =	shalt  }
0x5b: {  	_ =	shalt  }
0x5c: {  	_ =	shalt  }
0x5d: {  	_ =	shalt  }
0x5e: {  	_ =	shalt  }
0x5f: {  	_ =	shalt  }
0x60: {  	_ =	shalt  }
0x61: {  	_ =	shalt  }
0x62: {  	_ =	shalt  }
0x63: {  	_ =	shalt  }
0x64: {  	_ =	shalt  }
0x65: {  	_ =	shalt  }
0x66: {  	_ =	shalt  }
0x67: {  	_ =	shalt  }
0x68: {  	_ =	shalt  }
0x69: {  	_ =	shalt  }
0x6a: {  	_ =	shalt  }
0x6b: {  	_ =	shalt  }
0x6c: {  	_ =	shalt  }
0x6d: {  	_ =	shalt  }
0x6e: {  	_ =	shalt  }
0x6f: {  	_ =	shalt  }
0x70: {  	_ =	shalt  }
0x71: {  	_ =	shalt  }
0x72: {  	_ =	shalt  }
0x73: {  	_ =	shalt  }
0x74: {  	_ =	shalt  }
0x75: {  	_ =	shalt  }
0x76: {  	_ =	shalt  }
0x77: {  	_ =	shalt  }
0x78: {  	_ =	shalt  }
0x79: {  	_ =	shalt  }
0x7a: {  	_ =	shalt  }
0x7b: {  	_ =	shalt  }
0x7c: {  	_ =	shalt  }
0x7d: {  	_ =	shalt  }
0x7e: {  	_ =	shalt  }
0x7f: {  	_ =	shalt  }
0x80: {  	_ =	shalt  }
0x81: {  	_ =	shalt  }
0x82: {  	_ =	shalt  }
0x83: {  	_ =	shalt  }
0x84: {  	_ =	shalt  }
0x85: {  	_ =	shalt  }
0x86: {  	_ =	shalt  }
0x87: {  	_ =	shalt  }
.Lfunc_end0:
.L_simem_size_0:
called_computation.2_lowered:
.L_overlay_start_0:
0x88: {  	s2 =	sld [smem:$0x3FD9]  }
0x89: {  	s3 =	sld [smem:$0x3FFE];
	_ =	sdelay $0x1  }
0x8a: {  	s1 =	srdreg.scid  }
0x8b: {  	s0 =	sand.u32 $0x1, s1  }
0x8c: {  	s16 =	sshll.u32 s0, $0xA;
	s2 =	sadd.s32 s3, s2  }
0x8d: {  	s2 =	sadd.s32 s2, s16  }
0x8e: {  	[smem:$0x3FB4] =	sst s2  }
0x8f: {  	_ = 	snop  }
0x90: {  	(tm) =	ssettm $0x1  }
0x91: {  	s17 =	sld [smem:$0x3FFB];
	_ =	sdelay $0x3  }
0x92: {  	_ =	strace s17  }
0x93: {  	s2 =	sld [smem:$0x3FFC];
	_ =	sdelay $0x3  }
0x94: {  	_ =	strace s2  }
0x95: {  	s2 =	sld [smem:$0x3FFD];
	_ =	sdelay $0x3  }
0x96: {  	_ =	strace s2  }
0x97: {  	_ =	strace $0x8FFFFFFF  }
0x98: {  	s18 =	sld [smem:$0x3FDB];
	_ =	sdelay $0x1  }
0x99: {  	s19 =	simm.s32 $_scs_section_size  }
0x9a: {  	s4 =	simm.s32 $_size__tile_overlayer_lowered;
	s5 =	simm.s32 $_tile_overlayer_lowered  }
0x9b: {  	s22 =	simm.s32 $0x1BFF;
	s21 =	sshll.u32 s5, $0x1;
	s2 =	sadd.s32 s19, s18  }
0x9c: {  	s6 =	simm.s32 $0x0;
	s20 =	sshll.u32 s4, $0x1;
	s4 =	sadd.s32 s21, s2  }
0x9d: {  	[timem:s6], [sflag:s22] =	dma.local [hbm:s4], s20  }
0x9e: {  	_ =	swait.ge [sflag:s22], s20  }
0x9f: {  	s3 =	ssub.s32 $0x0, s20;
	[sflag:s22] =	ssyncset.done $0x0  }
0xa0: {  	[sflag:s22] =	ssyncadd.s32 s3;
	_ =	sdelay $0x1  }
0xa1: {  	s23 =	simm.s32 $0x1B8B  }
0xa2: {  	_ =	swait.ge [sflag:s23], $0x1  }
0xa3: {  	[sflag:s23] =	ssyncset.done $0x0  }
0xa4: {  	s25 =	simm.s32 $0x1B8E;
	s24 =	sld [smem:$0x3FFE];
	[sflag:s23] =	ssyncadd.s32 $0xFFFFFFFF  }
0xa5: {  	s26 =	simm.s32 $execute0_lowered;
	[smem:$0x3FD2] =	sst s25  }
0xa6: {  	s4 =	sshll.u32 s26, $0x1;
	_ =	strace $0x8000004C;
	[dreg:$0x1] =	wrdreg $0xFFFFFFFF  }
0xa7: {  	s28 =	simm.s32 $_size_execute0_lowered;
	s2 =	sadd.s32 s2, s4;
	[dreg:$0x0] =	wrdreg $0x0  }
0xa8: {  	s4 =	sshll.u32 s28, $0x1;
	[dreg:$0x2] =	wrdreg s2  }
0xa9: {  	[dreg:$0x3] =	wrdreg s4  }
0xaa: {  	[dreg:$0x4] =	wrdreg $0xC0  }
0xab: {  	_ =	task [dreg:s6], $0x5FFFF  }
0xac: {  	[dreg:$0x1] =	wrdreg $0xFFFFFFFF  }
0xad: {  	[dreg:$0x0] =	wrdreg $0x60  }
0xae: {  	[dreg:$0x2] =	wrdreg s24  }
0xaf: {  	[dreg:$0x3] =	wrdreg $0xA8000  }
0xb0: {  	[dreg:$0x4] =	wrdreg $0x9  }
0xb1: {  	_ =	task.clear_ibuf [dreg:s6], $0x5FFFF;
	_ =	strace $0x9000004C  }
0xb2: {  	s29 =	simm.s32 $0x9;
	_ =	strace $0x8000004E  }
0xb3: {  	_ =	swait.ge [sflag:s29], $0x1  }
0xb4: {  	[sflag:s29] =	ssyncadd.s32 $0xFFFFFFFF  }
0xb5: {  	_ =	strace $0x9000004E  }
0xb6: {  	_ =	sfence  }
0xb7: {  	s30 =	sld [smem:$0x0];
	_ =	sdelay $0x2  }
0xb8: {  	s31 =	sshll.u32 s1, $0xD;
	s1 =	sshrl.u32 s1, $0x2  }
0xb9: {  	s3 =	sand.u32 $0x4000, s31;
	s1 =	sadd.s32 s1, s30  }
0xba: {  	s0 =	sor.u32 s3, s0;
	s1 =	sshll.u32 s1, $0x11  }
0xbb: {  	s0 =	sor.u32 s1, s0  }
0xbc: {  	s0 =	sadd.s32 $0x8F2B, s0  }
0xbd: {  	[sflag:s0] =	ssyncadd.remote.s32 $0x1  }
0xbe: {  	_ =	sfence.sel $0xFFFF  }
0xbf: {  	[dreg:$0x0] =	wrdreg $0xFFFFFFFF;
	(pc) =	sbr.abs _section_cstart, $3  }
0xc0: {  	[dreg:$0x1] =	wrdreg $0xFFFFFFFF  }
0xc1: {  	_ =	task.clear_ibuf [dreg:s6], $0x2FFFF;
	_ =	strace $0x9FFFFFFF  }
0xc2: {  	(tm) =	ssettm $0x7FFFFFFF  }
0xc3: {  	_ =	shalt  }
tec
execute0_lowered:
.L_overlay_start_1:
0x0: {  	(tag) =	ssettag $0x1  }
0x1: {  	s7 =	rddreg [dreg:$0x0]  }
0x2: {  	s1 =	rddreg [dreg:$0x1]  }
0x3: {  	s2 =	srdreg.scid;
	s0 =	rddreg [dreg:$0x2];
	s3 =	simm.s32 $0x0  }
0x4: {  	s15 =	simm.s32 $0x2800;
	s16 =	simm.s32 $0x5;
	s17 =	simm.s32 $0x1400  }
0x5: {  	s18 =	simm.s32 $0x80;
	s19 =	simm.s32 $0x1;
	s20 =	simm.s32 $0x6800  }
0x6: {  	s21 =	simm.s32 $0x2;
	s22 =	simm.s32 $0x3;
	s23 =	simm.s32 $0x100  }
0x7: {  	s24 =	simm.s32 $0x1480;
	s25 =	simm.s32 $0x4;
	s8 =	sand.u32 $0x1, s2  }
0x8: {  	s26 =	simm.s32 $0x0;
	s2 =	stileid.u32;
	s9 =	smul.u32 $0x140000, s8  }
0x9: {  	[smem:$0x7FF] =	sst s3;
	s4 =	sadd.s32 $0x1A800, s7;
	s10 =	smul.u32 $0x14000, s2  }
0xa: {  	s5 =	sadd.s32 $0x10800, s7;
	s6 =	sadd.s32 $0x6800, s7;
	s31 =	smul.u32 $0x50000, s2  }
0xb: {  	_ =	strace $0x8000004D;
	s11 =	ssub.s32 $0x2, s8;
	s12 =	smul.u32 $0x78, s2  }
0xc: {  	p0 =	seq.s32 s8, $0x1;
	s13 =	sshrl.u32 s11, $0x1;
	s9 =	sadd.s32 s10, s9  }
.Ltmp0:
0xd: {  	s10 =	sshrl.u32 s31, $0x2;
	s12 =	sadd.s32 $0x280, s12;
	(pc) =	sbr.rel .LBB2_1-.Ltmp0, $4  }
0xe: {  	s11 =	ssub.s32 s11, s13;
	s9 =	sshrl.u32 s9, $0x3;
	s8 =	sadd.s32 s10, s1  }
0xf: {  	s10 =	smax.u32 s11, $0x1;
	s9 =	sadd.s32 s9, s7;
	s7 =	smul.u32 $0x28, s2  }
0x10: {  	s11 =	sadd.s32 $0x4000, s8;
	s13 =	sadd.s32 $0xC000, s8;
	s14 =	sadd.s32 $0x10000, s8  }
0x11: {  	v0 =	vimm.f32 $0.0e+00;
	s9 =	sadd.s32 $0x42800, s9;
	s7 =	smov.u32 @p0 s12;
	s12 =	sadd.s32 $0x8000, s8  }
.LBB2_8:
0x12: {  	s26 =	sadd.s32 $0x1, s26  }
0x13: {  	s28 =	sshll.u32 s2, $0x6;
	[bflag:$0x0] =	sbarrier.arrive $0xFFFF;
	p1 =	sne.s32 s26, s10  }
.Ltmp1:
0x14: {  	s29 =	sshrl.u32 s8, $0x3;
	s28 =	sor.u32 $0x1C05, s28;
	(pc) =	sbr.rel @!p1 .LBB2_9-.Ltmp1, $4  }
0x15: {  	[hbm:s9], [sflag:s28] =	dma.local [spmem:s29], $0x2800  }
0x16: {  	_ =	swait.ge [sflag:s16], $0x2800  }
0x17: {  	[sflag:s16] =	ssyncset.done $0x0  }
0x18: {  	[sflag:s16] =	ssyncadd.s32 $0xFFFFD800  }
.LBB2_1:
0x19: {  	s28 =	sand.u32 $0xFE00, s3  }
0x1a: {  	s29 =	sand.u32 $0x70, s3;
	s30 =	sshrl.u32 s28, $0x2  }
0x1b: {  	s28 =	simm.s32 $0x40;
	s30 =	sor.u32 s29, s30;
	s29 =	simm.s32 $0x0  }
.LBB2_2:
0x1c: {  	p1 =	sne.s32 s28, $0xFFC0  }
0x1d: {  	[tilespmem:s30+$0x2800] =	vst v0;
	s29 =	sadd.s32 $0x10, s29;
	s30 =	smov.u32 s28;
	s28 =	sadd.s32 $0x40, s28  }
.Ltmp2:
0x1e: {  	(pc) =	sbr.rel @p1 .LBB2_2-.Ltmp2, $4  }
0x1f: {  	_ = 	snop  }
0x20: {  	s30 =	sand.u32 $0xFE00, s30  }
0x21: {  	s31 =	sand.u32 $0x70, s29;
	s30 =	sshrl.u32 s30, $0x2  }
0x22: {  	s30 =	sor.u32 s31, s30  }
0x23: {  	[tilespmem:s30+$0x2800] =	vst v0  }
0x24: {  	[spmem:s8] =	stream.linear.scatter [tilespmem:s15], [sflag:$0x5], $0x4000, $0x38;
	[tilespmem:$0x1E800] =	vst v63  }
0x25: {  	_ =	swait.ge [sflag:s16], $0x4000  }
0x26: {  	[sflag:s16] =	ssyncset.done $0x0  }
0x27: {  	[sflag:s16] =	ssyncadd.s32 $0xFFFFC000  }
0x28: {  	[spmem:s11] =	stream.linear.scatter [tilespmem:s15], [sflag:$0x5], $0x4000, $0x38;
	[tilespmem:$0x1E800] =	vst v63  }
0x29: {  	_ =	swait.ge [sflag:s16], $0x4000  }
0x2a: {  	[sflag:s16] =	ssyncset.done $0x0  }
0x2b: {  	[sflag:s16] =	ssyncadd.s32 $0xFFFFC000  }
0x2c: {  	[spmem:s12] =	stream.linear.scatter [tilespmem:s15], [sflag:$0x5], $0x4000, $0x38;
	[tilespmem:$0x1E800] =	vst v63  }
0x2d: {  	_ =	swait.ge [sflag:s16], $0x4000  }
0x2e: {  	[sflag:s16] =	ssyncset.done $0x0  }
0x2f: {  	[sflag:s16] =	ssyncadd.s32 $0xFFFFC000  }
0x30: {  	[spmem:s13] =	stream.linear.scatter [tilespmem:s15], [sflag:$0x5], $0x4000, $0x38;
	[tilespmem:$0x1E800] =	vst v63  }
0x31: {  	_ =	swait.ge [sflag:s16], $0x4000  }
0x32: {  	[sflag:s16] =	ssyncset.done $0x0  }
0x33: {  	[sflag:s16] =	ssyncadd.s32 $0xFFFFC000  }
0x34: {  	[spmem:s14] =	stream.linear.scatter [tilespmem:s15], [sflag:$0x5], $0x4000, $0x38;
	[tilespmem:$0x1E800] =	vst v63  }
.Ltmp3:
0x35: {  	_ =	swait.ge [sflag:s16], $0x4000;
	(pc) =	sbr.rel .LBB2_4-.Ltmp3, $4  }
0x36: {  	[sflag:s16] =	ssyncset.done $0x0  }
0x37: {  	[sflag:s16] =	ssyncadd.s32 $0xFFFFC000  }
0x38: {  	[bflag:$0x0] =	sbarrier.arrive $0xFFFF  }
0x39: {  	s28 =	simm.s32 $0x0  }
.LBB2_7:
0x3a: {  	[spmem:s1] =	stream.indirect.scatter.add.f32 [tilespmem:s20], [sflag:$0x4], $0x80, s31, s18, $0xb8;
	[tilespmem:$0x1E800] =	vst v63  }
0x3b: {  	p1 =	slt.u32 s28, $0x2  }
0x3c: {  	p1 =	por !p0, !p1  }
0x3d: {  	_ =	swait.ge [sflag:s22], $0x4000;
	p1 =	por !p1, !p1  }
.Ltmp4:
0x3e: {  	[sflag:s22] =	ssyncset.done $0x0;
	(pc) =	sbr.rel @!p1 .LBB2_8-.Ltmp4, $4  }
0x3f: {  	[sflag:s22] =	ssyncadd.s32 $0xFFFFC000  }
0x40: {  	_ =	swait.ge [sflag:s25], $0x4000  }
0x41: {  	[sflag:s25] =	ssyncset.done $0x0  }
0x42: {  	s28 =	sadd.s32 $0x1, s28;
	[sflag:s25] =	ssyncadd.s32 $0xFFFFC000  }
.LBB2_4:
0x43: {  	s29 =	smul.u32 $0x28, s28;
	_ =	sdelay $0x1  }
0x44: {  	s29 =	sadd.s32 s7, s29  }
0x45: {  	s29 =	sshll.u32 s29, $0x4  }
0x46: {  	s30 =	sadd.s32 s5, s29  }
0x47: {  	[tilespmem:s3], [sflag:$0x5] =	stream.linear.gather [hbm4b:s30+s3], $0x1400, $0x38;
	[tilespmem:$0x1E800] =	vst v63  }
0x48: {  	_ =	swait.ge [sflag:s16], $0x1400  }
0x49: {  	[sflag:s16] =	ssyncset.done $0x0  }
0x4a: {  	s29 =	sadd.s32 s6, s29;
	[sflag:s16] =	ssyncadd.s32 $0xFFFFEC00  }
0x4b: {  	[tilespmem:s17], [sflag:$0x5] =	stream.linear.gather [hbm4b:s29+s3], $0x1400, $0x38;
	[tilespmem:$0x1E800] =	vst v63  }
0x4c: {  	_ =	swait.ge [sflag:s16], $0x1400  }
0x4d: {  	[sflag:s16] =	ssyncset.done $0x0  }
0x4e: {  	[sflag:s16] =	ssyncadd.s32 $0xFFFFEC00  }
0x4f: {  	[tilespmem:s15], [sflag:$0x1] =	stream.indirect.gather [hbm4b:s4+s18], $0x80, s3, s18, $0xb8;
	[tilespmem:$0x1E800] =	vst v63  }
0x50: {  	_ =	swait.ge [sflag:s19], $0x4000  }
0x51: {  	[sflag:s19] =	ssyncset.done $0x0  }
0x52: {  	[sflag:s19] =	ssyncadd.s32 $0xFFFFC000  }
0x53: {  	[tilespmem:s20], [sflag:$0x2] =	stream.indirect.gather [hbm4b:s4+s18], $0x80, s18, s18, $0xb8;
	[tilespmem:$0x1E800] =	vst v63  }
0x54: {  	_ = 	snop  }
0x55: {  	[spmem:s1] =	stream.indirect.scatter.add.f32 [tilespmem:s15], [sflag:$0x3], $0x80, s17, s18, $0xb8;
	[tilespmem:$0x1E800] =	vst v63  }
0x56: {  	_ =	swait.ge [sflag:s21], $0x4000  }
0x57: {  	[sflag:s21] =	ssyncset.done $0x0  }
0x58: {  	[sflag:s21] =	ssyncadd.s32 $0xFFFFC000  }
0x59: {  	_ =	swait.ge [sflag:s22], $0x4000  }
0x5a: {  	[sflag:s22] =	ssyncset.done $0x0  }
0x5b: {  	[sflag:s22] =	ssyncadd.s32 $0xFFFFC000  }
0x5c: {  	[tilespmem:s15], [sflag:$0x1] =	stream.indirect.gather [hbm4b:s4+s18], $0x80, s23, s18, $0xb8;
	[tilespmem:$0x1E800] =	vst v63  }
0x5d: {  	s29 =	simm.s32 $0xFFFFB800  }
0x5e: {  	[spmem:s1] =	stream.indirect.scatter.add.f32 [tilespmem:s20], [sflag:$0x4], $0x80, s24, s18, $0xb8;
	[tilespmem:$0x1E800] =	vst v63  }
.LBB2_5:
0x5f: {  	_ =	swait.ge [sflag:s19], $0x4000  }
0x60: {  	[sflag:s19] =	ssyncset.done $0x0  }
0x61: {  	[sflag:s19] =	ssyncadd.s32 $0xFFFFC000  }
0x62: {  	_ =	swait.ge [sflag:s25], $0x4000  }
0x63: {  	s30 =	sshra.s32 s29, $0x2;
	[sflag:s25] =	ssyncset.done $0x0  }
0x64: {  	p1 =	seq.s32 s29, $0x0;
	s31 =	sadd.s32 $0x1380, s30;
	[sflag:s25] =	ssyncadd.s32 $0xFFFFC000  }
0x65: {  	[tilespmem:s20], [sflag:$0x2] =	stream.indirect.gather [hbm4b:s4+s18], $0x80, s31, s18, $0xb8;
	[tilespmem:$0x1E800] =	vst v63  }
.Ltmp5:
0x66: {  	s31 =	sadd.s32 $0x2700, s30;
	(pc) =	sbr.rel @p1 .LBB2_7-.Ltmp5, $4  }
0x67: {  	[spmem:s1] =	stream.indirect.scatter.add.f32 [tilespmem:s15], [sflag:$0x3], $0x80, s31, s18, $0xb8;
	[tilespmem:$0x1E800] =	vst v63  }
0x68: {  	_ =	swait.ge [sflag:s21], $0x4000  }
0x69: {  	[sflag:s21] =	ssyncset.done $0x0  }
0x6a: {  	s31 =	sadd.s32 $0x2780, s30;
	[sflag:s21] =	ssyncadd.s32 $0xFFFFC000  }
0x6b: {  	_ =	swait.ge [sflag:s22], $0x4000  }
.Ltmp6:
0x6c: {  	[sflag:s22] =	ssyncset.done $0x0;
	(pc) =	sbr.rel .LBB2_5-.Ltmp6, $4  }
0x6d: {  	s30 =	sadd.s32 $0x1400, s30;
	[sflag:s22] =	ssyncadd.s32 $0xFFFFC000  }
0x6e: {  	[tilespmem:s15], [sflag:$0x1] =	stream.indirect.gather [hbm4b:s4+s18], $0x80, s30, s18, $0xb8;
	[tilespmem:$0x1E800] =	vst v63  }
0x6f: {  	s29 =	sadd.s32 $0x400, s29  }
0x70: {  	[spmem:s1] =	stream.indirect.scatter.add.f32 [tilespmem:s20], [sflag:$0x4], $0x80, s31, s18, $0xb8;
	[tilespmem:$0x1E800] =	vst v63  }
.LBB2_9:
0x71: {  	_ =	sfence.sel $0x180000  }
0x72: {  	[bflag:$0x0] =	sbarrier.arrive $0xFFFF  }
0x73: {  	p0 =	sne.s32 s2, $0x0;
	_ =	strace $0x9000004D  }
0x74: {  	s0 =	sadd.s32 @!p0 $0x100000, s0;
	[bflag:$0x2] =	sbarrier.arrive $0xFFFF  }
0x75: {  	[sflag:s0] =	ssyncadd.tile.s32 @!p0 $0x1;
	_ =	shalt  }
.Lfunc_end2:
_tile_overlayer_lowered:
.L_overlay_start_2:
0x76: {  	(tag) =	ssettag $0x2  }
0x77: {  	s0 =	rddreg [dreg:$0x0];
	s2 =	stileid.u32  }
0x78: {  	s1 =	rddreg [dreg:$0x1];
	p0 =	sne.s32 s2, $0x0  }
0x79: {  	s3 =	rddreg [dreg:$0x2];
	[bflag:$0x3] =	sbarrier.arrive $0xFFFF;
	s2 =	simm.s32 @!p0 $0x1C05  }
0x7a: {  	[timem:s3], [sflag:s2] =	dma.local @!p0 [hbm:s0], s1  }
0x7b: {  	s0 =	simm.s32 @!p0 $0x5  }
0x7c: {  	_ =	swait.ge @!p0 [sflag:s0], s1  }
0x7d: {  	s1 =	ssub.s32 @!p0 $0x0, s1;
	[sflag:s0] =	ssyncset.done @!p0 $0x0  }
0x7e: {  	[sflag:s0] =	ssyncadd.s32 @!p0 s1  }
0x7f: {  	[bflag:$0x3] =	sbarrier.arrive $0xFFFF  }
0x80: {  	_ =	shalt  }

// kernel: kernel.24.cloned.1.call-start
scs
__scs_entry_jumppad:
0x0: {  	(pc) =	sbr.rel $0x88, $3  }
0x1: {  	(tag) =	ssettag $0x0;
	lr =	simm.s32 $0x1  }
0x2: {  	[smem:$0x3F8D] =	sst lr;
	_ =	strace $0xD0000000  }
0x3: {  	_ = 	snop  }
0x4: {  	_ = 	snop  }
0x5: {  	_ = 	snop  }
0x6: {  	_ = 	snop  }
0x7: {  	_ = 	snop  }
__scs_overlays_trampoline_lowered:
0x8: {  	[smem:$0x3F9C] =	sst s0  }
0x9: {  	[smem:$0x3F9D] =	sst s1  }
0xa: {  	[smem:$0x3F9E] =	sst s2  }
0xb: {  	[smem:$0x3F9F] =	sst s3  }
0xc: {  	[smem:$0x3FA0] =	sst s4  }
0xd: {  	[smem:$0x3FA1] =	sst s5  }
0xe: {  	[smem:$0x3FA2] =	sst s6  }
0xf: {  	[smem:$0x3FA3] =	sst s7  }
0x10: {  	[smem:$0x3FA4] =	sst s8  }
0x11: {  	[smem:$0x3FA5] =	sst s9;
	s0 =	simm.s32 @!p0 $0x0  }
0x12: {  	s1 =	sld [smem:$0x3F8B];
	s0 =	simm.s32 @p0 $0x1  }
0x13: {  	[smem:$0x3FA6] =	sst s0;
	s0 =	simm.s32 @!p1 $0x0  }
0x14: {  	s2 =	sld [smem:$0x3F8A];
	s0 =	simm.s32 @p1 $0x1  }
0x15: {  	[smem:$0x3FA7] =	sst s0;
	s0 =	simm.s32 @!p2 $0x0  }
0x16: {  	s3 =	sld [smem:$0x3FDB];
	s0 =	simm.s32 @p2 $0x1  }
0x17: {  	s4 =	simm.s32 $0x1BF5;
	[smem:$0x3FA9] =	sst s0  }
0x18: {  	s0 =	sld [smem:$0x3F8C];
	_ =	swait.ge [sflag:s4], $0x0  }
0x19: {  	s7 =	sld [smem:$0x3F8D]  }
0x1a: {  	s8 =	sadd.s32 $0xFFFFE003, lr  }
0x1b: {  	s9 =	sadd.s32 $0xFFFFFEF7, lr;
	s5 =	simm.s32 $0xFFFFFFFF;
	p2 =	slt.u32 s8, $0xFFFFF086  }
0x1c: {  	p1 =	slt.u32 s9, $0xF7A;
	s5 =	simm.s32 @!p2 $0x0  }
0x1d: {  	s5 =	simm.s32 @p1 $0x1;
	p0 =	seq.s32 s7, s2  }
0x1e: {  	s7 =	smul.u32 @!p0 $0xF7A, s2;
	p2 =	seq.s32 @!p0 s5, $0x0  }
0x1f: {  	s9 =	smul.u32 $0xF7A, s1;
	s8 =	simm.s32 @!p0 $0x1BF5;
	p2 =	por !p2, p0  }
0x20: {  	[sflag:s8] =	ssyncset.s32 @!p0 $0xFFFFF086;
	s6 =	sadd.s32 @!p0 s3, s7;
	s7 =	simm.s32 @!p0 $0x108  }
0x21: {  	s3 =	sadd.s32 s3, s9;
	s6 =	sadd.s32 @!p0 $0x88, s6;
	s7 =	simm.s32 @p2 $0x1082  }
0x22: {  	[simem:s7], [sflag:s8] =	dma.local @!p0 [hbm:s6], $0xF7A  }
0x23: {  	s9 =	sor.u32 $0xD0000000, s2;
	s6 =	simm.s32 $0x108;
	_ =	swait.ge @!p0 [sflag:s8], $0x0  }
0x24: {  	s3 =	sadd.s32 $0x88, s3;
	s6 =	simm.s32 @!p1 $0x1082;
	[sflag:s4] =	ssyncset.s32 $0xFFFFF086  }
0x25: {  	[simem:s6], [sflag:s4] =	dma.local [hbm:s3], $0xF7A  }
0x26: {  	[smem:$0x3F8D] =	sst s1;
	(tag) =	ssettag s2;
	_ =	strace s9  }
0x27: {  	s1 =	sld [smem:$0x3F9D]  }
0x28: {  	s2 =	sld [smem:$0x3F9E]  }
0x29: {  	s4 =	sld [smem:$0x3FA0]  }
0x2a: {  	p0 =	seq.s32 s5, $0x0;
	s5 =	sld [smem:$0x3FA1]  }
0x2b: {  	s6 =	sld [smem:$0x3FA2]  }
0x2c: {  	s7 =	sld [smem:$0x3FA3]  }
0x2d: {  	s3 =	simm.s32 $0x108;
	s8 =	sld [smem:$0x3FA4]  }
0x2e: {  	s3 =	simm.s32 @!p0 $0x1082;
	s9 =	sld [smem:$0x3FA5]  }
0x2f: {  	lr =	sadd.s32 s0, s3;
	s0 =	sld [smem:$0x3F9C]  }
0x30: {  	s3 =	sld [smem:$0x3F9F]  }
0x31: {  	[smem:$0x3FA8] =	sst s10  }
0x32: {  	s10 =	sld [smem:$0x3FA6];
	_ =	sdelay $0x3  }
0x33: {  	p0 =	seq.s32 s10, $0x1;
	s10 =	sld [smem:$0x3FA8];
	_ =	sdelay $0x3  }
0x34: {  	[smem:$0x3FA8] =	sst s10  }
0x35: {  	s10 =	sld [smem:$0x3FA7];
	_ =	sdelay $0x3  }
0x36: {  	p1 =	seq.s32 s10, $0x1;
	s10 =	sld [smem:$0x3FA8];
	_ =	sdelay $0x3  }
0x37: {  	[smem:$0x3FA8] =	sst s10  }
0x38: {  	s10 =	sld [smem:$0x3FA9]  }
0x39: {  	_ = 	snop;
	(pc) =	sbr.ind lr, $3  }
0x3a: {  	_ = 	snop  }
0x3b: {  	_ = 	snop  }
0x3c: {  	p2 =	seq.s32 s10, $0x1;
	s10 =	sld [smem:$0x3FA8]  }
0x3d: {  	_ =	shalt  }
0x3e: {  	_ =	shalt  }
0x3f: {  	_ =	shalt  }
0x40: {  	_ =	shalt  }
0x41: {  	_ =	shalt  }
0x42: {  	_ =	shalt  }
0x43: {  	_ =	shalt  }
0x44: {  	_ =	shalt  }
0x45: {  	_ =	shalt  }
0x46: {  	_ =	shalt  }
0x47: {  	_ =	shalt  }
0x48: {  	_ =	shalt  }
0x49: {  	_ =	shalt  }
0x4a: {  	_ =	shalt  }
0x4b: {  	_ =	shalt  }
0x4c: {  	_ =	shalt  }
0x4d: {  	_ =	shalt  }
0x4e: {  	_ =	shalt  }
0x4f: {  	_ =	shalt  }
0x50: {  	_ =	shalt  }
0x51: {  	_ =	shalt  }
0x52: {  	_ =	shalt  }
0x53: {  	_ =	shalt  }
0x54: {  	_ =	shalt  }
0x55: {  	_ =	shalt  }
0x56: {  	_ =	shalt  }
0x57: {  	_ =	shalt  }
0x58: {  	_ =	shalt  }
0x59: {  	_ =	shalt  }
0x5a: {  	_ =	shalt  }
0x5b: {  	_ =	shalt  }
0x5c: {  	_ =	shalt  }
0x5d: {  	_ =	shalt  }
0x5e: {  	_ =	shalt  }
0x5f: {  	_ =	shalt  }
0x60: {  	_ =	shalt  }
0x61: {  	_ =	shalt  }
0x62: {  	_ =	shalt  }
0x63: {  	_ =	shalt  }
0x64: {  	_ =	shalt  }
0x65: {  	_ =	shalt  }
0x66: {  	_ =	shalt  }
0x67: {  	_ =	shalt  }
0x68: {  	_ =	shalt  }
0x69: {  	_ =	shalt  }
0x6a: {  	_ =	shalt  }
0x6b: {  	_ =	shalt  }
0x6c: {  	_ =	shalt  }
0x6d: {  	_ =	shalt  }
0x6e: {  	_ =	shalt  }
0x6f: {  	_ =	shalt  }
0x70: {  	_ =	shalt  }
0x71: {  	_ =	shalt  }
0x72: {  	_ =	shalt  }
0x73: {  	_ =	shalt  }
0x74: {  	_ =	shalt  }
0x75: {  	_ =	shalt  }
0x76: {  	_ =	shalt  }
0x77: {  	_ =	shalt  }
0x78: {  	_ =	shalt  }
0x79: {  	_ =	shalt  }
0x7a: {  	_ =	shalt  }
0x7b: {  	_ =	shalt  }
0x7c: {  	_ =	shalt  }
0x7d: {  	_ =	shalt  }
0x7e: {  	_ =	shalt  }
0x7f: {  	_ =	shalt  }
0x80: {  	_ =	shalt  }
0x81: {  	_ =	shalt  }
0x82: {  	_ =	shalt  }
0x83: {  	_ =	shalt  }
0x84: {  	_ =	shalt  }
0x85: {  	_ =	shalt  }
0x86: {  	_ =	shalt  }
0x87: {  	_ =	shalt  }
.Lfunc_end0:
.L_simem_size_0:
called_computation.3_lowered:
.L_overlay_start_0:
0x88: {  	s2 =	sld [smem:$0x3FD9]  }
0x89: {  	s3 =	sld [smem:$0x3FFE];
	_ =	sdelay $0x1  }
0x8a: {  	s1 =	srdreg.scid  }
0x8b: {  	s0 =	sand.u32 $0x1, s1  }
0x8c: {  	s16 =	sshll.u32 s0, $0xA;
	s2 =	sadd.s32 s3, s2  }
0x8d: {  	s2 =	sadd.s32 s2, s16  }
0x8e: {  	[smem:$0x3FB4] =	sst s2  }
0x8f: {  	_ = 	snop  }
0x90: {  	(tm) =	ssettm $0x1  }
0x91: {  	s17 =	sld [smem:$0x3FFB];
	_ =	sdelay $0x3  }
0x92: {  	_ =	strace s17  }
0x93: {  	s2 =	sld [smem:$0x3FFC];
	_ =	sdelay $0x3  }
0x94: {  	_ =	strace s2  }
0x95: {  	s2 =	sld [smem:$0x3FFD];
	_ =	sdelay $0x3  }
0x96: {  	_ =	strace s2  }
0x97: {  	_ =	strace $0x8FFFFFFF  }
0x98: {  	s18 =	sld [smem:$0x3FDB];
	_ =	sdelay $0x1  }
0x99: {  	s19 =	simm.s32 $_scs_section_size  }
0x9a: {  	s4 =	simm.s32 $_size__tile_overlayer_lowered;
	s5 =	simm.s32 $_tile_overlayer_lowered  }
0x9b: {  	s22 =	simm.s32 $0x1BFF;
	s21 =	sshll.u32 s5, $0x1;
	s2 =	sadd.s32 s19, s18  }
0x9c: {  	s6 =	simm.s32 $0x0;
	s20 =	sshll.u32 s4, $0x1;
	s4 =	sadd.s32 s21, s2  }
0x9d: {  	[timem:s6], [sflag:s22] =	dma.local [hbm:s4], s20  }
0x9e: {  	_ =	swait.ge [sflag:s22], s20  }
0x9f: {  	s3 =	ssub.s32 $0x0, s20;
	[sflag:s22] =	ssyncset.done $0x0  }
0xa0: {  	[sflag:s22] =	ssyncadd.s32 s3;
	_ =	sdelay $0x1  }
0xa1: {  	s23 =	simm.s32 $0x1B8B  }
0xa2: {  	_ =	swait.ge [sflag:s23], $0x1  }
0xa3: {  	[sflag:s23] =	ssyncset.done $0x0  }
0xa4: {  	s25 =	simm.s32 $0x1B8E;
	s24 =	sld [smem:$0x3FFE];
	[sflag:s23] =	ssyncadd.s32 $0xFFFFFFFF  }
0xa5: {  	s26 =	simm.s32 $execute0_lowered;
	[smem:$0x3FD2] =	sst s25  }
0xa6: {  	s4 =	sshll.u32 s26, $0x1;
	_ =	strace $0x8000004F;
	[dreg:$0x1] =	wrdreg $0xFFFFFFFF  }
0xa7: {  	s28 =	simm.s32 $_size_execute0_lowered;
	s2 =	sadd.s32 s2, s4;
	[dreg:$0x0] =	wrdreg $0x0  }
0xa8: {  	s4 =	sshll.u32 s28, $0x1;
	[dreg:$0x2] =	wrdreg s2  }
0xa9: {  	[dreg:$0x3] =	wrdreg s4  }
0xaa: {  	[dreg:$0x4] =	wrdreg $0xC0  }
0xab: {  	_ =	task [dreg:s6], $0x5FFFF  }
0xac: {  	[dreg:$0x1] =	wrdreg $0xFFFFFFFF  }
0xad: {  	[dreg:$0x0] =	wrdreg $0x60  }
0xae: {  	[dreg:$0x2] =	wrdreg s24  }
0xaf: {  	[dreg:$0x3] =	wrdreg $0xA8000  }
0xb0: {  	[dreg:$0x4] =	wrdreg $0x9  }
0xb1: {  	_ =	task.clear_ibuf [dreg:s6], $0x5FFFF;
	_ =	strace $0x9000004F  }
0xb2: {  	s29 =	simm.s32 $0x9;
	_ =	strace $0x80000051  }
0xb3: {  	_ =	swait.ge [sflag:s29], $0x1  }
0xb4: {  	[sflag:s29] =	ssyncadd.s32 $0xFFFFFFFF  }
0xb5: {  	_ =	strace $0x90000051  }
0xb6: {  	_ =	sfence  }
0xb7: {  	s30 =	sld [smem:$0x0];
	_ =	sdelay $0x2  }
0xb8: {  	s31 =	sshll.u32 s1, $0xD;
	s1 =	sshrl.u32 s1, $0x2  }
0xb9: {  	s3 =	sand.u32 $0x4000, s31;
	s1 =	sadd.s32 s1, s30  }
0xba: {  	s0 =	sor.u32 s3, s0;
	s1 =	sshll.u32 s1, $0x11  }
0xbb: {  	s0 =	sor.u32 s1, s0  }
0xbc: {  	s0 =	sadd.s32 $0x8F2B, s0  }
0xbd: {  	[sflag:s0] =	ssyncadd.remote.s32 $0x1  }
0xbe: {  	_ =	sfence.sel $0xFFFF  }
0xbf: {  	[dreg:$0x0] =	wrdreg $0xFFFFFFFF;
	(pc) =	sbr.abs _section_cstart, $3  }
0xc0: {  	[dreg:$0x1] =	wrdreg $0xFFFFFFFF  }
0xc1: {  	_ =	task.clear_ibuf [dreg:s6], $0x2FFFF;
	_ =	strace $0x9FFFFFFF  }
0xc2: {  	(tm) =	ssettm $0x7FFFFFFF  }
0xc3: {  	_ =	shalt  }
tec
execute0_lowered:
.L_overlay_start_1:
0x0: {  	(tag) =	ssettag $0x1  }
0x1: {  	s7 =	rddreg [dreg:$0x0]  }
0x2: {  	s1 =	rddreg [dreg:$0x1]  }
0x3: {  	s2 =	srdreg.scid;
	s0 =	rddreg [dreg:$0x2];
	s3 =	simm.s32 $0x0  }
0x4: {  	s15 =	simm.s32 $0x2800;
	s16 =	simm.s32 $0x5;
	s17 =	simm.s32 $0x1400  }
0x5: {  	s18 =	simm.s32 $0x80;
	s19 =	simm.s32 $0x1;
	s20 =	simm.s32 $0x6800  }
0x6: {  	s21 =	simm.s32 $0x2;
	s22 =	simm.s32 $0x3;
	s23 =	simm.s32 $0x100  }
0x7: {  	s24 =	simm.s32 $0x1480;
	s25 =	simm.s32 $0x4;
	s8 =	sand.u32 $0x1, s2  }
0x8: {  	s26 =	simm.s32 $0x0;
	s2 =	stileid.u32;
	s9 =	smul.u32 $0x140000, s8  }
0x9: {  	[smem:$0x7FF] =	sst s3;
	s4 =	sadd.s32 $0x42800, s7;
	s10 =	smul.u32 $0x14000, s2  }
0xa: {  	s5 =	sadd.s32 $0x10800, s7;
	s6 =	sadd.s32 $0x6800, s7;
	s31 =	smul.u32 $0x50000, s2  }
0xb: {  	_ =	strace $0x80000050;
	s11 =	ssub.s32 $0x2, s8;
	s12 =	smul.u32 $0x78, s2  }
0xc: {  	p0 =	seq.s32 s8, $0x1;
	s13 =	sshrl.u32 s11, $0x1;
	s9 =	sadd.s32 s10, s9  }
.Ltmp0:
0xd: {  	s10 =	sshrl.u32 s31, $0x2;
	s12 =	sadd.s32 $0x280, s12;
	(pc) =	sbr.rel .LBB2_1-.Ltmp0, $4  }
0xe: {  	s11 =	ssub.s32 s11, s13;
	s9 =	sshrl.u32 s9, $0x3;
	s8 =	sadd.s32 s10, s1  }
0xf: {  	s10 =	smax.u32 s11, $0x1;
	s9 =	sadd.s32 s9, s7;
	s7 =	smul.u32 $0x28, s2  }
0x10: {  	s11 =	sadd.s32 $0x4000, s8;
	s13 =	sadd.s32 $0xC000, s8;
	s14 =	sadd.s32 $0x10000, s8  }
0x11: {  	v0 =	vimm.f32 $0.0e+00;
	s9 =	sadd.s32 $0xBB200, s9;
	s7 =	smov.u32 @p0 s12;
	s12 =	sadd.s32 $0x8000, s8  }
.LBB2_8:
0x12: {  	s26 =	sadd.s32 $0x1, s26  }
0x13: {  	s28 =	sshll.u32 s2, $0x6;
	[bflag:$0x0] =	sbarrier.arrive $0xFFFF;
	p1 =	sne.s32 s26, s10  }
.Ltmp1:
0x14: {  	s29 =	sshrl.u32 s8, $0x3;
	s28 =	sor.u32 $0x1C05, s28;
	(pc) =	sbr.rel @!p1 .LBB2_9-.Ltmp1, $4  }
0x15: {  	[hbm:s9], [sflag:s28] =	dma.local [spmem:s29], $0x2800  }
0x16: {  	_ =	swait.ge [sflag:s16], $0x2800  }
0x17: {  	[sflag:s16] =	ssyncset.done $0x0  }
0x18: {  	[sflag:s16] =	ssyncadd.s32 $0xFFFFD800  }
.LBB2_1:
0x19: {  	s28 =	sand.u32 $0xFE00, s3  }
0x1a: {  	s29 =	sand.u32 $0x70, s3;
	s30 =	sshrl.u32 s28, $0x2  }
0x1b: {  	s28 =	simm.s32 $0x40;
	s30 =	sor.u32 s29, s30;
	s29 =	simm.s32 $0x0  }
.LBB2_2:
0x1c: {  	p1 =	sne.s32 s28, $0xFFC0  }
0x1d: {  	[tilespmem:s30+$0x2800] =	vst v0;
	s29 =	sadd.s32 $0x10, s29;
	s30 =	smov.u32 s28;
	s28 =	sadd.s32 $0x40, s28  }
.Ltmp2:
0x1e: {  	(pc) =	sbr.rel @p1 .LBB2_2-.Ltmp2, $4  }
0x1f: {  	_ = 	snop  }
0x20: {  	s30 =	sand.u32 $0xFE00, s30  }
0x21: {  	s31 =	sand.u32 $0x70, s29;
	s30 =	sshrl.u32 s30, $0x2  }
0x22: {  	s30 =	sor.u32 s31, s30  }
0x23: {  	[tilespmem:s30+$0x2800] =	vst v0  }
0x24: {  	[spmem:s8] =	stream.linear.scatter [tilespmem:s15], [sflag:$0x5], $0x4000, $0x38;
	[tilespmem:$0x1E800] =	vst v63  }
0x25: {  	_ =	swait.ge [sflag:s16], $0x4000  }
0x26: {  	[sflag:s16] =	ssyncset.done $0x0  }
0x27: {  	[sflag:s16] =	ssyncadd.s32 $0xFFFFC000  }
0x28: {  	[spmem:s11] =	stream.linear.scatter [tilespmem:s15], [sflag:$0x5], $0x4000, $0x38;
	[tilespmem:$0x1E800] =	vst v63  }
0x29: {  	_ =	swait.ge [sflag:s16], $0x4000  }
0x2a: {  	[sflag:s16] =	ssyncset.done $0x0  }
0x2b: {  	[sflag:s16] =	ssyncadd.s32 $0xFFFFC000  }
0x2c: {  	[spmem:s12] =	stream.linear.scatter [tilespmem:s15], [sflag:$0x5], $0x4000, $0x38;
	[tilespmem:$0x1E800] =	vst v63  }
0x2d: {  	_ =	swait.ge [sflag:s16], $0x4000  }
0x2e: {  	[sflag:s16] =	ssyncset.done $0x0  }
0x2f: {  	[sflag:s16] =	ssyncadd.s32 $0xFFFFC000  }
0x30: {  	[spmem:s13] =	stream.linear.scatter [tilespmem:s15], [sflag:$0x5], $0x4000, $0x38;
	[tilespmem:$0x1E800] =	vst v63  }
0x31: {  	_ =	swait.ge [sflag:s16], $0x4000  }
0x32: {  	[sflag:s16] =	ssyncset.done $0x0  }
0x33: {  	[sflag:s16] =	ssyncadd.s32 $0xFFFFC000  }
0x34: {  	[spmem:s14] =	stream.linear.scatter [tilespmem:s15], [sflag:$0x5], $0x4000, $0x38;
	[tilespmem:$0x1E800] =	vst v63  }
.Ltmp3:
0x35: {  	_ =	swait.ge [sflag:s16], $0x4000;
	(pc) =	sbr.rel .LBB2_4-.Ltmp3, $4  }
0x36: {  	[sflag:s16] =	ssyncset.done $0x0  }
0x37: {  	[sflag:s16] =	ssyncadd.s32 $0xFFFFC000  }
0x38: {  	[bflag:$0x0] =	sbarrier.arrive $0xFFFF  }
0x39: {  	s28 =	simm.s32 $0x0  }
.LBB2_7:
0x3a: {  	[spmem:s1] =	stream.indirect.scatter.add.f32 [tilespmem:s20], [sflag:$0x4], $0x80, s31, s18, $0xb8;
	[tilespmem:$0x1E800] =	vst v63  }
0x3b: {  	p1 =	slt.u32 s28, $0x2  }
0x3c: {  	p1 =	por !p0, !p1  }
0x3d: {  	_ =	swait.ge [sflag:s22], $0x4000;
	p1 =	por !p1, !p1  }
.Ltmp4:
0x3e: {  	[sflag:s22] =	ssyncset.done $0x0;
	(pc) =	sbr.rel @!p1 .LBB2_8-.Ltmp4, $4  }
0x3f: {  	[sflag:s22] =	ssyncadd.s32 $0xFFFFC000  }
0x40: {  	_ =	swait.ge [sflag:s25], $0x4000  }
0x41: {  	[sflag:s25] =	ssyncset.done $0x0  }
0x42: {  	s28 =	sadd.s32 $0x1, s28;
	[sflag:s25] =	ssyncadd.s32 $0xFFFFC000  }
.LBB2_4:
0x43: {  	s29 =	smul.u32 $0x28, s28;
	_ =	sdelay $0x1  }
0x44: {  	s29 =	sadd.s32 s7, s29  }
0x45: {  	s29 =	sshll.u32 s29, $0x4  }
0x46: {  	s30 =	sadd.s32 s5, s29  }
0x47: {  	[tilespmem:s3], [sflag:$0x5] =	stream.linear.gather [hbm4b:s30+s3], $0x1400, $0x38;
	[tilespmem:$0x1E800] =	vst v63  }
0x48: {  	_ =	swait.ge [sflag:s16], $0x1400  }
0x49: {  	[sflag:s16] =	ssyncset.done $0x0  }
0x4a: {  	s29 =	sadd.s32 s6, s29;
	[sflag:s16] =	ssyncadd.s32 $0xFFFFEC00  }
0x4b: {  	[tilespmem:s17], [sflag:$0x5] =	stream.linear.gather [hbm4b:s29+s3], $0x1400, $0x38;
	[tilespmem:$0x1E800] =	vst v63  }
0x4c: {  	_ =	swait.ge [sflag:s16], $0x1400  }
0x4d: {  	[sflag:s16] =	ssyncset.done $0x0  }
0x4e: {  	[sflag:s16] =	ssyncadd.s32 $0xFFFFEC00  }
0x4f: {  	[tilespmem:s15], [sflag:$0x1] =	stream.indirect.gather [hbm4b:s4+s18], $0x80, s3, s18, $0xb8;
	[tilespmem:$0x1E800] =	vst v63  }
0x50: {  	_ =	swait.ge [sflag:s19], $0x4000  }
0x51: {  	[sflag:s19] =	ssyncset.done $0x0  }
0x52: {  	[sflag:s19] =	ssyncadd.s32 $0xFFFFC000  }
0x53: {  	[tilespmem:s20], [sflag:$0x2] =	stream.indirect.gather [hbm4b:s4+s18], $0x80, s18, s18, $0xb8;
	[tilespmem:$0x1E800] =	vst v63  }
0x54: {  	_ = 	snop  }
0x55: {  	[spmem:s1] =	stream.indirect.scatter.add.f32 [tilespmem:s15], [sflag:$0x3], $0x80, s17, s18, $0xb8;
	[tilespmem:$0x1E800] =	vst v63  }
0x56: {  	_ =	swait.ge [sflag:s21], $0x4000  }
0x57: {  	[sflag:s21] =	ssyncset.done $0x0  }
0x58: {  	[sflag:s21] =	ssyncadd.s32 $0xFFFFC000  }
0x59: {  	_ =	swait.ge [sflag:s22], $0x4000  }
0x5a: {  	[sflag:s22] =	ssyncset.done $0x0  }
0x5b: {  	[sflag:s22] =	ssyncadd.s32 $0xFFFFC000  }
0x5c: {  	[tilespmem:s15], [sflag:$0x1] =	stream.indirect.gather [hbm4b:s4+s18], $0x80, s23, s18, $0xb8;
	[tilespmem:$0x1E800] =	vst v63  }
0x5d: {  	s29 =	simm.s32 $0xFFFFB800  }
0x5e: {  	[spmem:s1] =	stream.indirect.scatter.add.f32 [tilespmem:s20], [sflag:$0x4], $0x80, s24, s18, $0xb8;
	[tilespmem:$0x1E800] =	vst v63  }
.LBB2_5:
0x5f: {  	_ =	swait.ge [sflag:s19], $0x4000  }
0x60: {  	[sflag:s19] =	ssyncset.done $0x0  }
0x61: {  	[sflag:s19] =	ssyncadd.s32 $0xFFFFC000  }
0x62: {  	_ =	swait.ge [sflag:s25], $0x4000  }
0x63: {  	s30 =	sshra.s32 s29, $0x2;
	[sflag:s25] =	ssyncset.done $0x0  }
0x64: {  	p1 =	seq.s32 s29, $0x0;
	s31 =	sadd.s32 $0x1380, s30;
	[sflag:s25] =	ssyncadd.s32 $0xFFFFC000  }
0x65: {  	[tilespmem:s20], [sflag:$0x2] =	stream.indirect.gather [hbm4b:s4+s18], $0x80, s31, s18, $0xb8;
	[tilespmem:$0x1E800] =	vst v63  }
.Ltmp5:
0x66: {  	s31 =	sadd.s32 $0x2700, s30;
	(pc) =	sbr.rel @p1 .LBB2_7-.Ltmp5, $4  }
0x67: {  	[spmem:s1] =	stream.indirect.scatter.add.f32 [tilespmem:s15], [sflag:$0x3], $0x80, s31, s18, $0xb8;
	[tilespmem:$0x1E800] =	vst v63  }
0x68: {  	_ =	swait.ge [sflag:s21], $0x4000  }
0x69: {  	[sflag:s21] =	ssyncset.done $0x0  }
0x6a: {  	s31 =	sadd.s32 $0x2780, s30;
	[sflag:s21] =	ssyncadd.s32 $0xFFFFC000  }
0x6b: {  	_ =	swait.ge [sflag:s22], $0x4000  }
.Ltmp6:
0x6c: {  	[sflag:s22] =	ssyncset.done $0x0;
	(pc) =	sbr.rel .LBB2_5-.Ltmp6, $4  }
0x6d: {  	s30 =	sadd.s32 $0x1400, s30;
	[sflag:s22] =	ssyncadd.s32 $0xFFFFC000  }
0x6e: {  	[tilespmem:s15], [sflag:$0x1] =	stream.indirect.gather [hbm4b:s4+s18], $0x80, s30, s18, $0xb8;
	[tilespmem:$0x1E800] =	vst v63  }
0x6f: {  	s29 =	sadd.s32 $0x400, s29  }
0x70: {  	[spmem:s1] =	stream.indirect.scatter.add.f32 [tilespmem:s20], [sflag:$0x4], $0x80, s31, s18, $0xb8;
	[tilespmem:$0x1E800] =	vst v63  }
.LBB2_9:
0x71: {  	_ =	sfence.sel $0x180000  }
0x72: {  	[bflag:$0x0] =	sbarrier.arrive $0xFFFF  }
0x73: {  	p0 =	sne.s32 s2, $0x0;
	_ =	strace $0x90000050  }
0x74: {  	s0 =	sadd.s32 @!p0 $0x100000, s0;
	[bflag:$0x2] =	sbarrier.arrive $0xFFFF  }
0x75: {  	[sflag:s0] =	ssyncadd.tile.s32 @!p0 $0x1;
	_ =	shalt  }
.Lfunc_end2:
_tile_overlayer_lowered:
.L_overlay_start_2:
0x76: {  	(tag) =	ssettag $0x2  }
0x77: {  	s0 =	rddreg [dreg:$0x0];
	s2 =	stileid.u32  }
0x78: {  	s1 =	rddreg [dreg:$0x1];
	p0 =	sne.s32 s2, $0x0  }
0x79: {  	s3 =	rddreg [dreg:$0x2];
	[bflag:$0x3] =	sbarrier.arrive $0xFFFF;
	s2 =	simm.s32 @!p0 $0x1C05  }
0x7a: {  	[timem:s3], [sflag:s2] =	dma.local @!p0 [hbm:s0], s1  }
0x7b: {  	s0 =	simm.s32 @!p0 $0x5  }
0x7c: {  	_ =	swait.ge @!p0 [sflag:s0], s1  }
0x7d: {  	s1 =	ssub.s32 @!p0 $0x0, s1;
	[sflag:s0] =	ssyncset.done @!p0 $0x0  }
0x7e: {  	[sflag:s0] =	ssyncadd.s32 @!p0 s1  }
0x7f: {  	[bflag:$0x3] =	sbarrier.arrive $0xFFFF  }
0x80: {  	_ =	shalt  }

// kernel: kernel.27.cloned.1.call-start
scs
__scs_entry_jumppad:
0x0: {  	(pc) =	sbr.rel $0x88, $3  }
0x1: {  	(tag) =	ssettag $0x0;
	lr =	simm.s32 $0x1  }
0x2: {  	[smem:$0x3F8D] =	sst lr;
	_ =	strace $0xD0000000  }
0x3: {  	_ = 	snop  }
0x4: {  	_ = 	snop  }
0x5: {  	_ = 	snop  }
0x6: {  	_ = 	snop  }
0x7: {  	_ = 	snop  }
__scs_overlays_trampoline_lowered:
0x8: {  	[smem:$0x3F9C] =	sst s0  }
0x9: {  	[smem:$0x3F9D] =	sst s1  }
0xa: {  	[smem:$0x3F9E] =	sst s2  }
0xb: {  	[smem:$0x3F9F] =	sst s3  }
0xc: {  	[smem:$0x3FA0] =	sst s4  }
0xd: {  	[smem:$0x3FA1] =	sst s5  }
0xe: {  	[smem:$0x3FA2] =	sst s6  }
0xf: {  	[smem:$0x3FA3] =	sst s7  }
0x10: {  	[smem:$0x3FA4] =	sst s8  }
0x11: {  	[smem:$0x3FA5] =	sst s9;
	s0 =	simm.s32 @!p0 $0x0  }
0x12: {  	s1 =	sld [smem:$0x3F8B];
	s0 =	simm.s32 @p0 $0x1  }
0x13: {  	[smem:$0x3FA6] =	sst s0;
	s0 =	simm.s32 @!p1 $0x0  }
0x14: {  	s2 =	sld [smem:$0x3F8A];
	s0 =	simm.s32 @p1 $0x1  }
0x15: {  	[smem:$0x3FA7] =	sst s0;
	s0 =	simm.s32 @!p2 $0x0  }
0x16: {  	s3 =	sld [smem:$0x3FDB];
	s0 =	simm.s32 @p2 $0x1  }
0x17: {  	s4 =	simm.s32 $0x1BF5;
	[smem:$0x3FA9] =	sst s0  }
0x18: {  	s0 =	sld [smem:$0x3F8C];
	_ =	swait.ge [sflag:s4], $0x0  }
0x19: {  	s7 =	sld [smem:$0x3F8D]  }
0x1a: {  	s8 =	sadd.s32 $0xFFFFE003, lr  }
0x1b: {  	s9 =	sadd.s32 $0xFFFFFEF7, lr;
	s5 =	simm.s32 $0xFFFFFFFF;
	p2 =	slt.u32 s8, $0xFFFFF086  }
0x1c: {  	p1 =	slt.u32 s9, $0xF7A;
	s5 =	simm.s32 @!p2 $0x0  }
0x1d: {  	s5 =	simm.s32 @p1 $0x1;
	p0 =	seq.s32 s7, s2  }
0x1e: {  	s7 =	smul.u32 @!p0 $0xF7A, s2;
	p2 =	seq.s32 @!p0 s5, $0x0  }
0x1f: {  	s9 =	smul.u32 $0xF7A, s1;
	s8 =	simm.s32 @!p0 $0x1BF5;
	p2 =	por !p2, p0  }
0x20: {  	[sflag:s8] =	ssyncset.s32 @!p0 $0xFFFFF086;
	s6 =	sadd.s32 @!p0 s3, s7;
	s7 =	simm.s32 @!p0 $0x108  }
0x21: {  	s3 =	sadd.s32 s3, s9;
	s6 =	sadd.s32 @!p0 $0x88, s6;
	s7 =	simm.s32 @p2 $0x1082  }
0x22: {  	[simem:s7], [sflag:s8] =	dma.local @!p0 [hbm:s6], $0xF7A  }
0x23: {  	s9 =	sor.u32 $0xD0000000, s2;
	s6 =	simm.s32 $0x108;
	_ =	swait.ge @!p0 [sflag:s8], $0x0  }
0x24: {  	s3 =	sadd.s32 $0x88, s3;
	s6 =	simm.s32 @!p1 $0x1082;
	[sflag:s4] =	ssyncset.s32 $0xFFFFF086  }
0x25: {  	[simem:s6], [sflag:s4] =	dma.local [hbm:s3], $0xF7A  }
0x26: {  	[smem:$0x3F8D] =	sst s1;
	(tag) =	ssettag s2;
	_ =	strace s9  }
0x27: {  	s1 =	sld [smem:$0x3F9D]  }
0x28: {  	s2 =	sld [smem:$0x3F9E]  }
0x29: {  	s4 =	sld [smem:$0x3FA0]  }
0x2a: {  	p0 =	seq.s32 s5, $0x0;
	s5 =	sld [smem:$0x3FA1]  }
0x2b: {  	s6 =	sld [smem:$0x3FA2]  }
0x2c: {  	s7 =	sld [smem:$0x3FA3]  }
0x2d: {  	s3 =	simm.s32 $0x108;
	s8 =	sld [smem:$0x3FA4]  }
0x2e: {  	s3 =	simm.s32 @!p0 $0x1082;
	s9 =	sld [smem:$0x3FA5]  }
0x2f: {  	lr =	sadd.s32 s0, s3;
	s0 =	sld [smem:$0x3F9C]  }
0x30: {  	s3 =	sld [smem:$0x3F9F]  }
0x31: {  	[smem:$0x3FA8] =	sst s10  }
0x32: {  	s10 =	sld [smem:$0x3FA6];
	_ =	sdelay $0x3  }
0x33: {  	p0 =	seq.s32 s10, $0x1;
	s10 =	sld [smem:$0x3FA8];
	_ =	sdelay $0x3  }
0x34: {  	[smem:$0x3FA8] =	sst s10  }
0x35: {  	s10 =	sld [smem:$0x3FA7];
	_ =	sdelay $0x3  }
0x36: {  	p1 =	seq.s32 s10, $0x1;
	s10 =	sld [smem:$0x3FA8];
	_ =	sdelay $0x3  }
0x37: {  	[smem:$0x3FA8] =	sst s10  }
0x38: {  	s10 =	sld [smem:$0x3FA9]  }
0x39: {  	_ = 	snop;
	(pc) =	sbr.ind lr, $3  }
0x3a: {  	_ = 	snop  }
0x3b: {  	_ = 	snop  }
0x3c: {  	p2 =	seq.s32 s10, $0x1;
	s10 =	sld [smem:$0x3FA8]  }
0x3d: {  	_ =	shalt  }
0x3e: {  	_ =	shalt  }
0x3f: {  	_ =	shalt  }
0x40: {  	_ =	shalt  }
0x41: {  	_ =	shalt  }
0x42: {  	_ =	shalt  }
0x43: {  	_ =	shalt  }
0x44: {  	_ =	shalt  }
0x45: {  	_ =	shalt  }
0x46: {  	_ =	shalt  }
0x47: {  	_ =	shalt  }
0x48: {  	_ =	shalt  }
0x49: {  	_ =	shalt  }
0x4a: {  	_ =	shalt  }
0x4b: {  	_ =	shalt  }
0x4c: {  	_ =	shalt  }
0x4d: {  	_ =	shalt  }
0x4e: {  	_ =	shalt  }
0x4f: {  	_ =	shalt  }
0x50: {  	_ =	shalt  }
0x51: {  	_ =	shalt  }
0x52: {  	_ =	shalt  }
0x53: {  	_ =	shalt  }
0x54: {  	_ =	shalt  }
0x55: {  	_ =	shalt  }
0x56: {  	_ =	shalt  }
0x57: {  	_ =	shalt  }
0x58: {  	_ =	shalt  }
0x59: {  	_ =	shalt  }
0x5a: {  	_ =	shalt  }
0x5b: {  	_ =	shalt  }
0x5c: {  	_ =	shalt  }
0x5d: {  	_ =	shalt  }
0x5e: {  	_ =	shalt  }
0x5f: {  	_ =	shalt  }
0x60: {  	_ =	shalt  }
0x61: {  	_ =	shalt  }
0x62: {  	_ =	shalt  }
0x63: {  	_ =	shalt  }
0x64: {  	_ =	shalt  }
0x65: {  	_ =	shalt  }
0x66: {  	_ =	shalt  }
0x67: {  	_ =	shalt  }
0x68: {  	_ =	shalt  }
0x69: {  	_ =	shalt  }
0x6a: {  	_ =	shalt  }
0x6b: {  	_ =	shalt  }
0x6c: {  	_ =	shalt  }
0x6d: {  	_ =	shalt  }
0x6e: {  	_ =	shalt  }
0x6f: {  	_ =	shalt  }
0x70: {  	_ =	shalt  }
0x71: {  	_ =	shalt  }
0x72: {  	_ =	shalt  }
0x73: {  	_ =	shalt  }
0x74: {  	_ =	shalt  }
0x75: {  	_ =	shalt  }
0x76: {  	_ =	shalt  }
0x77: {  	_ =	shalt  }
0x78: {  	_ =	shalt  }
0x79: {  	_ =	shalt  }
0x7a: {  	_ =	shalt  }
0x7b: {  	_ =	shalt  }
0x7c: {  	_ =	shalt  }
0x7d: {  	_ =	shalt  }
0x7e: {  	_ =	shalt  }
0x7f: {  	_ =	shalt  }
0x80: {  	_ =	shalt  }
0x81: {  	_ =	shalt  }
0x82: {  	_ =	shalt  }
0x83: {  	_ =	shalt  }
0x84: {  	_ =	shalt  }
0x85: {  	_ =	shalt  }
0x86: {  	_ =	shalt  }
0x87: {  	_ =	shalt  }
.Lfunc_end0:
.L_simem_size_0:
called_computation.4_lowered:
.L_overlay_start_0:
0x88: {  	s2 =	sld [smem:$0x3FD9]  }
0x89: {  	s3 =	sld [smem:$0x3FFE];
	_ =	sdelay $0x1  }
0x8a: {  	s1 =	srdreg.scid  }
0x8b: {  	s0 =	sand.u32 $0x1, s1  }
0x8c: {  	s16 =	sshll.u32 s0, $0xA;
	s2 =	sadd.s32 s3, s2  }
0x8d: {  	s2 =	sadd.s32 s2, s16  }
0x8e: {  	[smem:$0x3FB4] =	sst s2  }
0x8f: {  	_ = 	snop  }
0x90: {  	(tm) =	ssettm $0x1  }
0x91: {  	s17 =	sld [smem:$0x3FFB];
	_ =	sdelay $0x3  }
0x92: {  	_ =	strace s17  }
0x93: {  	s2 =	sld [smem:$0x3FFC];
	_ =	sdelay $0x3  }
0x94: {  	_ =	strace s2  }
0x95: {  	s2 =	sld [smem:$0x3FFD];
	_ =	sdelay $0x3  }
0x96: {  	_ =	strace s2  }
0x97: {  	_ =	strace $0x8FFFFFFF  }
0x98: {  	s18 =	sld [smem:$0x3FDB];
	_ =	sdelay $0x1  }
0x99: {  	s19 =	simm.s32 $_scs_section_size  }
0x9a: {  	s4 =	simm.s32 $_size__tile_overlayer_lowered;
	s5 =	simm.s32 $_tile_overlayer_lowered  }
0x9b: {  	s22 =	simm.s32 $0x1BFF;
	s21 =	sshll.u32 s5, $0x1;
	s2 =	sadd.s32 s19, s18  }
0x9c: {  	s6 =	simm.s32 $0x0;
	s20 =	sshll.u32 s4, $0x1;
	s4 =	sadd.s32 s21, s2  }
0x9d: {  	[timem:s6], [sflag:s22] =	dma.local [hbm:s4], s20  }
0x9e: {  	_ =	swait.ge [sflag:s22], s20  }
0x9f: {  	s3 =	ssub.s32 $0x0, s20;
	[sflag:s22] =	ssyncset.done $0x0  }
0xa0: {  	[sflag:s22] =	ssyncadd.s32 s3;
	_ =	sdelay $0x1  }
0xa1: {  	s23 =	simm.s32 $0x1B8B  }
0xa2: {  	_ =	swait.ge [sflag:s23], $0x1  }
0xa3: {  	[sflag:s23] =	ssyncset.done $0x0  }
0xa4: {  	s25 =	simm.s32 $0x1B8E;
	s24 =	sld [smem:$0x3FFE];
	[sflag:s23] =	ssyncadd.s32 $0xFFFFFFFF  }
0xa5: {  	s26 =	simm.s32 $execute0_lowered;
	[smem:$0x3FD2] =	sst s25  }
0xa6: {  	s4 =	sshll.u32 s26, $0x1;
	_ =	strace $0x80000052;
	[dreg:$0x1] =	wrdreg $0xFFFFFFFF  }
0xa7: {  	s28 =	simm.s32 $_size_execute0_lowered;
	s2 =	sadd.s32 s2, s4;
	[dreg:$0x0] =	wrdreg $0x0  }
0xa8: {  	s4 =	sshll.u32 s28, $0x1;
	[dreg:$0x2] =	wrdreg s2  }
0xa9: {  	[dreg:$0x3] =	wrdreg s4  }
0xaa: {  	[dreg:$0x4] =	wrdreg $0xC0  }
0xab: {  	_ =	task [dreg:s6], $0x5FFFF  }
0xac: {  	[dreg:$0x1] =	wrdreg $0xFFFFFFFF  }
0xad: {  	[dreg:$0x0] =	wrdreg $0x60  }
0xae: {  	[dreg:$0x2] =	wrdreg s24  }
0xaf: {  	[dreg:$0x3] =	wrdreg $0xA8000  }
0xb0: {  	[dreg:$0x4] =	wrdreg $0x9  }
0xb1: {  	_ =	task.clear_ibuf [dreg:s6], $0x5FFFF;
	_ =	strace $0x90000052  }
0xb2: {  	s29 =	simm.s32 $0x9;
	_ =	strace $0x80000054  }
0xb3: {  	_ =	swait.ge [sflag:s29], $0x1  }
0xb4: {  	[sflag:s29] =	ssyncadd.s32 $0xFFFFFFFF  }
0xb5: {  	_ =	strace $0x90000054  }
0xb6: {  	_ =	sfence  }
0xb7: {  	s30 =	sld [smem:$0x0];
	_ =	sdelay $0x2  }
0xb8: {  	s31 =	sshll.u32 s1, $0xD;
	s1 =	sshrl.u32 s1, $0x2  }
0xb9: {  	s3 =	sand.u32 $0x4000, s31;
	s1 =	sadd.s32 s1, s30  }
0xba: {  	s0 =	sor.u32 s3, s0;
	s1 =	sshll.u32 s1, $0x11  }
0xbb: {  	s0 =	sor.u32 s1, s0  }
0xbc: {  	s0 =	sadd.s32 $0x8F2B, s0  }
0xbd: {  	[sflag:s0] =	ssyncadd.remote.s32 $0x1  }
0xbe: {  	_ =	sfence.sel $0xFFFF  }
0xbf: {  	[dreg:$0x0] =	wrdreg $0xFFFFFFFF;
	(pc) =	sbr.abs _section_cstart, $3  }
0xc0: {  	[dreg:$0x1] =	wrdreg $0xFFFFFFFF  }
0xc1: {  	_ =	task.clear_ibuf [dreg:s6], $0x2FFFF;
	_ =	strace $0x9FFFFFFF  }
0xc2: {  	(tm) =	ssettm $0x7FFFFFFF  }
0xc3: {  	_ =	shalt  }
tec
execute0_lowered:
.L_overlay_start_1:
0x0: {  	(tag) =	ssettag $0x1  }
0x1: {  	s4 =	rddreg [dreg:$0x0]  }
0x2: {  	s7 =	rddreg [dreg:$0x1]  }
0x3: {  	s0 =	rddreg [dreg:$0x2]  }
0x4: {  	s2 =	simm.s32 $0x0;
	s3 =	srdreg.scid;
	s1 =	stileid.u32  }
0x5: {  	s12 =	simm.s32 $0x5000;
	s13 =	simm.s32 $0x7800;
	s14 =	simm.s32 $0xA400  }
0x6: {  	s15 =	simm.s32 $0xA000;
	s16 =	simm.s32 $0x0;
	[smem:$0x7FF] =	sst s2  }
0x7: {  	s5 =	sand.u32 $0x1, s3;
	s6 =	sshll.u32 s1, $0x1;
	s3 =	sadd.s32 $0x1A800, s4  }
0x8: {  	s9 =	sshll.u32 s1, $0xA;
	s11 =	smul.u32 $0xA000, s1;
	p0 =	sgt.u32 s1, $0x9  }
0x9: {  	s8 =	smul.u32 $0x2800, s5;
	s6 =	sor.u32 s5, s6;
	s5 =	ssub.s32 $0x2, s5  }
0xa: {  	_ =	strace $0x80000053;
	s6 =	smul.u32 $0x500, s6;
	s10 =	sshrl.u32 s5, $0x1  }
.Ltmp0:
0xb: {  	s31 =	sshrl.u32 s11, $0x2;
	s8 =	sadd.s32 s9, s8;
	(pc) =	sbr.rel .LBB2_1-.Ltmp0, $4  }
0xc: {  	s11 =	simm.s32 $0x2800;
	s8 =	sshrl.u32 s8, $0x3;
	s6 =	sadd.s32 s6, s4  }
0xd: {  	s10 =	ssub.s32 s5, s10;
	s8 =	sadd.s32 s8, s4;
	s4 =	sadd.s32 $0x10800, s6  }
0xe: {  	s5 =	sadd.s32 $0x6800, s6;
	s6 =	sadd.s32 s31, s7;
	s7 =	sadd.s32 s9, s7  }
0xf: {  	v0 =	vimm.f32 $0.0e+00;
	s9 =	smax.u32 s10, $0x1;
	s10 =	simm.s32 $0x1;
	s8 =	sadd.s32 $0x1AE00, s8  }
.LBB2_13:
0x10: {  	s16 =	sadd.s32 $0x1, s16  }
0x11: {  	p1 =	sne.s32 s16, s9  }
.Ltmp1:
0x12: {  	_ = 	snop;
	(pc) =	sbr.rel @!p1 .LBB2_14-.Ltmp1, $1  }
0x13: {  	_ =	sdelay $0x3  }
.LBB2_1:
0x14: {  	s17 =	sand.u32 $0xFE00, s2  }
0x15: {  	s18 =	sand.u32 $0x70, s2;
	s19 =	sshrl.u32 s17, $0x2  }
0x16: {  	s17 =	simm.s32 $0x40;
	s19 =	sor.u32 s18, s19;
	s18 =	simm.s32 $0x0  }
.LBB2_2:
0x17: {  	p1 =	sne.s32 s17, $0x9FC0  }
0x18: {  	[tilespmem:s19+$0x7800] =	vst v0;
	s18 =	sadd.s32 $0x10, s18;
	s19 =	smov.u32 s17;
	s17 =	sadd.s32 $0x40, s17  }
.Ltmp2:
0x19: {  	(pc) =	sbr.rel @p1 .LBB2_2-.Ltmp2, $4  }
0x1a: {  	_ = 	snop  }
0x1b: {  	s19 =	sand.u32 $0xFE00, s19  }
0x1c: {  	s20 =	sand.u32 $0x70, s18;
	s19 =	sshrl.u32 s19, $0x2  }
0x1d: {  	s19 =	sor.u32 s20, s19  }
0x1e: {  	[tilespmem:s19+$0x7800] =	vst v0;
	s17 =	simm.s32 $0x0  }
0x1f: {  	[tilespmem:s17], [sflag:$0x1] =	stream.linear.gather [hbm4b:s3+s17], $0x2800, $0x38;
	[tilespmem:$0xD000] =	vst v63  }
0x20: {  	_ =	swait.ge [sflag:s10], $0x2800  }
0x21: {  	[sflag:s10] =	ssyncset.done $0x0  }
0x22: {  	[sflag:s10] =	ssyncadd.s32 $0xFFFFD800  }
0x23: {  	[tilespmem:s11], [sflag:$0x1] =	stream.linear.gather [hbm4b:s4+s17], $0x2800, $0x38;
	[tilespmem:$0xD000] =	vst v63  }
0x24: {  	_ =	swait.ge [sflag:s10], $0x2800  }
0x25: {  	[sflag:s10] =	ssyncset.done $0x0  }
0x26: {  	[sflag:s10] =	ssyncadd.s32 $0xFFFFD800  }
0x27: {  	[tilespmem:s12], [sflag:$0x1] =	stream.linear.gather [hbm4b:s5+s17], $0x2800, $0x38;
	[tilespmem:$0xD000] =	vst v63  }
0x28: {  	_ =	swait.ge [sflag:s10], $0x2800  }
0x29: {  	[sflag:s10] =	ssyncset.done $0x0  }
0x2a: {  	s18 =	simm.s32 $0x0;
	s17 =	simm.s32 $0x40;
	[sflag:s10] =	ssyncadd.s32 $0xFFFFD800  }
.LBB2_4:
0x2b: {  	p1 =	sne.s32 s17, $0x9FC0;
	v1 =	vld [tilespmem:s18+$0x2800];
	_ =	sdelay $0x5  }
0x2c: {  	v2 =	vld [tilespmem:s18+$0x5000];
	_ =	sdelay $0x1  }
0x2d: {  	v1 =	vld.idx.msk [tilespmem:v1+s2+$0x0], $0xffff;
	_ =	sdelay $0x1  }
.Ltmp3:
0x2e: {  	(pc) =	sbr.rel @p1 .LBB2_4-.Ltmp3, $2  }
0x2f: {  	_ =	sdelay $0x2  }
0x30: {  	s18 =	sshra.s32 s17, $0x2;
	s17 =	sadd.s32 $0x40, s17;
	[tilespmem:v2+s13+$0x0] =	vst.idx.add.f32.msk $0xffff, v1  }
0x31: {  	v1 =	vld [tilespmem:s18+$0x2800];
	_ =	sdelay $0x4  }
0x32: {  	v2 =	vld [tilespmem:s18+$0x5000];
	_ =	sdelay $0x2  }
0x33: {  	v1 =	vld.idx.msk [tilespmem:v1+s2+$0x0], $0xffff;
	_ =	sdelay $0x4  }
0x34: {  	[tilespmem:v2+s13+$0x0] =	vst.idx.add.f32.msk $0xffff, v1  }
0x35: {  	[spmem:s6] =	stream.linear.scatter [tilespmem:s13], [sflag:$0x1], $0x2800, $0x38;
	[tilespmem:$0xD000] =	vst v63  }
.Ltmp4:
0x36: {  	_ =	swait.ge [sflag:s10], $0x2800;
	(pc) =	sbr.rel @p0 .LBB2_13-.Ltmp4, $4  }
0x37: {  	[sflag:s10] =	ssyncset.done $0x0  }
0x38: {  	[sflag:s10] =	ssyncadd.s32 $0xFFFFD800  }
0x39: {  	[bflag:$0x0] =	sbarrier.arrive $0xFFFF  }
0x3a: {  	s17 =	simm.s32 $0x0  }
0x3b: {  	s18 =	sand.u32 $0xE00, s17  }
0x3c: {  	s19 =	sand.u32 $0x70, s17;
	s20 =	sshrl.u32 s18, $0x2  }
0x3d: {  	s18 =	simm.s32 $0x40;
	s20 =	sor.u32 s19, s20;
	s19 =	simm.s32 $0x0  }
.LBB2_7:
0x3e: {  	p1 =	sne.s32 s18, $0xFC0  }
0x3f: {  	[tilespmem:s20+$0xA000] =	vst v0;
	s19 =	sadd.s32 $0x10, s19;
	s20 =	smov.u32 s18;
	s18 =	sadd.s32 $0x40, s18  }
.Ltmp5:
0x40: {  	(pc) =	sbr.rel @p1 .LBB2_7-.Ltmp5, $4  }
0x41: {  	_ = 	snop  }
0x42: {  	s20 =	sand.u32 $0xE00, s20  }
0x43: {  	s21 =	sand.u32 $0x70, s19;
	s20 =	sshrl.u32 s20, $0x2  }
0x44: {  	s20 =	sor.u32 s21, s20  }
0x45: {  	[tilespmem:s20+$0xA000] =	vst v0  }
.LBB2_9:
0x46: {  	s18 =	smul.u32 $0xA000, s17;
	_ =	sdelay $0x1  }
0x47: {  	s18 =	sshra.s32 s18, $0x2  }
0x48: {  	s18 =	sadd.s32 s18, s7  }
0x49: {  	[tilespmem:s14], [sflag:$0x1] =	stream.linear.gather [spmem:s18], $0x400, $0x38;
	[tilespmem:$0xD000] =	vst v63  }
0x4a: {  	_ =	swait.ge [sflag:s10], $0x400  }
0x4b: {  	[sflag:s10] =	ssyncset.done $0x0  }
0x4c: {  	s18 =	simm.s32 $0x0;
	[sflag:s10] =	ssyncadd.s32 $0xFFFFFC00  }
0x4d: {  	s19 =	simm.s32 $0x40;
	v1 =	vld [tilespmem:s18+$0xA400]  }
.LBB2_10:
0x4e: {  	p1 =	sne.s32 s19, $0xFC0;
	v2 =	vld [tilespmem:s18+$0xA000];
	_ =	sdelay $0x2  }
.Ltmp6:
0x4f: {  	(pc) =	sbr.rel @p1 .LBB2_10-.Ltmp6, $4  }
0x50: {  	_ = 	snop  }
0x51: {  	v2 =	vadd.f32 v1, v2  }
0x52: {  	s20 =	sshra.s32 s19, $0x2  }
0x53: {  	s19 =	sadd.s32 $0x40, s19;
	v1 =	vld [tilespmem:s20+$0xA400];
	[tilespmem:s18+$0xA000] =	vst v2;
	s18 =	smov.u32 s20  }
0x54: {  	v2 =	vld [tilespmem:s18+$0xA000]  }
0x55: {  	s17 =	sadd.s32 $0x1, s17  }
0x56: {  	p1 =	sne.s32 s17, $0x10  }
.Ltmp7:
0x57: {  	_ = 	snop;
	(pc) =	sbr.rel @p1 .LBB2_9-.Ltmp7, $3  }
0x58: {  	_ = 	snop  }
0x59: {  	v1 =	vadd.f32 v1, v2;
	_ =	sdelay $0x1  }
0x5a: {  	[tilespmem:s18+$0xA000] =	vst v1  }
.Ltmp8:
0x5b: {  	(pc) =	sbr.rel .LBB2_13-.Ltmp8, $4  }
0x5c: {  	[hbm4b:s8+s2] =	stream.linear.scatter [tilespmem:s15], [sflag:$0x1], $0x400, $0x38;
	[tilespmem:$0xD000] =	vst v63  }
0x5d: {  	_ =	swait.ge [sflag:s10], $0x400  }
0x5e: {  	[sflag:s10] =	ssyncset.done $0x0  }
0x5f: {  	[sflag:s10] =	ssyncadd.s32 $0xFFFFFC00  }
.LBB2_14:
0x60: {  	_ =	sfence.sel $0x180000  }
0x61: {  	[bflag:$0x0] =	sbarrier.arrive $0xFFFF  }
0x62: {  	p0 =	sne.s32 s1, $0x0;
	_ =	strace $0x90000053  }
0x63: {  	s0 =	sadd.s32 @!p0 $0x100000, s0;
	[bflag:$0x2] =	sbarrier.arrive $0xFFFF  }
0x64: {  	[sflag:s0] =	ssyncadd.tile.s32 @!p0 $0x1;
	_ =	shalt  }
.Lfunc_end2:
_tile_overlayer_lowered:
.L_overlay_start_2:
0x65: {  	(tag) =	ssettag $0x2  }
0x66: {  	s0 =	rddreg [dreg:$0x0];
	s2 =	stileid.u32  }
0x67: {  	s1 =	rddreg [dreg:$0x1];
	p0 =	sne.s32 s2, $0x0  }
0x68: {  	s3 =	rddreg [dreg:$0x2];
	[bflag:$0x3] =	sbarrier.arrive $0xFFFF;
	s2 =	simm.s32 @!p0 $0x1C01  }
0x69: {  	[timem:s3], [sflag:s2] =	dma.local @!p0 [hbm:s0], s1  }
0x6a: {  	s0 =	simm.s32 @!p0 $0x1  }
0x6b: {  	_ =	swait.ge @!p0 [sflag:s0], s1  }
0x6c: {  	s1 =	ssub.s32 @!p0 $0x0, s1;
	[sflag:s0] =	ssyncset.done @!p0 $0x0  }
0x6d: {  	[sflag:s0] =	ssyncadd.s32 @!p0 s1  }
0x6e: {  	[bflag:$0x3] =	sbarrier.arrive $0xFFFF  }
0x6f: {  	_ =	shalt  }

</sc_bundles>
